<compile_context>
chip_gen: v7x
topology: tpu7x:2x2x1
jax: 0.10.2.dev20260603
libtpu: 0.0.44.dev20260713+nightly
codegen_flags: <defaults>
</compile_context>

<pallas_src>
import functools

import jax
import jax.numpy as jnp
from jax import lax
from jax.experimental import pallas as pl
from jax.experimental.pallas import tpu as pltpu
from jax.experimental.pallas import tpu_sc as plsc

N = 10000
E = 320000
D = 128
DE = 16
HID = 128

NC = 2
NS = 16
NW = NC * NS
CW = 80
RW = E // NW
JW = RW // CW
NP = 10240
NTP = NP // NS

BE = 2000
GE = E // BE

def _sc_mesh():
    return plsc.VectorSubcoreMesh(
        core_axis_name="c", subcore_axis_name="s",
        num_cores=NC, num_subcores=NS)



NB = 5


@functools.partial(
    pl.kernel,
    out_type=jax.ShapeDtypeStruct((E, HID), jnp.float32),
    mesh=_sc_mesh(),
    scratch_types=(
        [pltpu.VMEM((RW,), jnp.int32)]
        + [pltpu.VMEM((CW, HID), jnp.float32)] * NB
        + [pltpu.SemaphoreType.DMA] * (2 * NB)
    ),
)
def _sc_gather(tab_hbm, idx_hbm, out_hbm, idx_v, *bufs):
    gb = bufs[:NB]
    sg = bufs[NB:2 * NB]
    sw = bufs[2 * NB:3 * NB]
    w = lax.axis_index("s") * NC + lax.axis_index("c")
    pltpu.sync_copy(idx_hbm.at[pl.ds(w * RW, RW)], idx_v)

    def gath(jj, b):
        off = pl.multiple_of(jj * CW, 16)
        pltpu.async_copy(tab_hbm.at[idx_v.at[pl.ds(off, CW)]], gb[b], sg[b])

    gath(0, 0)

    def step(i, carry):
        for b in range(NB):
            jj = NB * i + b
            nxb = (b + 1) % NB

            @pl.when(jj >= NB - 1)
            def _():
                pltpu.make_async_copy(gb[nxb], out_hbm.at[pl.ds(0, CW)],
                                      sw[nxb]).wait()

            @pl.when(jj < JW - 1)
            def _():
                gath(jj + 1, nxb)

            pltpu.make_async_copy(tab_hbm.at[idx_v.at[pl.ds(0, CW)]], gb[b],
                                  sg[b]).wait()
            pltpu.async_copy(gb[b], out_hbm.at[pl.ds(w * RW + jj * CW, CW)],
                             sw[b])
        return carry

    lax.fori_loop(0, JW // NB, step, 0)
    for b in range(1, NB):
        pltpu.make_async_copy(gb[b], out_hbm.at[pl.ds(0, CW)], sw[b]).wait()


@functools.partial(
    pl.kernel,
    out_type=jax.ShapeDtypeStruct((E, HID), jnp.float32),
    mesh=_sc_mesh(),
    scratch_types=(
        [pltpu.VMEM((RW,), jnp.int32)] * 2
        + [pltpu.VMEM((CW, HID), jnp.float32)] * (2 * NB)
        + [pltpu.SemaphoreType.DMA] * (3 * NB)
    ),
)
def _sc_gather_sub(s_hbm, k_hbm, src_hbm, rev_hbm, out_hbm, isrc_v, irev_v,
                   *bufs):
    gb = bufs[:NB]
    rb = bufs[NB:2 * NB]
    sg = bufs[2 * NB:3 * NB]
    sr = bufs[3 * NB:4 * NB]
    sw = bufs[4 * NB:5 * NB]
    w = lax.axis_index("s") * NC + lax.axis_index("c")
    pltpu.sync_copy(src_hbm.at[pl.ds(w * RW, RW)], isrc_v)
    pltpu.sync_copy(rev_hbm.at[pl.ds(w * RW, RW)], irev_v)

    def gath(jj, b):
        off = pl.multiple_of(jj * CW, 16)
        pltpu.async_copy(s_hbm.at[isrc_v.at[pl.ds(off, CW)]], gb[b], sg[b])
        pltpu.async_copy(k_hbm.at[irev_v.at[pl.ds(off, CW)]], rb[b], sr[b])

    def wait_gath(b):
        pltpu.make_async_copy(s_hbm.at[isrc_v.at[pl.ds(0, CW)]], gb[b],
                              sg[b]).wait()
        pltpu.make_async_copy(k_hbm.at[irev_v.at[pl.ds(0, CW)]], rb[b],
                              sr[b]).wait()

    def sub(b):
        g, r = gb[b], rb[b]

        def row(i, carry):
            for t in range(HID // 16):
                d = pl.ds(t * 16, 16)
                g[i, d] = g[i, d] - r[i, d]
            return carry

        lax.fori_loop(0, CW, row, 0)

    gath(0, 0)

    def step(i, carry):
        for b in range(NB):
            jj = NB * i + b
            nxb = (b + 1) % NB

            @pl.when(jj >= NB - 1)
            def _():
                pltpu.make_async_copy(gb[nxb], out_hbm.at[pl.ds(0, CW)],
                                      sw[nxb]).wait()

            @pl.when(jj < JW - 1)
            def _():
                gath(jj + 1, nxb)

            wait_gath(b)
            sub(b)
            pltpu.async_copy(gb[b], out_hbm.at[pl.ds(w * RW + jj * CW, CW)],
                             sw[b])
        return carry

    lax.fori_loop(0, JW // NB, step, 0)
    for b in range(1, NB):
        pltpu.make_async_copy(gb[b], out_hbm.at[pl.ds(0, CW)], sw[b]).wait()


@functools.partial(
    pl.kernel,
    out_type=jax.ShapeDtypeStruct((NC, NP, HID), jnp.float32),
    mesh=_sc_mesh(),
    scratch_types=[
        pltpu.VMEM((RW,), jnp.int32),
        pltpu.VMEM((CW,), jnp.int32),
        pltpu.VMEM((CW,), jnp.int32),
        pltpu.VMEM((CW, HID), jnp.float32),
        pltpu.VMEM((CW, HID), jnp.float32),
        pltpu.VMEM_SHARED((NP, HID), jnp.float32),
        pltpu.SemaphoreType.DMA,
        pltpu.SemaphoreType.DMA,
        pltpu.SemaphoreType.DMA,
        pltpu.SemaphoreType.DMA,
    ],
)
def _sc_scatter(rows_hbm, dst_hbm, zero_hbm, out_hbm, idx_v, ci0, ci1,
                rv0, rv1, acc_sh, sl0, sl1, sa0, sa1):
    c = lax.axis_index("c")
    s = lax.axis_index("s")
    w = s * NC + c
    pltpu.sync_copy(zero_hbm.at[pl.ds(s * NTP, NTP)],
                    acc_sh.at[pl.ds(s * NTP, NTP)])
    pltpu.sync_copy(dst_hbm.at[pl.ds(w * RW, RW)], idx_v)
    plsc.subcore_barrier()
    rv = (rv0, rv1)
    ci = (ci0, ci1)
    sl = (sl0, sl1)
    sa = (sa0, sa1)

    def load(jj, b):
        pltpu.async_copy(rows_hbm.at[pl.ds(w * RW + jj * CW, CW)], rv[b],
                        sl[b])
        off = pl.multiple_of(jj * CW, 16)
        for t in range(CW // 16):
            ci[b][pl.ds(t * 16, 16)] = idx_v[pl.ds(off + t * 16, 16)]

    def scat(b):
        pltpu.make_async_copy(rows_hbm.at[pl.ds(0, CW)], rv[b], sl[b]).wait()
        pltpu.async_copy(rv[b], acc_sh.at[ci[b]], sa[b], add=True)

    load(0, 0)

    def step(i, carry):
        for b in (0, 1):
            jj = 2 * i + b
            nb = 1 - b

            @pl.when(jj >= 1)
            def _():
                pltpu.make_async_copy(rv[nb], acc_sh.at[ci[nb]],
                                      sa[nb]).wait()

            load(jj + 1, nb)
            scat(b)
        return carry

    lax.fori_loop(0, (JW - 1) // 2, step, 0)
    scat(0)
    pltpu.make_async_copy(rv[0], acc_sh.at[ci[0]], sa[0]).wait()
    pltpu.make_async_copy(rv[1], acc_sh.at[ci[1]], sa[1]).wait()
    plsc.subcore_barrier()
    pltpu.sync_copy(acc_sh.at[pl.ds(s * NTP, NTP)],
                    out_hbm.at[c, pl.ds(s * NTP, NTP)])



def _edge0_body(xs, ea, wia, wib, bi, wh, h0_ref, k_ref):
    h0 = (jnp.dot(xs[:], wia[:], preferred_element_type=jnp.float32)
          + jnp.dot(ea[:], wib[:], preferred_element_type=jnp.float32)
          + bi[:])
    h0_ref[:] = h0.astype(jnp.bfloat16)
    k_ref[:] = jnp.dot(jnp.maximum(h0, 0.0), wh[:],
                       preferred_element_type=jnp.float32)


_tc_edge0 = pl.pallas_call(
    _edge0_body,
    grid=(GE,),
    in_specs=[
        pl.BlockSpec((BE, HID), lambda i: (i, 0)),
        pl.BlockSpec((BE, DE), lambda i: (i, 0)),
        pl.BlockSpec((HID, HID), lambda i: (0, 0)),
        pl.BlockSpec((DE, HID), lambda i: (0, 0)),
        pl.BlockSpec((1, HID), lambda i: (0, 0)),
        pl.BlockSpec((HID, HID), lambda i: (0, 0)),
    ],
    out_specs=[pl.BlockSpec((BE, HID), lambda i: (i, 0))] * 2,
    out_shape=[jax.ShapeDtypeStruct((E, HID), jnp.bfloat16),
               jax.ShapeDtypeStruct((E, HID), jnp.float32)],
)


def _comb_body(p_ref, s_ref):
    s_ref[:] = p_ref[0] + p_ref[1]


_tc_combine = pl.pallas_call(
    _comb_body,
    out_shape=jax.ShapeDtypeStruct((NP, HID), jnp.float32),
)


def _mid_body(h0, m, bh, wh, k_ref):
    ht = jnp.maximum(h0[:].astype(jnp.float32) + m[:] + bh[:], 0.0)
    k_ref[:] = jnp.dot(ht, wh[:], preferred_element_type=jnp.float32)


_tc_mid = pl.pallas_call(
    _mid_body,
    grid=(GE,),
    in_specs=[
        pl.BlockSpec((BE, HID), lambda i: (i, 0)),
        pl.BlockSpec((BE, HID), lambda i: (i, 0)),
        pl.BlockSpec((1, HID), lambda i: (0, 0)),
        pl.BlockSpec((HID, HID), lambda i: (0, 0)),
    ],
    out_specs=pl.BlockSpec((BE, HID), lambda i: (i, 0)),
    out_shape=jax.ShapeDtypeStruct((E, HID), jnp.float32),
)


def _last_body(h0, m, bh, ht_ref):
    ht_ref[:] = jnp.maximum(h0[:].astype(jnp.float32) + m[:] + bh[:], 0.0)


_tc_last = pl.pallas_call(
    _last_body,
    grid=(GE,),
    in_specs=[
        pl.BlockSpec((BE, HID), lambda i: (i, 0)),
        pl.BlockSpec((BE, HID), lambda i: (i, 0)),
        pl.BlockSpec((1, HID), lambda i: (0, 0)),
    ],
    out_specs=pl.BlockSpec((BE, HID), lambda i: (i, 0)),
    out_shape=jax.ShapeDtypeStruct((E, HID), jnp.float32),
)


def _final_body(p, x, woa, wob, bo, o_ref):
    sfull = p[0, :N] + p[1, :N]
    rs = jnp.sum(sfull, axis=1, keepdims=True)
    m = jnp.where(rs == 0.0, x[:], sfull)
    o_ref[:] = jnp.maximum(
        jnp.dot(x[:], woa[:], preferred_element_type=jnp.float32)
        + jnp.dot(m, wob[:], preferred_element_type=jnp.float32) + bo[:], 0.0)


_tc_final = pl.pallas_call(
    _final_body,
    out_shape=jax.ShapeDtypeStruct((N, HID), jnp.float32),
)



def kernel(x, edge_index, edge_attr, rev_edge_index, W_i, b_i, W_h, b_h,
           W_o, b_o):
    src = edge_index[0]
    dst = edge_index[1]
    rev = rev_edge_index
    zeros = jnp.zeros((NP, HID), jnp.float32)
    wia, wib = W_i[:D], W_i[D:]
    woa, wob = W_o[:D], W_o[D:]
    bi = b_i.reshape(1, HID)
    bh = b_h.reshape(1, HID)
    bo = b_o.reshape(1, HID)

    xs = _sc_gather(x, src)
    h0, k = _tc_edge0(xs, edge_attr, wia, wib, bi, W_h)

    ht = None
    for t in range(2):
        p = _sc_scatter(k, dst, zeros)
        s = _tc_combine(p)
        m = _sc_gather_sub(s, k, src, rev)
        if t == 0:
            k = _tc_mid(h0, m, bh, W_h)
        else:
            ht = _tc_last(h0, m, bh)

    p = _sc_scatter(ht, dst, zeros)
    return _tc_final(p, x, woa, wob, bo)

# --- scband reference (transcript-rebuilt; emitter-appended) ---
"""Pipeline reference for scband-bond-message-passing-6021544149649 (READ-ONLY COPY).

The authoritative reference and input builder live on the scoring server;
editing this copy changes nothing except your own understanding.
"""

import jax, jax.numpy as jnp
import numpy as np

N = 10000
E = 320000
D = 128
DE = 16
HID = 128
DEPTH = 3

def setup_inputs(seed: int = 0) -> dict:
    key = jax.random.key(seed)
    ks = jax.random.split(key, 12)
    x = jax.random.normal(ks[0], (N, D), dtype=jnp.float32)
    edge_index = jax.random.randint(ks[1], (2, E), 0, N, dtype=jnp.int32)
    edge_attr = jax.random.normal(ks[2], (E, DE), dtype=jnp.float32)
    rev_edge_index = jax.random.randint(ks[3], (E,), 0, E, dtype=jnp.int32)
    # learned parameters (weights stored as (in, out) for x @ W + b)
    s_i = 1.0 / np.sqrt(D + DE)
    s_h = 1.0 / np.sqrt(HID)
    s_o = 1.0 / np.sqrt(D + HID)
    W_i = jax.random.uniform(ks[4], (D + DE, HID), jnp.float32, -s_i, s_i)
    b_i = jax.random.uniform(ks[5], (HID,), jnp.float32, -s_i, s_i)
    W_h = jax.random.uniform(ks[6], (HID, HID), jnp.float32, -s_h, s_h)
    b_h = jax.random.uniform(ks[7], (HID,), jnp.float32, -s_h, s_h)
    W_o = jax.random.uniform(ks[8], (D + HID, HID), jnp.float32, -s_o, s_o)
    b_o = jax.random.uniform(ks[9], (HID,), jnp.float32, -s_o, s_o)
    return {"x": x, "edge_index": edge_index, "edge_attr": edge_attr,
            "rev_edge_index": rev_edge_index, "W_i": W_i, "b_i": b_i,
            "W_h": W_h, "b_h": b_h, "W_o": W_o, "b_o": b_o}

def reference(x, edge_index, edge_attr, rev_edge_index, W_i, b_i, W_h, b_h, W_o, b_o):
    # eval mode: dropout = identity
    src = edge_index[0]
    dst = edge_index[1]
    H0 = jnp.concatenate([x[src], edge_attr], axis=1) @ W_i + b_i  # [E, HID]
    Ht = jax.nn.relu(H0)
    for _ in range(1, DEPTH):
        # scatter_reduce sum over dst then gather at src == segment_sum
        M_all = jax.ops.segment_sum(Ht, dst, num_segments=x.shape[0])[src]
        M_rev = Ht[rev_edge_index]
        M = M_all - M_rev
        Ht = jax.nn.relu(H0 + (M @ W_h + b_h))
    M = jax.ops.segment_sum(Ht, dst, num_segments=x.shape[0])  # [N, HID]
    M = jnp.where(jnp.sum(M, axis=1, keepdims=True) == 0, x, M)
    out = jax.nn.relu(jnp.concatenate([x, M], axis=1) @ W_o + b_o)
    return out

if __name__ == "__main__":
    import jax
    _d = setup_inputs()
    print(jax.jit(kernel)(*tuple(_d.values())))

</pallas_src>

<mosaic_0001>
#map = affine_map<(d0, d1) -> (0, 0)>
#map1 = affine_map<(d0, d1) -> (0)>
module attributes {stable_mosaic.version = 14 : i64} {
  func.func @_sc_gather_sub(%arg0: i32, %arg1: i32, %arg2: memref<10240x128xf32, #tpu.memory_space<hbm>>, %arg3: memref<320000x128xf32, #tpu.memory_space<hbm>>, %arg4: memref<320000xi32, #tpu.memory_space<hbm>>, %arg5: memref<320000xi32, #tpu.memory_space<hbm>>, %arg6: memref<320000x128xf32, #tpu.memory_space<hbm>>, %arg7: memref<10000xi32, #tpu.memory_space<vmem>>, %arg8: memref<10000xi32, #tpu.memory_space<vmem>>, %arg9: memref<80x128xf32, #tpu.memory_space<vmem>>, %arg10: memref<80x128xf32, #tpu.memory_space<vmem>>, %arg11: memref<80x128xf32, #tpu.memory_space<vmem>>, %arg12: memref<80x128xf32, #tpu.memory_space<vmem>>, %arg13: memref<80x128xf32, #tpu.memory_space<vmem>>, %arg14: memref<80x128xf32, #tpu.memory_space<vmem>>, %arg15: memref<80x128xf32, #tpu.memory_space<vmem>>, %arg16: memref<80x128xf32, #tpu.memory_space<vmem>>, %arg17: memref<80x128xf32, #tpu.memory_space<vmem>>, %arg18: memref<80x128xf32, #tpu.memory_space<vmem>>, %arg19: memref<!tpu.dma_semaphore, #tpu.memory_space<semaphore_mem>>, %arg20: memref<!tpu.dma_semaphore, #tpu.memory_space<semaphore_mem>>, %arg21: memref<!tpu.dma_semaphore, #tpu.memory_space<semaphore_mem>>, %arg22: memref<!tpu.dma_semaphore, #tpu.memory_space<semaphore_mem>>, %arg23: memref<!tpu.dma_semaphore, #tpu.memory_space<semaphore_mem>>, %arg24: memref<!tpu.dma_semaphore, #tpu.memory_space<semaphore_mem>>, %arg25: memref<!tpu.dma_semaphore, #tpu.memory_space<semaphore_mem>>, %arg26: memref<!tpu.dma_semaphore, #tpu.memory_space<semaphore_mem>>, %arg27: memref<!tpu.dma_semaphore, #tpu.memory_space<semaphore_mem>>, %arg28: memref<!tpu.dma_semaphore, #tpu.memory_space<semaphore_mem>>, %arg29: memref<!tpu.dma_semaphore, #tpu.memory_space<semaphore_mem>>, %arg30: memref<!tpu.dma_semaphore, #tpu.memory_space<semaphore_mem>>, %arg31: memref<!tpu.dma_semaphore, #tpu.memory_space<semaphore_mem>>, %arg32: memref<!tpu.dma_semaphore, #tpu.memory_space<semaphore_mem>>, %arg33: memref<!tpu.dma_semaphore, #tpu.memory_space<semaphore_mem>>) attributes {dimension_semantics = [#tpu.dimension_semantics<core_parallel>, #tpu.dimension_semantics<subcore_parallel>], iteration_bounds = array<i64: 2, 16>, scalar_prefetch = 0 : i64, scratch_operands = 27 : i64, tpu.core_type = #tpu.core_type<sc_vector_subcore>, window_params = [{transform_indices = #map}, {transform_indices = #map}, {transform_indices = #map1}, {transform_indices = #map1}, {transform_indices = #map}]} {
    %mul3A = arith.constant 2 : i32
    %mul3A_0 = arith.muli %arg1, %mul3A : i32
    %add3A = arith.addi %mul3A_0, %arg0 : i32
    %mul3A_1 = arith.constant 10000 : i32
    %mul3A_2 = arith.muli %add3A, %mul3A_1 : i32
    "tpu.region"() ({
      %run_scoped3A = tpu.sem_alloc : memref<!tpu.dma_semaphore, #tpu.memory_space<semaphore_mem>>
      %dma_start3A_41 = tpu.memref_slice %arg4[%mul3A_2] : memref<320000xi32, #tpu.memory_space<hbm>> -> memref<10000xi32, #tpu.memory_space<hbm>>
      %dma_start3A_42 = tpu.memref_slice %arg4[%mul3A_2] : memref<320000xi32, #tpu.memory_space<hbm>> -> memref<10000xi32, #tpu.memory_space<hbm>>
      tpu.enqueue_dma source(%dma_start3A_42 : memref<10000xi32, #tpu.memory_space<hbm>>) target(%arg7 : memref<10000xi32, #tpu.memory_space<vmem>>) target_semaphore(%run_scoped3A : memref<!tpu.dma_semaphore, #tpu.memory_space<semaphore_mem>>)
      %dma_wait3A_43 = tpu.memref_slice %arg4[%mul3A_2] : memref<320000xi32, #tpu.memory_space<hbm>> -> memref<10000xi32, #tpu.memory_space<hbm>>
      %dma_wait3A_44 = tpu.memref_slice %arg4[%mul3A_2] : memref<320000xi32, #tpu.memory_space<hbm>> -> memref<10000xi32, #tpu.memory_space<hbm>>
      tpu.wait_dma2 semaphore(%run_scoped3A : memref<!tpu.dma_semaphore, #tpu.memory_space<semaphore_mem>>) src(%dma_wait3A_44 : memref<10000xi32, #tpu.memory_space<hbm>>) dst(%arg7 : memref<10000xi32, #tpu.memory_space<vmem>>)
      tpu.yield
    }) : () -> ()
    %mul3A_3 = arith.constant 10000 : i32
    %mul3A_4 = arith.muli %add3A, %mul3A_3 : i32
    "tpu.region"() ({
      %run_scoped3A = tpu.sem_alloc : memref<!tpu.dma_semaphore, #tpu.memory_space<semaphore_mem>>
      %dma_start3A_41 = tpu.memref_slice %arg5[%mul3A_4] : memref<320000xi32, #tpu.memory_space<hbm>> -> memref<10000xi32, #tpu.memory_space<hbm>>
      %dma_start3A_42 = tpu.memref_slice %arg5[%mul3A_4] : memref<320000xi32, #tpu.memory_space<hbm>> -> memref<10000xi32, #tpu.memory_space<hbm>>
      tpu.enqueue_dma source(%dma_start3A_42 : memref<10000xi32, #tpu.memory_space<hbm>>) target(%arg8 : memref<10000xi32, #tpu.memory_space<vmem>>) target_semaphore(%run_scoped3A : memref<!tpu.dma_semaphore, #tpu.memory_space<semaphore_mem>>)
      %dma_wait3A_43 = tpu.memref_slice %arg5[%mul3A_4] : memref<320000xi32, #tpu.memory_space<hbm>> -> memref<10000xi32, #tpu.memory_space<hbm>>
      %dma_wait3A_44 = tpu.memref_slice %arg5[%mul3A_4] : memref<320000xi32, #tpu.memory_space<hbm>> -> memref<10000xi32, #tpu.memory_space<hbm>>
      tpu.wait_dma2 semaphore(%run_scoped3A : memref<!tpu.dma_semaphore, #tpu.memory_space<semaphore_mem>>) src(%dma_wait3A_44 : memref<10000xi32, #tpu.memory_space<hbm>>) dst(%arg8 : memref<10000xi32, #tpu.memory_space<vmem>>)
      tpu.yield
    }) : () -> ()
    %multiple_of3A = arith.constant 0 : i32
    %multiple_of3A_5 = tpu.assume_multiple %multiple_of3A, 16 : i32
    %dma_start3A = tpu.memref_slice %arg7[%multiple_of3A_5] : memref<10000xi32, #tpu.memory_space<vmem>> -> memref<80xi32, #tpu.memory_space<vmem>>
    %dma_start3A_6 = arith.constant 0 : i32
    %dma_start3A_7 = arith.constant 0 : i32
    %dma_start3A_8 = tpu.memref_slice %arg2[%dma_start3A_6, %dma_start3A_7] : memref<10240x128xf32, #tpu.memory_space<hbm>> -> memref<10240x128xf32, #tpu.memory_space<hbm>>
    tpu.enqueue_indirect_dma source(%dma_start3A_8 : memref<10240x128xf32, #tpu.memory_space<hbm>>) target(%arg9 : memref<80x128xf32, #tpu.memory_space<vmem>>) offsets(%dma_start3A : memref<80xi32, #tpu.memory_space<vmem>>) semaphore(%arg19 : memref<!tpu.dma_semaphore, #tpu.memory_space<semaphore_mem>>)
    %dma_start3A_9 = tpu.memref_slice %arg8[%multiple_of3A_5] : memref<10000xi32, #tpu.memory_space<vmem>> -> memref<80xi32, #tpu.memory_space<vmem>>
    %dma_start3A_10 = arith.constant 0 : i32
    %dma_start3A_11 = arith.constant 0 : i32
    %dma_start3A_12 = tpu.memref_slice %arg3[%dma_start3A_10, %dma_start3A_11] : memref<320000x128xf32, #tpu.memory_space<hbm>> -> memref<320000x128xf32, #tpu.memory_space<hbm>>
    tpu.enqueue_indirect_dma source(%dma_start3A_12 : memref<320000x128xf32, #tpu.memory_space<hbm>>) target(%arg14 : memref<80x128xf32, #tpu.memory_space<vmem>>) offsets(%dma_start3A_9 : memref<80xi32, #tpu.memory_space<vmem>>) semaphore(%arg24 : memref<!tpu.dma_semaphore, #tpu.memory_space<semaphore_mem>>)
    %scan3A = arith.constant 0 : i32
    %scan3A_13 = arith.constant 0 : i32
    %scan3A_14 = arith.constant 25 : i32
    %scan3A_15 = arith.addi %scan3A_13, %scan3A_14 : i32
    %scan3A_16 = arith.constant 1 : i32
    scf.for %scan3A_41 = %scan3A_13 to %scan3A_15 step %scan3A_16  : i32 {
      %mul3A_42 = arith.constant 5 : i32
      %mul3A_43 = arith.muli %mul3A_42, %scan3A_41 : i32
      %add3A_44 = arith.constant 0 : i32
      %add3A_45 = arith.addi %mul3A_43, %add3A_44 : i32
      %ge3A = arith.constant 4 : i32
      %ge3A_46 = arith.cmpi sge, %add3A_45, %ge3A : i32
      %convert_element_type3A = arith.extui %ge3A_46 : i1 to i32
      %cond3A = arith.constant 0 : i32
      %cond3A_47 = arith.cmpi ne, %convert_element_type3A, %cond3A : i32
      scf.if %cond3A_47 {
        %dma_wait3A_233 = arith.constant 0 : i32
        %dma_wait3A_234 = arith.constant 0 : i32
        %dma_wait3A_235 = tpu.memref_slice %arg6[%dma_wait3A_233, %dma_wait3A_234] : memref<320000x128xf32, #tpu.memory_space<hbm>> -> memref<80x128xf32, #tpu.memory_space<hbm>>
        %dma_wait3A_236 = arith.constant 0 : i32
        %dma_wait3A_237 = arith.constant 0 : i32
        %dma_wait3A_238 = tpu.memref_slice %arg6[%dma_wait3A_236, %dma_wait3A_237] : memref<320000x128xf32, #tpu.memory_space<hbm>> -> memref<80x128xf32, #tpu.memory_space<hbm>>
        tpu.wait_dma2 semaphore(%arg30 : memref<!tpu.dma_semaphore, #tpu.memory_space<semaphore_mem>>) src(%arg10 : memref<80x128xf32, #tpu.memory_space<vmem>>) dst(%dma_wait3A_238 : memref<80x128xf32, #tpu.memory_space<hbm>>)
      } else {
      }
      %lt3A = arith.constant 124 : i32
      %lt3A_48 = arith.cmpi slt, %add3A_45, %lt3A : i32
      %convert_element_type3A_49 = arith.extui %lt3A_48 : i1 to i32
      %cond3A_50 = arith.constant 0 : i32
      %cond3A_51 = arith.cmpi ne, %convert_element_type3A_49, %cond3A_50 : i32
      scf.if %cond3A_51 {
        %add3A_233 = arith.constant 1 : i32
        %add3A_234 = arith.addi %add3A_45, %add3A_233 : i32
        %mul3A_235 = arith.constant 80 : i32
        %mul3A_236 = arith.muli %add3A_234, %mul3A_235 : i32
        %multiple_of3A_237 = tpu.assume_multiple %mul3A_236, 16 : i32
        %dma_start3A_238 = tpu.memref_slice %arg7[%multiple_of3A_237] : memref<10000xi32, #tpu.memory_space<vmem>> -> memref<80xi32, #tpu.memory_space<vmem>>
        %dma_start3A_239 = arith.constant 0 : i32
        %dma_start3A_240 = arith.constant 0 : i32
        %dma_start3A_241 = tpu.memref_slice %arg2[%dma_start3A_239, %dma_start3A_240] : memref<10240x128xf32, #tpu.memory_space<hbm>> -> memref<10240x128xf32, #tpu.memory_space<hbm>>
        tpu.enqueue_indirect_dma source(%dma_start3A_241 : memref<10240x128xf32, #tpu.memory_space<hbm>>) target(%arg10 : memref<80x128xf32, #tpu.memory_space<vmem>>) offsets(%dma_start3A_238 : memref<80xi32, #tpu.memory_space<vmem>>) semaphore(%arg20 : memref<!tpu.dma_semaphore, #tpu.memory_space<semaphore_mem>>)
        %dma_start3A_242 = tpu.memref_slice %arg8[%multiple_of3A_237] : memref<10000xi32, #tpu.memory_space<vmem>> -> memref<80xi32, #tpu.memory_space<vmem>>
        %dma_start3A_243 = arith.constant 0 : i32
        %dma_start3A_244 = arith.constant 0 : i32
        %dma_start3A_245 = tpu.memref_slice %arg3[%dma_start3A_243, %dma_start3A_244] : memref<320000x128xf32, #tpu.memory_space<hbm>> -> memref<320000x128xf32, #tpu.memory_space<hbm>>
        tpu.enqueue_indirect_dma source(%dma_start3A_245 : memref<320000x128xf32, #tpu.memory_space<hbm>>) target(%arg15 : memref<80x128xf32, #tpu.memory_space<vmem>>) offsets(%dma_start3A_242 : memref<80xi32, #tpu.memory_space<vmem>>) semaphore(%arg25 : memref<!tpu.dma_semaphore, #tpu.memory_space<semaphore_mem>>)
      } else {
      }
      %dma_wait3A_52 = arith.constant 0 : i32
      %dma_wait3A_53 = tpu.memref_slice %arg7[%dma_wait3A_52] : memref<10000xi32, #tpu.memory_space<vmem>> -> memref<80xi32, #tpu.memory_space<vmem>>
      %dma_wait3A_54 = arith.constant 0 : i32
      %dma_wait3A_55 = arith.constant 0 : i32
      %dma_wait3A_56 = tpu.memref_slice %arg2[%dma_wait3A_54, %dma_wait3A_55] : memref<10240x128xf32, #tpu.memory_space<hbm>> -> memref<10240x128xf32, #tpu.memory_space<hbm>>
      tpu.wait_indirect_dma semaphore(%arg19 : memref<!tpu.dma_semaphore, #tpu.memory_space<semaphore_mem>>) src(%dma_wait3A_56 : memref<10240x128xf32, #tpu.memory_space<hbm>>) dst(%arg9 : memref<80x128xf32, #tpu.memory_space<vmem>>)
      %dma_wait3A_57 = arith.constant 0 : i32
      %dma_wait3A_58 = tpu.memref_slice %arg8[%dma_wait3A_57] : memref<10000xi32, #tpu.memory_space<vmem>> -> memref<80xi32, #tpu.memory_space<vmem>>
      %dma_wait3A_59 = arith.constant 0 : i32
      %dma_wait3A_60 = arith.constant 0 : i32
      %dma_wait3A_61 = tpu.memref_slice %arg3[%dma_wait3A_59, %dma_wait3A_60] : memref<320000x128xf32, #tpu.memory_space<hbm>> -> memref<320000x128xf32, #tpu.memory_space<hbm>>
      tpu.wait_indirect_dma semaphore(%arg24 : memref<!tpu.dma_semaphore, #tpu.memory_space<semaphore_mem>>) src(%dma_wait3A_61 : memref<320000x128xf32, #tpu.memory_space<hbm>>) dst(%arg14 : memref<80x128xf32, #tpu.memory_space<vmem>>)
      %scan3A_62 = arith.constant 0 : i32
      %scan3A_63 = arith.constant 0 : i32
      %scan3A_64 = arith.constant 80 : i32
      %scan3A_65 = arith.addi %scan3A_63, %scan3A_64 : i32
      %scan3A_66 = arith.constant 1 : i32
      scf.for %scan3A_233 = %scan3A_63 to %scan3A_65 step %scan3A_66  : i32 {
        %get3A = arith.index_cast %scan3A_233 : i32 to index
        %get3A_234 = arith.constant 0 : index
        %get3A_235 = tpu.vector_load %arg9[%get3A, %get3A_234] {strides = array<i32>} : memref<80x128xf32, #tpu.memory_space<vmem>>, vector<1x16xf32>,
        %get3A_236 = vector.shape_cast %get3A_235 : vector<1x16xf32> to vector<16xf32>
        %get3A_237 = arith.index_cast %scan3A_233 : i32 to index
        %get3A_238 = arith.constant 0 : index
        %get3A_239 = tpu.vector_load %arg14[%get3A_237, %get3A_238] {strides = array<i32>} : memref<80x128xf32, #tpu.memory_space<vmem>>, vector<1x16xf32>,
        %get3A_240 = vector.shape_cast %get3A_239 : vector<1x16xf32> to vector<16xf32>
        %sub3A = arith.subf %get3A_236, %get3A_240 : vector<16xf32>
        %swap3A = arith.index_cast %scan3A_233 : i32 to index
        %swap3A_241 = arith.constant 0 : index
        %swap3A_242 = tpu.vector_load %arg9[%swap3A, %swap3A_241] {strides = array<i32>} : memref<80x128xf32, #tpu.memory_space<vmem>>, vector<1x16xf32>,
        %swap3A_243 = vector.shape_cast %swap3A_242 : vector<1x16xf32> to vector<16xf32>
        %swap3A_244 = vector.shape_cast %sub3A : vector<16xf32> to vector<1x16xf32>
        tpu.vector_store %arg9[%swap3A, %swap3A_241], %swap3A_244 {strides = array<i32>} : memref<80x128xf32, #tpu.memory_space<vmem>>, vector<1x16xf32>,
        %get3A_245 = arith.index_cast %scan3A_233 : i32 to index
        %get3A_246 = arith.constant 16 : index
        %get3A_247 = tpu.vector_load %arg9[%get3A_245, %get3A_246] {strides = array<i32>} : memref<80x128xf32, #tpu.memory_space<vmem>>, vector<1x16xf32>,
        %get3A_248 = vector.shape_cast %get3A_247 : vector<1x16xf32> to vector<16xf32>
        %get3A_249 = arith.index_cast %scan3A_233 : i32 to index
        %get3A_250 = arith.constant 16 : index
        %get3A_251 = tpu.vector_load %arg14[%get3A_249, %get3A_250] {strides = array<i32>} : memref<80x128xf32, #tpu.memory_space<vmem>>, vector<1x16xf32>,
        %get3A_252 = vector.shape_cast %get3A_251 : vector<1x16xf32> to vector<16xf32>
        %sub3A_253 = arith.subf %get3A_248, %get3A_252 : vector<16xf32>
        %swap3A_254 = arith.index_cast %scan3A_233 : i32 to index
        %swap3A_255 = arith.constant 16 : index
        %swap3A_256 = tpu.vector_load %arg9[%swap3A_254, %swap3A_255] {strides = array<i32>} : memref<80x128xf32, #tpu.memory_space<vmem>>, vector<1x16xf32>,
        %swap3A_257 = vector.shape_cast %swap3A_256 : vector<1x16xf32> to vector<16xf32>
        %swap3A_258 = vector.shape_cast %sub3A_253 : vector<16xf32> to vector<1x16xf32>
        tpu.vector_store %arg9[%swap3A_254, %swap3A_255], %swap3A_258 {strides = array<i32>} : memref<80x128xf32, #tpu.memory_space<vmem>>, vector<1x16xf32>,
        %get3A_259 = arith.index_cast %scan3A_233 : i32 to index
        %get3A_260 = arith.constant 32 : index
        %get3A_261 = tpu.vector_load %arg9[%get3A_259, %get3A_260] {strides = array<i32>} : memref<80x128xf32, #tpu.memory_space<vmem>>, vector<1x16xf32>,
        %get3A_262 = vector.shape_cast %get3A_261 : vector<1x16xf32> to vector<16xf32>
        %get3A_263 = arith.index_cast %scan3A_233 : i32 to index
        %get3A_264 = arith.constant 32 : index
        %get3A_265 = tpu.vector_load %arg14[%get3A_263, %get3A_264] {strides = array<i32>} : memref<80x128xf32, #tpu.memory_space<vmem>>, vector<1x16xf32>,
        %get3A_266 = vector.shape_cast %get3A_265 : vector<1x16xf32> to vector<16xf32>
        %sub3A_267 = arith.subf %get3A_262, %get3A_266 : vector<16xf32>
        %swap3A_268 = arith.index_cast %scan3A_233 : i32 to index
        %swap3A_269 = arith.constant 32 : index
        %swap3A_270 = tpu.vector_load %arg9[%swap3A_268, %swap3A_269] {strides = array<i32>} : memref<80x128xf32, #tpu.memory_space<vmem>>, vector<1x16xf32>,
        %swap3A_271 = vector.shape_cast %swap3A_270 : vector<1x16xf32> to vector<16xf32>
        %swap3A_272 = vector.shape_cast %sub3A_267 : vector<16xf32> to vector<1x16xf32>
        tpu.vector_store %arg9[%swap3A_268, %swap3A_269], %swap3A_272 {strides = array<i32>} : memref<80x128xf32, #tpu.memory_space<vmem>>, vector<1x16xf32>,
        %get3A_273 = arith.index_cast %scan3A_233 : i32 to index
        %get3A_274 = arith.constant 48 : index
        %get3A_275 = tpu.vector_load %arg9[%get3A_273, %get3A_274] {strides = array<i32>} : memref<80x128xf32, #tpu.memory_space<vmem>>, vector<1x16xf32>,
        %get3A_276 = vector.shape_cast %get3A_275 : vector<1x16xf32> to vector<16xf32>
        %get3A_277 = arith.index_cast %scan3A_233 : i32 to index
        %get3A_278 = arith.constant 48 : index
        %get3A_279 = tpu.vector_load %arg14[%get3A_277, %get3A_278] {strides = array<i32>} : memref<80x128xf32, #tpu.memory_space<vmem>>, vector<1x16xf32>,
        %get3A_280 = vector.shape_cast %get3A_279 : vector<1x16xf32> to vector<16xf32>
        %sub3A_281 = arith.subf %get3A_276, %get3A_280 : vector<16xf32>
        %swap3A_282 = arith.index_cast %scan3A_233 : i32 to index
        %swap3A_283 = arith.constant 48 : index
        %swap3A_284 = tpu.vector_load %arg9[%swap3A_282, %swap3A_283] {strides = array<i32>} : memref<80x128xf32, #tpu.memory_space<vmem>>, vector<1x16xf32>,
        %swap3A_285 = vector.shape_cast %swap3A_284 : vector<1x16xf32> to vector<16xf32>
        %swap3A_286 = vector.shape_cast %sub3A_281 : vector<16xf32> to vector<1x16xf32>
        tpu.vector_store %arg9[%swap3A_282, %swap3A_283], %swap3A_286 {strides = array<i32>} : memref<80x128xf32, #tpu.memory_space<vmem>>, vector<1x16xf32>,
        %get3A_287 = arith.index_cast %scan3A_233 : i32 to index
        %get3A_288 = arith.constant 64 : index
        %get3A_289 = tpu.vector_load %arg9[%get3A_287, %get3A_288] {strides = array<i32>} : memref<80x128xf32, #tpu.memory_space<vmem>>, vector<1x16xf32>,
        %get3A_290 = vector.shape_cast %get3A_289 : vector<1x16xf32> to vector<16xf32>
        %get3A_291 = arith.index_cast %scan3A_233 : i32 to index
        %get3A_292 = arith.constant 64 : index
        %get3A_293 = tpu.vector_load %arg14[%get3A_291, %get3A_292] {strides = array<i32>} : memref<80x128xf32, #tpu.memory_space<vmem>>, vector<1x16xf32>,
        %get3A_294 = vector.shape_cast %get3A_293 : vector<1x16xf32> to vector<16xf32>
        %sub3A_295 = arith.subf %get3A_290, %get3A_294 : vector<16xf32>
        %swap3A_296 = arith.index_cast %scan3A_233 : i32 to index
        %swap3A_297 = arith.constant 64 : index
        %swap3A_298 = tpu.vector_load %arg9[%swap3A_296, %swap3A_297] {strides = array<i32>} : memref<80x128xf32, #tpu.memory_space<vmem>>, vector<1x16xf32>,
        %swap3A_299 = vector.shape_cast %swap3A_298 : vector<1x16xf32> to vector<16xf32>
        %swap3A_300 = vector.shape_cast %sub3A_295 : vector<16xf32> to vector<1x16xf32>
        tpu.vector_store %arg9[%swap3A_296, %swap3A_297], %swap3A_300 {strides = array<i32>} : memref<80x128xf32, #tpu.memory_space<vmem>>, vector<1x16xf32>,
        %get3A_301 = arith.index_cast %scan3A_233 : i32 to index
        %get3A_302 = arith.constant 80 : index
        %get3A_303 = tpu.vector_load %arg9[%get3A_301, %get3A_302] {strides = array<i32>} : memref<80x128xf32, #tpu.memory_space<vmem>>, vector<1x16xf32>,
        %get3A_304 = vector.shape_cast %get3A_303 : vector<1x16xf32> to vector<16xf32>
        %get3A_305 = arith.index_cast %scan3A_233 : i32 to index
        %get3A_306 = arith.constant 80 : index
        %get3A_307 = tpu.vector_load %arg14[%get3A_305, %get3A_306] {strides = array<i32>} : memref<80x128xf32, #tpu.memory_space<vmem>>, vector<1x16xf32>,
        %get3A_308 = vector.shape_cast %get3A_307 : vector<1x16xf32> to vector<16xf32>
        %sub3A_309 = arith.subf %get3A_304, %get3A_308 : vector<16xf32>
        %swap3A_310 = arith.index_cast %scan3A_233 : i32 to index
        %swap3A_311 = arith.constant 80 : index
        %swap3A_312 = tpu.vector_load %arg9[%swap3A_310, %swap3A_311] {strides = array<i32>} : memref<80x128xf32, #tpu.memory_space<vmem>>, vector<1x16xf32>,
        %swap3A_313 = vector.shape_cast %swap3A_312 : vector<1x16xf32> to vector<16xf32>
        %swap3A_314 = vector.shape_cast %sub3A_309 : vector<16xf32> to vector<1x16xf32>
        tpu.vector_store %arg9[%swap3A_310, %swap3A_311], %swap3A_314 {strides = array<i32>} : memref<80x128xf32, #tpu.memory_space<vmem>>, vector<1x16xf32>,
        %get3A_315 = arith.index_cast %scan3A_233 : i32 to index
        %get3A_316 = arith.constant 96 : index
        %get3A_317 = tpu.vector_load %arg9[%get3A_315, %get3A_316] {strides = array<i32>} : memref<80x128xf32, #tpu.memory_space<vmem>>, vector<1x16xf32>,
        %get3A_318 = vector.shape_cast %get3A_317 : vector<1x16xf32> to vector<16xf32>
        %get3A_319 = arith.index_cast %scan3A_233 : i32 to index
        %get3A_320 = arith.constant 96 : index
        %get3A_321 = tpu.vector_load %arg14[%get3A_319, %get3A_320] {strides = array<i32>} : memref<80x128xf32, #tpu.memory_space<vmem>>, vector<1x16xf32>,
        %get3A_322 = vector.shape_cast %get3A_321 : vector<1x16xf32> to vector<16xf32>
        %sub3A_323 = arith.subf %get3A_318, %get3A_322 : vector<16xf32>
        %swap3A_324 = arith.index_cast %scan3A_233 : i32 to index
        %swap3A_325 = arith.constant 96 : index
        %swap3A_326 = tpu.vector_load %arg9[%swap3A_324, %swap3A_325] {strides = array<i32>} : memref<80x128xf32, #tpu.memory_space<vmem>>, vector<1x16xf32>,
        %swap3A_327 = vector.shape_cast %swap3A_326 : vector<1x16xf32> to vector<16xf32>
        %swap3A_328 = vector.shape_cast %sub3A_323 : vector<16xf32> to vector<1x16xf32>
        tpu.vector_store %arg9[%swap3A_324, %swap3A_325], %swap3A_328 {strides = array<i32>} : memref<80x128xf32, #tpu.memory_space<vmem>>, vector<1x16xf32>,
        %get3A_329 = arith.index_cast %scan3A_233 : i32 to index
        %get3A_330 = arith.constant 112 : index
        %get3A_331 = tpu.vector_load %arg9[%get3A_329, %get3A_330] {strides = array<i32>} : memref<80x128xf32, #tpu.memory_space<vmem>>, vector<1x16xf32>,
        %get3A_332 = vector.shape_cast %get3A_331 : vector<1x16xf32> to vector<16xf32>
        %get3A_333 = arith.index_cast %scan3A_233 : i32 to index
        %get3A_334 = arith.constant 112 : index
        %get3A_335 = tpu.vector_load %arg14[%get3A_333, %get3A_334] {strides = array<i32>} : memref<80x128xf32, #tpu.memory_space<vmem>>, vector<1x16xf32>,
        %get3A_336 = vector.shape_cast %get3A_335 : vector<1x16xf32> to vector<16xf32>
        %sub3A_337 = arith.subf %get3A_332, %get3A_336 : vector<16xf32>
        %swap3A_338 = arith.index_cast %scan3A_233 : i32 to index
        %swap3A_339 = arith.constant 112 : index
        %swap3A_340 = tpu.vector_load %arg9[%swap3A_338, %swap3A_339] {strides = array<i32>} : memref<80x128xf32, #tpu.memory_space<vmem>>, vector<1x16xf32>,
        %swap3A_341 = vector.shape_cast %swap3A_340 : vector<1x16xf32> to vector<16xf32>
        %swap3A_342 = vector.shape_cast %sub3A_337 : vector<16xf32> to vector<1x16xf32>
        tpu.vector_store %arg9[%swap3A_338, %swap3A_339], %swap3A_342 {strides = array<i32>} : memref<80x128xf32, #tpu.memory_space<vmem>>, vector<1x16xf32>,
      }
      %scan3A_67 = arith.constant 80 : i32
      %mul3A_68 = arith.constant 10000 : i32
      %mul3A_69 = arith.muli %add3A, %mul3A_68 : i32
      %mul3A_70 = arith.constant 80 : i32
      %mul3A_71 = arith.muli %add3A_45, %mul3A_70 : i32
      %add3A_72 = arith.addi %mul3A_69, %mul3A_71 : i32
      %dma_start3A_73 = arith.constant 0 : i32
      %dma_start3A_74 = tpu.memref_slice %arg6[%add3A_72, %dma_start3A_73] : memref<320000x128xf32, #tpu.memory_space<hbm>> -> memref<80x128xf32, #tpu.memory_space<hbm>>
      %dma_start3A_75 = arith.constant 0 : i32
      %dma_start3A_76 = tpu.memref_slice %arg6[%add3A_72, %dma_start3A_75] : memref<320000x128xf32, #tpu.memory_space<hbm>> -> memref<80x128xf32, #tpu.memory_space<hbm>>
      tpu.enqueue_dma source(%arg9 : memref<80x128xf32, #tpu.memory_space<vmem>>) target(%dma_start3A_76 : memref<80x128xf32, #tpu.memory_space<hbm>>) target_semaphore(%arg29 : memref<!tpu.dma_semaphore, #tpu.memory_space<semaphore_mem>>)
      %mul3A_77 = arith.constant 5 : i32
      %mul3A_78 = arith.muli %mul3A_77, %scan3A_41 : i32
      %add3A_79 = arith.constant 1 : i32
      %add3A_80 = arith.addi %mul3A_78, %add3A_79 : i32
      %ge3A_81 = arith.constant 4 : i32
      %ge3A_82 = arith.cmpi sge, %add3A_80, %ge3A_81 : i32
      %convert_element_type3A_83 = arith.extui %ge3A_82 : i1 to i32
      %cond3A_84 = arith.constant 0 : i32
      %cond3A_85 = arith.cmpi ne, %convert_element_type3A_83, %cond3A_84 : i32
      scf.if %cond3A_85 {
        %dma_wait3A_233 = arith.constant 0 : i32
        %dma_wait3A_234 = arith.constant 0 : i32
        %dma_wait3A_235 = tpu.memref_slice %arg6[%dma_wait3A_233, %dma_wait3A_234] : memref<320000x128xf32, #tpu.memory_space<hbm>> -> memref<80x128xf32, #tpu.memory_space<hbm>>
        %dma_wait3A_236 = arith.constant 0 : i32
        %dma_wait3A_237 = arith.constant 0 : i32
        %dma_wait3A_238 = tpu.memref_slice %arg6[%dma_wait3A_236, %dma_wait3A_237] : memref<320000x128xf32, #tpu.memory_space<hbm>> -> memref<80x128xf32, #tpu.memory_space<hbm>>
        tpu.wait_dma2 semaphore(%arg31 : memref<!tpu.dma_semaphore, #tpu.memory_space<semaphore_mem>>) src(%arg11 : memref<80x128xf32, #tpu.memory_space<vmem>>) dst(%dma_wait3A_238 : memref<80x128xf32, #tpu.memory_space<hbm>>)
      } else {
      }
      %lt3A_86 = arith.constant 124 : i32
      %lt3A_87 = arith.cmpi slt, %add3A_80, %lt3A_86 : i32
      %convert_element_type3A_88 = arith.extui %lt3A_87 : i1 to i32
      %cond3A_89 = arith.constant 0 : i32
      %cond3A_90 = arith.cmpi ne, %convert_element_type3A_88, %cond3A_89 : i32
      scf.if %cond3A_90 {
        %add3A_233 = arith.constant 1 : i32
        %add3A_234 = arith.addi %add3A_80, %add3A_233 : i32
        %mul3A_235 = arith.constant 80 : i32
        %mul3A_236 = arith.muli %add3A_234, %mul3A_235 : i32
        %multiple_of3A_237 = tpu.assume_multiple %mul3A_236, 16 : i32
        %dma_start3A_238 = tpu.memref_slice %arg7[%multiple_of3A_237] : memref<10000xi32, #tpu.memory_space<vmem>> -> memref<80xi32, #tpu.memory_space<vmem>>
        %dma_start3A_239 = arith.constant 0 : i32
        %dma_start3A_240 = arith.constant 0 : i32
        %dma_start3A_241 = tpu.memref_slice %arg2[%dma_start3A_239, %dma_start3A_240] : memref<10240x128xf32, #tpu.memory_space<hbm>> -> memref<10240x128xf32, #tpu.memory_space<hbm>>
        tpu.enqueue_indirect_dma source(%dma_start3A_241 : memref<10240x128xf32, #tpu.memory_space<hbm>>) target(%arg11 : memref<80x128xf32, #tpu.memory_space<vmem>>) offsets(%dma_start3A_238 : memref<80xi32, #tpu.memory_space<vmem>>) semaphore(%arg21 : memref<!tpu.dma_semaphore, #tpu.memory_space<semaphore_mem>>)
        %dma_start3A_242 = tpu.memref_slice %arg8[%multiple_of3A_237] : memref<10000xi32, #tpu.memory_space<vmem>> -> memref<80xi32, #tpu.memory_space<vmem>>
        %dma_start3A_243 = arith.constant 0 : i32
        %dma_start3A_244 = arith.constant 0 : i32
        %dma_start3A_245 = tpu.memref_slice %arg3[%dma_start3A_243, %dma_start3A_244] : memref<320000x128xf32, #tpu.memory_space<hbm>> -> memref<320000x128xf32, #tpu.memory_space<hbm>>
        tpu.enqueue_indirect_dma source(%dma_start3A_245 : memref<320000x128xf32, #tpu.memory_space<hbm>>) target(%arg16 : memref<80x128xf32, #tpu.memory_space<vmem>>) offsets(%dma_start3A_242 : memref<80xi32, #tpu.memory_space<vmem>>) semaphore(%arg26 : memref<!tpu.dma_semaphore, #tpu.memory_space<semaphore_mem>>)
      } else {
      }
      %dma_wait3A_91 = arith.constant 0 : i32
      %dma_wait3A_92 = tpu.memref_slice %arg7[%dma_wait3A_91] : memref<10000xi32, #tpu.memory_space<vmem>> -> memref<80xi32, #tpu.memory_space<vmem>>
      %dma_wait3A_93 = arith.constant 0 : i32
      %dma_wait3A_94 = arith.constant 0 : i32
      %dma_wait3A_95 = tpu.memref_slice %arg2[%dma_wait3A_93, %dma_wait3A_94] : memref<10240x128xf32, #tpu.memory_space<hbm>> -> memref<10240x128xf32, #tpu.memory_space<hbm>>
      tpu.wait_indirect_dma semaphore(%arg20 : memref<!tpu.dma_semaphore, #tpu.memory_space<semaphore_mem>>) src(%dma_wait3A_95 : memref<10240x128xf32, #tpu.memory_space<hbm>>) dst(%arg10 : memref<80x128xf32, #tpu.memory_space<vmem>>)
      %dma_wait3A_96 = arith.constant 0 : i32
      %dma_wait3A_97 = tpu.memref_slice %arg8[%dma_wait3A_96] : memref<10000xi32, #tpu.memory_space<vmem>> -> memref<80xi32, #tpu.memory_space<vmem>>
      %dma_wait3A_98 = arith.constant 0 : i32
      %dma_wait3A_99 = arith.constant 0 : i32
      %dma_wait3A_100 = tpu.memref_slice %arg3[%dma_wait3A_98, %dma_wait3A_99] : memref<320000x128xf32, #tpu.memory_space<hbm>> -> memref<320000x128xf32, #tpu.memory_space<hbm>>
      tpu.wait_indirect_dma semaphore(%arg25 : memref<!tpu.dma_semaphore, #tpu.memory_space<semaphore_mem>>) src(%dma_wait3A_100 : memref<320000x128xf32, #tpu.memory_space<hbm>>) dst(%arg15 : memref<80x128xf32, #tpu.memory_space<vmem>>)
      %scan3A_101 = arith.constant 0 : i32
      %scan3A_102 = arith.constant 0 : i32
      %scan3A_103 = arith.constant 80 : i32
      %scan3A_104 = arith.addi %scan3A_102, %scan3A_103 : i32
      %scan3A_105 = arith.constant 1 : i32
      scf.for %scan3A_233 = %scan3A_102 to %scan3A_104 step %scan3A_105  : i32 {
        %get3A = arith.index_cast %scan3A_233 : i32 to index
        %get3A_234 = arith.constant 0 : index
        %get3A_235 = tpu.vector_load %arg10[%get3A, %get3A_234] {strides = array<i32>} : memref<80x128xf32, #tpu.memory_space<vmem>>, vector<1x16xf32>,
        %get3A_236 = vector.shape_cast %get3A_235 : vector<1x16xf32> to vector<16xf32>
        %get3A_237 = arith.index_cast %scan3A_233 : i32 to index
        %get3A_238 = arith.constant 0 : index
        %get3A_239 = tpu.vector_load %arg15[%get3A_237, %get3A_238] {strides = array<i32>} : memref<80x128xf32, #tpu.memory_space<vmem>>, vector<1x16xf32>,
        %get3A_240 = vector.shape_cast %get3A_239 : vector<1x16xf32> to vector<16xf32>
        %sub3A = arith.subf %get3A_236, %get3A_240 : vector<16xf32>
        %swap3A = arith.index_cast %scan3A_233 : i32 to index
        %swap3A_241 = arith.constant 0 : index
        %swap3A_242 = tpu.vector_load %arg10[%swap3A, %swap3A_241] {strides = array<i32>} : memref<80x128xf32, #tpu.memory_space<vmem>>, vector<1x16xf32>,
        %swap3A_243 = vector.shape_cast %swap3A_242 : vector<1x16xf32> to vector<16xf32>
        %swap3A_244 = vector.shape_cast %sub3A : vector<16xf32> to vector<1x16xf32>
        tpu.vector_store %arg10[%swap3A, %swap3A_241], %swap3A_244 {strides = array<i32>} : memref<80x128xf32, #tpu.memory_space<vmem>>, vector<1x16xf32>,
        %get3A_245 = arith.index_cast %scan3A_233 : i32 to index
        %get3A_246 = arith.constant 16 : index
        %get3A_247 = tpu.vector_load %arg10[%get3A_245, %get3A_246] {strides = array<i32>} : memref<80x128xf32, #tpu.memory_space<vmem>>, vector<1x16xf32>,
        %get3A_248 = vector.shape_cast %get3A_247 : vector<1x16xf32> to vector<16xf32>
        %get3A_249 = arith.index_cast %scan3A_233 : i32 to index
        %get3A_250 = arith.constant 16 : index
        %get3A_251 = tpu.vector_load %arg15[%get3A_249, %get3A_250] {strides = array<i32>} : memref<80x128xf32, #tpu.memory_space<vmem>>, vector<1x16xf32>,
        %get3A_252 = vector.shape_cast %get3A_251 : vector<1x16xf32> to vector<16xf32>
        %sub3A_253 = arith.subf %get3A_248, %get3A_252 : vector<16xf32>
        %swap3A_254 = arith.index_cast %scan3A_233 : i32 to index
        %swap3A_255 = arith.constant 16 : index
        %swap3A_256 = tpu.vector_load %arg10[%swap3A_254, %swap3A_255] {strides = array<i32>} : memref<80x128xf32, #tpu.memory_space<vmem>>, vector<1x16xf32>,
        %swap3A_257 = vector.shape_cast %swap3A_256 : vector<1x16xf32> to vector<16xf32>
        %swap3A_258 = vector.shape_cast %sub3A_253 : vector<16xf32> to vector<1x16xf32>
        tpu.vector_store %arg10[%swap3A_254, %swap3A_255], %swap3A_258 {strides = array<i32>} : memref<80x128xf32, #tpu.memory_space<vmem>>, vector<1x16xf32>,
        %get3A_259 = arith.index_cast %scan3A_233 : i32 to index
        %get3A_260 = arith.constant 32 : index
        %get3A_261 = tpu.vector_load %arg10[%get3A_259, %get3A_260] {strides = array<i32>} : memref<80x128xf32, #tpu.memory_space<vmem>>, vector<1x16xf32>,
        %get3A_262 = vector.shape_cast %get3A_261 : vector<1x16xf32> to vector<16xf32>
        %get3A_263 = arith.index_cast %scan3A_233 : i32 to index
        %get3A_264 = arith.constant 32 : index
        %get3A_265 = tpu.vector_load %arg15[%get3A_263, %get3A_264] {strides = array<i32>} : memref<80x128xf32, #tpu.memory_space<vmem>>, vector<1x16xf32>,
        %get3A_266 = vector.shape_cast %get3A_265 : vector<1x16xf32> to vector<16xf32>
        %sub3A_267 = arith.subf %get3A_262, %get3A_266 : vector<16xf32>
        %swap3A_268 = arith.index_cast %scan3A_233 : i32 to index
        %swap3A_269 = arith.constant 32 : index
        %swap3A_270 = tpu.vector_load %arg10[%swap3A_268, %swap3A_269] {strides = array<i32>} : memref<80x128xf32, #tpu.memory_space<vmem>>, vector<1x16xf32>,
        %swap3A_271 = vector.shape_cast %swap3A_270 : vector<1x16xf32> to vector<16xf32>
        %swap3A_272 = vector.shape_cast %sub3A_267 : vector<16xf32> to vector<1x16xf32>
        tpu.vector_store %arg10[%swap3A_268, %swap3A_269], %swap3A_272 {strides = array<i32>} : memref<80x128xf32, #tpu.memory_space<vmem>>, vector<1x16xf32>,
        %get3A_273 = arith.index_cast %scan3A_233 : i32 to index
        %get3A_274 = arith.constant 48 : index
        %get3A_275 = tpu.vector_load %arg10[%get3A_273, %get3A_274] {strides = array<i32>} : memref<80x128xf32, #tpu.memory_space<vmem>>, vector<1x16xf32>,
        %get3A_276 = vector.shape_cast %get3A_275 : vector<1x16xf32> to vector<16xf32>
        %get3A_277 = arith.index_cast %scan3A_233 : i32 to index
        %get3A_278 = arith.constant 48 : index
        %get3A_279 = tpu.vector_load %arg15[%get3A_277, %get3A_278] {strides = array<i32>} : memref<80x128xf32, #tpu.memory_space<vmem>>, vector<1x16xf32>,
        %get3A_280 = vector.shape_cast %get3A_279 : vector<1x16xf32> to vector<16xf32>
        %sub3A_281 = arith.subf %get3A_276, %get3A_280 : vector<16xf32>
        %swap3A_282 = arith.index_cast %scan3A_233 : i32 to index
        %swap3A_283 = arith.constant 48 : index
        %swap3A_284 = tpu.vector_load %arg10[%swap3A_282, %swap3A_283] {strides = array<i32>} : memref<80x128xf32, #tpu.memory_space<vmem>>, vector<1x16xf32>,
        %swap3A_285 = vector.shape_cast %swap3A_284 : vector<1x16xf32> to vector<16xf32>
        %swap3A_286 = vector.shape_cast %sub3A_281 : vector<16xf32> to vector<1x16xf32>
        tpu.vector_store %arg10[%swap3A_282, %swap3A_283], %swap3A_286 {strides = array<i32>} : memref<80x128xf32, #tpu.memory_space<vmem>>, vector<1x16xf32>,
        %get3A_287 = arith.index_cast %scan3A_233 : i32 to index
        %get3A_288 = arith.constant 64 : index
        %get3A_289 = tpu.vector_load %arg10[%get3A_287, %get3A_288] {strides = array<i32>} : memref<80x128xf32, #tpu.memory_space<vmem>>, vector<1x16xf32>,
        %get3A_290 = vector.shape_cast %get3A_289 : vector<1x16xf32> to vector<16xf32>
        %get3A_291 = arith.index_cast %scan3A_233 : i32 to index
        %get3A_292 = arith.constant 64 : index
        %get3A_293 = tpu.vector_load %arg15[%get3A_291, %get3A_292] {strides = array<i32>} : memref<80x128xf32, #tpu.memory_space<vmem>>, vector<1x16xf32>,
        %get3A_294 = vector.shape_cast %get3A_293 : vector<1x16xf32> to vector<16xf32>
        %sub3A_295 = arith.subf %get3A_290, %get3A_294 : vector<16xf32>
        %swap3A_296 = arith.index_cast %scan3A_233 : i32 to index
        %swap3A_297 = arith.constant 64 : index
        %swap3A_298 = tpu.vector_load %arg10[%swap3A_296, %swap3A_297] {strides = array<i32>} : memref<80x128xf32, #tpu.memory_space<vmem>>, vector<1x16xf32>,
        %swap3A_299 = vector.shape_cast %swap3A_298 : vector<1x16xf32> to vector<16xf32>
        %swap3A_300 = vector.shape_cast %sub3A_295 : vector<16xf32> to vector<1x16xf32>
        tpu.vector_store %arg10[%swap3A_296, %swap3A_297], %swap3A_300 {strides = array<i32>} : memref<80x128xf32, #tpu.memory_space<vmem>>, vector<1x16xf32>,
        %get3A_301 = arith.index_cast %scan3A_233 : i32 to index
        %get3A_302 = arith.constant 80 : index
        %get3A_303 = tpu.vector_load %arg10[%get3A_301, %get3A_302] {strides = array<i32>} : memref<80x128xf32, #tpu.memory_space<vmem>>, vector<1x16xf32>,
        %get3A_304 = vector.shape_cast %get3A_303 : vector<1x16xf32> to vector<16xf32>
        %get3A_305 = arith.index_cast %scan3A_233 : i32 to index
        %get3A_306 = arith.constant 80 : index
        %get3A_307 = tpu.vector_load %arg15[%get3A_305, %get3A_306] {strides = array<i32>} : memref<80x128xf32, #tpu.memory_space<vmem>>, vector<1x16xf32>,
        %get3A_308 = vector.shape_cast %get3A_307 : vector<1x16xf32> to vector<16xf32>
        %sub3A_309 = arith.subf %get3A_304, %get3A_308 : vector<16xf32>
        %swap3A_310 = arith.index_cast %scan3A_233 : i32 to index
        %swap3A_311 = arith.constant 80 : index
        %swap3A_312 = tpu.vector_load %arg10[%swap3A_310, %swap3A_311] {strides = array<i32>} : memref<80x128xf32, #tpu.memory_space<vmem>>, vector<1x16xf32>,
        %swap3A_313 = vector.shape_cast %swap3A_312 : vector<1x16xf32> to vector<16xf32>
        %swap3A_314 = vector.shape_cast %sub3A_309 : vector<16xf32> to vector<1x16xf32>
        tpu.vector_store %arg10[%swap3A_310, %swap3A_311], %swap3A_314 {strides = array<i32>} : memref<80x128xf32, #tpu.memory_space<vmem>>, vector<1x16xf32>,
        %get3A_315 = arith.index_cast %scan3A_233 : i32 to index
        %get3A_316 = arith.constant 96 : index
        %get3A_317 = tpu.vector_load %arg10[%get3A_315, %get3A_316] {strides = array<i32>} : memref<80x128xf32, #tpu.memory_space<vmem>>, vector<1x16xf32>,
        %get3A_318 = vector.shape_cast %get3A_317 : vector<1x16xf32> to vector<16xf32>
        %get3A_319 = arith.index_cast %scan3A_233 : i32 to index
        %get3A_320 = arith.constant 96 : index
        %get3A_321 = tpu.vector_load %arg15[%get3A_319, %get3A_320] {strides = array<i32>} : memref<80x128xf32, #tpu.memory_space<vmem>>, vector<1x16xf32>,
        %get3A_322 = vector.shape_cast %get3A_321 : vector<1x16xf32> to vector<16xf32>
        %sub3A_323 = arith.subf %get3A_318, %get3A_322 : vector<16xf32>
        %swap3A_324 = arith.index_cast %scan3A_233 : i32 to index
        %swap3A_325 = arith.constant 96 : index
        %swap3A_326 = tpu.vector_load %arg10[%swap3A_324, %swap3A_325] {strides = array<i32>} : memref<80x128xf32, #tpu.memory_space<vmem>>, vector<1x16xf32>,
        %swap3A_327 = vector.shape_cast %swap3A_326 : vector<1x16xf32> to vector<16xf32>
        %swap3A_328 = vector.shape_cast %sub3A_323 : vector<16xf32> to vector<1x16xf32>
        tpu.vector_store %arg10[%swap3A_324, %swap3A_325], %swap3A_328 {strides = array<i32>} : memref<80x128xf32, #tpu.memory_space<vmem>>, vector<1x16xf32>,
        %get3A_329 = arith.index_cast %scan3A_233 : i32 to index
        %get3A_330 = arith.constant 112 : index
        %get3A_331 = tpu.vector_load %arg10[%get3A_329, %get3A_330] {strides = array<i32>} : memref<80x128xf32, #tpu.memory_space<vmem>>, vector<1x16xf32>,
        %get3A_332 = vector.shape_cast %get3A_331 : vector<1x16xf32> to vector<16xf32>
        %get3A_333 = arith.index_cast %scan3A_233 : i32 to index
        %get3A_334 = arith.constant 112 : index
        %get3A_335 = tpu.vector_load %arg15[%get3A_333, %get3A_334] {strides = array<i32>} : memref<80x128xf32, #tpu.memory_space<vmem>>, vector<1x16xf32>,
        %get3A_336 = vector.shape_cast %get3A_335 : vector<1x16xf32> to vector<16xf32>
        %sub3A_337 = arith.subf %get3A_332, %get3A_336 : vector<16xf32>
        %swap3A_338 = arith.index_cast %scan3A_233 : i32 to index
        %swap3A_339 = arith.constant 112 : index
        %swap3A_340 = tpu.vector_load %arg10[%swap3A_338, %swap3A_339] {strides = array<i32>} : memref<80x128xf32, #tpu.memory_space<vmem>>, vector<1x16xf32>,
        %swap3A_341 = vector.shape_cast %swap3A_340 : vector<1x16xf32> to vector<16xf32>
        %swap3A_342 = vector.shape_cast %sub3A_337 : vector<16xf32> to vector<1x16xf32>
        tpu.vector_store %arg10[%swap3A_338, %swap3A_339], %swap3A_342 {strides = array<i32>} : memref<80x128xf32, #tpu.memory_space<vmem>>, vector<1x16xf32>,
      }
      %scan3A_106 = arith.constant 80 : i32
      %mul3A_107 = arith.constant 10000 : i32
      %mul3A_108 = arith.muli %add3A, %mul3A_107 : i32
      %mul3A_109 = arith.constant 80 : i32
      %mul3A_110 = arith.muli %add3A_80, %mul3A_109 : i32
      %add3A_111 = arith.addi %mul3A_108, %mul3A_110 : i32
      %dma_start3A_112 = arith.constant 0 : i32
      %dma_start3A_113 = tpu.memref_slice %arg6[%add3A_111, %dma_start3A_112] : memref<320000x128xf32, #tpu.memory_space<hbm>> -> memref<80x128xf32, #tpu.memory_space<hbm>>
      %dma_start3A_114 = arith.constant 0 : i32
      %dma_start3A_115 = tpu.memref_slice %arg6[%add3A_111, %dma_start3A_114] : memref<320000x128xf32, #tpu.memory_space<hbm>> -> memref<80x128xf32, #tpu.memory_space<hbm>>
      tpu.enqueue_dma source(%arg10 : memref<80x128xf32, #tpu.memory_space<vmem>>) target(%dma_start3A_115 : memref<80x128xf32, #tpu.memory_space<hbm>>) target_semaphore(%arg30 : memref<!tpu.dma_semaphore, #tpu.memory_space<semaphore_mem>>)
      %mul3A_116 = arith.constant 5 : i32
      %mul3A_117 = arith.muli %mul3A_116, %scan3A_41 : i32
      %add3A_118 = arith.constant 2 : i32
      %add3A_119 = arith.addi %mul3A_117, %add3A_118 : i32
      %ge3A_120 = arith.constant 4 : i32
      %ge3A_121 = arith.cmpi sge, %add3A_119, %ge3A_120 : i32
      %convert_element_type3A_122 = arith.extui %ge3A_121 : i1 to i32
      %cond3A_123 = arith.constant 0 : i32
      %cond3A_124 = arith.cmpi ne, %convert_element_type3A_122, %cond3A_123 : i32
      scf.if %cond3A_124 {
        %dma_wait3A_233 = arith.constant 0 : i32
        %dma_wait3A_234 = arith.constant 0 : i32
        %dma_wait3A_235 = tpu.memref_slice %arg6[%dma_wait3A_233, %dma_wait3A_234] : memref<320000x128xf32, #tpu.memory_space<hbm>> -> memref<80x128xf32, #tpu.memory_space<hbm>>
        %dma_wait3A_236 = arith.constant 0 : i32
        %dma_wait3A_237 = arith.constant 0 : i32
        %dma_wait3A_238 = tpu.memref_slice %arg6[%dma_wait3A_236, %dma_wait3A_237] : memref<320000x128xf32, #tpu.memory_space<hbm>> -> memref<80x128xf32, #tpu.memory_space<hbm>>
        tpu.wait_dma2 semaphore(%arg32 : memref<!tpu.dma_semaphore, #tpu.memory_space<semaphore_mem>>) src(%arg12 : memref<80x128xf32, #tpu.memory_space<vmem>>) dst(%dma_wait3A_238 : memref<80x128xf32, #tpu.memory_space<hbm>>)
      } else {
      }
      %lt3A_125 = arith.constant 124 : i32
      %lt3A_126 = arith.cmpi slt, %add3A_119, %lt3A_125 : i32
      %convert_element_type3A_127 = arith.extui %lt3A_126 : i1 to i32
      %cond3A_128 = arith.constant 0 : i32
      %cond3A_129 = arith.cmpi ne, %convert_element_type3A_127, %cond3A_128 : i32
      scf.if %cond3A_129 {
        %add3A_233 = arith.constant 1 : i32
        %add3A_234 = arith.addi %add3A_119, %add3A_233 : i32
        %mul3A_235 = arith.constant 80 : i32
        %mul3A_236 = arith.muli %add3A_234, %mul3A_235 : i32
        %multiple_of3A_237 = tpu.assume_multiple %mul3A_236, 16 : i32
        %dma_start3A_238 = tpu.memref_slice %arg7[%multiple_of3A_237] : memref<10000xi32, #tpu.memory_space<vmem>> -> memref<80xi32, #tpu.memory_space<vmem>>
        %dma_start3A_239 = arith.constant 0 : i32
        %dma_start3A_240 = arith.constant 0 : i32
        %dma_start3A_241 = tpu.memref_slice %arg2[%dma_start3A_239, %dma_start3A_240] : memref<10240x128xf32, #tpu.memory_space<hbm>> -> memref<10240x128xf32, #tpu.memory_space<hbm>>
        tpu.enqueue_indirect_dma source(%dma_start3A_241 : memref<10240x128xf32, #tpu.memory_space<hbm>>) target(%arg12 : memref<80x128xf32, #tpu.memory_space<vmem>>) offsets(%dma_start3A_238 : memref<80xi32, #tpu.memory_space<vmem>>) semaphore(%arg22 : memref<!tpu.dma_semaphore, #tpu.memory_space<semaphore_mem>>)
        %dma_start3A_242 = tpu.memref_slice %arg8[%multiple_of3A_237] : memref<10000xi32, #tpu.memory_space<vmem>> -> memref<80xi32, #tpu.memory_space<vmem>>
        %dma_start3A_243 = arith.constant 0 : i32
        %dma_start3A_244 = arith.constant 0 : i32
        %dma_start3A_245 = tpu.memref_slice %arg3[%dma_start3A_243, %dma_start3A_244] : memref<320000x128xf32, #tpu.memory_space<hbm>> -> memref<320000x128xf32, #tpu.memory_space<hbm>>
        tpu.enqueue_indirect_dma source(%dma_start3A_245 : memref<320000x128xf32, #tpu.memory_space<hbm>>) target(%arg17 : memref<80x128xf32, #tpu.memory_space<vmem>>) offsets(%dma_start3A_242 : memref<80xi32, #tpu.memory_space<vmem>>) semaphore(%arg27 : memref<!tpu.dma_semaphore, #tpu.memory_space<semaphore_mem>>)
      } else {
      }
      %dma_wait3A_130 = arith.constant 0 : i32
      %dma_wait3A_131 = tpu.memref_slice %arg7[%dma_wait3A_130] : memref<10000xi32, #tpu.memory_space<vmem>> -> memref<80xi32, #tpu.memory_space<vmem>>
      %dma_wait3A_132 = arith.constant 0 : i32
      %dma_wait3A_133 = arith.constant 0 : i32
      %dma_wait3A_134 = tpu.memref_slice %arg2[%dma_wait3A_132, %dma_wait3A_133] : memref<10240x128xf32, #tpu.memory_space<hbm>> -> memref<10240x128xf32, #tpu.memory_space<hbm>>
      tpu.wait_indirect_dma semaphore(%arg21 : memref<!tpu.dma_semaphore, #tpu.memory_space<semaphore_mem>>) src(%dma_wait3A_134 : memref<10240x128xf32, #tpu.memory_space<hbm>>) dst(%arg11 : memref<80x128xf32, #tpu.memory_space<vmem>>)
      %dma_wait3A_135 = arith.constant 0 : i32
      %dma_wait3A_136 = tpu.memref_slice %arg8[%dma_wait3A_135] : memref<10000xi32, #tpu.memory_space<vmem>> -> memref<80xi32, #tpu.memory_space<vmem>>
      %dma_wait3A_137 = arith.constant 0 : i32
      %dma_wait3A_138 = arith.constant 0 : i32
      %dma_wait3A_139 = tpu.memref_slice %arg3[%dma_wait3A_137, %dma_wait3A_138] : memref<320000x128xf32, #tpu.memory_space<hbm>> -> memref<320000x128xf32, #tpu.memory_space<hbm>>
      tpu.wait_indirect_dma semaphore(%arg26 : memref<!tpu.dma_semaphore, #tpu.memory_space<semaphore_mem>>) src(%dma_wait3A_139 : memref<320000x128xf32, #tpu.memory_space<hbm>>) dst(%arg16 : memref<80x128xf32, #tpu.memory_space<vmem>>)
      %scan3A_140 = arith.constant 0 : i32
      %scan3A_141 = arith.constant 0 : i32
      %scan3A_142 = arith.constant 80 : i32
      %scan3A_143 = arith.addi %scan3A_141, %scan3A_142 : i32
      %scan3A_144 = arith.constant 1 : i32
      scf.for %scan3A_233 = %scan3A_141 to %scan3A_143 step %scan3A_144  : i32 {
        %get3A = arith.index_cast %scan3A_233 : i32 to index
        %get3A_234 = arith.constant 0 : index
        %get3A_235 = tpu.vector_load %arg11[%get3A, %get3A_234] {strides = array<i32>} : memref<80x128xf32, #tpu.memory_space<vmem>>, vector<1x16xf32>,
        %get3A_236 = vector.shape_cast %get3A_235 : vector<1x16xf32> to vector<16xf32>
        %get3A_237 = arith.index_cast %scan3A_233 : i32 to index
        %get3A_238 = arith.constant 0 : index
        %get3A_239 = tpu.vector_load %arg16[%get3A_237, %get3A_238] {strides = array<i32>} : memref<80x128xf32, #tpu.memory_space<vmem>>, vector<1x16xf32>,
        %get3A_240 = vector.shape_cast %get3A_239 : vector<1x16xf32> to vector<16xf32>
        %sub3A = arith.subf %get3A_236, %get3A_240 : vector<16xf32>
        %swap3A = arith.index_cast %scan3A_233 : i32 to index
        %swap3A_241 = arith.constant 0 : index
        %swap3A_242 = tpu.vector_load %arg11[%swap3A, %swap3A_241] {strides = array<i32>} : memref<80x128xf32, #tpu.memory_space<vmem>>, vector<1x16xf32>,
        %swap3A_243 = vector.shape_cast %swap3A_242 : vector<1x16xf32> to vector<16xf32>
        %swap3A_244 = vector.shape_cast %sub3A : vector<16xf32> to vector<1x16xf32>
        tpu.vector_store %arg11[%swap3A, %swap3A_241], %swap3A_244 {strides = array<i32>} : memref<80x128xf32, #tpu.memory_space<vmem>>, vector<1x16xf32>,
        %get3A_245 = arith.index_cast %scan3A_233 : i32 to index
        %get3A_246 = arith.constant 16 : index
        %get3A_247 = tpu.vector_load %arg11[%get3A_245, %get3A_246] {strides = array<i32>} : memref<80x128xf32, #tpu.memory_space<vmem>>, vector<1x16xf32>,
        %get3A_248 = vector.shape_cast %get3A_247 : vector<1x16xf32> to vector<16xf32>
        %get3A_249 = arith.index_cast %scan3A_233 : i32 to index
        %get3A_250 = arith.constant 16 : index
        %get3A_251 = tpu.vector_load %arg16[%get3A_249, %get3A_250] {strides = array<i32>} : memref<80x128xf32, #tpu.memory_space<vmem>>, vector<1x16xf32>,
        %get3A_252 = vector.shape_cast %get3A_251 : vector<1x16xf32> to vector<16xf32>
        %sub3A_253 = arith.subf %get3A_248, %get3A_252 : vector<16xf32>
        %swap3A_254 = arith.index_cast %scan3A_233 : i32 to index
        %swap3A_255 = arith.constant 16 : index
        %swap3A_256 = tpu.vector_load %arg11[%swap3A_254, %swap3A_255] {strides = array<i32>} : memref<80x128xf32, #tpu.memory_space<vmem>>, vector<1x16xf32>,
        %swap3A_257 = vector.shape_cast %swap3A_256 : vector<1x16xf32> to vector<16xf32>
        %swap3A_258 = vector.shape_cast %sub3A_253 : vector<16xf32> to vector<1x16xf32>
        tpu.vector_store %arg11[%swap3A_254, %swap3A_255], %swap3A_258 {strides = array<i32>} : memref<80x128xf32, #tpu.memory_space<vmem>>, vector<1x16xf32>,
        %get3A_259 = arith.index_cast %scan3A_233 : i32 to index
        %get3A_260 = arith.constant 32 : index
        %get3A_261 = tpu.vector_load %arg11[%get3A_259, %get3A_260] {strides = array<i32>} : memref<80x128xf32, #tpu.memory_space<vmem>>, vector<1x16xf32>,
        %get3A_262 = vector.shape_cast %get3A_261 : vector<1x16xf32> to vector<16xf32>
        %get3A_263 = arith.index_cast %scan3A_233 : i32 to index
        %get3A_264 = arith.constant 32 : index
        %get3A_265 = tpu.vector_load %arg16[%get3A_263, %get3A_264] {strides = array<i32>} : memref<80x128xf32, #tpu.memory_space<vmem>>, vector<1x16xf32>,
        %get3A_266 = vector.shape_cast %get3A_265 : vector<1x16xf32> to vector<16xf32>
        %sub3A_267 = arith.subf %get3A_262, %get3A_266 : vector<16xf32>
        %swap3A_268 = arith.index_cast %scan3A_233 : i32 to index
        %swap3A_269 = arith.constant 32 : index
        %swap3A_270 = tpu.vector_load %arg11[%swap3A_268, %swap3A_269] {strides = array<i32>} : memref<80x128xf32, #tpu.memory_space<vmem>>, vector<1x16xf32>,
        %swap3A_271 = vector.shape_cast %swap3A_270 : vector<1x16xf32> to vector<16xf32>
        %swap3A_272 = vector.shape_cast %sub3A_267 : vector<16xf32> to vector<1x16xf32>
        tpu.vector_store %arg11[%swap3A_268, %swap3A_269], %swap3A_272 {strides = array<i32>} : memref<80x128xf32, #tpu.memory_space<vmem>>, vector<1x16xf32>,
        %get3A_273 = arith.index_cast %scan3A_233 : i32 to index
        %get3A_274 = arith.constant 48 : index
        %get3A_275 = tpu.vector_load %arg11[%get3A_273, %get3A_274] {strides = array<i32>} : memref<80x128xf32, #tpu.memory_space<vmem>>, vector<1x16xf32>,
        %get3A_276 = vector.shape_cast %get3A_275 : vector<1x16xf32> to vector<16xf32>
        %get3A_277 = arith.index_cast %scan3A_233 : i32 to index
        %get3A_278 = arith.constant 48 : index
        %get3A_279 = tpu.vector_load %arg16[%get3A_277, %get3A_278] {strides = array<i32>} : memref<80x128xf32, #tpu.memory_space<vmem>>, vector<1x16xf32>,
        %get3A_280 = vector.shape_cast %get3A_279 : vector<1x16xf32> to vector<16xf32>
        %sub3A_281 = arith.subf %get3A_276, %get3A_280 : vector<16xf32>
        %swap3A_282 = arith.index_cast %scan3A_233 : i32 to index
        %swap3A_283 = arith.constant 48 : index
        %swap3A_284 = tpu.vector_load %arg11[%swap3A_282, %swap3A_283] {strides = array<i32>} : memref<80x128xf32, #tpu.memory_space<vmem>>, vector<1x16xf32>,
        %swap3A_285 = vector.shape_cast %swap3A_284 : vector<1x16xf32> to vector<16xf32>
        %swap3A_286 = vector.shape_cast %sub3A_281 : vector<16xf32> to vector<1x16xf32>
        tpu.vector_store %arg11[%swap3A_282, %swap3A_283], %swap3A_286 {strides = array<i32>} : memref<80x128xf32, #tpu.memory_space<vmem>>, vector<1x16xf32>,
        %get3A_287 = arith.index_cast %scan3A_233 : i32 to index
        %get3A_288 = arith.constant 64 : index
        %get3A_289 = tpu.vector_load %arg11[%get3A_287, %get3A_288] {strides = array<i32>} : memref<80x128xf32, #tpu.memory_space<vmem>>, vector<1x16xf32>,
        %get3A_290 = vector.shape_cast %get3A_289 : vector<1x16xf32> to vector<16xf32>
        %get3A_291 = arith.index_cast %scan3A_233 : i32 to index
        %get3A_292 = arith.constant 64 : index
        %get3A_293 = tpu.vector_load %arg16[%get3A_291, %get3A_292] {strides = array<i32>} : memref<80x128xf32, #tpu.memory_space<vmem>>, vector<1x16xf32>,
        %get3A_294 = vector.shape_cast %get3A_293 : vector<1x16xf32> to vector<16xf32>
        %sub3A_295 = arith.subf %get3A_290, %get3A_294 : vector<16xf32>
        %swap3A_296 = arith.index_cast %scan3A_233 : i32 to index
        %swap3A_297 = arith.constant 64 : index
        %swap3A_298 = tpu.vector_load %arg11[%swap3A_296, %swap3A_297] {strides = array<i32>} : memref<80x128xf32, #tpu.memory_space<vmem>>, vector<1x16xf32>,
        %swap3A_299 = vector.shape_cast %swap3A_298 : vector<1x16xf32> to vector<16xf32>
        %swap3A_300 = vector.shape_cast %sub3A_295 : vector<16xf32> to vector<1x16xf32>
        tpu.vector_store %arg11[%swap3A_296, %swap3A_297], %swap3A_300 {strides = array<i32>} : memref<80x128xf32, #tpu.memory_space<vmem>>, vector<1x16xf32>,
        %get3A_301 = arith.index_cast %scan3A_233 : i32 to index
        %get3A_302 = arith.constant 80 : index
        %get3A_303 = tpu.vector_load %arg11[%get3A_301, %get3A_302] {strides = array<i32>} : memref<80x128xf32, #tpu.memory_space<vmem>>, vector<1x16xf32>,
        %get3A_304 = vector.shape_cast %get3A_303 : vector<1x16xf32> to vector<16xf32>
        %get3A_305 = arith.index_cast %scan3A_233 : i32 to index
        %get3A_306 = arith.constant 80 : index
        %get3A_307 = tpu.vector_load %arg16[%get3A_305, %get3A_306] {strides = array<i32>} : memref<80x128xf32, #tpu.memory_space<vmem>>, vector<1x16xf32>,
        %get3A_308 = vector.shape_cast %get3A_307 : vector<1x16xf32> to vector<16xf32>
        %sub3A_309 = arith.subf %get3A_304, %get3A_308 : vector<16xf32>
        %swap3A_310 = arith.index_cast %scan3A_233 : i32 to index
        %swap3A_311 = arith.constant 80 : index
        %swap3A_312 = tpu.vector_load %arg11[%swap3A_310, %swap3A_311] {strides = array<i32>} : memref<80x128xf32, #tpu.memory_space<vmem>>, vector<1x16xf32>,
        %swap3A_313 = vector.shape_cast %swap3A_312 : vector<1x16xf32> to vector<16xf32>
        %swap3A_314 = vector.shape_cast %sub3A_309 : vector<16xf32> to vector<1x16xf32>
        tpu.vector_store %arg11[%swap3A_310, %swap3A_311], %swap3A_314 {strides = array<i32>} : memref<80x128xf32, #tpu.memory_space<vmem>>, vector<1x16xf32>,
        %get3A_315 = arith.index_cast %scan3A_233 : i32 to index
        %get3A_316 = arith.constant 96 : index
        %get3A_317 = tpu.vector_load %arg11[%get3A_315, %get3A_316] {strides = array<i32>} : memref<80x128xf32, #tpu.memory_space<vmem>>, vector<1x16xf32>,
        %get3A_318 = vector.shape_cast %get3A_317 : vector<1x16xf32> to vector<16xf32>
        %get3A_319 = arith.index_cast %scan3A_233 : i32 to index
        %get3A_320 = arith.constant 96 : index
        %get3A_321 = tpu.vector_load %arg16[%get3A_319, %get3A_320] {strides = array<i32>} : memref<80x128xf32, #tpu.memory_space<vmem>>, vector<1x16xf32>,
        %get3A_322 = vector.shape_cast %get3A_321 : vector<1x16xf32> to vector<16xf32>
        %sub3A_323 = arith.subf %get3A_318, %get3A_322 : vector<16xf32>
        %swap3A_324 = arith.index_cast %scan3A_233 : i32 to index
        %swap3A_325 = arith.constant 96 : index
        %swap3A_326 = tpu.vector_load %arg11[%swap3A_324, %swap3A_325] {strides = array<i32>} : memref<80x128xf32, #tpu.memory_space<vmem>>, vector<1x16xf32>,
        %swap3A_327 = vector.shape_cast %swap3A_326 : vector<1x16xf32> to vector<16xf32>
        %swap3A_328 = vector.shape_cast %sub3A_323 : vector<16xf32> to vector<1x16xf32>
        tpu.vector_store %arg11[%swap3A_324, %swap3A_325], %swap3A_328 {strides = array<i32>} : memref<80x128xf32, #tpu.memory_space<vmem>>, vector<1x16xf32>,
        %get3A_329 = arith.index_cast %scan3A_233 : i32 to index
        %get3A_330 = arith.constant 112 : index
        %get3A_331 = tpu.vector_load %arg11[%get3A_329, %get3A_330] {strides = array<i32>} : memref<80x128xf32, #tpu.memory_space<vmem>>, vector<1x16xf32>,
        %get3A_332 = vector.shape_cast %get3A_331 : vector<1x16xf32> to vector<16xf32>
        %get3A_333 = arith.index_cast %scan3A_233 : i32 to index
        %get3A_334 = arith.constant 112 : index
        %get3A_335 = tpu.vector_load %arg16[%get3A_333, %get3A_334] {strides = array<i32>} : memref<80x128xf32, #tpu.memory_space<vmem>>, vector<1x16xf32>,
        %get3A_336 = vector.shape_cast %get3A_335 : vector<1x16xf32> to vector<16xf32>
        %sub3A_337 = arith.subf %get3A_332, %get3A_336 : vector<16xf32>
        %swap3A_338 = arith.index_cast %scan3A_233 : i32 to index
        %swap3A_339 = arith.constant 112 : index
        %swap3A_340 = tpu.vector_load %arg11[%swap3A_338, %swap3A_339] {strides = array<i32>} : memref<80x128xf32, #tpu.memory_space<vmem>>, vector<1x16xf32>,
        %swap3A_341 = vector.shape_cast %swap3A_340 : vector<1x16xf32> to vector<16xf32>
        %swap3A_342 = vector.shape_cast %sub3A_337 : vector<16xf32> to vector<1x16xf32>
        tpu.vector_store %arg11[%swap3A_338, %swap3A_339], %swap3A_342 {strides = array<i32>} : memref<80x128xf32, #tpu.memory_space<vmem>>, vector<1x16xf32>,
      }
      %scan3A_145 = arith.constant 80 : i32
      %mul3A_146 = arith.constant 10000 : i32
      %mul3A_147 = arith.muli %add3A, %mul3A_146 : i32
      %mul3A_148 = arith.constant 80 : i32
      %mul3A_149 = arith.muli %add3A_119, %mul3A_148 : i32
      %add3A_150 = arith.addi %mul3A_147, %mul3A_149 : i32
      %dma_start3A_151 = arith.constant 0 : i32
      %dma_start3A_152 = tpu.memref_slice %arg6[%add3A_150, %dma_start3A_151] : memref<320000x128xf32, #tpu.memory_space<hbm>> -> memref<80x128xf32, #tpu.memory_space<hbm>>
      %dma_start3A_153 = arith.constant 0 : i32
      %dma_start3A_154 = tpu.memref_slice %arg6[%add3A_150, %dma_start3A_153] : memref<320000x128xf32, #tpu.memory_space<hbm>> -> memref<80x128xf32, #tpu.memory_space<hbm>>
      tpu.enqueue_dma source(%arg11 : memref<80x128xf32, #tpu.memory_space<vmem>>) target(%dma_start3A_154 : memref<80x128xf32, #tpu.memory_space<hbm>>) target_semaphore(%arg31 : memref<!tpu.dma_semaphore, #tpu.memory_space<semaphore_mem>>)
      %mul3A_155 = arith.constant 5 : i32
      %mul3A_156 = arith.muli %mul3A_155, %scan3A_41 : i32
      %add3A_157 = arith.constant 3 : i32
      %add3A_158 = arith.addi %mul3A_156, %add3A_157 : i32
      %ge3A_159 = arith.constant 4 : i32
      %ge3A_160 = arith.cmpi sge, %add3A_158, %ge3A_159 : i32
      %convert_element_type3A_161 = arith.extui %ge3A_160 : i1 to i32
      %cond3A_162 = arith.constant 0 : i32
      %cond3A_163 = arith.cmpi ne, %convert_element_type3A_161, %cond3A_162 : i32
      scf.if %cond3A_163 {
        %dma_wait3A_233 = arith.constant 0 : i32
        %dma_wait3A_234 = arith.constant 0 : i32
        %dma_wait3A_235 = tpu.memref_slice %arg6[%dma_wait3A_233, %dma_wait3A_234] : memref<320000x128xf32, #tpu.memory_space<hbm>> -> memref<80x128xf32, #tpu.memory_space<hbm>>
        %dma_wait3A_236 = arith.constant 0 : i32
        %dma_wait3A_237 = arith.constant 0 : i32
        %dma_wait3A_238 = tpu.memref_slice %arg6[%dma_wait3A_236, %dma_wait3A_237] : memref<320000x128xf32, #tpu.memory_space<hbm>> -> memref<80x128xf32, #tpu.memory_space<hbm>>
        tpu.wait_dma2 semaphore(%arg33 : memref<!tpu.dma_semaphore, #tpu.memory_space<semaphore_mem>>) src(%arg13 : memref<80x128xf32, #tpu.memory_space<vmem>>) dst(%dma_wait3A_238 : memref<80x128xf32, #tpu.memory_space<hbm>>)
      } else {
      }
      %lt3A_164 = arith.constant 124 : i32
      %lt3A_165 = arith.cmpi slt, %add3A_158, %lt3A_164 : i32
      %convert_element_type3A_166 = arith.extui %lt3A_165 : i1 to i32
      %cond3A_167 = arith.constant 0 : i32
      %cond3A_168 = arith.cmpi ne, %convert_element_type3A_166, %cond3A_167 : i32
      scf.if %cond3A_168 {
        %add3A_233 = arith.constant 1 : i32
        %add3A_234 = arith.addi %add3A_158, %add3A_233 : i32
        %mul3A_235 = arith.constant 80 : i32
        %mul3A_236 = arith.muli %add3A_234, %mul3A_235 : i32
        %multiple_of3A_237 = tpu.assume_multiple %mul3A_236, 16 : i32
        %dma_start3A_238 = tpu.memref_slice %arg7[%multiple_of3A_237] : memref<10000xi32, #tpu.memory_space<vmem>> -> memref<80xi32, #tpu.memory_space<vmem>>
        %dma_start3A_239 = arith.constant 0 : i32
        %dma_start3A_240 = arith.constant 0 : i32
        %dma_start3A_241 = tpu.memref_slice %arg2[%dma_start3A_239, %dma_start3A_240] : memref<10240x128xf32, #tpu.memory_space<hbm>> -> memref<10240x128xf32, #tpu.memory_space<hbm>>
        tpu.enqueue_indirect_dma source(%dma_start3A_241 : memref<10240x128xf32, #tpu.memory_space<hbm>>) target(%arg13 : memref<80x128xf32, #tpu.memory_space<vmem>>) offsets(%dma_start3A_238 : memref<80xi32, #tpu.memory_space<vmem>>) semaphore(%arg23 : memref<!tpu.dma_semaphore, #tpu.memory_space<semaphore_mem>>)
        %dma_start3A_242 = tpu.memref_slice %arg8[%multiple_of3A_237] : memref<10000xi32, #tpu.memory_space<vmem>> -> memref<80xi32, #tpu.memory_space<vmem>>
        %dma_start3A_243 = arith.constant 0 : i32
        %dma_start3A_244 = arith.constant 0 : i32
        %dma_start3A_245 = tpu.memref_slice %arg3[%dma_start3A_243, %dma_start3A_244] : memref<320000x128xf32, #tpu.memory_space<hbm>> -> memref<320000x128xf32, #tpu.memory_space<hbm>>
        tpu.enqueue_indirect_dma source(%dma_start3A_245 : memref<320000x128xf32, #tpu.memory_space<hbm>>) target(%arg18 : memref<80x128xf32, #tpu.memory_space<vmem>>) offsets(%dma_start3A_242 : memref<80xi32, #tpu.memory_space<vmem>>) semaphore(%arg28 : memref<!tpu.dma_semaphore, #tpu.memory_space<semaphore_mem>>)
      } else {
      }
      %dma_wait3A_169 = arith.constant 0 : i32
      %dma_wait3A_170 = tpu.memref_slice %arg7[%dma_wait3A_169] : memref<10000xi32, #tpu.memory_space<vmem>> -> memref<80xi32, #tpu.memory_space<vmem>>
      %dma_wait3A_171 = arith.constant 0 : i32
      %dma_wait3A_172 = arith.constant 0 : i32
      %dma_wait3A_173 = tpu.memref_slice %arg2[%dma_wait3A_171, %dma_wait3A_172] : memref<10240x128xf32, #tpu.memory_space<hbm>> -> memref<10240x128xf32, #tpu.memory_space<hbm>>
      tpu.wait_indirect_dma semaphore(%arg22 : memref<!tpu.dma_semaphore, #tpu.memory_space<semaphore_mem>>) src(%dma_wait3A_173 : memref<10240x128xf32, #tpu.memory_space<hbm>>) dst(%arg12 : memref<80x128xf32, #tpu.memory_space<vmem>>)
      %dma_wait3A_174 = arith.constant 0 : i32
      %dma_wait3A_175 = tpu.memref_slice %arg8[%dma_wait3A_174] : memref<10000xi32, #tpu.memory_space<vmem>> -> memref<80xi32, #tpu.memory_space<vmem>>
      %dma_wait3A_176 = arith.constant 0 : i32
      %dma_wait3A_177 = arith.constant 0 : i32
      %dma_wait3A_178 = tpu.memref_slice %arg3[%dma_wait3A_176, %dma_wait3A_177] : memref<320000x128xf32, #tpu.memory_space<hbm>> -> memref<320000x128xf32, #tpu.memory_space<hbm>>
      tpu.wait_indirect_dma semaphore(%arg27 : memref<!tpu.dma_semaphore, #tpu.memory_space<semaphore_mem>>) src(%dma_wait3A_178 : memref<320000x128xf32, #tpu.memory_space<hbm>>) dst(%arg17 : memref<80x128xf32, #tpu.memory_space<vmem>>)
      %scan3A_179 = arith.constant 0 : i32
      %scan3A_180 = arith.constant 0 : i32
      %scan3A_181 = arith.constant 80 : i32
      %scan3A_182 = arith.addi %scan3A_180, %scan3A_181 : i32
      %scan3A_183 = arith.constant 1 : i32
      scf.for %scan3A_233 = %scan3A_180 to %scan3A_182 step %scan3A_183  : i32 {
        %get3A = arith.index_cast %scan3A_233 : i32 to index
        %get3A_234 = arith.constant 0 : index
        %get3A_235 = tpu.vector_load %arg12[%get3A, %get3A_234] {strides = array<i32>} : memref<80x128xf32, #tpu.memory_space<vmem>>, vector<1x16xf32>,
        %get3A_236 = vector.shape_cast %get3A_235 : vector<1x16xf32> to vector<16xf32>
        %get3A_237 = arith.index_cast %scan3A_233 : i32 to index
        %get3A_238 = arith.constant 0 : index
        %get3A_239 = tpu.vector_load %arg17[%get3A_237, %get3A_238] {strides = array<i32>} : memref<80x128xf32, #tpu.memory_space<vmem>>, vector<1x16xf32>,
        %get3A_240 = vector.shape_cast %get3A_239 : vector<1x16xf32> to vector<16xf32>
        %sub3A = arith.subf %get3A_236, %get3A_240 : vector<16xf32>
        %swap3A = arith.index_cast %scan3A_233 : i32 to index
        %swap3A_241 = arith.constant 0 : index
        %swap3A_242 = tpu.vector_load %arg12[%swap3A, %swap3A_241] {strides = array<i32>} : memref<80x128xf32, #tpu.memory_space<vmem>>, vector<1x16xf32>,
        %swap3A_243 = vector.shape_cast %swap3A_242 : vector<1x16xf32> to vector<16xf32>
        %swap3A_244 = vector.shape_cast %sub3A : vector<16xf32> to vector<1x16xf32>
        tpu.vector_store %arg12[%swap3A, %swap3A_241], %swap3A_244 {strides = array<i32>} : memref<80x128xf32, #tpu.memory_space<vmem>>, vector<1x16xf32>,
        %get3A_245 = arith.index_cast %scan3A_233 : i32 to index
        %get3A_246 = arith.constant 16 : index
        %get3A_247 = tpu.vector_load %arg12[%get3A_245, %get3A_246] {strides = array<i32>} : memref<80x128xf32, #tpu.memory_space<vmem>>, vector<1x16xf32>,
        %get3A_248 = vector.shape_cast %get3A_247 : vector<1x16xf32> to vector<16xf32>
        %get3A_249 = arith.index_cast %scan3A_233 : i32 to index
        %get3A_250 = arith.constant 16 : index
        %get3A_251 = tpu.vector_load %arg17[%get3A_249, %get3A_250] {strides = array<i32>} : memref<80x128xf32, #tpu.memory_space<vmem>>, vector<1x16xf32>,
        %get3A_252 = vector.shape_cast %get3A_251 : vector<1x16xf32> to vector<16xf32>
        %sub3A_253 = arith.subf %get3A_248, %get3A_252 : vector<16xf32>
        %swap3A_254 = arith.index_cast %scan3A_233 : i32 to index
        %swap3A_255 = arith.constant 16 : index
        %swap3A_256 = tpu.vector_load %arg12[%swap3A_254, %swap3A_255] {strides = array<i32>} : memref<80x128xf32, #tpu.memory_space<vmem>>, vector<1x16xf32>,
        %swap3A_257 = vector.shape_cast %swap3A_256 : vector<1x16xf32> to vector<16xf32>
        %swap3A_258 = vector.shape_cast %sub3A_253 : vector<16xf32> to vector<1x16xf32>
        tpu.vector_store %arg12[%swap3A_254, %swap3A_255], %swap3A_258 {strides = array<i32>} : memref<80x128xf32, #tpu.memory_space<vmem>>, vector<1x16xf32>,
        %get3A_259 = arith.index_cast %scan3A_233 : i32 to index
        %get3A_260 = arith.constant 32 : index
        %get3A_261 = tpu.vector_load %arg12[%get3A_259, %get3A_260] {strides = array<i32>} : memref<80x128xf32, #tpu.memory_space<vmem>>, vector<1x16xf32>,
        %get3A_262 = vector.shape_cast %get3A_261 : vector<1x16xf32> to vector<16xf32>
        %get3A_263 = arith.index_cast %scan3A_233 : i32 to index
        %get3A_264 = arith.constant 32 : index
        %get3A_265 = tpu.vector_load %arg17[%get3A_263, %get3A_264] {strides = array<i32>} : memref<80x128xf32, #tpu.memory_space<vmem>>, vector<1x16xf32>,
        %get3A_266 = vector.shape_cast %get3A_265 : vector<1x16xf32> to vector<16xf32>
        %sub3A_267 = arith.subf %get3A_262, %get3A_266 : vector<16xf32>
        %swap3A_268 = arith.index_cast %scan3A_233 : i32 to index
        %swap3A_269 = arith.constant 32 : index
        %swap3A_270 = tpu.vector_load %arg12[%swap3A_268, %swap3A_269] {strides = array<i32>} : memref<80x128xf32, #tpu.memory_space<vmem>>, vector<1x16xf32>,
        %swap3A_271 = vector.shape_cast %swap3A_270 : vector<1x16xf32> to vector<16xf32>
        %swap3A_272 = vector.shape_cast %sub3A_267 : vector<16xf32> to vector<1x16xf32>
        tpu.vector_store %arg12[%swap3A_268, %swap3A_269], %swap3A_272 {strides = array<i32>} : memref<80x128xf32, #tpu.memory_space<vmem>>, vector<1x16xf32>,
        %get3A_273 = arith.index_cast %scan3A_233 : i32 to index
        %get3A_274 = arith.constant 48 : index
        %get3A_275 = tpu.vector_load %arg12[%get3A_273, %get3A_274] {strides = array<i32>} : memref<80x128xf32, #tpu.memory_space<vmem>>, vector<1x16xf32>,
        %get3A_276 = vector.shape_cast %get3A_275 : vector<1x16xf32> to vector<16xf32>
        %get3A_277 = arith.index_cast %scan3A_233 : i32 to index
        %get3A_278 = arith.constant 48 : index
        %get3A_279 = tpu.vector_load %arg17[%get3A_277, %get3A_278] {strides = array<i32>} : memref<80x128xf32, #tpu.memory_space<vmem>>, vector<1x16xf32>,
        %get3A_280 = vector.shape_cast %get3A_279 : vector<1x16xf32> to vector<16xf32>
        %sub3A_281 = arith.subf %get3A_276, %get3A_280 : vector<16xf32>
        %swap3A_282 = arith.index_cast %scan3A_233 : i32 to index
        %swap3A_283 = arith.constant 48 : index
        %swap3A_284 = tpu.vector_load %arg12[%swap3A_282, %swap3A_283] {strides = array<i32>} : memref<80x128xf32, #tpu.memory_space<vmem>>, vector<1x16xf32>,
        %swap3A_285 = vector.shape_cast %swap3A_284 : vector<1x16xf32> to vector<16xf32>
        %swap3A_286 = vector.shape_cast %sub3A_281 : vector<16xf32> to vector<1x16xf32>
        tpu.vector_store %arg12[%swap3A_282, %swap3A_283], %swap3A_286 {strides = array<i32>} : memref<80x128xf32, #tpu.memory_space<vmem>>, vector<1x16xf32>,
        %get3A_287 = arith.index_cast %scan3A_233 : i32 to index
        %get3A_288 = arith.constant 64 : index
        %get3A_289 = tpu.vector_load %arg12[%get3A_287, %get3A_288] {strides = array<i32>} : memref<80x128xf32, #tpu.memory_space<vmem>>, vector<1x16xf32>,
        %get3A_290 = vector.shape_cast %get3A_289 : vector<1x16xf32> to vector<16xf32>
        %get3A_291 = arith.index_cast %scan3A_233 : i32 to index
        %get3A_292 = arith.constant 64 : index
        %get3A_293 = tpu.vector_load %arg17[%get3A_291, %get3A_292] {strides = array<i32>} : memref<80x128xf32, #tpu.memory_space<vmem>>, vector<1x16xf32>,
        %get3A_294 = vector.shape_cast %get3A_293 : vector<1x16xf32> to vector<16xf32>
        %sub3A_295 = arith.subf %get3A_290, %get3A_294 : vector<16xf32>
        %swap3A_296 = arith.index_cast %scan3A_233 : i32 to index
        %swap3A_297 = arith.constant 64 : index
        %swap3A_298 = tpu.vector_load %arg12[%swap3A_296, %swap3A_297] {strides = array<i32>} : memref<80x128xf32, #tpu.memory_space<vmem>>, vector<1x16xf32>,
        %swap3A_299 = vector.shape_cast %swap3A_298 : vector<1x16xf32> to vector<16xf32>
        %swap3A_300 = vector.shape_cast %sub3A_295 : vector<16xf32> to vector<1x16xf32>
        tpu.vector_store %arg12[%swap3A_296, %swap3A_297], %swap3A_300 {strides = array<i32>} : memref<80x128xf32, #tpu.memory_space<vmem>>, vector<1x16xf32>,
        %get3A_301 = arith.index_cast %scan3A_233 : i32 to index
        %get3A_302 = arith.constant 80 : index
        %get3A_303 = tpu.vector_load %arg12[%get3A_301, %get3A_302] {strides = array<i32>} : memref<80x128xf32, #tpu.memory_space<vmem>>, vector<1x16xf32>,
        %get3A_304 = vector.shape_cast %get3A_303 : vector<1x16xf32> to vector<16xf32>
        %get3A_305 = arith.index_cast %scan3A_233 : i32 to index
        %get3A_306 = arith.constant 80 : index
        %get3A_307 = tpu.vector_load %arg17[%get3A_305, %get3A_306] {strides = array<i32>} : memref<80x128xf32, #tpu.memory_space<vmem>>, vector<1x16xf32>,
        %get3A_308 = vector.shape_cast %get3A_307 : vector<1x16xf32> to vector<16xf32>
        %sub3A_309 = arith.subf %get3A_304, %get3A_308 : vector<16xf32>
        %swap3A_310 = arith.index_cast %scan3A_233 : i32 to index
        %swap3A_311 = arith.constant 80 : index
        %swap3A_312 = tpu.vector_load %arg12[%swap3A_310, %swap3A_311] {strides = array<i32>} : memref<80x128xf32, #tpu.memory_space<vmem>>, vector<1x16xf32>,
        %swap3A_313 = vector.shape_cast %swap3A_312 : vector<1x16xf32> to vector<16xf32>
        %swap3A_314 = vector.shape_cast %sub3A_309 : vector<16xf32> to vector<1x16xf32>
        tpu.vector_store %arg12[%swap3A_310, %swap3A_311], %swap3A_314 {strides = array<i32>} : memref<80x128xf32, #tpu.memory_space<vmem>>, vector<1x16xf32>,
        %get3A_315 = arith.index_cast %scan3A_233 : i32 to index
        %get3A_316 = arith.constant 96 : index
        %get3A_317 = tpu.vector_load %arg12[%get3A_315, %get3A_316] {strides = array<i32>} : memref<80x128xf32, #tpu.memory_space<vmem>>, vector<1x16xf32>,
        %get3A_318 = vector.shape_cast %get3A_317 : vector<1x16xf32> to vector<16xf32>
        %get3A_319 = arith.index_cast %scan3A_233 : i32 to index
        %get3A_320 = arith.constant 96 : index
        %get3A_321 = tpu.vector_load %arg17[%get3A_319, %get3A_320] {strides = array<i32>} : memref<80x128xf32, #tpu.memory_space<vmem>>, vector<1x16xf32>,
        %get3A_322 = vector.shape_cast %get3A_321 : vector<1x16xf32> to vector<16xf32>
        %sub3A_323 = arith.subf %get3A_318, %get3A_322 : vector<16xf32>
        %swap3A_324 = arith.index_cast %scan3A_233 : i32 to index
        %swap3A_325 = arith.constant 96 : index
        %swap3A_326 = tpu.vector_load %arg12[%swap3A_324, %swap3A_325] {strides = array<i32>} : memref<80x128xf32, #tpu.memory_space<vmem>>, vector<1x16xf32>,
        %swap3A_327 = vector.shape_cast %swap3A_326 : vector<1x16xf32> to vector<16xf32>
        %swap3A_328 = vector.shape_cast %sub3A_323 : vector<16xf32> to vector<1x16xf32>
        tpu.vector_store %arg12[%swap3A_324, %swap3A_325], %swap3A_328 {strides = array<i32>} : memref<80x128xf32, #tpu.memory_space<vmem>>, vector<1x16xf32>,
        %get3A_329 = arith.index_cast %scan3A_233 : i32 to index
        %get3A_330 = arith.constant 112 : index
        %get3A_331 = tpu.vector_load %arg12[%get3A_329, %get3A_330] {strides = array<i32>} : memref<80x128xf32, #tpu.memory_space<vmem>>, vector<1x16xf32>,
        %get3A_332 = vector.shape_cast %get3A_331 : vector<1x16xf32> to vector<16xf32>
        %get3A_333 = arith.index_cast %scan3A_233 : i32 to index
        %get3A_334 = arith.constant 112 : index
        %get3A_335 = tpu.vector_load %arg17[%get3A_333, %get3A_334] {strides = array<i32>} : memref<80x128xf32, #tpu.memory_space<vmem>>, vector<1x16xf32>,
        %get3A_336 = vector.shape_cast %get3A_335 : vector<1x16xf32> to vector<16xf32>
        %sub3A_337 = arith.subf %get3A_332, %get3A_336 : vector<16xf32>
        %swap3A_338 = arith.index_cast %scan3A_233 : i32 to index
        %swap3A_339 = arith.constant 112 : index
        %swap3A_340 = tpu.vector_load %arg12[%swap3A_338, %swap3A_339] {strides = array<i32>} : memref<80x128xf32, #tpu.memory_space<vmem>>, vector<1x16xf32>,
        %swap3A_341 = vector.shape_cast %swap3A_340 : vector<1x16xf32> to vector<16xf32>
        %swap3A_342 = vector.shape_cast %sub3A_337 : vector<16xf32> to vector<1x16xf32>
        tpu.vector_store %arg12[%swap3A_338, %swap3A_339], %swap3A_342 {strides = array<i32>} : memref<80x128xf32, #tpu.memory_space<vmem>>, vector<1x16xf32>,
      }
      %scan3A_184 = arith.constant 80 : i32
      %mul3A_185 = arith.constant 10000 : i32
      %mul3A_186 = arith.muli %add3A, %mul3A_185 : i32
      %mul3A_187 = arith.constant 80 : i32
      %mul3A_188 = arith.muli %add3A_158, %mul3A_187 : i32
      %add3A_189 = arith.addi %mul3A_186, %mul3A_188 : i32
      %dma_start3A_190 = arith.constant 0 : i32
      %dma_start3A_191 = tpu.memref_slice %arg6[%add3A_189, %dma_start3A_190] : memref<320000x128xf32, #tpu.memory_space<hbm>> -> memref<80x128xf32, #tpu.memory_space<hbm>>
      %dma_start3A_192 = arith.constant 0 : i32
      %dma_start3A_193 = tpu.memref_slice %arg6[%add3A_189, %dma_start3A_192] : memref<320000x128xf32, #tpu.memory_space<hbm>> -> memref<80x128xf32, #tpu.memory_space<hbm>>
      tpu.enqueue_dma source(%arg12 : memref<80x128xf32, #tpu.memory_space<vmem>>) target(%dma_start3A_193 : memref<80x128xf32, #tpu.memory_space<hbm>>) target_semaphore(%arg32 : memref<!tpu.dma_semaphore, #tpu.memory_space<semaphore_mem>>)
      %mul3A_194 = arith.constant 5 : i32
      %mul3A_195 = arith.muli %mul3A_194, %scan3A_41 : i32
      %add3A_196 = arith.constant 4 : i32
      %add3A_197 = arith.addi %mul3A_195, %add3A_196 : i32
      %ge3A_198 = arith.constant 4 : i32
      %ge3A_199 = arith.cmpi sge, %add3A_197, %ge3A_198 : i32
      %convert_element_type3A_200 = arith.extui %ge3A_199 : i1 to i32
      %cond3A_201 = arith.constant 0 : i32
      %cond3A_202 = arith.cmpi ne, %convert_element_type3A_200, %cond3A_201 : i32
      scf.if %cond3A_202 {
        %dma_wait3A_233 = arith.constant 0 : i32
        %dma_wait3A_234 = arith.constant 0 : i32
        %dma_wait3A_235 = tpu.memref_slice %arg6[%dma_wait3A_233, %dma_wait3A_234] : memref<320000x128xf32, #tpu.memory_space<hbm>> -> memref<80x128xf32, #tpu.memory_space<hbm>>
        %dma_wait3A_236 = arith.constant 0 : i32
        %dma_wait3A_237 = arith.constant 0 : i32
        %dma_wait3A_238 = tpu.memref_slice %arg6[%dma_wait3A_236, %dma_wait3A_237] : memref<320000x128xf32, #tpu.memory_space<hbm>> -> memref<80x128xf32, #tpu.memory_space<hbm>>
        tpu.wait_dma2 semaphore(%arg29 : memref<!tpu.dma_semaphore, #tpu.memory_space<semaphore_mem>>) src(%arg9 : memref<80x128xf32, #tpu.memory_space<vmem>>) dst(%dma_wait3A_238 : memref<80x128xf32, #tpu.memory_space<hbm>>)
      } else {
      }
      %lt3A_203 = arith.constant 124 : i32
      %lt3A_204 = arith.cmpi slt, %add3A_197, %lt3A_203 : i32
      %convert_element_type3A_205 = arith.extui %lt3A_204 : i1 to i32
      %cond3A_206 = arith.constant 0 : i32
      %cond3A_207 = arith.cmpi ne, %convert_element_type3A_205, %cond3A_206 : i32
      scf.if %cond3A_207 {
        %add3A_233 = arith.constant 1 : i32
        %add3A_234 = arith.addi %add3A_197, %add3A_233 : i32
        %mul3A_235 = arith.constant 80 : i32
        %mul3A_236 = arith.muli %add3A_234, %mul3A_235 : i32
        %multiple_of3A_237 = tpu.assume_multiple %mul3A_236, 16 : i32
        %dma_start3A_238 = tpu.memref_slice %arg7[%multiple_of3A_237] : memref<10000xi32, #tpu.memory_space<vmem>> -> memref<80xi32, #tpu.memory_space<vmem>>
        %dma_start3A_239 = arith.constant 0 : i32
        %dma_start3A_240 = arith.constant 0 : i32
        %dma_start3A_241 = tpu.memref_slice %arg2[%dma_start3A_239, %dma_start3A_240] : memref<10240x128xf32, #tpu.memory_space<hbm>> -> memref<10240x128xf32, #tpu.memory_space<hbm>>
        tpu.enqueue_indirect_dma source(%dma_start3A_241 : memref<10240x128xf32, #tpu.memory_space<hbm>>) target(%arg9 : memref<80x128xf32, #tpu.memory_space<vmem>>) offsets(%dma_start3A_238 : memref<80xi32, #tpu.memory_space<vmem>>) semaphore(%arg19 : memref<!tpu.dma_semaphore, #tpu.memory_space<semaphore_mem>>)
        %dma_start3A_242 = tpu.memref_slice %arg8[%multiple_of3A_237] : memref<10000xi32, #tpu.memory_space<vmem>> -> memref<80xi32, #tpu.memory_space<vmem>>
        %dma_start3A_243 = arith.constant 0 : i32
        %dma_start3A_244 = arith.constant 0 : i32
        %dma_start3A_245 = tpu.memref_slice %arg3[%dma_start3A_243, %dma_start3A_244] : memref<320000x128xf32, #tpu.memory_space<hbm>> -> memref<320000x128xf32, #tpu.memory_space<hbm>>
        tpu.enqueue_indirect_dma source(%dma_start3A_245 : memref<320000x128xf32, #tpu.memory_space<hbm>>) target(%arg14 : memref<80x128xf32, #tpu.memory_space<vmem>>) offsets(%dma_start3A_242 : memref<80xi32, #tpu.memory_space<vmem>>) semaphore(%arg24 : memref<!tpu.dma_semaphore, #tpu.memory_space<semaphore_mem>>)
      } else {
      }
      %dma_wait3A_208 = arith.constant 0 : i32
      %dma_wait3A_209 = tpu.memref_slice %arg7[%dma_wait3A_208] : memref<10000xi32, #tpu.memory_space<vmem>> -> memref<80xi32, #tpu.memory_space<vmem>>
      %dma_wait3A_210 = arith.constant 0 : i32
      %dma_wait3A_211 = arith.constant 0 : i32
      %dma_wait3A_212 = tpu.memref_slice %arg2[%dma_wait3A_210, %dma_wait3A_211] : memref<10240x128xf32, #tpu.memory_space<hbm>> -> memref<10240x128xf32, #tpu.memory_space<hbm>>
      tpu.wait_indirect_dma semaphore(%arg23 : memref<!tpu.dma_semaphore, #tpu.memory_space<semaphore_mem>>) src(%dma_wait3A_212 : memref<10240x128xf32, #tpu.memory_space<hbm>>) dst(%arg13 : memref<80x128xf32, #tpu.memory_space<vmem>>)
      %dma_wait3A_213 = arith.constant 0 : i32
      %dma_wait3A_214 = tpu.memref_slice %arg8[%dma_wait3A_213] : memref<10000xi32, #tpu.memory_space<vmem>> -> memref<80xi32, #tpu.memory_space<vmem>>
      %dma_wait3A_215 = arith.constant 0 : i32
      %dma_wait3A_216 = arith.constant 0 : i32
      %dma_wait3A_217 = tpu.memref_slice %arg3[%dma_wait3A_215, %dma_wait3A_216] : memref<320000x128xf32, #tpu.memory_space<hbm>> -> memref<320000x128xf32, #tpu.memory_space<hbm>>
      tpu.wait_indirect_dma semaphore(%arg28 : memref<!tpu.dma_semaphore, #tpu.memory_space<semaphore_mem>>) src(%dma_wait3A_217 : memref<320000x128xf32, #tpu.memory_space<hbm>>) dst(%arg18 : memref<80x128xf32, #tpu.memory_space<vmem>>)
      %scan3A_218 = arith.constant 0 : i32
      %scan3A_219 = arith.constant 0 : i32
      %scan3A_220 = arith.constant 80 : i32
      %scan3A_221 = arith.addi %scan3A_219, %scan3A_220 : i32
      %scan3A_222 = arith.constant 1 : i32
      scf.for %scan3A_233 = %scan3A_219 to %scan3A_221 step %scan3A_222  : i32 {
        %get3A = arith.index_cast %scan3A_233 : i32 to index
        %get3A_234 = arith.constant 0 : index
        %get3A_235 = tpu.vector_load %arg13[%get3A, %get3A_234] {strides = array<i32>} : memref<80x128xf32, #tpu.memory_space<vmem>>, vector<1x16xf32>,
        %get3A_236 = vector.shape_cast %get3A_235 : vector<1x16xf32> to vector<16xf32>
        %get3A_237 = arith.index_cast %scan3A_233 : i32 to index
        %get3A_238 = arith.constant 0 : index
        %get3A_239 = tpu.vector_load %arg18[%get3A_237, %get3A_238] {strides = array<i32>} : memref<80x128xf32, #tpu.memory_space<vmem>>, vector<1x16xf32>,
        %get3A_240 = vector.shape_cast %get3A_239 : vector<1x16xf32> to vector<16xf32>
        %sub3A = arith.subf %get3A_236, %get3A_240 : vector<16xf32>
        %swap3A = arith.index_cast %scan3A_233 : i32 to index
        %swap3A_241 = arith.constant 0 : index
        %swap3A_242 = tpu.vector_load %arg13[%swap3A, %swap3A_241] {strides = array<i32>} : memref<80x128xf32, #tpu.memory_space<vmem>>, vector<1x16xf32>,
        %swap3A_243 = vector.shape_cast %swap3A_242 : vector<1x16xf32> to vector<16xf32>
        %swap3A_244 = vector.shape_cast %sub3A : vector<16xf32> to vector<1x16xf32>
        tpu.vector_store %arg13[%swap3A, %swap3A_241], %swap3A_244 {strides = array<i32>} : memref<80x128xf32, #tpu.memory_space<vmem>>, vector<1x16xf32>,
        %get3A_245 = arith.index_cast %scan3A_233 : i32 to index
        %get3A_246 = arith.constant 16 : index
        %get3A_247 = tpu.vector_load %arg13[%get3A_245, %get3A_246] {strides = array<i32>} : memref<80x128xf32, #tpu.memory_space<vmem>>, vector<1x16xf32>,
        %get3A_248 = vector.shape_cast %get3A_247 : vector<1x16xf32> to vector<16xf32>
        %get3A_249 = arith.index_cast %scan3A_233 : i32 to index
        %get3A_250 = arith.constant 16 : index
        %get3A_251 = tpu.vector_load %arg18[%get3A_249, %get3A_250] {strides = array<i32>} : memref<80x128xf32, #tpu.memory_space<vmem>>, vector<1x16xf32>,
        %get3A_252 = vector.shape_cast %get3A_251 : vector<1x16xf32> to vector<16xf32>
        %sub3A_253 = arith.subf %get3A_248, %get3A_252 : vector<16xf32>
        %swap3A_254 = arith.index_cast %scan3A_233 : i32 to index
        %swap3A_255 = arith.constant 16 : index
        %swap3A_256 = tpu.vector_load %arg13[%swap3A_254, %swap3A_255] {strides = array<i32>} : memref<80x128xf32, #tpu.memory_space<vmem>>, vector<1x16xf32>,
        %swap3A_257 = vector.shape_cast %swap3A_256 : vector<1x16xf32> to vector<16xf32>
        %swap3A_258 = vector.shape_cast %sub3A_253 : vector<16xf32> to vector<1x16xf32>
        tpu.vector_store %arg13[%swap3A_254, %swap3A_255], %swap3A_258 {strides = array<i32>} : memref<80x128xf32, #tpu.memory_space<vmem>>, vector<1x16xf32>,
        %get3A_259 = arith.index_cast %scan3A_233 : i32 to index
        %get3A_260 = arith.constant 32 : index
        %get3A_261 = tpu.vector_load %arg13[%get3A_259, %get3A_260] {strides = array<i32>} : memref<80x128xf32, #tpu.memory_space<vmem>>, vector<1x16xf32>,
        %get3A_262 = vector.shape_cast %get3A_261 : vector<1x16xf32> to vector<16xf32>
        %get3A_263 = arith.index_cast %scan3A_233 : i32 to index
        %get3A_264 = arith.constant 32 : index
        %get3A_265 = tpu.vector_load %arg18[%get3A_263, %get3A_264] {strides = array<i32>} : memref<80x128xf32, #tpu.memory_space<vmem>>, vector<1x16xf32>,
        %get3A_266 = vector.shape_cast %get3A_265 : vector<1x16xf32> to vector<16xf32>
        %sub3A_267 = arith.subf %get3A_262, %get3A_266 : vector<16xf32>
        %swap3A_268 = arith.index_cast %scan3A_233 : i32 to index
        %swap3A_269 = arith.constant 32 : index
        %swap3A_270 = tpu.vector_load %arg13[%swap3A_268, %swap3A_269] {strides = array<i32>} : memref<80x128xf32, #tpu.memory_space<vmem>>, vector<1x16xf32>,
        %swap3A_271 = vector.shape_cast %swap3A_270 : vector<1x16xf32> to vector<16xf32>
        %swap3A_272 = vector.shape_cast %sub3A_267 : vector<16xf32> to vector<1x16xf32>
        tpu.vector_store %arg13[%swap3A_268, %swap3A_269], %swap3A_272 {strides = array<i32>} : memref<80x128xf32, #tpu.memory_space<vmem>>, vector<1x16xf32>,
        %get3A_273 = arith.index_cast %scan3A_233 : i32 to index
        %get3A_274 = arith.constant 48 : index
        %get3A_275 = tpu.vector_load %arg13[%get3A_273, %get3A_274] {strides = array<i32>} : memref<80x128xf32, #tpu.memory_space<vmem>>, vector<1x16xf32>,
        %get3A_276 = vector.shape_cast %get3A_275 : vector<1x16xf32> to vector<16xf32>
        %get3A_277 = arith.index_cast %scan3A_233 : i32 to index
        %get3A_278 = arith.constant 48 : index
        %get3A_279 = tpu.vector_load %arg18[%get3A_277, %get3A_278] {strides = array<i32>} : memref<80x128xf32, #tpu.memory_space<vmem>>, vector<1x16xf32>,
        %get3A_280 = vector.shape_cast %get3A_279 : vector<1x16xf32> to vector<16xf32>
        %sub3A_281 = arith.subf %get3A_276, %get3A_280 : vector<16xf32>
        %swap3A_282 = arith.index_cast %scan3A_233 : i32 to index
        %swap3A_283 = arith.constant 48 : index
        %swap3A_284 = tpu.vector_load %arg13[%swap3A_282, %swap3A_283] {strides = array<i32>} : memref<80x128xf32, #tpu.memory_space<vmem>>, vector<1x16xf32>,
        %swap3A_285 = vector.shape_cast %swap3A_284 : vector<1x16xf32> to vector<16xf32>
        %swap3A_286 = vector.shape_cast %sub3A_281 : vector<16xf32> to vector<1x16xf32>
        tpu.vector_store %arg13[%swap3A_282, %swap3A_283], %swap3A_286 {strides = array<i32>} : memref<80x128xf32, #tpu.memory_space<vmem>>, vector<1x16xf32>,
        %get3A_287 = arith.index_cast %scan3A_233 : i32 to index
        %get3A_288 = arith.constant 64 : index
        %get3A_289 = tpu.vector_load %arg13[%get3A_287, %get3A_288] {strides = array<i32>} : memref<80x128xf32, #tpu.memory_space<vmem>>, vector<1x16xf32>,
        %get3A_290 = vector.shape_cast %get3A_289 : vector<1x16xf32> to vector<16xf32>
        %get3A_291 = arith.index_cast %scan3A_233 : i32 to index
        %get3A_292 = arith.constant 64 : index
        %get3A_293 = tpu.vector_load %arg18[%get3A_291, %get3A_292] {strides = array<i32>} : memref<80x128xf32, #tpu.memory_space<vmem>>, vector<1x16xf32>,
        %get3A_294 = vector.shape_cast %get3A_293 : vector<1x16xf32> to vector<16xf32>
        %sub3A_295 = arith.subf %get3A_290, %get3A_294 : vector<16xf32>
        %swap3A_296 = arith.index_cast %scan3A_233 : i32 to index
        %swap3A_297 = arith.constant 64 : index
        %swap3A_298 = tpu.vector_load %arg13[%swap3A_296, %swap3A_297] {strides = array<i32>} : memref<80x128xf32, #tpu.memory_space<vmem>>, vector<1x16xf32>,
        %swap3A_299 = vector.shape_cast %swap3A_298 : vector<1x16xf32> to vector<16xf32>
        %swap3A_300 = vector.shape_cast %sub3A_295 : vector<16xf32> to vector<1x16xf32>
        tpu.vector_store %arg13[%swap3A_296, %swap3A_297], %swap3A_300 {strides = array<i32>} : memref<80x128xf32, #tpu.memory_space<vmem>>, vector<1x16xf32>,
        %get3A_301 = arith.index_cast %scan3A_233 : i32 to index
        %get3A_302 = arith.constant 80 : index
        %get3A_303 = tpu.vector_load %arg13[%get3A_301, %get3A_302] {strides = array<i32>} : memref<80x128xf32, #tpu.memory_space<vmem>>, vector<1x16xf32>,
        %get3A_304 = vector.shape_cast %get3A_303 : vector<1x16xf32> to vector<16xf32>
        %get3A_305 = arith.index_cast %scan3A_233 : i32 to index
        %get3A_306 = arith.constant 80 : index
        %get3A_307 = tpu.vector_load %arg18[%get3A_305, %get3A_306] {strides = array<i32>} : memref<80x128xf32, #tpu.memory_space<vmem>>, vector<1x16xf32>,
        %get3A_308 = vector.shape_cast %get3A_307 : vector<1x16xf32> to vector<16xf32>
        %sub3A_309 = arith.subf %get3A_304, %get3A_308 : vector<16xf32>
        %swap3A_310 = arith.index_cast %scan3A_233 : i32 to index
        %swap3A_311 = arith.constant 80 : index
        %swap3A_312 = tpu.vector_load %arg13[%swap3A_310, %swap3A_311] {strides = array<i32>} : memref<80x128xf32, #tpu.memory_space<vmem>>, vector<1x16xf32>,
        %swap3A_313 = vector.shape_cast %swap3A_312 : vector<1x16xf32> to vector<16xf32>
        %swap3A_314 = vector.shape_cast %sub3A_309 : vector<16xf32> to vector<1x16xf32>
        tpu.vector_store %arg13[%swap3A_310, %swap3A_311], %swap3A_314 {strides = array<i32>} : memref<80x128xf32, #tpu.memory_space<vmem>>, vector<1x16xf32>,
        %get3A_315 = arith.index_cast %scan3A_233 : i32 to index
        %get3A_316 = arith.constant 96 : index
        %get3A_317 = tpu.vector_load %arg13[%get3A_315, %get3A_316] {strides = array<i32>} : memref<80x128xf32, #tpu.memory_space<vmem>>, vector<1x16xf32>,
        %get3A_318 = vector.shape_cast %get3A_317 : vector<1x16xf32> to vector<16xf32>
        %get3A_319 = arith.index_cast %scan3A_233 : i32 to index
        %get3A_320 = arith.constant 96 : index
        %get3A_321 = tpu.vector_load %arg18[%get3A_319, %get3A_320] {strides = array<i32>} : memref<80x128xf32, #tpu.memory_space<vmem>>, vector<1x16xf32>,
        %get3A_322 = vector.shape_cast %get3A_321 : vector<1x16xf32> to vector<16xf32>
        %sub3A_323 = arith.subf %get3A_318, %get3A_322 : vector<16xf32>
        %swap3A_324 = arith.index_cast %scan3A_233 : i32 to index
        %swap3A_325 = arith.constant 96 : index
        %swap3A_326 = tpu.vector_load %arg13[%swap3A_324, %swap3A_325] {strides = array<i32>} : memref<80x128xf32, #tpu.memory_space<vmem>>, vector<1x16xf32>,
        %swap3A_327 = vector.shape_cast %swap3A_326 : vector<1x16xf32> to vector<16xf32>
        %swap3A_328 = vector.shape_cast %sub3A_323 : vector<16xf32> to vector<1x16xf32>
        tpu.vector_store %arg13[%swap3A_324, %swap3A_325], %swap3A_328 {strides = array<i32>} : memref<80x128xf32, #tpu.memory_space<vmem>>, vector<1x16xf32>,
        %get3A_329 = arith.index_cast %scan3A_233 : i32 to index
        %get3A_330 = arith.constant 112 : index
        %get3A_331 = tpu.vector_load %arg13[%get3A_329, %get3A_330] {strides = array<i32>} : memref<80x128xf32, #tpu.memory_space<vmem>>, vector<1x16xf32>,
        %get3A_332 = vector.shape_cast %get3A_331 : vector<1x16xf32> to vector<16xf32>
        %get3A_333 = arith.index_cast %scan3A_233 : i32 to index
        %get3A_334 = arith.constant 112 : index
        %get3A_335 = tpu.vector_load %arg18[%get3A_333, %get3A_334] {strides = array<i32>} : memref<80x128xf32, #tpu.memory_space<vmem>>, vector<1x16xf32>,
        %get3A_336 = vector.shape_cast %get3A_335 : vector<1x16xf32> to vector<16xf32>
        %sub3A_337 = arith.subf %get3A_332, %get3A_336 : vector<16xf32>
        %swap3A_338 = arith.index_cast %scan3A_233 : i32 to index
        %swap3A_339 = arith.constant 112 : index
        %swap3A_340 = tpu.vector_load %arg13[%swap3A_338, %swap3A_339] {strides = array<i32>} : memref<80x128xf32, #tpu.memory_space<vmem>>, vector<1x16xf32>,
        %swap3A_341 = vector.shape_cast %swap3A_340 : vector<1x16xf32> to vector<16xf32>
        %swap3A_342 = vector.shape_cast %sub3A_337 : vector<16xf32> to vector<1x16xf32>
        tpu.vector_store %arg13[%swap3A_338, %swap3A_339], %swap3A_342 {strides = array<i32>} : memref<80x128xf32, #tpu.memory_space<vmem>>, vector<1x16xf32>,
      }
      %scan3A_223 = arith.constant 80 : i32
      %mul3A_224 = arith.constant 10000 : i32
      %mul3A_225 = arith.muli %add3A, %mul3A_224 : i32
      %mul3A_226 = arith.constant 80 : i32
      %mul3A_227 = arith.muli %add3A_197, %mul3A_226 : i32
      %add3A_228 = arith.addi %mul3A_225, %mul3A_227 : i32
      %dma_start3A_229 = arith.constant 0 : i32
      %dma_start3A_230 = tpu.memref_slice %arg6[%add3A_228, %dma_start3A_229] : memref<320000x128xf32, #tpu.memory_space<hbm>> -> memref<80x128xf32, #tpu.memory_space<hbm>>
      %dma_start3A_231 = arith.constant 0 : i32
      %dma_start3A_232 = tpu.memref_slice %arg6[%add3A_228, %dma_start3A_231] : memref<320000x128xf32, #tpu.memory_space<hbm>> -> memref<80x128xf32, #tpu.memory_space<hbm>>
      tpu.enqueue_dma source(%arg13 : memref<80x128xf32, #tpu.memory_space<vmem>>) target(%dma_start3A_232 : memref<80x128xf32, #tpu.memory_space<hbm>>) target_semaphore(%arg33 : memref<!tpu.dma_semaphore, #tpu.memory_space<semaphore_mem>>)
    }
    %scan3A_17 = arith.constant 25 : i32
    %dma_wait3A = arith.constant 0 : i32
    %dma_wait3A_18 = arith.constant 0 : i32
    %dma_wait3A_19 = tpu.memref_slice %arg6[%dma_wait3A, %dma_wait3A_18] : memref<320000x128xf32, #tpu.memory_space<hbm>> -> memref<80x128xf32, #tpu.memory_space<hbm>>
    %dma_wait3A_20 = arith.constant 0 : i32
    %dma_wait3A_21 = arith.constant 0 : i32
    %dma_wait3A_22 = tpu.memref_slice %arg6[%dma_wait3A_20, %dma_wait3A_21] : memref<320000x128xf32, #tpu.memory_space<hbm>> -> memref<80x128xf32, #tpu.memory_space<hbm>>
    tpu.wait_dma2 semaphore(%arg30 : memref<!tpu.dma_semaphore, #tpu.memory_space<semaphore_mem>>) src(%arg10 : memref<80x128xf32, #tpu.memory_space<vmem>>) dst(%dma_wait3A_22 : memref<80x128xf32, #tpu.memory_space<hbm>>)
    %dma_wait3A_23 = arith.constant 0 : i32
    %dma_wait3A_24 = arith.constant 0 : i32
    %dma_wait3A_25 = tpu.memref_slice %arg6[%dma_wait3A_23, %dma_wait3A_24] : memref<320000x128xf32, #tpu.memory_space<hbm>> -> memref<80x128xf32, #tpu.memory_space<hbm>>
    %dma_wait3A_26 = arith.constant 0 : i32
    %dma_wait3A_27 = arith.constant 0 : i32
    %dma_wait3A_28 = tpu.memref_slice %arg6[%dma_wait3A_26, %dma_wait3A_27] : memref<320000x128xf32, #tpu.memory_space<hbm>> -> memref<80x128xf32, #tpu.memory_space<hbm>>
    tpu.wait_dma2 semaphore(%arg31 : memref<!tpu.dma_semaphore, #tpu.memory_space<semaphore_mem>>) src(%arg11 : memref<80x128xf32, #tpu.memory_space<vmem>>) dst(%dma_wait3A_28 : memref<80x128xf32, #tpu.memory_space<hbm>>)
    %dma_wait3A_29 = arith.constant 0 : i32
    %dma_wait3A_30 = arith.constant 0 : i32
    %dma_wait3A_31 = tpu.memref_slice %arg6[%dma_wait3A_29, %dma_wait3A_30] : memref<320000x128xf32, #tpu.memory_space<hbm>> -> memref<80x128xf32, #tpu.memory_space<hbm>>
    %dma_wait3A_32 = arith.constant 0 : i32
    %dma_wait3A_33 = arith.constant 0 : i32
    %dma_wait3A_34 = tpu.memref_slice %arg6[%dma_wait3A_32, %dma_wait3A_33] : memref<320000x128xf32, #tpu.memory_space<hbm>> -> memref<80x128xf32, #tpu.memory_space<hbm>>
    tpu.wait_dma2 semaphore(%arg32 : memref<!tpu.dma_semaphore, #tpu.memory_space<semaphore_mem>>) src(%arg12 : memref<80x128xf32, #tpu.memory_space<vmem>>) dst(%dma_wait3A_34 : memref<80x128xf32, #tpu.memory_space<hbm>>)
    %dma_wait3A_35 = arith.constant 0 : i32
    %dma_wait3A_36 = arith.constant 0 : i32
    %dma_wait3A_37 = tpu.memref_slice %arg6[%dma_wait3A_35, %dma_wait3A_36] : memref<320000x128xf32, #tpu.memory_space<hbm>> -> memref<80x128xf32, #tpu.memory_space<hbm>>
    %dma_wait3A_38 = arith.constant 0 : i32
    %dma_wait3A_39 = arith.constant 0 : i32
    %dma_wait3A_40 = tpu.memref_slice %arg6[%dma_wait3A_38, %dma_wait3A_39] : memref<320000x128xf32, #tpu.memory_space<hbm>> -> memref<80x128xf32, #tpu.memory_space<hbm>>
    tpu.wait_dma2 semaphore(%arg33 : memref<!tpu.dma_semaphore, #tpu.memory_space<semaphore_mem>>) src(%arg13 : memref<80x128xf32, #tpu.memory_space<vmem>>) dst(%dma_wait3A_40 : memref<80x128xf32, #tpu.memory_space<hbm>>)
    return
  }
}

#map = affine_map<(d0, d1) -> (0, 0)>
#map1 = affine_map<(d0, d1) -> (0)>
#map2 = affine_map<(d0, d1) -> (0, 0, 0)>
module attributes {stable_mosaic.version = 14 : i64} {
  func.func @_sc_scatter(%arg0: i32, %arg1: i32, %arg2: memref<320000x128xf32, #tpu.memory_space<hbm>>, %arg3: memref<320000xi32, #tpu.memory_space<hbm>>, %arg4: memref<10240x128xf32, #tpu.memory_space<hbm>>, %arg5: memref<2x10240x128xf32, #tpu.memory_space<hbm>>, %arg6: memref<10000xi32, #tpu.memory_space<vmem>>, %arg7: memref<80xi32, #tpu.memory_space<vmem>>, %arg8: memref<80xi32, #tpu.memory_space<vmem>>, %arg9: memref<80x128xf32, #tpu.memory_space<vmem>>, %arg10: memref<80x128xf32, #tpu.memory_space<vmem>>, %arg11: memref<10240x128xf32, #tpu.memory_space<vmem_shared>>, %arg12: memref<!tpu.dma_semaphore, #tpu.memory_space<semaphore_mem>>, %arg13: memref<!tpu.dma_semaphore, #tpu.memory_space<semaphore_mem>>, %arg14: memref<!tpu.dma_semaphore, #tpu.memory_space<semaphore_mem>>, %arg15: memref<!tpu.dma_semaphore, #tpu.memory_space<semaphore_mem>>) attributes {dimension_semantics = [#tpu.dimension_semantics<core_parallel>, #tpu.dimension_semantics<subcore_parallel>], iteration_bounds = array<i64: 2, 16>, scalar_prefetch = 0 : i64, scratch_operands = 10 : i64, tpu.core_type = #tpu.core_type<sc_vector_subcore>, window_params = [{transform_indices = #map}, {transform_indices = #map1}, {transform_indices = #map}, {transform_indices = #map2}]} {
    %mul3A = arith.constant 2 : i32
    %mul3A_0 = arith.muli %arg1, %mul3A : i32
    %add3A = arith.addi %mul3A_0, %arg0 : i32
    %mul3A_1 = arith.constant 640 : i32
    %mul3A_2 = arith.muli %arg1, %mul3A_1 : i32
    %mul3A_3 = arith.constant 640 : i32
    %mul3A_4 = arith.muli %arg1, %mul3A_3 : i32
    "tpu.region"() ({
      %run_scoped3A = tpu.sem_alloc : memref<!tpu.dma_semaphore, #tpu.memory_space<semaphore_mem>>
      %dma_start3A_82 = arith.constant 0 : i32
      %dma_start3A_83 = tpu.memref_slice %arg11[%mul3A_4, %dma_start3A_82] : memref<10240x128xf32, #tpu.memory_space<vmem_shared>> -> memref<640x128xf32, #tpu.memory_space<vmem_shared>>
      %dma_start3A_84 = arith.constant 0 : i32
      %dma_start3A_85 = tpu.memref_slice %arg4[%mul3A_2, %dma_start3A_84] : memref<10240x128xf32, #tpu.memory_space<hbm>> -> memref<640x128xf32, #tpu.memory_space<hbm>>
      tpu.enqueue_dma source(%dma_start3A_85 : memref<640x128xf32, #tpu.memory_space<hbm>>) target(%dma_start3A_83 : memref<640x128xf32, #tpu.memory_space<vmem_shared>>) target_semaphore(%run_scoped3A : memref<!tpu.dma_semaphore, #tpu.memory_space<semaphore_mem>>)
      %dma_wait3A_86 = arith.constant 0 : i32
      %dma_wait3A_87 = tpu.memref_slice %arg11[%mul3A_4, %dma_wait3A_86] : memref<10240x128xf32, #tpu.memory_space<vmem_shared>> -> memref<640x128xf32, #tpu.memory_space<vmem_shared>>
      %dma_wait3A_88 = arith.constant 0 : i32
      %dma_wait3A_89 = tpu.memref_slice %arg4[%mul3A_2, %dma_wait3A_88] : memref<10240x128xf32, #tpu.memory_space<hbm>> -> memref<640x128xf32, #tpu.memory_space<hbm>>
      tpu.wait_dma2 semaphore(%run_scoped3A : memref<!tpu.dma_semaphore, #tpu.memory_space<semaphore_mem>>) src(%dma_wait3A_89 : memref<640x128xf32, #tpu.memory_space<hbm>>) dst(%dma_wait3A_87 : memref<640x128xf32, #tpu.memory_space<vmem_shared>>)
      tpu.yield
    }) : () -> ()
    %mul3A_5 = arith.constant 10000 : i32
    %mul3A_6 = arith.muli %add3A, %mul3A_5 : i32
    "tpu.region"() ({
      %run_scoped3A = tpu.sem_alloc : memref<!tpu.dma_semaphore, #tpu.memory_space<semaphore_mem>>
      %dma_start3A_82 = tpu.memref_slice %arg3[%mul3A_6] : memref<320000xi32, #tpu.memory_space<hbm>> -> memref<10000xi32, #tpu.memory_space<hbm>>
      %dma_start3A_83 = tpu.memref_slice %arg3[%mul3A_6] : memref<320000xi32, #tpu.memory_space<hbm>> -> memref<10000xi32, #tpu.memory_space<hbm>>
      tpu.enqueue_dma source(%dma_start3A_83 : memref<10000xi32, #tpu.memory_space<hbm>>) target(%arg6 : memref<10000xi32, #tpu.memory_space<vmem>>) target_semaphore(%run_scoped3A : memref<!tpu.dma_semaphore, #tpu.memory_space<semaphore_mem>>)
      %dma_wait3A_84 = tpu.memref_slice %arg3[%mul3A_6] : memref<320000xi32, #tpu.memory_space<hbm>> -> memref<10000xi32, #tpu.memory_space<hbm>>
      %dma_wait3A_85 = tpu.memref_slice %arg3[%mul3A_6] : memref<320000xi32, #tpu.memory_space<hbm>> -> memref<10000xi32, #tpu.memory_space<hbm>>
      tpu.wait_dma2 semaphore(%run_scoped3A : memref<!tpu.dma_semaphore, #tpu.memory_space<semaphore_mem>>) src(%dma_wait3A_85 : memref<10000xi32, #tpu.memory_space<hbm>>) dst(%arg6 : memref<10000xi32, #tpu.memory_space<vmem>>)
      tpu.yield
    }) : () -> ()
    %barrier3A = arith.constant 0 : index
    tpu.barrier barrier_id(%barrier3A)
    %mul3A_7 = arith.constant 10000 : i32
    %mul3A_8 = arith.muli %add3A, %mul3A_7 : i32
    %add3A_9 = arith.constant 0 : i32
    %add3A_10 = arith.addi %mul3A_8, %add3A_9 : i32
    %dma_start3A = arith.constant 0 : i32
    %dma_start3A_11 = tpu.memref_slice %arg2[%add3A_10, %dma_start3A] : memref<320000x128xf32, #tpu.memory_space<hbm>> -> memref<80x128xf32, #tpu.memory_space<hbm>>
    %dma_start3A_12 = arith.constant 0 : i32
    %dma_start3A_13 = tpu.memref_slice %arg2[%add3A_10, %dma_start3A_12] : memref<320000x128xf32, #tpu.memory_space<hbm>> -> memref<80x128xf32, #tpu.memory_space<hbm>>
    tpu.enqueue_dma source(%dma_start3A_13 : memref<80x128xf32, #tpu.memory_space<hbm>>) target(%arg9 : memref<80x128xf32, #tpu.memory_space<vmem>>) target_semaphore(%arg12 : memref<!tpu.dma_semaphore, #tpu.memory_space<semaphore_mem>>)
    %multiple_of3A = arith.constant 0 : i32
    %multiple_of3A_14 = tpu.assume_multiple %multiple_of3A, 16 : i32
    %add3A_15 = arith.constant 0 : i32
    %add3A_16 = arith.addi %multiple_of3A_14, %add3A_15 : i32
    %get3A = arith.index_cast %add3A_16 : i32 to index
    %get3A_17 = tpu.vector_load %arg6[%get3A] {strides = array<i32>} : memref<10000xi32, #tpu.memory_space<vmem>>, vector<16xi32>,
    %get3A_18 = vector.shape_cast %get3A_17 : vector<16xi32> to vector<16xi32>
    %swap3A = arith.constant 0 : index
    %swap3A_19 = tpu.vector_load %arg7[%swap3A] {strides = array<i32>} : memref<80xi32, #tpu.memory_space<vmem>>, vector<16xi32>,
    %swap3A_20 = vector.shape_cast %swap3A_19 : vector<16xi32> to vector<16xi32>
    %swap3A_21 = vector.shape_cast %get3A_18 : vector<16xi32> to vector<16xi32>
    tpu.vector_store %arg7[%swap3A], %swap3A_21 {strides = array<i32>} : memref<80xi32, #tpu.memory_space<vmem>>, vector<16xi32>,
    %add3A_22 = arith.constant 16 : i32
    %add3A_23 = arith.addi %multiple_of3A_14, %add3A_22 : i32
    %get3A_24 = arith.index_cast %add3A_23 : i32 to index
    %get3A_25 = tpu.vector_load %arg6[%get3A_24] {strides = array<i32>} : memref<10000xi32, #tpu.memory_space<vmem>>, vector<16xi32>,
    %get3A_26 = vector.shape_cast %get3A_25 : vector<16xi32> to vector<16xi32>
    %swap3A_27 = arith.constant 16 : index
    %swap3A_28 = tpu.vector_load %arg7[%swap3A_27] {strides = array<i32>} : memref<80xi32, #tpu.memory_space<vmem>>, vector<16xi32>,
    %swap3A_29 = vector.shape_cast %swap3A_28 : vector<16xi32> to vector<16xi32>
    %swap3A_30 = vector.shape_cast %get3A_26 : vector<16xi32> to vector<16xi32>
    tpu.vector_store %arg7[%swap3A_27], %swap3A_30 {strides = array<i32>} : memref<80xi32, #tpu.memory_space<vmem>>, vector<16xi32>,
    %add3A_31 = arith.constant 32 : i32
    %add3A_32 = arith.addi %multiple_of3A_14, %add3A_31 : i32
    %get3A_33 = arith.index_cast %add3A_32 : i32 to index
    %get3A_34 = tpu.vector_load %arg6[%get3A_33] {strides = array<i32>} : memref<10000xi32, #tpu.memory_space<vmem>>, vector<16xi32>,
    %get3A_35 = vector.shape_cast %get3A_34 : vector<16xi32> to vector<16xi32>
    %swap3A_36 = arith.constant 32 : index
    %swap3A_37 = tpu.vector_load %arg7[%swap3A_36] {strides = array<i32>} : memref<80xi32, #tpu.memory_space<vmem>>, vector<16xi32>,
    %swap3A_38 = vector.shape_cast %swap3A_37 : vector<16xi32> to vector<16xi32>
    %swap3A_39 = vector.shape_cast %get3A_35 : vector<16xi32> to vector<16xi32>
    tpu.vector_store %arg7[%swap3A_36], %swap3A_39 {strides = array<i32>} : memref<80xi32, #tpu.memory_space<vmem>>, vector<16xi32>,
    %add3A_40 = arith.constant 48 : i32
    %add3A_41 = arith.addi %multiple_of3A_14, %add3A_40 : i32
    %get3A_42 = arith.index_cast %add3A_41 : i32 to index
    %get3A_43 = tpu.vector_load %arg6[%get3A_42] {strides = array<i32>} : memref<10000xi32, #tpu.memory_space<vmem>>, vector<16xi32>,
    %get3A_44 = vector.shape_cast %get3A_43 : vector<16xi32> to vector<16xi32>
    %swap3A_45 = arith.constant 48 : index
    %swap3A_46 = tpu.vector_load %arg7[%swap3A_45] {strides = array<i32>} : memref<80xi32, #tpu.memory_space<vmem>>, vector<16xi32>,
    %swap3A_47 = vector.shape_cast %swap3A_46 : vector<16xi32> to vector<16xi32>
    %swap3A_48 = vector.shape_cast %get3A_44 : vector<16xi32> to vector<16xi32>
    tpu.vector_store %arg7[%swap3A_45], %swap3A_48 {strides = array<i32>} : memref<80xi32, #tpu.memory_space<vmem>>, vector<16xi32>,
    %add3A_49 = arith.constant 64 : i32
    %add3A_50 = arith.addi %multiple_of3A_14, %add3A_49 : i32
    %get3A_51 = arith.index_cast %add3A_50 : i32 to index
    %get3A_52 = tpu.vector_load %arg6[%get3A_51] {strides = array<i32>} : memref<10000xi32, #tpu.memory_space<vmem>>, vector<16xi32>,
    %get3A_53 = vector.shape_cast %get3A_52 : vector<16xi32> to vector<16xi32>
    %swap3A_54 = arith.constant 64 : index
    %swap3A_55 = tpu.vector_load %arg7[%swap3A_54] {strides = array<i32>} : memref<80xi32, #tpu.memory_space<vmem>>, vector<16xi32>,
    %swap3A_56 = vector.shape_cast %swap3A_55 : vector<16xi32> to vector<16xi32>
    %swap3A_57 = vector.shape_cast %get3A_53 : vector<16xi32> to vector<16xi32>
    tpu.vector_store %arg7[%swap3A_54], %swap3A_57 {strides = array<i32>} : memref<80xi32, #tpu.memory_space<vmem>>, vector<16xi32>,
    %scan3A = arith.constant 0 : i32
    %scan3A_58 = arith.constant 0 : i32
    %scan3A_59 = arith.constant 62 : i32
    %scan3A_60 = arith.addi %scan3A_58, %scan3A_59 : i32
    %scan3A_61 = arith.constant 1 : i32
    scf.for %scan3A_82 = %scan3A_58 to %scan3A_60 step %scan3A_61  : i32 {
      %mul3A_83 = arith.constant 2 : i32
      %mul3A_84 = arith.muli %mul3A_83, %scan3A_82 : i32
      %add3A_85 = arith.constant 0 : i32
      %add3A_86 = arith.addi %mul3A_84, %add3A_85 : i32
      %ge3A = arith.constant 1 : i32
      %ge3A_87 = arith.cmpi sge, %add3A_86, %ge3A : i32
      %convert_element_type3A = arith.extui %ge3A_87 : i1 to i32
      %cond3A = arith.constant 0 : i32
      %cond3A_88 = arith.cmpi ne, %convert_element_type3A, %cond3A : i32
      scf.if %cond3A_88 {
        %dma_wait3A_234 = arith.constant 0 : i32
        %dma_wait3A_235 = arith.constant 0 : i32
        %dma_wait3A_236 = tpu.memref_slice %arg11[%dma_wait3A_234, %dma_wait3A_235] : memref<10240x128xf32, #tpu.memory_space<vmem_shared>> -> memref<10240x128xf32, #tpu.memory_space<vmem_shared>>
        tpu.wait_indirect_dma semaphore(%arg15 : memref<!tpu.dma_semaphore, #tpu.memory_space<semaphore_mem>>) src(%arg10 : memref<80x128xf32, #tpu.memory_space<vmem>>) dst(%dma_wait3A_236 : memref<10240x128xf32, #tpu.memory_space<vmem_shared>>)
      } else {
      }
      %add3A_89 = arith.constant 1 : i32
      %add3A_90 = arith.addi %add3A_86, %add3A_89 : i32
      %mul3A_91 = arith.constant 10000 : i32
      %mul3A_92 = arith.muli %add3A, %mul3A_91 : i32
      %mul3A_93 = arith.constant 80 : i32
      %mul3A_94 = arith.muli %add3A_90, %mul3A_93 : i32
      %add3A_95 = arith.addi %mul3A_92, %mul3A_94 : i32
      %dma_start3A_96 = arith.constant 0 : i32
      %dma_start3A_97 = tpu.memref_slice %arg2[%add3A_95, %dma_start3A_96] : memref<320000x128xf32, #tpu.memory_space<hbm>> -> memref<80x128xf32, #tpu.memory_space<hbm>>
      %dma_start3A_98 = arith.constant 0 : i32
      %dma_start3A_99 = tpu.memref_slice %arg2[%add3A_95, %dma_start3A_98] : memref<320000x128xf32, #tpu.memory_space<hbm>> -> memref<80x128xf32, #tpu.memory_space<hbm>>
      tpu.enqueue_dma source(%dma_start3A_99 : memref<80x128xf32, #tpu.memory_space<hbm>>) target(%arg10 : memref<80x128xf32, #tpu.memory_space<vmem>>) target_semaphore(%arg13 : memref<!tpu.dma_semaphore, #tpu.memory_space<semaphore_mem>>)
      %mul3A_100 = arith.constant 80 : i32
      %mul3A_101 = arith.muli %add3A_90, %mul3A_100 : i32
      %multiple_of3A_102 = tpu.assume_multiple %mul3A_101, 16 : i32
      %add3A_103 = arith.constant 0 : i32
      %add3A_104 = arith.addi %multiple_of3A_102, %add3A_103 : i32
      %get3A_105 = arith.index_cast %add3A_104 : i32 to index
      %get3A_106 = tpu.vector_load %arg6[%get3A_105] {strides = array<i32>} : memref<10000xi32, #tpu.memory_space<vmem>>, vector<16xi32>,
      %get3A_107 = vector.shape_cast %get3A_106 : vector<16xi32> to vector<16xi32>
      %swap3A_108 = arith.constant 0 : index
      %swap3A_109 = tpu.vector_load %arg8[%swap3A_108] {strides = array<i32>} : memref<80xi32, #tpu.memory_space<vmem>>, vector<16xi32>,
      %swap3A_110 = vector.shape_cast %swap3A_109 : vector<16xi32> to vector<16xi32>
      %swap3A_111 = vector.shape_cast %get3A_107 : vector<16xi32> to vector<16xi32>
      tpu.vector_store %arg8[%swap3A_108], %swap3A_111 {strides = array<i32>} : memref<80xi32, #tpu.memory_space<vmem>>, vector<16xi32>,
      %add3A_112 = arith.constant 16 : i32
      %add3A_113 = arith.addi %multiple_of3A_102, %add3A_112 : i32
      %get3A_114 = arith.index_cast %add3A_113 : i32 to index
      %get3A_115 = tpu.vector_load %arg6[%get3A_114] {strides = array<i32>} : memref<10000xi32, #tpu.memory_space<vmem>>, vector<16xi32>,
      %get3A_116 = vector.shape_cast %get3A_115 : vector<16xi32> to vector<16xi32>
      %swap3A_117 = arith.constant 16 : index
      %swap3A_118 = tpu.vector_load %arg8[%swap3A_117] {strides = array<i32>} : memref<80xi32, #tpu.memory_space<vmem>>, vector<16xi32>,
      %swap3A_119 = vector.shape_cast %swap3A_118 : vector<16xi32> to vector<16xi32>
      %swap3A_120 = vector.shape_cast %get3A_116 : vector<16xi32> to vector<16xi32>
      tpu.vector_store %arg8[%swap3A_117], %swap3A_120 {strides = array<i32>} : memref<80xi32, #tpu.memory_space<vmem>>, vector<16xi32>,
      %add3A_121 = arith.constant 32 : i32
      %add3A_122 = arith.addi %multiple_of3A_102, %add3A_121 : i32
      %get3A_123 = arith.index_cast %add3A_122 : i32 to index
      %get3A_124 = tpu.vector_load %arg6[%get3A_123] {strides = array<i32>} : memref<10000xi32, #tpu.memory_space<vmem>>, vector<16xi32>,
      %get3A_125 = vector.shape_cast %get3A_124 : vector<16xi32> to vector<16xi32>
      %swap3A_126 = arith.constant 32 : index
      %swap3A_127 = tpu.vector_load %arg8[%swap3A_126] {strides = array<i32>} : memref<80xi32, #tpu.memory_space<vmem>>, vector<16xi32>,
      %swap3A_128 = vector.shape_cast %swap3A_127 : vector<16xi32> to vector<16xi32>
      %swap3A_129 = vector.shape_cast %get3A_125 : vector<16xi32> to vector<16xi32>
      tpu.vector_store %arg8[%swap3A_126], %swap3A_129 {strides = array<i32>} : memref<80xi32, #tpu.memory_space<vmem>>, vector<16xi32>,
      %add3A_130 = arith.constant 48 : i32
      %add3A_131 = arith.addi %multiple_of3A_102, %add3A_130 : i32
      %get3A_132 = arith.index_cast %add3A_131 : i32 to index
      %get3A_133 = tpu.vector_load %arg6[%get3A_132] {strides = array<i32>} : memref<10000xi32, #tpu.memory_space<vmem>>, vector<16xi32>,
      %get3A_134 = vector.shape_cast %get3A_133 : vector<16xi32> to vector<16xi32>
      %swap3A_135 = arith.constant 48 : index
      %swap3A_136 = tpu.vector_load %arg8[%swap3A_135] {strides = array<i32>} : memref<80xi32, #tpu.memory_space<vmem>>, vector<16xi32>,
      %swap3A_137 = vector.shape_cast %swap3A_136 : vector<16xi32> to vector<16xi32>
      %swap3A_138 = vector.shape_cast %get3A_134 : vector<16xi32> to vector<16xi32>
      tpu.vector_store %arg8[%swap3A_135], %swap3A_138 {strides = array<i32>} : memref<80xi32, #tpu.memory_space<vmem>>, vector<16xi32>,
      %add3A_139 = arith.constant 64 : i32
      %add3A_140 = arith.addi %multiple_of3A_102, %add3A_139 : i32
      %get3A_141 = arith.index_cast %add3A_140 : i32 to index
      %get3A_142 = tpu.vector_load %arg6[%get3A_141] {strides = array<i32>} : memref<10000xi32, #tpu.memory_space<vmem>>, vector<16xi32>,
      %get3A_143 = vector.shape_cast %get3A_142 : vector<16xi32> to vector<16xi32>
      %swap3A_144 = arith.constant 64 : index
      %swap3A_145 = tpu.vector_load %arg8[%swap3A_144] {strides = array<i32>} : memref<80xi32, #tpu.memory_space<vmem>>, vector<16xi32>,
      %swap3A_146 = vector.shape_cast %swap3A_145 : vector<16xi32> to vector<16xi32>
      %swap3A_147 = vector.shape_cast %get3A_143 : vector<16xi32> to vector<16xi32>
      tpu.vector_store %arg8[%swap3A_144], %swap3A_147 {strides = array<i32>} : memref<80xi32, #tpu.memory_space<vmem>>, vector<16xi32>,
      %dma_wait3A_148 = arith.constant 0 : i32
      %dma_wait3A_149 = arith.constant 0 : i32
      %dma_wait3A_150 = tpu.memref_slice %arg2[%dma_wait3A_148, %dma_wait3A_149] : memref<320000x128xf32, #tpu.memory_space<hbm>> -> memref<80x128xf32, #tpu.memory_space<hbm>>
      %dma_wait3A_151 = arith.constant 0 : i32
      %dma_wait3A_152 = arith.constant 0 : i32
      %dma_wait3A_153 = tpu.memref_slice %arg2[%dma_wait3A_151, %dma_wait3A_152] : memref<320000x128xf32, #tpu.memory_space<hbm>> -> memref<80x128xf32, #tpu.memory_space<hbm>>
      tpu.wait_dma2 semaphore(%arg12 : memref<!tpu.dma_semaphore, #tpu.memory_space<semaphore_mem>>) src(%dma_wait3A_153 : memref<80x128xf32, #tpu.memory_space<hbm>>) dst(%arg9 : memref<80x128xf32, #tpu.memory_space<vmem>>)
      %dma_start3A_154 = arith.constant 0 : i32
      %dma_start3A_155 = arith.constant 0 : i32
      %dma_start3A_156 = tpu.memref_slice %arg11[%dma_start3A_154, %dma_start3A_155] : memref<10240x128xf32, #tpu.memory_space<vmem_shared>> -> memref<10240x128xf32, #tpu.memory_space<vmem_shared>>
      tpu.enqueue_indirect_dma source(%arg9 : memref<80x128xf32, #tpu.memory_space<vmem>>) target(%dma_start3A_156 : memref<10240x128xf32, #tpu.memory_space<vmem_shared>>) offsets(%arg7 : memref<80xi32, #tpu.memory_space<vmem>>) semaphore(%arg14 : memref<!tpu.dma_semaphore, #tpu.memory_space<semaphore_mem>>) {add = true}
      %mul3A_157 = arith.constant 2 : i32
      %mul3A_158 = arith.muli %mul3A_157, %scan3A_82 : i32
      %add3A_159 = arith.constant 1 : i32
      %add3A_160 = arith.addi %mul3A_158, %add3A_159 : i32
      %ge3A_161 = arith.constant 1 : i32
      %ge3A_162 = arith.cmpi sge, %add3A_160, %ge3A_161 : i32
      %convert_element_type3A_163 = arith.extui %ge3A_162 : i1 to i32
      %cond3A_164 = arith.constant 0 : i32
      %cond3A_165 = arith.cmpi ne, %convert_element_type3A_163, %cond3A_164 : i32
      scf.if %cond3A_165 {
        %dma_wait3A_234 = arith.constant 0 : i32
        %dma_wait3A_235 = arith.constant 0 : i32
        %dma_wait3A_236 = tpu.memref_slice %arg11[%dma_wait3A_234, %dma_wait3A_235] : memref<10240x128xf32, #tpu.memory_space<vmem_shared>> -> memref<10240x128xf32, #tpu.memory_space<vmem_shared>>
        tpu.wait_indirect_dma semaphore(%arg14 : memref<!tpu.dma_semaphore, #tpu.memory_space<semaphore_mem>>) src(%arg9 : memref<80x128xf32, #tpu.memory_space<vmem>>) dst(%dma_wait3A_236 : memref<10240x128xf32, #tpu.memory_space<vmem_shared>>)
      } else {
      }
      %add3A_166 = arith.constant 1 : i32
      %add3A_167 = arith.addi %add3A_160, %add3A_166 : i32
      %mul3A_168 = arith.constant 10000 : i32
      %mul3A_169 = arith.muli %add3A, %mul3A_168 : i32
      %mul3A_170 = arith.constant 80 : i32
      %mul3A_171 = arith.muli %add3A_167, %mul3A_170 : i32
      %add3A_172 = arith.addi %mul3A_169, %mul3A_171 : i32
      %dma_start3A_173 = arith.constant 0 : i32
      %dma_start3A_174 = tpu.memref_slice %arg2[%add3A_172, %dma_start3A_173] : memref<320000x128xf32, #tpu.memory_space<hbm>> -> memref<80x128xf32, #tpu.memory_space<hbm>>
      %dma_start3A_175 = arith.constant 0 : i32
      %dma_start3A_176 = tpu.memref_slice %arg2[%add3A_172, %dma_start3A_175] : memref<320000x128xf32, #tpu.memory_space<hbm>> -> memref<80x128xf32, #tpu.memory_space<hbm>>
      tpu.enqueue_dma source(%dma_start3A_176 : memref<80x128xf32, #tpu.memory_space<hbm>>) target(%arg9 : memref<80x128xf32, #tpu.memory_space<vmem>>) target_semaphore(%arg12 : memref<!tpu.dma_semaphore, #tpu.memory_space<semaphore_mem>>)
      %mul3A_177 = arith.constant 80 : i32
      %mul3A_178 = arith.muli %add3A_167, %mul3A_177 : i32
      %multiple_of3A_179 = tpu.assume_multiple %mul3A_178, 16 : i32
      %add3A_180 = arith.constant 0 : i32
      %add3A_181 = arith.addi %multiple_of3A_179, %add3A_180 : i32
      %get3A_182 = arith.index_cast %add3A_181 : i32 to index
      %get3A_183 = tpu.vector_load %arg6[%get3A_182] {strides = array<i32>} : memref<10000xi32, #tpu.memory_space<vmem>>, vector<16xi32>,
      %get3A_184 = vector.shape_cast %get3A_183 : vector<16xi32> to vector<16xi32>
      %swap3A_185 = arith.constant 0 : index
      %swap3A_186 = tpu.vector_load %arg7[%swap3A_185] {strides = array<i32>} : memref<80xi32, #tpu.memory_space<vmem>>, vector<16xi32>,
      %swap3A_187 = vector.shape_cast %swap3A_186 : vector<16xi32> to vector<16xi32>
      %swap3A_188 = vector.shape_cast %get3A_184 : vector<16xi32> to vector<16xi32>
      tpu.vector_store %arg7[%swap3A_185], %swap3A_188 {strides = array<i32>} : memref<80xi32, #tpu.memory_space<vmem>>, vector<16xi32>,
      %add3A_189 = arith.constant 16 : i32
      %add3A_190 = arith.addi %multiple_of3A_179, %add3A_189 : i32
      %get3A_191 = arith.index_cast %add3A_190 : i32 to index
      %get3A_192 = tpu.vector_load %arg6[%get3A_191] {strides = array<i32>} : memref<10000xi32, #tpu.memory_space<vmem>>, vector<16xi32>,
      %get3A_193 = vector.shape_cast %get3A_192 : vector<16xi32> to vector<16xi32>
      %swap3A_194 = arith.constant 16 : index
      %swap3A_195 = tpu.vector_load %arg7[%swap3A_194] {strides = array<i32>} : memref<80xi32, #tpu.memory_space<vmem>>, vector<16xi32>,
      %swap3A_196 = vector.shape_cast %swap3A_195 : vector<16xi32> to vector<16xi32>
      %swap3A_197 = vector.shape_cast %get3A_193 : vector<16xi32> to vector<16xi32>
      tpu.vector_store %arg7[%swap3A_194], %swap3A_197 {strides = array<i32>} : memref<80xi32, #tpu.memory_space<vmem>>, vector<16xi32>,
      %add3A_198 = arith.constant 32 : i32
      %add3A_199 = arith.addi %multiple_of3A_179, %add3A_198 : i32
      %get3A_200 = arith.index_cast %add3A_199 : i32 to index
      %get3A_201 = tpu.vector_load %arg6[%get3A_200] {strides = array<i32>} : memref<10000xi32, #tpu.memory_space<vmem>>, vector<16xi32>,
      %get3A_202 = vector.shape_cast %get3A_201 : vector<16xi32> to vector<16xi32>
      %swap3A_203 = arith.constant 32 : index
      %swap3A_204 = tpu.vector_load %arg7[%swap3A_203] {strides = array<i32>} : memref<80xi32, #tpu.memory_space<vmem>>, vector<16xi32>,
      %swap3A_205 = vector.shape_cast %swap3A_204 : vector<16xi32> to vector<16xi32>
      %swap3A_206 = vector.shape_cast %get3A_202 : vector<16xi32> to vector<16xi32>
      tpu.vector_store %arg7[%swap3A_203], %swap3A_206 {strides = array<i32>} : memref<80xi32, #tpu.memory_space<vmem>>, vector<16xi32>,
      %add3A_207 = arith.constant 48 : i32
      %add3A_208 = arith.addi %multiple_of3A_179, %add3A_207 : i32
      %get3A_209 = arith.index_cast %add3A_208 : i32 to index
      %get3A_210 = tpu.vector_load %arg6[%get3A_209] {strides = array<i32>} : memref<10000xi32, #tpu.memory_space<vmem>>, vector<16xi32>,
      %get3A_211 = vector.shape_cast %get3A_210 : vector<16xi32> to vector<16xi32>
      %swap3A_212 = arith.constant 48 : index
      %swap3A_213 = tpu.vector_load %arg7[%swap3A_212] {strides = array<i32>} : memref<80xi32, #tpu.memory_space<vmem>>, vector<16xi32>,
      %swap3A_214 = vector.shape_cast %swap3A_213 : vector<16xi32> to vector<16xi32>
      %swap3A_215 = vector.shape_cast %get3A_211 : vector<16xi32> to vector<16xi32>
      tpu.vector_store %arg7[%swap3A_212], %swap3A_215 {strides = array<i32>} : memref<80xi32, #tpu.memory_space<vmem>>, vector<16xi32>,
      %add3A_216 = arith.constant 64 : i32
      %add3A_217 = arith.addi %multiple_of3A_179, %add3A_216 : i32
      %get3A_218 = arith.index_cast %add3A_217 : i32 to index
      %get3A_219 = tpu.vector_load %arg6[%get3A_218] {strides = array<i32>} : memref<10000xi32, #tpu.memory_space<vmem>>, vector<16xi32>,
      %get3A_220 = vector.shape_cast %get3A_219 : vector<16xi32> to vector<16xi32>
      %swap3A_221 = arith.constant 64 : index
      %swap3A_222 = tpu.vector_load %arg7[%swap3A_221] {strides = array<i32>} : memref<80xi32, #tpu.memory_space<vmem>>, vector<16xi32>,
      %swap3A_223 = vector.shape_cast %swap3A_222 : vector<16xi32> to vector<16xi32>
      %swap3A_224 = vector.shape_cast %get3A_220 : vector<16xi32> to vector<16xi32>
      tpu.vector_store %arg7[%swap3A_221], %swap3A_224 {strides = array<i32>} : memref<80xi32, #tpu.memory_space<vmem>>, vector<16xi32>,
      %dma_wait3A_225 = arith.constant 0 : i32
      %dma_wait3A_226 = arith.constant 0 : i32
      %dma_wait3A_227 = tpu.memref_slice %arg2[%dma_wait3A_225, %dma_wait3A_226] : memref<320000x128xf32, #tpu.memory_space<hbm>> -> memref<80x128xf32, #tpu.memory_space<hbm>>
      %dma_wait3A_228 = arith.constant 0 : i32
      %dma_wait3A_229 = arith.constant 0 : i32
      %dma_wait3A_230 = tpu.memref_slice %arg2[%dma_wait3A_228, %dma_wait3A_229] : memref<320000x128xf32, #tpu.memory_space<hbm>> -> memref<80x128xf32, #tpu.memory_space<hbm>>
      tpu.wait_dma2 semaphore(%arg13 : memref<!tpu.dma_semaphore, #tpu.memory_space<semaphore_mem>>) src(%dma_wait3A_230 : memref<80x128xf32, #tpu.memory_space<hbm>>) dst(%arg10 : memref<80x128xf32, #tpu.memory_space<vmem>>)
      %dma_start3A_231 = arith.constant 0 : i32
      %dma_start3A_232 = arith.constant 0 : i32
      %dma_start3A_233 = tpu.memref_slice %arg11[%dma_start3A_231, %dma_start3A_232] : memref<10240x128xf32, #tpu.memory_space<vmem_shared>> -> memref<10240x128xf32, #tpu.memory_space<vmem_shared>>
      tpu.enqueue_indirect_dma source(%arg10 : memref<80x128xf32, #tpu.memory_space<vmem>>) target(%dma_start3A_233 : memref<10240x128xf32, #tpu.memory_space<vmem_shared>>) offsets(%arg8 : memref<80xi32, #tpu.memory_space<vmem>>) semaphore(%arg15 : memref<!tpu.dma_semaphore, #tpu.memory_space<semaphore_mem>>) {add = true}
    }
    %scan3A_62 = arith.constant 62 : i32
    %dma_wait3A = arith.constant 0 : i32
    %dma_wait3A_63 = arith.constant 0 : i32
    %dma_wait3A_64 = tpu.memref_slice %arg2[%dma_wait3A, %dma_wait3A_63] : memref<320000x128xf32, #tpu.memory_space<hbm>> -> memref<80x128xf32, #tpu.memory_space<hbm>>
    %dma_wait3A_65 = arith.constant 0 : i32
    %dma_wait3A_66 = arith.constant 0 : i32
    %dma_wait3A_67 = tpu.memref_slice %arg2[%dma_wait3A_65, %dma_wait3A_66] : memref<320000x128xf32, #tpu.memory_space<hbm>> -> memref<80x128xf32, #tpu.memory_space<hbm>>
    tpu.wait_dma2 semaphore(%arg12 : memref<!tpu.dma_semaphore, #tpu.memory_space<semaphore_mem>>) src(%dma_wait3A_67 : memref<80x128xf32, #tpu.memory_space<hbm>>) dst(%arg9 : memref<80x128xf32, #tpu.memory_space<vmem>>)
    %dma_start3A_68 = arith.constant 0 : i32
    %dma_start3A_69 = arith.constant 0 : i32
    %dma_start3A_70 = tpu.memref_slice %arg11[%dma_start3A_68, %dma_start3A_69] : memref<10240x128xf32, #tpu.memory_space<vmem_shared>> -> memref<10240x128xf32, #tpu.memory_space<vmem_shared>>
    tpu.enqueue_indirect_dma source(%arg9 : memref<80x128xf32, #tpu.memory_space<vmem>>) target(%dma_start3A_70 : memref<10240x128xf32, #tpu.memory_space<vmem_shared>>) offsets(%arg7 : memref<80xi32, #tpu.memory_space<vmem>>) semaphore(%arg14 : memref<!tpu.dma_semaphore, #tpu.memory_space<semaphore_mem>>) {add = true}
    %dma_wait3A_71 = arith.constant 0 : i32
    %dma_wait3A_72 = arith.constant 0 : i32
    %dma_wait3A_73 = tpu.memref_slice %arg11[%dma_wait3A_71, %dma_wait3A_72] : memref<10240x128xf32, #tpu.memory_space<vmem_shared>> -> memref<10240x128xf32, #tpu.memory_space<vmem_shared>>
    tpu.wait_indirect_dma semaphore(%arg14 : memref<!tpu.dma_semaphore, #tpu.memory_space<semaphore_mem>>) src(%arg9 : memref<80x128xf32, #tpu.memory_space<vmem>>) dst(%dma_wait3A_73 : memref<10240x128xf32, #tpu.memory_space<vmem_shared>>)
    %dma_wait3A_74 = arith.constant 0 : i32
    %dma_wait3A_75 = arith.constant 0 : i32
    %dma_wait3A_76 = tpu.memref_slice %arg11[%dma_wait3A_74, %dma_wait3A_75] : memref<10240x128xf32, #tpu.memory_space<vmem_shared>> -> memref<10240x128xf32, #tpu.memory_space<vmem_shared>>
    tpu.wait_indirect_dma semaphore(%arg15 : memref<!tpu.dma_semaphore, #tpu.memory_space<semaphore_mem>>) src(%arg10 : memref<80x128xf32, #tpu.memory_space<vmem>>) dst(%dma_wait3A_76 : memref<10240x128xf32, #tpu.memory_space<vmem_shared>>)
    %barrier3A_77 = arith.constant 0 : index
    tpu.barrier barrier_id(%barrier3A_77)
    %mul3A_78 = arith.constant 640 : i32
    %mul3A_79 = arith.muli %arg1, %mul3A_78 : i32
    %mul3A_80 = arith.constant 640 : i32
    %mul3A_81 = arith.muli %arg1, %mul3A_80 : i32
    "tpu.region"() ({
      %run_scoped3A = tpu.sem_alloc : memref<!tpu.dma_semaphore, #tpu.memory_space<semaphore_mem>>
      %dma_start3A_82 = arith.constant 0 : i32
      %dma_start3A_83 = tpu.memref_slice %arg5[%arg0, %mul3A_81, %dma_start3A_82] : memref<2x10240x128xf32, #tpu.memory_space<hbm>> -> memref<1x640x128xf32, #tpu.memory_space<hbm>>
      %dma_start3A_84 = tpu.memref_squeeze %dma_start3A_83 : memref<1x640x128xf32, #tpu.memory_space<hbm>> -> memref<640x128xf32, #tpu.memory_space<hbm>>
      %dma_start3A_85 = arith.constant 0 : i32
      %dma_start3A_86 = tpu.memref_slice %arg11[%mul3A_79, %dma_start3A_85] : memref<10240x128xf32, #tpu.memory_space<vmem_shared>> -> memref<640x128xf32, #tpu.memory_space<vmem_shared>>
      tpu.enqueue_dma source(%dma_start3A_86 : memref<640x128xf32, #tpu.memory_space<vmem_shared>>) target(%dma_start3A_84 : memref<640x128xf32, #tpu.memory_space<hbm>>) target_semaphore(%run_scoped3A : memref<!tpu.dma_semaphore, #tpu.memory_space<semaphore_mem>>)
      %dma_wait3A_87 = arith.constant 0 : i32
      %dma_wait3A_88 = tpu.memref_slice %arg5[%arg0, %mul3A_81, %dma_wait3A_87] : memref<2x10240x128xf32, #tpu.memory_space<hbm>> -> memref<1x640x128xf32, #tpu.memory_space<hbm>>
      %dma_wait3A_89 = tpu.memref_squeeze %dma_wait3A_88 : memref<1x640x128xf32, #tpu.memory_space<hbm>> -> memref<640x128xf32, #tpu.memory_space<hbm>>
      %dma_wait3A_90 = arith.constant 0 : i32
      %dma_wait3A_91 = tpu.memref_slice %arg11[%mul3A_79, %dma_wait3A_90] : memref<10240x128xf32, #tpu.memory_space<vmem_shared>> -> memref<640x128xf32, #tpu.memory_space<vmem_shared>>
      tpu.wait_dma2 semaphore(%run_scoped3A : memref<!tpu.dma_semaphore, #tpu.memory_space<semaphore_mem>>) src(%dma_wait3A_91 : memref<640x128xf32, #tpu.memory_space<vmem_shared>>) dst(%dma_wait3A_89 : memref<640x128xf32, #tpu.memory_space<hbm>>)
      tpu.yield
    }) : () -> ()
    return
  }
}

#map = affine_map<(d0, d1) -> (0, 0)>
#map1 = affine_map<(d0, d1) -> (0)>
module attributes {stable_mosaic.version = 14 : i64} {
  func.func @_sc_gather(%arg0: i32, %arg1: i32, %arg2: memref<10000x128xf32, #tpu.memory_space<hbm>>, %arg3: memref<320000xi32, #tpu.memory_space<hbm>>, %arg4: memref<320000x128xf32, #tpu.memory_space<hbm>>, %arg5: memref<10000xi32, #tpu.memory_space<vmem>>, %arg6: memref<80x128xf32, #tpu.memory_space<vmem>>, %arg7: memref<80x128xf32, #tpu.memory_space<vmem>>, %arg8: memref<80x128xf32, #tpu.memory_space<vmem>>, %arg9: memref<80x128xf32, #tpu.memory_space<vmem>>, %arg10: memref<80x128xf32, #tpu.memory_space<vmem>>, %arg11: memref<!tpu.dma_semaphore, #tpu.memory_space<semaphore_mem>>, %arg12: memref<!tpu.dma_semaphore, #tpu.memory_space<semaphore_mem>>, %arg13: memref<!tpu.dma_semaphore, #tpu.memory_space<semaphore_mem>>, %arg14: memref<!tpu.dma_semaphore, #tpu.memory_space<semaphore_mem>>, %arg15: memref<!tpu.dma_semaphore, #tpu.memory_space<semaphore_mem>>, %arg16: memref<!tpu.dma_semaphore, #tpu.memory_space<semaphore_mem>>, %arg17: memref<!tpu.dma_semaphore, #tpu.memory_space<semaphore_mem>>, %arg18: memref<!tpu.dma_semaphore, #tpu.memory_space<semaphore_mem>>, %arg19: memref<!tpu.dma_semaphore, #tpu.memory_space<semaphore_mem>>, %arg20: memref<!tpu.dma_semaphore, #tpu.memory_space<semaphore_mem>>) attributes {dimension_semantics = [#tpu.dimension_semantics<core_parallel>, #tpu.dimension_semantics<subcore_parallel>], iteration_bounds = array<i64: 2, 16>, scalar_prefetch = 0 : i64, scratch_operands = 16 : i64, tpu.core_type = #tpu.core_type<sc_vector_subcore>, window_params = [{transform_indices = #map}, {transform_indices = #map1}, {transform_indices = #map}]} {
    %mul3A = arith.constant 2 : i32
    %mul3A_0 = arith.muli %arg1, %mul3A : i32
    %add3A = arith.addi %mul3A_0, %arg0 : i32
    %mul3A_1 = arith.constant 10000 : i32
    %mul3A_2 = arith.muli %add3A, %mul3A_1 : i32
    "tpu.region"() ({
      %run_scoped3A = tpu.sem_alloc : memref<!tpu.dma_semaphore, #tpu.memory_space<semaphore_mem>>
      %dma_start3A_35 = tpu.memref_slice %arg3[%mul3A_2] : memref<320000xi32, #tpu.memory_space<hbm>> -> memref<10000xi32, #tpu.memory_space<hbm>>
      %dma_start3A_36 = tpu.memref_slice %arg3[%mul3A_2] : memref<320000xi32, #tpu.memory_space<hbm>> -> memref<10000xi32, #tpu.memory_space<hbm>>
      tpu.enqueue_dma source(%dma_start3A_36 : memref<10000xi32, #tpu.memory_space<hbm>>) target(%arg5 : memref<10000xi32, #tpu.memory_space<vmem>>) target_semaphore(%run_scoped3A : memref<!tpu.dma_semaphore, #tpu.memory_space<semaphore_mem>>)
      %dma_wait3A_37 = tpu.memref_slice %arg3[%mul3A_2] : memref<320000xi32, #tpu.memory_space<hbm>> -> memref<10000xi32, #tpu.memory_space<hbm>>
      %dma_wait3A_38 = tpu.memref_slice %arg3[%mul3A_2] : memref<320000xi32, #tpu.memory_space<hbm>> -> memref<10000xi32, #tpu.memory_space<hbm>>
      tpu.wait_dma2 semaphore(%run_scoped3A : memref<!tpu.dma_semaphore, #tpu.memory_space<semaphore_mem>>) src(%dma_wait3A_38 : memref<10000xi32, #tpu.memory_space<hbm>>) dst(%arg5 : memref<10000xi32, #tpu.memory_space<vmem>>)
      tpu.yield
    }) : () -> ()
    %multiple_of3A = arith.constant 0 : i32
    %multiple_of3A_3 = tpu.assume_multiple %multiple_of3A, 16 : i32
    %dma_start3A = tpu.memref_slice %arg5[%multiple_of3A_3] : memref<10000xi32, #tpu.memory_space<vmem>> -> memref<80xi32, #tpu.memory_space<vmem>>
    %dma_start3A_4 = arith.constant 0 : i32
    %dma_start3A_5 = arith.constant 0 : i32
    %dma_start3A_6 = tpu.memref_slice %arg2[%dma_start3A_4, %dma_start3A_5] : memref<10000x128xf32, #tpu.memory_space<hbm>> -> memref<10000x128xf32, #tpu.memory_space<hbm>>
    tpu.enqueue_indirect_dma source(%dma_start3A_6 : memref<10000x128xf32, #tpu.memory_space<hbm>>) target(%arg6 : memref<80x128xf32, #tpu.memory_space<vmem>>) offsets(%dma_start3A : memref<80xi32, #tpu.memory_space<vmem>>) semaphore(%arg11 : memref<!tpu.dma_semaphore, #tpu.memory_space<semaphore_mem>>)
    %scan3A = arith.constant 0 : i32
    %scan3A_7 = arith.constant 0 : i32
    %scan3A_8 = arith.constant 25 : i32
    %scan3A_9 = arith.addi %scan3A_7, %scan3A_8 : i32
    %scan3A_10 = arith.constant 1 : i32
    scf.for %scan3A_35 = %scan3A_7 to %scan3A_9 step %scan3A_10  : i32 {
      %mul3A_36 = arith.constant 5 : i32
      %mul3A_37 = arith.muli %mul3A_36, %scan3A_35 : i32
      %add3A_38 = arith.constant 0 : i32
      %add3A_39 = arith.addi %mul3A_37, %add3A_38 : i32
      %ge3A = arith.constant 4 : i32
      %ge3A_40 = arith.cmpi sge, %add3A_39, %ge3A : i32
      %convert_element_type3A = arith.extui %ge3A_40 : i1 to i32
      %cond3A = arith.constant 0 : i32
      %cond3A_41 = arith.cmpi ne, %convert_element_type3A, %cond3A : i32
      scf.if %cond3A_41 {
        %dma_wait3A_172 = arith.constant 0 : i32
        %dma_wait3A_173 = arith.constant 0 : i32
        %dma_wait3A_174 = tpu.memref_slice %arg4[%dma_wait3A_172, %dma_wait3A_173] : memref<320000x128xf32, #tpu.memory_space<hbm>> -> memref<80x128xf32, #tpu.memory_space<hbm>>
        %dma_wait3A_175 = arith.constant 0 : i32
        %dma_wait3A_176 = arith.constant 0 : i32
        %dma_wait3A_177 = tpu.memref_slice %arg4[%dma_wait3A_175, %dma_wait3A_176] : memref<320000x128xf32, #tpu.memory_space<hbm>> -> memref<80x128xf32, #tpu.memory_space<hbm>>
        tpu.wait_dma2 semaphore(%arg17 : memref<!tpu.dma_semaphore, #tpu.memory_space<semaphore_mem>>) src(%arg7 : memref<80x128xf32, #tpu.memory_space<vmem>>) dst(%dma_wait3A_177 : memref<80x128xf32, #tpu.memory_space<hbm>>)
      } else {
      }
      %lt3A = arith.constant 124 : i32
      %lt3A_42 = arith.cmpi slt, %add3A_39, %lt3A : i32
      %convert_element_type3A_43 = arith.extui %lt3A_42 : i1 to i32
      %cond3A_44 = arith.constant 0 : i32
      %cond3A_45 = arith.cmpi ne, %convert_element_type3A_43, %cond3A_44 : i32
      scf.if %cond3A_45 {
        %add3A_172 = arith.constant 1 : i32
        %add3A_173 = arith.addi %add3A_39, %add3A_172 : i32
        %mul3A_174 = arith.constant 80 : i32
        %mul3A_175 = arith.muli %add3A_173, %mul3A_174 : i32
        %multiple_of3A_176 = tpu.assume_multiple %mul3A_175, 16 : i32
        %dma_start3A_177 = tpu.memref_slice %arg5[%multiple_of3A_176] : memref<10000xi32, #tpu.memory_space<vmem>> -> memref<80xi32, #tpu.memory_space<vmem>>
        %dma_start3A_178 = arith.constant 0 : i32
        %dma_start3A_179 = arith.constant 0 : i32
        %dma_start3A_180 = tpu.memref_slice %arg2[%dma_start3A_178, %dma_start3A_179] : memref<10000x128xf32, #tpu.memory_space<hbm>> -> memref<10000x128xf32, #tpu.memory_space<hbm>>
        tpu.enqueue_indirect_dma source(%dma_start3A_180 : memref<10000x128xf32, #tpu.memory_space<hbm>>) target(%arg7 : memref<80x128xf32, #tpu.memory_space<vmem>>) offsets(%dma_start3A_177 : memref<80xi32, #tpu.memory_space<vmem>>) semaphore(%arg12 : memref<!tpu.dma_semaphore, #tpu.memory_space<semaphore_mem>>)
      } else {
      }
      %dma_wait3A_46 = arith.constant 0 : i32
      %dma_wait3A_47 = tpu.memref_slice %arg5[%dma_wait3A_46] : memref<10000xi32, #tpu.memory_space<vmem>> -> memref<80xi32, #tpu.memory_space<vmem>>
      %dma_wait3A_48 = arith.constant 0 : i32
      %dma_wait3A_49 = arith.constant 0 : i32
      %dma_wait3A_50 = tpu.memref_slice %arg2[%dma_wait3A_48, %dma_wait3A_49] : memref<10000x128xf32, #tpu.memory_space<hbm>> -> memref<10000x128xf32, #tpu.memory_space<hbm>>
      tpu.wait_indirect_dma semaphore(%arg11 : memref<!tpu.dma_semaphore, #tpu.memory_space<semaphore_mem>>) src(%dma_wait3A_50 : memref<10000x128xf32, #tpu.memory_space<hbm>>) dst(%arg6 : memref<80x128xf32, #tpu.memory_space<vmem>>)
      %mul3A_51 = arith.constant 10000 : i32
      %mul3A_52 = arith.muli %add3A, %mul3A_51 : i32
      %mul3A_53 = arith.constant 80 : i32
      %mul3A_54 = arith.muli %add3A_39, %mul3A_53 : i32
      %add3A_55 = arith.addi %mul3A_52, %mul3A_54 : i32
      %dma_start3A_56 = arith.constant 0 : i32
      %dma_start3A_57 = tpu.memref_slice %arg4[%add3A_55, %dma_start3A_56] : memref<320000x128xf32, #tpu.memory_space<hbm>> -> memref<80x128xf32, #tpu.memory_space<hbm>>
      %dma_start3A_58 = arith.constant 0 : i32
      %dma_start3A_59 = tpu.memref_slice %arg4[%add3A_55, %dma_start3A_58] : memref<320000x128xf32, #tpu.memory_space<hbm>> -> memref<80x128xf32, #tpu.memory_space<hbm>>
      tpu.enqueue_dma source(%arg6 : memref<80x128xf32, #tpu.memory_space<vmem>>) target(%dma_start3A_59 : memref<80x128xf32, #tpu.memory_space<hbm>>) target_semaphore(%arg16 : memref<!tpu.dma_semaphore, #tpu.memory_space<semaphore_mem>>)
      %mul3A_60 = arith.constant 5 : i32
      %mul3A_61 = arith.muli %mul3A_60, %scan3A_35 : i32
      %add3A_62 = arith.constant 1 : i32
      %add3A_63 = arith.addi %mul3A_61, %add3A_62 : i32
      %ge3A_64 = arith.constant 4 : i32
      %ge3A_65 = arith.cmpi sge, %add3A_63, %ge3A_64 : i32
      %convert_element_type3A_66 = arith.extui %ge3A_65 : i1 to i32
      %cond3A_67 = arith.constant 0 : i32
      %cond3A_68 = arith.cmpi ne, %convert_element_type3A_66, %cond3A_67 : i32
      scf.if %cond3A_68 {
        %dma_wait3A_172 = arith.constant 0 : i32
        %dma_wait3A_173 = arith.constant 0 : i32
        %dma_wait3A_174 = tpu.memref_slice %arg4[%dma_wait3A_172, %dma_wait3A_173] : memref<320000x128xf32, #tpu.memory_space<hbm>> -> memref<80x128xf32, #tpu.memory_space<hbm>>
        %dma_wait3A_175 = arith.constant 0 : i32
        %dma_wait3A_176 = arith.constant 0 : i32
        %dma_wait3A_177 = tpu.memref_slice %arg4[%dma_wait3A_175, %dma_wait3A_176] : memref<320000x128xf32, #tpu.memory_space<hbm>> -> memref<80x128xf32, #tpu.memory_space<hbm>>
        tpu.wait_dma2 semaphore(%arg18 : memref<!tpu.dma_semaphore, #tpu.memory_space<semaphore_mem>>) src(%arg8 : memref<80x128xf32, #tpu.memory_space<vmem>>) dst(%dma_wait3A_177 : memref<80x128xf32, #tpu.memory_space<hbm>>)
      } else {
      }
      %lt3A_69 = arith.constant 124 : i32
      %lt3A_70 = arith.cmpi slt, %add3A_63, %lt3A_69 : i32
      %convert_element_type3A_71 = arith.extui %lt3A_70 : i1 to i32
      %cond3A_72 = arith.constant 0 : i32
      %cond3A_73 = arith.cmpi ne, %convert_element_type3A_71, %cond3A_72 : i32
      scf.if %cond3A_73 {
        %add3A_172 = arith.constant 1 : i32
        %add3A_173 = arith.addi %add3A_63, %add3A_172 : i32
        %mul3A_174 = arith.constant 80 : i32
        %mul3A_175 = arith.muli %add3A_173, %mul3A_174 : i32
        %multiple_of3A_176 = tpu.assume_multiple %mul3A_175, 16 : i32
        %dma_start3A_177 = tpu.memref_slice %arg5[%multiple_of3A_176] : memref<10000xi32, #tpu.memory_space<vmem>> -> memref<80xi32, #tpu.memory_space<vmem>>
        %dma_start3A_178 = arith.constant 0 : i32
        %dma_start3A_179 = arith.constant 0 : i32
        %dma_start3A_180 = tpu.memref_slice %arg2[%dma_start3A_178, %dma_start3A_179] : memref<10000x128xf32, #tpu.memory_space<hbm>> -> memref<10000x128xf32, #tpu.memory_space<hbm>>
        tpu.enqueue_indirect_dma source(%dma_start3A_180 : memref<10000x128xf32, #tpu.memory_space<hbm>>) target(%arg8 : memref<80x128xf32, #tpu.memory_space<vmem>>) offsets(%dma_start3A_177 : memref<80xi32, #tpu.memory_space<vmem>>) semaphore(%arg13 : memref<!tpu.dma_semaphore, #tpu.memory_space<semaphore_mem>>)
      } else {
      }
      %dma_wait3A_74 = arith.constant 0 : i32
      %dma_wait3A_75 = tpu.memref_slice %arg5[%dma_wait3A_74] : memref<10000xi32, #tpu.memory_space<vmem>> -> memref<80xi32, #tpu.memory_space<vmem>>
      %dma_wait3A_76 = arith.constant 0 : i32
      %dma_wait3A_77 = arith.constant 0 : i32
      %dma_wait3A_78 = tpu.memref_slice %arg2[%dma_wait3A_76, %dma_wait3A_77] : memref<10000x128xf32, #tpu.memory_space<hbm>> -> memref<10000x128xf32, #tpu.memory_space<hbm>>
      tpu.wait_indirect_dma semaphore(%arg12 : memref<!tpu.dma_semaphore, #tpu.memory_space<semaphore_mem>>) src(%dma_wait3A_78 : memref<10000x128xf32, #tpu.memory_space<hbm>>) dst(%arg7 : memref<80x128xf32, #tpu.memory_space<vmem>>)
      %mul3A_79 = arith.constant 10000 : i32
      %mul3A_80 = arith.muli %add3A, %mul3A_79 : i32
      %mul3A_81 = arith.constant 80 : i32
      %mul3A_82 = arith.muli %add3A_63, %mul3A_81 : i32
      %add3A_83 = arith.addi %mul3A_80, %mul3A_82 : i32
      %dma_start3A_84 = arith.constant 0 : i32
      %dma_start3A_85 = tpu.memref_slice %arg4[%add3A_83, %dma_start3A_84] : memref<320000x128xf32, #tpu.memory_space<hbm>> -> memref<80x128xf32, #tpu.memory_space<hbm>>
      %dma_start3A_86 = arith.constant 0 : i32
      %dma_start3A_87 = tpu.memref_slice %arg4[%add3A_83, %dma_start3A_86] : memref<320000x128xf32, #tpu.memory_space<hbm>> -> memref<80x128xf32, #tpu.memory_space<hbm>>
      tpu.enqueue_dma source(%arg7 : memref<80x128xf32, #tpu.memory_space<vmem>>) target(%dma_start3A_87 : memref<80x128xf32, #tpu.memory_space<hbm>>) target_semaphore(%arg17 : memref<!tpu.dma_semaphore, #tpu.memory_space<semaphore_mem>>)
      %mul3A_88 = arith.constant 5 : i32
      %mul3A_89 = arith.muli %mul3A_88, %scan3A_35 : i32
      %add3A_90 = arith.constant 2 : i32
      %add3A_91 = arith.addi %mul3A_89, %add3A_90 : i32
      %ge3A_92 = arith.constant 4 : i32
      %ge3A_93 = arith.cmpi sge, %add3A_91, %ge3A_92 : i32
      %convert_element_type3A_94 = arith.extui %ge3A_93 : i1 to i32
      %cond3A_95 = arith.constant 0 : i32
      %cond3A_96 = arith.cmpi ne, %convert_element_type3A_94, %cond3A_95 : i32
      scf.if %cond3A_96 {
        %dma_wait3A_172 = arith.constant 0 : i32
        %dma_wait3A_173 = arith.constant 0 : i32
        %dma_wait3A_174 = tpu.memref_slice %arg4[%dma_wait3A_172, %dma_wait3A_173] : memref<320000x128xf32, #tpu.memory_space<hbm>> -> memref<80x128xf32, #tpu.memory_space<hbm>>
        %dma_wait3A_175 = arith.constant 0 : i32
        %dma_wait3A_176 = arith.constant 0 : i32
        %dma_wait3A_177 = tpu.memref_slice %arg4[%dma_wait3A_175, %dma_wait3A_176] : memref<320000x128xf32, #tpu.memory_space<hbm>> -> memref<80x128xf32, #tpu.memory_space<hbm>>
        tpu.wait_dma2 semaphore(%arg19 : memref<!tpu.dma_semaphore, #tpu.memory_space<semaphore_mem>>) src(%arg9 : memref<80x128xf32, #tpu.memory_space<vmem>>) dst(%dma_wait3A_177 : memref<80x128xf32, #tpu.memory_space<hbm>>)
      } else {
      }
      %lt3A_97 = arith.constant 124 : i32
      %lt3A_98 = arith.cmpi slt, %add3A_91, %lt3A_97 : i32
      %convert_element_type3A_99 = arith.extui %lt3A_98 : i1 to i32
      %cond3A_100 = arith.constant 0 : i32
      %cond3A_101 = arith.cmpi ne, %convert_element_type3A_99, %cond3A_100 : i32
      scf.if %cond3A_101 {
        %add3A_172 = arith.constant 1 : i32
        %add3A_173 = arith.addi %add3A_91, %add3A_172 : i32
        %mul3A_174 = arith.constant 80 : i32
        %mul3A_175 = arith.muli %add3A_173, %mul3A_174 : i32
        %multiple_of3A_176 = tpu.assume_multiple %mul3A_175, 16 : i32
        %dma_start3A_177 = tpu.memref_slice %arg5[%multiple_of3A_176] : memref<10000xi32, #tpu.memory_space<vmem>> -> memref<80xi32, #tpu.memory_space<vmem>>
        %dma_start3A_178 = arith.constant 0 : i32
        %dma_start3A_179 = arith.constant 0 : i32
        %dma_start3A_180 = tpu.memref_slice %arg2[%dma_start3A_178, %dma_start3A_179] : memref<10000x128xf32, #tpu.memory_space<hbm>> -> memref<10000x128xf32, #tpu.memory_space<hbm>>
        tpu.enqueue_indirect_dma source(%dma_start3A_180 : memref<10000x128xf32, #tpu.memory_space<hbm>>) target(%arg9 : memref<80x128xf32, #tpu.memory_space<vmem>>) offsets(%dma_start3A_177 : memref<80xi32, #tpu.memory_space<vmem>>) semaphore(%arg14 : memref<!tpu.dma_semaphore, #tpu.memory_space<semaphore_mem>>)
      } else {
      }
      %dma_wait3A_102 = arith.constant 0 : i32
      %dma_wait3A_103 = tpu.memref_slice %arg5[%dma_wait3A_102] : memref<10000xi32, #tpu.memory_space<vmem>> -> memref<80xi32, #tpu.memory_space<vmem>>
      %dma_wait3A_104 = arith.constant 0 : i32
      %dma_wait3A_105 = arith.constant 0 : i32
      %dma_wait3A_106 = tpu.memref_slice %arg2[%dma_wait3A_104, %dma_wait3A_105] : memref<10000x128xf32, #tpu.memory_space<hbm>> -> memref<10000x128xf32, #tpu.memory_space<hbm>>
      tpu.wait_indirect_dma semaphore(%arg13 : memref<!tpu.dma_semaphore, #tpu.memory_space<semaphore_mem>>) src(%dma_wait3A_106 : memref<10000x128xf32, #tpu.memory_space<hbm>>) dst(%arg8 : memref<80x128xf32, #tpu.memory_space<vmem>>)
      %mul3A_107 = arith.constant 10000 : i32
      %mul3A_108 = arith.muli %add3A, %mul3A_107 : i32
      %mul3A_109 = arith.constant 80 : i32
      %mul3A_110 = arith.muli %add3A_91, %mul3A_109 : i32
      %add3A_111 = arith.addi %mul3A_108, %mul3A_110 : i32
      %dma_start3A_112 = arith.constant 0 : i32
      %dma_start3A_113 = tpu.memref_slice %arg4[%add3A_111, %dma_start3A_112] : memref<320000x128xf32, #tpu.memory_space<hbm>> -> memref<80x128xf32, #tpu.memory_space<hbm>>
      %dma_start3A_114 = arith.constant 0 : i32
      %dma_start3A_115 = tpu.memref_slice %arg4[%add3A_111, %dma_start3A_114] : memref<320000x128xf32, #tpu.memory_space<hbm>> -> memref<80x128xf32, #tpu.memory_space<hbm>>
      tpu.enqueue_dma source(%arg8 : memref<80x128xf32, #tpu.memory_space<vmem>>) target(%dma_start3A_115 : memref<80x128xf32, #tpu.memory_space<hbm>>) target_semaphore(%arg18 : memref<!tpu.dma_semaphore, #tpu.memory_space<semaphore_mem>>)
      %mul3A_116 = arith.constant 5 : i32
      %mul3A_117 = arith.muli %mul3A_116, %scan3A_35 : i32
      %add3A_118 = arith.constant 3 : i32
      %add3A_119 = arith.addi %mul3A_117, %add3A_118 : i32
      %ge3A_120 = arith.constant 4 : i32
      %ge3A_121 = arith.cmpi sge, %add3A_119, %ge3A_120 : i32
      %convert_element_type3A_122 = arith.extui %ge3A_121 : i1 to i32
      %cond3A_123 = arith.constant 0 : i32
      %cond3A_124 = arith.cmpi ne, %convert_element_type3A_122, %cond3A_123 : i32
      scf.if %cond3A_124 {
        %dma_wait3A_172 = arith.constant 0 : i32
        %dma_wait3A_173 = arith.constant 0 : i32
        %dma_wait3A_174 = tpu.memref_slice %arg4[%dma_wait3A_172, %dma_wait3A_173] : memref<320000x128xf32, #tpu.memory_space<hbm>> -> memref<80x128xf32, #tpu.memory_space<hbm>>
        %dma_wait3A_175 = arith.constant 0 : i32
        %dma_wait3A_176 = arith.constant 0 : i32
        %dma_wait3A_177 = tpu.memref_slice %arg4[%dma_wait3A_175, %dma_wait3A_176] : memref<320000x128xf32, #tpu.memory_space<hbm>> -> memref<80x128xf32, #tpu.memory_space<hbm>>
        tpu.wait_dma2 semaphore(%arg20 : memref<!tpu.dma_semaphore, #tpu.memory_space<semaphore_mem>>) src(%arg10 : memref<80x128xf32, #tpu.memory_space<vmem>>) dst(%dma_wait3A_177 : memref<80x128xf32, #tpu.memory_space<hbm>>)
      } else {
      }
      %lt3A_125 = arith.constant 124 : i32
      %lt3A_126 = arith.cmpi slt, %add3A_119, %lt3A_125 : i32
      %convert_element_type3A_127 = arith.extui %lt3A_126 : i1 to i32
      %cond3A_128 = arith.constant 0 : i32
      %cond3A_129 = arith.cmpi ne, %convert_element_type3A_127, %cond3A_128 : i32
      scf.if %cond3A_129 {
        %add3A_172 = arith.constant 1 : i32
        %add3A_173 = arith.addi %add3A_119, %add3A_172 : i32
        %mul3A_174 = arith.constant 80 : i32
        %mul3A_175 = arith.muli %add3A_173, %mul3A_174 : i32
        %multiple_of3A_176 = tpu.assume_multiple %mul3A_175, 16 : i32
        %dma_start3A_177 = tpu.memref_slice %arg5[%multiple_of3A_176] : memref<10000xi32, #tpu.memory_space<vmem>> -> memref<80xi32, #tpu.memory_space<vmem>>
        %dma_start3A_178 = arith.constant 0 : i32
        %dma_start3A_179 = arith.constant 0 : i32
        %dma_start3A_180 = tpu.memref_slice %arg2[%dma_start3A_178, %dma_start3A_179] : memref<10000x128xf32, #tpu.memory_space<hbm>> -> memref<10000x128xf32, #tpu.memory_space<hbm>>
        tpu.enqueue_indirect_dma source(%dma_start3A_180 : memref<10000x128xf32, #tpu.memory_space<hbm>>) target(%arg10 : memref<80x128xf32, #tpu.memory_space<vmem>>) offsets(%dma_start3A_177 : memref<80xi32, #tpu.memory_space<vmem>>) semaphore(%arg15 : memref<!tpu.dma_semaphore, #tpu.memory_space<semaphore_mem>>)
      } else {
      }
      %dma_wait3A_130 = arith.constant 0 : i32
      %dma_wait3A_131 = tpu.memref_slice %arg5[%dma_wait3A_130] : memref<10000xi32, #tpu.memory_space<vmem>> -> memref<80xi32, #tpu.memory_space<vmem>>
      %dma_wait3A_132 = arith.constant 0 : i32
      %dma_wait3A_133 = arith.constant 0 : i32
      %dma_wait3A_134 = tpu.memref_slice %arg2[%dma_wait3A_132, %dma_wait3A_133] : memref<10000x128xf32, #tpu.memory_space<hbm>> -> memref<10000x128xf32, #tpu.memory_space<hbm>>
      tpu.wait_indirect_dma semaphore(%arg14 : memref<!tpu.dma_semaphore, #tpu.memory_space<semaphore_mem>>) src(%dma_wait3A_134 : memref<10000x128xf32, #tpu.memory_space<hbm>>) dst(%arg9 : memref<80x128xf32, #tpu.memory_space<vmem>>)
      %mul3A_135 = arith.constant 10000 : i32
      %mul3A_136 = arith.muli %add3A, %mul3A_135 : i32
      %mul3A_137 = arith.constant 80 : i32
      %mul3A_138 = arith.muli %add3A_119, %mul3A_137 : i32
      %add3A_139 = arith.addi %mul3A_136, %mul3A_138 : i32
      %dma_start3A_140 = arith.constant 0 : i32
      %dma_start3A_141 = tpu.memref_slice %arg4[%add3A_139, %dma_start3A_140] : memref<320000x128xf32, #tpu.memory_space<hbm>> -> memref<80x128xf32, #tpu.memory_space<hbm>>
      %dma_start3A_142 = arith.constant 0 : i32
      %dma_start3A_143 = tpu.memref_slice %arg4[%add3A_139, %dma_start3A_142] : memref<320000x128xf32, #tpu.memory_space<hbm>> -> memref<80x128xf32, #tpu.memory_space<hbm>>
      tpu.enqueue_dma source(%arg9 : memref<80x128xf32, #tpu.memory_space<vmem>>) target(%dma_start3A_143 : memref<80x128xf32, #tpu.memory_space<hbm>>) target_semaphore(%arg19 : memref<!tpu.dma_semaphore, #tpu.memory_space<semaphore_mem>>)
      %mul3A_144 = arith.constant 5 : i32
      %mul3A_145 = arith.muli %mul3A_144, %scan3A_35 : i32
      %add3A_146 = arith.constant 4 : i32
      %add3A_147 = arith.addi %mul3A_145, %add3A_146 : i32
      %ge3A_148 = arith.constant 4 : i32
      %ge3A_149 = arith.cmpi sge, %add3A_147, %ge3A_148 : i32
      %convert_element_type3A_150 = arith.extui %ge3A_149 : i1 to i32
      %cond3A_151 = arith.constant 0 : i32
      %cond3A_152 = arith.cmpi ne, %convert_element_type3A_150, %cond3A_151 : i32
      scf.if %cond3A_152 {
        %dma_wait3A_172 = arith.constant 0 : i32
        %dma_wait3A_173 = arith.constant 0 : i32
        %dma_wait3A_174 = tpu.memref_slice %arg4[%dma_wait3A_172, %dma_wait3A_173] : memref<320000x128xf32, #tpu.memory_space<hbm>> -> memref<80x128xf32, #tpu.memory_space<hbm>>
        %dma_wait3A_175 = arith.constant 0 : i32
        %dma_wait3A_176 = arith.constant 0 : i32
        %dma_wait3A_177 = tpu.memref_slice %arg4[%dma_wait3A_175, %dma_wait3A_176] : memref<320000x128xf32, #tpu.memory_space<hbm>> -> memref<80x128xf32, #tpu.memory_space<hbm>>
        tpu.wait_dma2 semaphore(%arg16 : memref<!tpu.dma_semaphore, #tpu.memory_space<semaphore_mem>>) src(%arg6 : memref<80x128xf32, #tpu.memory_space<vmem>>) dst(%dma_wait3A_177 : memref<80x128xf32, #tpu.memory_space<hbm>>)
      } else {
      }
      %lt3A_153 = arith.constant 124 : i32
      %lt3A_154 = arith.cmpi slt, %add3A_147, %lt3A_153 : i32
      %convert_element_type3A_155 = arith.extui %lt3A_154 : i1 to i32
      %cond3A_156 = arith.constant 0 : i32
      %cond3A_157 = arith.cmpi ne, %convert_element_type3A_155, %cond3A_156 : i32
      scf.if %cond3A_157 {
        %add3A_172 = arith.constant 1 : i32
        %add3A_173 = arith.addi %add3A_147, %add3A_172 : i32
        %mul3A_174 = arith.constant 80 : i32
        %mul3A_175 = arith.muli %add3A_173, %mul3A_174 : i32
        %multiple_of3A_176 = tpu.assume_multiple %mul3A_175, 16 : i32
        %dma_start3A_177 = tpu.memref_slice %arg5[%multiple_of3A_176] : memref<10000xi32, #tpu.memory_space<vmem>> -> memref<80xi32, #tpu.memory_space<vmem>>
        %dma_start3A_178 = arith.constant 0 : i32
        %dma_start3A_179 = arith.constant 0 : i32
        %dma_start3A_180 = tpu.memref_slice %arg2[%dma_start3A_178, %dma_start3A_179] : memref<10000x128xf32, #tpu.memory_space<hbm>> -> memref<10000x128xf32, #tpu.memory_space<hbm>>
        tpu.enqueue_indirect_dma source(%dma_start3A_180 : memref<10000x128xf32, #tpu.memory_space<hbm>>) target(%arg6 : memref<80x128xf32, #tpu.memory_space<vmem>>) offsets(%dma_start3A_177 : memref<80xi32, #tpu.memory_space<vmem>>) semaphore(%arg11 : memref<!tpu.dma_semaphore, #tpu.memory_space<semaphore_mem>>)
      } else {
      }
      %dma_wait3A_158 = arith.constant 0 : i32
      %dma_wait3A_159 = tpu.memref_slice %arg5[%dma_wait3A_158] : memref<10000xi32, #tpu.memory_space<vmem>> -> memref<80xi32, #tpu.memory_space<vmem>>
      %dma_wait3A_160 = arith.constant 0 : i32
      %dma_wait3A_161 = arith.constant 0 : i32
      %dma_wait3A_162 = tpu.memref_slice %arg2[%dma_wait3A_160, %dma_wait3A_161] : memref<10000x128xf32, #tpu.memory_space<hbm>> -> memref<10000x128xf32, #tpu.memory_space<hbm>>
      tpu.wait_indirect_dma semaphore(%arg15 : memref<!tpu.dma_semaphore, #tpu.memory_space<semaphore_mem>>) src(%dma_wait3A_162 : memref<10000x128xf32, #tpu.memory_space<hbm>>) dst(%arg10 : memref<80x128xf32, #tpu.memory_space<vmem>>)
      %mul3A_163 = arith.constant 10000 : i32
      %mul3A_164 = arith.muli %add3A, %mul3A_163 : i32
      %mul3A_165 = arith.constant 80 : i32
      %mul3A_166 = arith.muli %add3A_147, %mul3A_165 : i32
      %add3A_167 = arith.addi %mul3A_164, %mul3A_166 : i32
      %dma_start3A_168 = arith.constant 0 : i32
      %dma_start3A_169 = tpu.memref_slice %arg4[%add3A_167, %dma_start3A_168] : memref<320000x128xf32, #tpu.memory_space<hbm>> -> memref<80x128xf32, #tpu.memory_space<hbm>>
      %dma_start3A_170 = arith.constant 0 : i32
      %dma_start3A_171 = tpu.memref_slice %arg4[%add3A_167, %dma_start3A_170] : memref<320000x128xf32, #tpu.memory_space<hbm>> -> memref<80x128xf32, #tpu.memory_space<hbm>>
      tpu.enqueue_dma source(%arg10 : memref<80x128xf32, #tpu.memory_space<vmem>>) target(%dma_start3A_171 : memref<80x128xf32, #tpu.memory_space<hbm>>) target_semaphore(%arg20 : memref<!tpu.dma_semaphore, #tpu.memory_space<semaphore_mem>>)
    }
    %scan3A_11 = arith.constant 25 : i32
    %dma_wait3A = arith.constant 0 : i32
    %dma_wait3A_12 = arith.constant 0 : i32
    %dma_wait3A_13 = tpu.memref_slice %arg4[%dma_wait3A, %dma_wait3A_12] : memref<320000x128xf32, #tpu.memory_space<hbm>> -> memref<80x128xf32, #tpu.memory_space<hbm>>
    %dma_wait3A_14 = arith.constant 0 : i32
    %dma_wait3A_15 = arith.constant 0 : i32
    %dma_wait3A_16 = tpu.memref_slice %arg4[%dma_wait3A_14, %dma_wait3A_15] : memref<320000x128xf32, #tpu.memory_space<hbm>> -> memref<80x128xf32, #tpu.memory_space<hbm>>
    tpu.wait_dma2 semaphore(%arg17 : memref<!tpu.dma_semaphore, #tpu.memory_space<semaphore_mem>>) src(%arg7 : memref<80x128xf32, #tpu.memory_space<vmem>>) dst(%dma_wait3A_16 : memref<80x128xf32, #tpu.memory_space<hbm>>)
    %dma_wait3A_17 = arith.constant 0 : i32
    %dma_wait3A_18 = arith.constant 0 : i32
    %dma_wait3A_19 = tpu.memref_slice %arg4[%dma_wait3A_17, %dma_wait3A_18] : memref<320000x128xf32, #tpu.memory_space<hbm>> -> memref<80x128xf32, #tpu.memory_space<hbm>>
    %dma_wait3A_20 = arith.constant 0 : i32
    %dma_wait3A_21 = arith.constant 0 : i32
    %dma_wait3A_22 = tpu.memref_slice %arg4[%dma_wait3A_20, %dma_wait3A_21] : memref<320000x128xf32, #tpu.memory_space<hbm>> -> memref<80x128xf32, #tpu.memory_space<hbm>>
    tpu.wait_dma2 semaphore(%arg18 : memref<!tpu.dma_semaphore, #tpu.memory_space<semaphore_mem>>) src(%arg8 : memref<80x128xf32, #tpu.memory_space<vmem>>) dst(%dma_wait3A_22 : memref<80x128xf32, #tpu.memory_space<hbm>>)
    %dma_wait3A_23 = arith.constant 0 : i32
    %dma_wait3A_24 = arith.constant 0 : i32
    %dma_wait3A_25 = tpu.memref_slice %arg4[%dma_wait3A_23, %dma_wait3A_24] : memref<320000x128xf32, #tpu.memory_space<hbm>> -> memref<80x128xf32, #tpu.memory_space<hbm>>
    %dma_wait3A_26 = arith.constant 0 : i32
    %dma_wait3A_27 = arith.constant 0 : i32
    %dma_wait3A_28 = tpu.memref_slice %arg4[%dma_wait3A_26, %dma_wait3A_27] : memref<320000x128xf32, #tpu.memory_space<hbm>> -> memref<80x128xf32, #tpu.memory_space<hbm>>
    tpu.wait_dma2 semaphore(%arg19 : memref<!tpu.dma_semaphore, #tpu.memory_space<semaphore_mem>>) src(%arg9 : memref<80x128xf32, #tpu.memory_space<vmem>>) dst(%dma_wait3A_28 : memref<80x128xf32, #tpu.memory_space<hbm>>)
    %dma_wait3A_29 = arith.constant 0 : i32
    %dma_wait3A_30 = arith.constant 0 : i32
    %dma_wait3A_31 = tpu.memref_slice %arg4[%dma_wait3A_29, %dma_wait3A_30] : memref<320000x128xf32, #tpu.memory_space<hbm>> -> memref<80x128xf32, #tpu.memory_space<hbm>>
    %dma_wait3A_32 = arith.constant 0 : i32
    %dma_wait3A_33 = arith.constant 0 : i32
    %dma_wait3A_34 = tpu.memref_slice %arg4[%dma_wait3A_32, %dma_wait3A_33] : memref<320000x128xf32, #tpu.memory_space<hbm>> -> memref<80x128xf32, #tpu.memory_space<hbm>>
    tpu.wait_dma2 semaphore(%arg20 : memref<!tpu.dma_semaphore, #tpu.memory_space<semaphore_mem>>) src(%arg10 : memref<80x128xf32, #tpu.memory_space<vmem>>) dst(%dma_wait3A_34 : memref<80x128xf32, #tpu.memory_space<hbm>>)
    return
  }
}

#map = affine_map<(d0, d1) -> (0, 0)>
#map1 = affine_map<(d0, d1) -> (0)>
#map2 = affine_map<(d0, d1) -> (0, 0, 0)>
module attributes {stable_mosaic.version = 14 : i64} {
  func.func @_sc_scatter(%arg0: i32, %arg1: i32, %arg2: memref<320000x128xf32, #tpu.memory_space<hbm>>, %arg3: memref<320000xi32, #tpu.memory_space<hbm>>, %arg4: memref<10240x128xf32, #tpu.memory_space<hbm>>, %arg5: memref<2x10240x128xf32, #tpu.memory_space<hbm>>, %arg6: memref<10000xi32, #tpu.memory_space<vmem>>, %arg7: memref<80xi32, #tpu.memory_space<vmem>>, %arg8: memref<80xi32, #tpu.memory_space<vmem>>, %arg9: memref<80x128xf32, #tpu.memory_space<vmem>>, %arg10: memref<80x128xf32, #tpu.memory_space<vmem>>, %arg11: memref<10240x128xf32, #tpu.memory_space<vmem_shared>>, %arg12: memref<!tpu.dma_semaphore, #tpu.memory_space<semaphore_mem>>, %arg13: memref<!tpu.dma_semaphore, #tpu.memory_space<semaphore_mem>>, %arg14: memref<!tpu.dma_semaphore, #tpu.memory_space<semaphore_mem>>, %arg15: memref<!tpu.dma_semaphore, #tpu.memory_space<semaphore_mem>>) attributes {dimension_semantics = [#tpu.dimension_semantics<core_parallel>, #tpu.dimension_semantics<subcore_parallel>], iteration_bounds = array<i64: 2, 16>, scalar_prefetch = 0 : i64, scratch_operands = 10 : i64, tpu.core_type = #tpu.core_type<sc_vector_subcore>, window_params = [{transform_indices = #map}, {transform_indices = #map1}, {transform_indices = #map}, {transform_indices = #map2}]} {
    %mul3A = arith.constant 2 : i32
    %mul3A_0 = arith.muli %arg1, %mul3A : i32
    %add3A = arith.addi %mul3A_0, %arg0 : i32
    %mul3A_1 = arith.constant 640 : i32
    %mul3A_2 = arith.muli %arg1, %mul3A_1 : i32
    %mul3A_3 = arith.constant 640 : i32
    %mul3A_4 = arith.muli %arg1, %mul3A_3 : i32
    "tpu.region"() ({
      %run_scoped3A = tpu.sem_alloc : memref<!tpu.dma_semaphore, #tpu.memory_space<semaphore_mem>>
      %dma_start3A_82 = arith.constant 0 : i32
      %dma_start3A_83 = tpu.memref_slice %arg11[%mul3A_4, %dma_start3A_82] : memref<10240x128xf32, #tpu.memory_space<vmem_shared>> -> memref<640x128xf32, #tpu.memory_space<vmem_shared>>
      %dma_start3A_84 = arith.constant 0 : i32
      %dma_start3A_85 = tpu.memref_slice %arg4[%mul3A_2, %dma_start3A_84] : memref<10240x128xf32, #tpu.memory_space<hbm>> -> memref<640x128xf32, #tpu.memory_space<hbm>>
      tpu.enqueue_dma source(%dma_start3A_85 : memref<640x128xf32, #tpu.memory_space<hbm>>) target(%dma_start3A_83 : memref<640x128xf32, #tpu.memory_space<vmem_shared>>) target_semaphore(%run_scoped3A : memref<!tpu.dma_semaphore, #tpu.memory_space<semaphore_mem>>)
      %dma_wait3A_86 = arith.constant 0 : i32
      %dma_wait3A_87 = tpu.memref_slice %arg11[%mul3A_4, %dma_wait3A_86] : memref<10240x128xf32, #tpu.memory_space<vmem_shared>> -> memref<640x128xf32, #tpu.memory_space<vmem_shared>>
      %dma_wait3A_88 = arith.constant 0 : i32
      %dma_wait3A_89 = tpu.memref_slice %arg4[%mul3A_2, %dma_wait3A_88] : memref<10240x128xf32, #tpu.memory_space<hbm>> -> memref<640x128xf32, #tpu.memory_space<hbm>>
      tpu.wait_dma2 semaphore(%run_scoped3A : memref<!tpu.dma_semaphore, #tpu.memory_space<semaphore_mem>>) src(%dma_wait3A_89 : memref<640x128xf32, #tpu.memory_space<hbm>>) dst(%dma_wait3A_87 : memref<640x128xf32, #tpu.memory_space<vmem_shared>>)
      tpu.yield
    }) : () -> ()
    %mul3A_5 = arith.constant 10000 : i32
    %mul3A_6 = arith.muli %add3A, %mul3A_5 : i32
    "tpu.region"() ({
      %run_scoped3A = tpu.sem_alloc : memref<!tpu.dma_semaphore, #tpu.memory_space<semaphore_mem>>
      %dma_start3A_82 = tpu.memref_slice %arg3[%mul3A_6] : memref<320000xi32, #tpu.memory_space<hbm>> -> memref<10000xi32, #tpu.memory_space<hbm>>
      %dma_start3A_83 = tpu.memref_slice %arg3[%mul3A_6] : memref<320000xi32, #tpu.memory_space<hbm>> -> memref<10000xi32, #tpu.memory_space<hbm>>
      tpu.enqueue_dma source(%dma_start3A_83 : memref<10000xi32, #tpu.memory_space<hbm>>) target(%arg6 : memref<10000xi32, #tpu.memory_space<vmem>>) target_semaphore(%run_scoped3A : memref<!tpu.dma_semaphore, #tpu.memory_space<semaphore_mem>>)
      %dma_wait3A_84 = tpu.memref_slice %arg3[%mul3A_6] : memref<320000xi32, #tpu.memory_space<hbm>> -> memref<10000xi32, #tpu.memory_space<hbm>>
      %dma_wait3A_85 = tpu.memref_slice %arg3[%mul3A_6] : memref<320000xi32, #tpu.memory_space<hbm>> -> memref<10000xi32, #tpu.memory_space<hbm>>
      tpu.wait_dma2 semaphore(%run_scoped3A : memref<!tpu.dma_semaphore, #tpu.memory_space<semaphore_mem>>) src(%dma_wait3A_85 : memref<10000xi32, #tpu.memory_space<hbm>>) dst(%arg6 : memref<10000xi32, #tpu.memory_space<vmem>>)
      tpu.yield
    }) : () -> ()
    %barrier3A = arith.constant 0 : index
    tpu.barrier barrier_id(%barrier3A)
    %mul3A_7 = arith.constant 10000 : i32
    %mul3A_8 = arith.muli %add3A, %mul3A_7 : i32
    %add3A_9 = arith.constant 0 : i32
    %add3A_10 = arith.addi %mul3A_8, %add3A_9 : i32
    %dma_start3A = arith.constant 0 : i32
    %dma_start3A_11 = tpu.memref_slice %arg2[%add3A_10, %dma_start3A] : memref<320000x128xf32, #tpu.memory_space<hbm>> -> memref<80x128xf32, #tpu.memory_space<hbm>>
    %dma_start3A_12 = arith.constant 0 : i32
    %dma_start3A_13 = tpu.memref_slice %arg2[%add3A_10, %dma_start3A_12] : memref<320000x128xf32, #tpu.memory_space<hbm>> -> memref<80x128xf32, #tpu.memory_space<hbm>>
    tpu.enqueue_dma source(%dma_start3A_13 : memref<80x128xf32, #tpu.memory_space<hbm>>) target(%arg9 : memref<80x128xf32, #tpu.memory_space<vmem>>) target_semaphore(%arg12 : memref<!tpu.dma_semaphore, #tpu.memory_space<semaphore_mem>>)
    %multiple_of3A = arith.constant 0 : i32
    %multiple_of3A_14 = tpu.assume_multiple %multiple_of3A, 16 : i32
    %add3A_15 = arith.constant 0 : i32
    %add3A_16 = arith.addi %multiple_of3A_14, %add3A_15 : i32
    %get3A = arith.index_cast %add3A_16 : i32 to index
    %get3A_17 = tpu.vector_load %arg6[%get3A] {strides = array<i32>} : memref<10000xi32, #tpu.memory_space<vmem>>, vector<16xi32>,
    %get3A_18 = vector.shape_cast %get3A_17 : vector<16xi32> to vector<16xi32>
    %swap3A = arith.constant 0 : index
    %swap3A_19 = tpu.vector_load %arg7[%swap3A] {strides = array<i32>} : memref<80xi32, #tpu.memory_space<vmem>>, vector<16xi32>,
    %swap3A_20 = vector.shape_cast %swap3A_19 : vector<16xi32> to vector<16xi32>
    %swap3A_21 = vector.shape_cast %get3A_18 : vector<16xi32> to vector<16xi32>
    tpu.vector_store %arg7[%swap3A], %swap3A_21 {strides = array<i32>} : memref<80xi32, #tpu.memory_space<vmem>>, vector<16xi32>,
    %add3A_22 = arith.constant 16 : i32
    %add3A_23 = arith.addi %multiple_of3A_14, %add3A_22 : i32
    %get3A_24 = arith.index_cast %add3A_23 : i32 to index
    %get3A_25 = tpu.vector_load %arg6[%get3A_24] {strides = array<i32>} : memref<10000xi32, #tpu.memory_space<vmem>>, vector<16xi32>,
    %get3A_26 = vector.shape_cast %get3A_25 : vector<16xi32> to vector<16xi32>
    %swap3A_27 = arith.constant 16 : index
    %swap3A_28 = tpu.vector_load %arg7[%swap3A_27] {strides = array<i32>} : memref<80xi32, #tpu.memory_space<vmem>>, vector<16xi32>,
    %swap3A_29 = vector.shape_cast %swap3A_28 : vector<16xi32> to vector<16xi32>
    %swap3A_30 = vector.shape_cast %get3A_26 : vector<16xi32> to vector<16xi32>
    tpu.vector_store %arg7[%swap3A_27], %swap3A_30 {strides = array<i32>} : memref<80xi32, #tpu.memory_space<vmem>>, vector<16xi32>,
    %add3A_31 = arith.constant 32 : i32
    %add3A_32 = arith.addi %multiple_of3A_14, %add3A_31 : i32
    %get3A_33 = arith.index_cast %add3A_32 : i32 to index
    %get3A_34 = tpu.vector_load %arg6[%get3A_33] {strides = array<i32>} : memref<10000xi32, #tpu.memory_space<vmem>>, vector<16xi32>,
    %get3A_35 = vector.shape_cast %get3A_34 : vector<16xi32> to vector<16xi32>
    %swap3A_36 = arith.constant 32 : index
    %swap3A_37 = tpu.vector_load %arg7[%swap3A_36] {strides = array<i32>} : memref<80xi32, #tpu.memory_space<vmem>>, vector<16xi32>,
    %swap3A_38 = vector.shape_cast %swap3A_37 : vector<16xi32> to vector<16xi32>
    %swap3A_39 = vector.shape_cast %get3A_35 : vector<16xi32> to vector<16xi32>
    tpu.vector_store %arg7[%swap3A_36], %swap3A_39 {strides = array<i32>} : memref<80xi32, #tpu.memory_space<vmem>>, vector<16xi32>,
    %add3A_40 = arith.constant 48 : i32
    %add3A_41 = arith.addi %multiple_of3A_14, %add3A_40 : i32
    %get3A_42 = arith.index_cast %add3A_41 : i32 to index
    %get3A_43 = tpu.vector_load %arg6[%get3A_42] {strides = array<i32>} : memref<10000xi32, #tpu.memory_space<vmem>>, vector<16xi32>,
    %get3A_44 = vector.shape_cast %get3A_43 : vector<16xi32> to vector<16xi32>
    %swap3A_45 = arith.constant 48 : index
    %swap3A_46 = tpu.vector_load %arg7[%swap3A_45] {strides = array<i32>} : memref<80xi32, #tpu.memory_space<vmem>>, vector<16xi32>,
    %swap3A_47 = vector.shape_cast %swap3A_46 : vector<16xi32> to vector<16xi32>
    %swap3A_48 = vector.shape_cast %get3A_44 : vector<16xi32> to vector<16xi32>
    tpu.vector_store %arg7[%swap3A_45], %swap3A_48 {strides = array<i32>} : memref<80xi32, #tpu.memory_space<vmem>>, vector<16xi32>,
    %add3A_49 = arith.constant 64 : i32
    %add3A_50 = arith.addi %multiple_of3A_14, %add3A_49 : i32
    %get3A_51 = arith.index_cast %add3A_50 : i32 to index
    %get3A_52 = tpu.vector_load %arg6[%get3A_51] {strides = array<i32>} : memref<10000xi32, #tpu.memory_space<vmem>>, vector<16xi32>,
    %get3A_53 = vector.shape_cast %get3A_52 : vector<16xi32> to vector<16xi32>
    %swap3A_54 = arith.constant 64 : index
    %swap3A_55 = tpu.vector_load %arg7[%swap3A_54] {strides = array<i32>} : memref<80xi32, #tpu.memory_space<vmem>>, vector<16xi32>,
    %swap3A_56 = vector.shape_cast %swap3A_55 : vector<16xi32> to vector<16xi32>
    %swap3A_57 = vector.shape_cast %get3A_53 : vector<16xi32> to vector<16xi32>
    tpu.vector_store %arg7[%swap3A_54], %swap3A_57 {strides = array<i32>} : memref<80xi32, #tpu.memory_space<vmem>>, vector<16xi32>,
    %scan3A = arith.constant 0 : i32
    %scan3A_58 = arith.constant 0 : i32
    %scan3A_59 = arith.constant 62 : i32
    %scan3A_60 = arith.addi %scan3A_58, %scan3A_59 : i32
    %scan3A_61 = arith.constant 1 : i32
    scf.for %scan3A_82 = %scan3A_58 to %scan3A_60 step %scan3A_61  : i32 {
      %mul3A_83 = arith.constant 2 : i32
      %mul3A_84 = arith.muli %mul3A_83, %scan3A_82 : i32
      %add3A_85 = arith.constant 0 : i32
      %add3A_86 = arith.addi %mul3A_84, %add3A_85 : i32
      %ge3A = arith.constant 1 : i32
      %ge3A_87 = arith.cmpi sge, %add3A_86, %ge3A : i32
      %convert_element_type3A = arith.extui %ge3A_87 : i1 to i32
      %cond3A = arith.constant 0 : i32
      %cond3A_88 = arith.cmpi ne, %convert_element_type3A, %cond3A : i32
      scf.if %cond3A_88 {
        %dma_wait3A_234 = arith.constant 0 : i32
        %dma_wait3A_235 = arith.constant 0 : i32
        %dma_wait3A_236 = tpu.memref_slice %arg11[%dma_wait3A_234, %dma_wait3A_235] : memref<10240x128xf32, #tpu.memory_space<vmem_shared>> -> memref<10240x128xf32, #tpu.memory_space<vmem_shared>>
        tpu.wait_indirect_dma semaphore(%arg15 : memref<!tpu.dma_semaphore, #tpu.memory_space<semaphore_mem>>) src(%arg10 : memref<80x128xf32, #tpu.memory_space<vmem>>) dst(%dma_wait3A_236 : memref<10240x128xf32, #tpu.memory_space<vmem_shared>>)
      } else {
      }
      %add3A_89 = arith.constant 1 : i32
      %add3A_90 = arith.addi %add3A_86, %add3A_89 : i32
      %mul3A_91 = arith.constant 10000 : i32
      %mul3A_92 = arith.muli %add3A, %mul3A_91 : i32
      %mul3A_93 = arith.constant 80 : i32
      %mul3A_94 = arith.muli %add3A_90, %mul3A_93 : i32
      %add3A_95 = arith.addi %mul3A_92, %mul3A_94 : i32
      %dma_start3A_96 = arith.constant 0 : i32
      %dma_start3A_97 = tpu.memref_slice %arg2[%add3A_95, %dma_start3A_96] : memref<320000x128xf32, #tpu.memory_space<hbm>> -> memref<80x128xf32, #tpu.memory_space<hbm>>
      %dma_start3A_98 = arith.constant 0 : i32
      %dma_start3A_99 = tpu.memref_slice %arg2[%add3A_95, %dma_start3A_98] : memref<320000x128xf32, #tpu.memory_space<hbm>> -> memref<80x128xf32, #tpu.memory_space<hbm>>
      tpu.enqueue_dma source(%dma_start3A_99 : memref<80x128xf32, #tpu.memory_space<hbm>>) target(%arg10 : memref<80x128xf32, #tpu.memory_space<vmem>>) target_semaphore(%arg13 : memref<!tpu.dma_semaphore, #tpu.memory_space<semaphore_mem>>)
      %mul3A_100 = arith.constant 80 : i32
      %mul3A_101 = arith.muli %add3A_90, %mul3A_100 : i32
      %multiple_of3A_102 = tpu.assume_multiple %mul3A_101, 16 : i32
      %add3A_103 = arith.constant 0 : i32
      %add3A_104 = arith.addi %multiple_of3A_102, %add3A_103 : i32
      %get3A_105 = arith.index_cast %add3A_104 : i32 to index
      %get3A_106 = tpu.vector_load %arg6[%get3A_105] {strides = array<i32>} : memref<10000xi32, #tpu.memory_space<vmem>>, vector<16xi32>,
      %get3A_107 = vector.shape_cast %get3A_106 : vector<16xi32> to vector<16xi32>
      %swap3A_108 = arith.constant 0 : index
      %swap3A_109 = tpu.vector_load %arg8[%swap3A_108] {strides = array<i32>} : memref<80xi32, #tpu.memory_space<vmem>>, vector<16xi32>,
      %swap3A_110 = vector.shape_cast %swap3A_109 : vector<16xi32> to vector<16xi32>
      %swap3A_111 = vector.shape_cast %get3A_107 : vector<16xi32> to vector<16xi32>
      tpu.vector_store %arg8[%swap3A_108], %swap3A_111 {strides = array<i32>} : memref<80xi32, #tpu.memory_space<vmem>>, vector<16xi32>,
      %add3A_112 = arith.constant 16 : i32
      %add3A_113 = arith.addi %multiple_of3A_102, %add3A_112 : i32
      %get3A_114 = arith.index_cast %add3A_113 : i32 to index
      %get3A_115 = tpu.vector_load %arg6[%get3A_114] {strides = array<i32>} : memref<10000xi32, #tpu.memory_space<vmem>>, vector<16xi32>,
      %get3A_116 = vector.shape_cast %get3A_115 : vector<16xi32> to vector<16xi32>
      %swap3A_117 = arith.constant 16 : index
      %swap3A_118 = tpu.vector_load %arg8[%swap3A_117] {strides = array<i32>} : memref<80xi32, #tpu.memory_space<vmem>>, vector<16xi32>,
      %swap3A_119 = vector.shape_cast %swap3A_118 : vector<16xi32> to vector<16xi32>
      %swap3A_120 = vector.shape_cast %get3A_116 : vector<16xi32> to vector<16xi32>
      tpu.vector_store %arg8[%swap3A_117], %swap3A_120 {strides = array<i32>} : memref<80xi32, #tpu.memory_space<vmem>>, vector<16xi32>,
      %add3A_121 = arith.constant 32 : i32
      %add3A_122 = arith.addi %multiple_of3A_102, %add3A_121 : i32
      %get3A_123 = arith.index_cast %add3A_122 : i32 to index
      %get3A_124 = tpu.vector_load %arg6[%get3A_123] {strides = array<i32>} : memref<10000xi32, #tpu.memory_space<vmem>>, vector<16xi32>,
      %get3A_125 = vector.shape_cast %get3A_124 : vector<16xi32> to vector<16xi32>
      %swap3A_126 = arith.constant 32 : index
      %swap3A_127 = tpu.vector_load %arg8[%swap3A_126] {strides = array<i32>} : memref<80xi32, #tpu.memory_space<vmem>>, vector<16xi32>,
      %swap3A_128 = vector.shape_cast %swap3A_127 : vector<16xi32> to vector<16xi32>
      %swap3A_129 = vector.shape_cast %get3A_125 : vector<16xi32> to vector<16xi32>
      tpu.vector_store %arg8[%swap3A_126], %swap3A_129 {strides = array<i32>} : memref<80xi32, #tpu.memory_space<vmem>>, vector<16xi32>,
      %add3A_130 = arith.constant 48 : i32
      %add3A_131 = arith.addi %multiple_of3A_102, %add3A_130 : i32
      %get3A_132 = arith.index_cast %add3A_131 : i32 to index
      %get3A_133 = tpu.vector_load %arg6[%get3A_132] {strides = array<i32>} : memref<10000xi32, #tpu.memory_space<vmem>>, vector<16xi32>,
      %get3A_134 = vector.shape_cast %get3A_133 : vector<16xi32> to vector<16xi32>
      %swap3A_135 = arith.constant 48 : index
      %swap3A_136 = tpu.vector_load %arg8[%swap3A_135] {strides = array<i32>} : memref<80xi32, #tpu.memory_space<vmem>>, vector<16xi32>,
      %swap3A_137 = vector.shape_cast %swap3A_136 : vector<16xi32> to vector<16xi32>
      %swap3A_138 = vector.shape_cast %get3A_134 : vector<16xi32> to vector<16xi32>
      tpu.vector_store %arg8[%swap3A_135], %swap3A_138 {strides = array<i32>} : memref<80xi32, #tpu.memory_space<vmem>>, vector<16xi32>,
      %add3A_139 = arith.constant 64 : i32
      %add3A_140 = arith.addi %multiple_of3A_102, %add3A_139 : i32
      %get3A_141 = arith.index_cast %add3A_140 : i32 to index
      %get3A_142 = tpu.vector_load %arg6[%get3A_141] {strides = array<i32>} : memref<10000xi32, #tpu.memory_space<vmem>>, vector<16xi32>,
      %get3A_143 = vector.shape_cast %get3A_142 : vector<16xi32> to vector<16xi32>
      %swap3A_144 = arith.constant 64 : index
      %swap3A_145 = tpu.vector_load %arg8[%swap3A_144] {strides = array<i32>} : memref<80xi32, #tpu.memory_space<vmem>>, vector<16xi32>,
      %swap3A_146 = vector.shape_cast %swap3A_145 : vector<16xi32> to vector<16xi32>
      %swap3A_147 = vector.shape_cast %get3A_143 : vector<16xi32> to vector<16xi32>
      tpu.vector_store %arg8[%swap3A_144], %swap3A_147 {strides = array<i32>} : memref<80xi32, #tpu.memory_space<vmem>>, vector<16xi32>,
      %dma_wait3A_148 = arith.constant 0 : i32
      %dma_wait3A_149 = arith.constant 0 : i32
      %dma_wait3A_150 = tpu.memref_slice %arg2[%dma_wait3A_148, %dma_wait3A_149] : memref<320000x128xf32, #tpu.memory_space<hbm>> -> memref<80x128xf32, #tpu.memory_space<hbm>>
      %dma_wait3A_151 = arith.constant 0 : i32
      %dma_wait3A_152 = arith.constant 0 : i32
      %dma_wait3A_153 = tpu.memref_slice %arg2[%dma_wait3A_151, %dma_wait3A_152] : memref<320000x128xf32, #tpu.memory_space<hbm>> -> memref<80x128xf32, #tpu.memory_space<hbm>>
      tpu.wait_dma2 semaphore(%arg12 : memref<!tpu.dma_semaphore, #tpu.memory_space<semaphore_mem>>) src(%dma_wait3A_153 : memref<80x128xf32, #tpu.memory_space<hbm>>) dst(%arg9 : memref<80x128xf32, #tpu.memory_space<vmem>>)
      %dma_start3A_154 = arith.constant 0 : i32
      %dma_start3A_155 = arith.constant 0 : i32
      %dma_start3A_156 = tpu.memref_slice %arg11[%dma_start3A_154, %dma_start3A_155] : memref<10240x128xf32, #tpu.memory_space<vmem_shared>> -> memref<10240x128xf32, #tpu.memory_space<vmem_shared>>
      tpu.enqueue_indirect_dma source(%arg9 : memref<80x128xf32, #tpu.memory_space<vmem>>) target(%dma_start3A_156 : memref<10240x128xf32, #tpu.memory_space<vmem_shared>>) offsets(%arg7 : memref<80xi32, #tpu.memory_space<vmem>>) semaphore(%arg14 : memref<!tpu.dma_semaphore, #tpu.memory_space<semaphore_mem>>) {add = true}
      %mul3A_157 = arith.constant 2 : i32
      %mul3A_158 = arith.muli %mul3A_157, %scan3A_82 : i32
      %add3A_159 = arith.constant 1 : i32
      %add3A_160 = arith.addi %mul3A_158, %add3A_159 : i32
      %ge3A_161 = arith.constant 1 : i32
      %ge3A_162 = arith.cmpi sge, %add3A_160, %ge3A_161 : i32
      %convert_element_type3A_163 = arith.extui %ge3A_162 : i1 to i32
      %cond3A_164 = arith.constant 0 : i32
      %cond3A_165 = arith.cmpi ne, %convert_element_type3A_163, %cond3A_164 : i32
      scf.if %cond3A_165 {
        %dma_wait3A_234 = arith.constant 0 : i32
        %dma_wait3A_235 = arith.constant 0 : i32
        %dma_wait3A_236 = tpu.memref_slice %arg11[%dma_wait3A_234, %dma_wait3A_235] : memref<10240x128xf32, #tpu.memory_space<vmem_shared>> -> memref<10240x128xf32, #tpu.memory_space<vmem_shared>>
        tpu.wait_indirect_dma semaphore(%arg14 : memref<!tpu.dma_semaphore, #tpu.memory_space<semaphore_mem>>) src(%arg9 : memref<80x128xf32, #tpu.memory_space<vmem>>) dst(%dma_wait3A_236 : memref<10240x128xf32, #tpu.memory_space<vmem_shared>>)
      } else {
      }
      %add3A_166 = arith.constant 1 : i32
      %add3A_167 = arith.addi %add3A_160, %add3A_166 : i32
      %mul3A_168 = arith.constant 10000 : i32
      %mul3A_169 = arith.muli %add3A, %mul3A_168 : i32
      %mul3A_170 = arith.constant 80 : i32
      %mul3A_171 = arith.muli %add3A_167, %mul3A_170 : i32
      %add3A_172 = arith.addi %mul3A_169, %mul3A_171 : i32
      %dma_start3A_173 = arith.constant 0 : i32
      %dma_start3A_174 = tpu.memref_slice %arg2[%add3A_172, %dma_start3A_173] : memref<320000x128xf32, #tpu.memory_space<hbm>> -> memref<80x128xf32, #tpu.memory_space<hbm>>
      %dma_start3A_175 = arith.constant 0 : i32
      %dma_start3A_176 = tpu.memref_slice %arg2[%add3A_172, %dma_start3A_175] : memref<320000x128xf32, #tpu.memory_space<hbm>> -> memref<80x128xf32, #tpu.memory_space<hbm>>
      tpu.enqueue_dma source(%dma_start3A_176 : memref<80x128xf32, #tpu.memory_space<hbm>>) target(%arg9 : memref<80x128xf32, #tpu.memory_space<vmem>>) target_semaphore(%arg12 : memref<!tpu.dma_semaphore, #tpu.memory_space<semaphore_mem>>)
      %mul3A_177 = arith.constant 80 : i32
      %mul3A_178 = arith.muli %add3A_167, %mul3A_177 : i32
      %multiple_of3A_179 = tpu.assume_multiple %mul3A_178, 16 : i32
      %add3A_180 = arith.constant 0 : i32
      %add3A_181 = arith.addi %multiple_of3A_179, %add3A_180 : i32
      %get3A_182 = arith.index_cast %add3A_181 : i32 to index
      %get3A_183 = tpu.vector_load %arg6[%get3A_182] {strides = array<i32>} : memref<10000xi32, #tpu.memory_space<vmem>>, vector<16xi32>,
      %get3A_184 = vector.shape_cast %get3A_183 : vector<16xi32> to vector<16xi32>
      %swap3A_185 = arith.constant 0 : index
      %swap3A_186 = tpu.vector_load %arg7[%swap3A_185] {strides = array<i32>} : memref<80xi32, #tpu.memory_space<vmem>>, vector<16xi32>,
      %swap3A_187 = vector.shape_cast %swap3A_186 : vector<16xi32> to vector<16xi32>
      %swap3A_188 = vector.shape_cast %get3A_184 : vector<16xi32> to vector<16xi32>
      tpu.vector_store %arg7[%swap3A_185], %swap3A_188 {strides = array<i32>} : memref<80xi32, #tpu.memory_space<vmem>>, vector<16xi32>,
      %add3A_189 = arith.constant 16 : i32
      %add3A_190 = arith.addi %multiple_of3A_179, %add3A_189 : i32
      %get3A_191 = arith.index_cast %add3A_190 : i32 to index
      %get3A_192 = tpu.vector_load %arg6[%get3A_191] {strides = array<i32>} : memref<10000xi32, #tpu.memory_space<vmem>>, vector<16xi32>,
      %get3A_193 = vector.shape_cast %get3A_192 : vector<16xi32> to vector<16xi32>
      %swap3A_194 = arith.constant 16 : index
      %swap3A_195 = tpu.vector_load %arg7[%swap3A_194] {strides = array<i32>} : memref<80xi32, #tpu.memory_space<vmem>>, vector<16xi32>,
      %swap3A_196 = vector.shape_cast %swap3A_195 : vector<16xi32> to vector<16xi32>
      %swap3A_197 = vector.shape_cast %get3A_193 : vector<16xi32> to vector<16xi32>
      tpu.vector_store %arg7[%swap3A_194], %swap3A_197 {strides = array<i32>} : memref<80xi32, #tpu.memory_space<vmem>>, vector<16xi32>,
      %add3A_198 = arith.constant 32 : i32
      %add3A_199 = arith.addi %multiple_of3A_179, %add3A_198 : i32
      %get3A_200 = arith.index_cast %add3A_199 : i32 to index
      %get3A_201 = tpu.vector_load %arg6[%get3A_200] {strides = array<i32>} : memref<10000xi32, #tpu.memory_space<vmem>>, vector<16xi32>,
      %get3A_202 = vector.shape_cast %get3A_201 : vector<16xi32> to vector<16xi32>
      %swap3A_203 = arith.constant 32 : index
      %swap3A_204 = tpu.vector_load %arg7[%swap3A_203] {strides = array<i32>} : memref<80xi32, #tpu.memory_space<vmem>>, vector<16xi32>,
      %swap3A_205 = vector.shape_cast %swap3A_204 : vector<16xi32> to vector<16xi32>
      %swap3A_206 = vector.shape_cast %get3A_202 : vector<16xi32> to vector<16xi32>
      tpu.vector_store %arg7[%swap3A_203], %swap3A_206 {strides = array<i32>} : memref<80xi32, #tpu.memory_space<vmem>>, vector<16xi32>,
      %add3A_207 = arith.constant 48 : i32
      %add3A_208 = arith.addi %multiple_of3A_179, %add3A_207 : i32
      %get3A_209 = arith.index_cast %add3A_208 : i32 to index
      %get3A_210 = tpu.vector_load %arg6[%get3A_209] {strides = array<i32>} : memref<10000xi32, #tpu.memory_space<vmem>>, vector<16xi32>,
      %get3A_211 = vector.shape_cast %get3A_210 : vector<16xi32> to vector<16xi32>
      %swap3A_212 = arith.constant 48 : index
      %swap3A_213 = tpu.vector_load %arg7[%swap3A_212] {strides = array<i32>} : memref<80xi32, #tpu.memory_space<vmem>>, vector<16xi32>,
      %swap3A_214 = vector.shape_cast %swap3A_213 : vector<16xi32> to vector<16xi32>
      %swap3A_215 = vector.shape_cast %get3A_211 : vector<16xi32> to vector<16xi32>
      tpu.vector_store %arg7[%swap3A_212], %swap3A_215 {strides = array<i32>} : memref<80xi32, #tpu.memory_space<vmem>>, vector<16xi32>,
      %add3A_216 = arith.constant 64 : i32
      %add3A_217 = arith.addi %multiple_of3A_179, %add3A_216 : i32
      %get3A_218 = arith.index_cast %add3A_217 : i32 to index
      %get3A_219 = tpu.vector_load %arg6[%get3A_218] {strides = array<i32>} : memref<10000xi32, #tpu.memory_space<vmem>>, vector<16xi32>,
      %get3A_220 = vector.shape_cast %get3A_219 : vector<16xi32> to vector<16xi32>
      %swap3A_221 = arith.constant 64 : index
      %swap3A_222 = tpu.vector_load %arg7[%swap3A_221] {strides = array<i32>} : memref<80xi32, #tpu.memory_space<vmem>>, vector<16xi32>,
      %swap3A_223 = vector.shape_cast %swap3A_222 : vector<16xi32> to vector<16xi32>
      %swap3A_224 = vector.shape_cast %get3A_220 : vector<16xi32> to vector<16xi32>
      tpu.vector_store %arg7[%swap3A_221], %swap3A_224 {strides = array<i32>} : memref<80xi32, #tpu.memory_space<vmem>>, vector<16xi32>,
      %dma_wait3A_225 = arith.constant 0 : i32
      %dma_wait3A_226 = arith.constant 0 : i32
      %dma_wait3A_227 = tpu.memref_slice %arg2[%dma_wait3A_225, %dma_wait3A_226] : memref<320000x128xf32, #tpu.memory_space<hbm>> -> memref<80x128xf32, #tpu.memory_space<hbm>>
      %dma_wait3A_228 = arith.constant 0 : i32
      %dma_wait3A_229 = arith.constant 0 : i32
      %dma_wait3A_230 = tpu.memref_slice %arg2[%dma_wait3A_228, %dma_wait3A_229] : memref<320000x128xf32, #tpu.memory_space<hbm>> -> memref<80x128xf32, #tpu.memory_space<hbm>>
      tpu.wait_dma2 semaphore(%arg13 : memref<!tpu.dma_semaphore, #tpu.memory_space<semaphore_mem>>) src(%dma_wait3A_230 : memref<80x128xf32, #tpu.memory_space<hbm>>) dst(%arg10 : memref<80x128xf32, #tpu.memory_space<vmem>>)
      %dma_start3A_231 = arith.constant 0 : i32
      %dma_start3A_232 = arith.constant 0 : i32
      %dma_start3A_233 = tpu.memref_slice %arg11[%dma_start3A_231, %dma_start3A_232] : memref<10240x128xf32, #tpu.memory_space<vmem_shared>> -> memref<10240x128xf32, #tpu.memory_space<vmem_shared>>
      tpu.enqueue_indirect_dma source(%arg10 : memref<80x128xf32, #tpu.memory_space<vmem>>) target(%dma_start3A_233 : memref<10240x128xf32, #tpu.memory_space<vmem_shared>>) offsets(%arg8 : memref<80xi32, #tpu.memory_space<vmem>>) semaphore(%arg15 : memref<!tpu.dma_semaphore, #tpu.memory_space<semaphore_mem>>) {add = true}
    }
    %scan3A_62 = arith.constant 62 : i32
    %dma_wait3A = arith.constant 0 : i32
    %dma_wait3A_63 = arith.constant 0 : i32
    %dma_wait3A_64 = tpu.memref_slice %arg2[%dma_wait3A, %dma_wait3A_63] : memref<320000x128xf32, #tpu.memory_space<hbm>> -> memref<80x128xf32, #tpu.memory_space<hbm>>
    %dma_wait3A_65 = arith.constant 0 : i32
    %dma_wait3A_66 = arith.constant 0 : i32
    %dma_wait3A_67 = tpu.memref_slice %arg2[%dma_wait3A_65, %dma_wait3A_66] : memref<320000x128xf32, #tpu.memory_space<hbm>> -> memref<80x128xf32, #tpu.memory_space<hbm>>
    tpu.wait_dma2 semaphore(%arg12 : memref<!tpu.dma_semaphore, #tpu.memory_space<semaphore_mem>>) src(%dma_wait3A_67 : memref<80x128xf32, #tpu.memory_space<hbm>>) dst(%arg9 : memref<80x128xf32, #tpu.memory_space<vmem>>)
    %dma_start3A_68 = arith.constant 0 : i32
    %dma_start3A_69 = arith.constant 0 : i32
    %dma_start3A_70 = tpu.memref_slice %arg11[%dma_start3A_68, %dma_start3A_69] : memref<10240x128xf32, #tpu.memory_space<vmem_shared>> -> memref<10240x128xf32, #tpu.memory_space<vmem_shared>>
    tpu.enqueue_indirect_dma source(%arg9 : memref<80x128xf32, #tpu.memory_space<vmem>>) target(%dma_start3A_70 : memref<10240x128xf32, #tpu.memory_space<vmem_shared>>) offsets(%arg7 : memref<80xi32, #tpu.memory_space<vmem>>) semaphore(%arg14 : memref<!tpu.dma_semaphore, #tpu.memory_space<semaphore_mem>>) {add = true}
    %dma_wait3A_71 = arith.constant 0 : i32
    %dma_wait3A_72 = arith.constant 0 : i32
    %dma_wait3A_73 = tpu.memref_slice %arg11[%dma_wait3A_71, %dma_wait3A_72] : memref<10240x128xf32, #tpu.memory_space<vmem_shared>> -> memref<10240x128xf32, #tpu.memory_space<vmem_shared>>
    tpu.wait_indirect_dma semaphore(%arg14 : memref<!tpu.dma_semaphore, #tpu.memory_space<semaphore_mem>>) src(%arg9 : memref<80x128xf32, #tpu.memory_space<vmem>>) dst(%dma_wait3A_73 : memref<10240x128xf32, #tpu.memory_space<vmem_shared>>)
    %dma_wait3A_74 = arith.constant 0 : i32
    %dma_wait3A_75 = arith.constant 0 : i32
    %dma_wait3A_76 = tpu.memref_slice %arg11[%dma_wait3A_74, %dma_wait3A_75] : memref<10240x128xf32, #tpu.memory_space<vmem_shared>> -> memref<10240x128xf32, #tpu.memory_space<vmem_shared>>
    tpu.wait_indirect_dma semaphore(%arg15 : memref<!tpu.dma_semaphore, #tpu.memory_space<semaphore_mem>>) src(%arg10 : memref<80x128xf32, #tpu.memory_space<vmem>>) dst(%dma_wait3A_76 : memref<10240x128xf32, #tpu.memory_space<vmem_shared>>)
    %barrier3A_77 = arith.constant 0 : index
    tpu.barrier barrier_id(%barrier3A_77)
    %mul3A_78 = arith.constant 640 : i32
    %mul3A_79 = arith.muli %arg1, %mul3A_78 : i32
    %mul3A_80 = arith.constant 640 : i32
    %mul3A_81 = arith.muli %arg1, %mul3A_80 : i32
    "tpu.region"() ({
      %run_scoped3A = tpu.sem_alloc : memref<!tpu.dma_semaphore, #tpu.memory_space<semaphore_mem>>
      %dma_start3A_82 = arith.constant 0 : i32
      %dma_start3A_83 = tpu.memref_slice %arg5[%arg0, %mul3A_81, %dma_start3A_82] : memref<2x10240x128xf32, #tpu.memory_space<hbm>> -> memref<1x640x128xf32, #tpu.memory_space<hbm>>
      %dma_start3A_84 = tpu.memref_squeeze %dma_start3A_83 : memref<1x640x128xf32, #tpu.memory_space<hbm>> -> memref<640x128xf32, #tpu.memory_space<hbm>>
      %dma_start3A_85 = arith.constant 0 : i32
      %dma_start3A_86 = tpu.memref_slice %arg11[%mul3A_79, %dma_start3A_85] : memref<10240x128xf32, #tpu.memory_space<vmem_shared>> -> memref<640x128xf32, #tpu.memory_space<vmem_shared>>
      tpu.enqueue_dma source(%dma_start3A_86 : memref<640x128xf32, #tpu.memory_space<vmem_shared>>) target(%dma_start3A_84 : memref<640x128xf32, #tpu.memory_space<hbm>>) target_semaphore(%run_scoped3A : memref<!tpu.dma_semaphore, #tpu.memory_space<semaphore_mem>>)
      %dma_wait3A_87 = arith.constant 0 : i32
      %dma_wait3A_88 = tpu.memref_slice %arg5[%arg0, %mul3A_81, %dma_wait3A_87] : memref<2x10240x128xf32, #tpu.memory_space<hbm>> -> memref<1x640x128xf32, #tpu.memory_space<hbm>>
      %dma_wait3A_89 = tpu.memref_squeeze %dma_wait3A_88 : memref<1x640x128xf32, #tpu.memory_space<hbm>> -> memref<640x128xf32, #tpu.memory_space<hbm>>
      %dma_wait3A_90 = arith.constant 0 : i32
      %dma_wait3A_91 = tpu.memref_slice %arg11[%mul3A_79, %dma_wait3A_90] : memref<10240x128xf32, #tpu.memory_space<vmem_shared>> -> memref<640x128xf32, #tpu.memory_space<vmem_shared>>
      tpu.wait_dma2 semaphore(%run_scoped3A : memref<!tpu.dma_semaphore, #tpu.memory_space<semaphore_mem>>) src(%dma_wait3A_91 : memref<640x128xf32, #tpu.memory_space<vmem_shared>>) dst(%dma_wait3A_89 : memref<640x128xf32, #tpu.memory_space<hbm>>)
      tpu.yield
    }) : () -> ()
    return
  }
}

#map = affine_map<(d0, d1) -> (0, 0)>
#map1 = affine_map<(d0, d1) -> (0)>
module attributes {stable_mosaic.version = 14 : i64} {
  func.func @_sc_gather_sub(%arg0: i32, %arg1: i32, %arg2: memref<10240x128xf32, #tpu.memory_space<hbm>>, %arg3: memref<320000x128xf32, #tpu.memory_space<hbm>>, %arg4: memref<320000xi32, #tpu.memory_space<hbm>>, %arg5: memref<320000xi32, #tpu.memory_space<hbm>>, %arg6: memref<320000x128xf32, #tpu.memory_space<hbm>>, %arg7: memref<10000xi32, #tpu.memory_space<vmem>>, %arg8: memref<10000xi32, #tpu.memory_space<vmem>>, %arg9: memref<80x128xf32, #tpu.memory_space<vmem>>, %arg10: memref<80x128xf32, #tpu.memory_space<vmem>>, %arg11: memref<80x128xf32, #tpu.memory_space<vmem>>, %arg12: memref<80x128xf32, #tpu.memory_space<vmem>>, %arg13: memref<80x128xf32, #tpu.memory_space<vmem>>, %arg14: memref<80x128xf32, #tpu.memory_space<vmem>>, %arg15: memref<80x128xf32, #tpu.memory_space<vmem>>, %arg16: memref<80x128xf32, #tpu.memory_space<vmem>>, %arg17: memref<80x128xf32, #tpu.memory_space<vmem>>, %arg18: memref<80x128xf32, #tpu.memory_space<vmem>>, %arg19: memref<!tpu.dma_semaphore, #tpu.memory_space<semaphore_mem>>, %arg20: memref<!tpu.dma_semaphore, #tpu.memory_space<semaphore_mem>>, %arg21: memref<!tpu.dma_semaphore, #tpu.memory_space<semaphore_mem>>, %arg22: memref<!tpu.dma_semaphore, #tpu.memory_space<semaphore_mem>>, %arg23: memref<!tpu.dma_semaphore, #tpu.memory_space<semaphore_mem>>, %arg24: memref<!tpu.dma_semaphore, #tpu.memory_space<semaphore_mem>>, %arg25: memref<!tpu.dma_semaphore, #tpu.memory_space<semaphore_mem>>, %arg26: memref<!tpu.dma_semaphore, #tpu.memory_space<semaphore_mem>>, %arg27: memref<!tpu.dma_semaphore, #tpu.memory_space<semaphore_mem>>, %arg28: memref<!tpu.dma_semaphore, #tpu.memory_space<semaphore_mem>>, %arg29: memref<!tpu.dma_semaphore, #tpu.memory_space<semaphore_mem>>, %arg30: memref<!tpu.dma_semaphore, #tpu.memory_space<semaphore_mem>>, %arg31: memref<!tpu.dma_semaphore, #tpu.memory_space<semaphore_mem>>, %arg32: memref<!tpu.dma_semaphore, #tpu.memory_space<semaphore_mem>>, %arg33: memref<!tpu.dma_semaphore, #tpu.memory_space<semaphore_mem>>) attributes {dimension_semantics = [#tpu.dimension_semantics<core_parallel>, #tpu.dimension_semantics<subcore_parallel>], iteration_bounds = array<i64: 2, 16>, scalar_prefetch = 0 : i64, scratch_operands = 27 : i64, tpu.core_type = #tpu.core_type<sc_vector_subcore>, window_params = [{transform_indices = #map}, {transform_indices = #map}, {transform_indices = #map1}, {transform_indices = #map1}, {transform_indices = #map}]} {
    %mul3A = arith.constant 2 : i32
    %mul3A_0 = arith.muli %arg1, %mul3A : i32
    %add3A = arith.addi %mul3A_0, %arg0 : i32
    %mul3A_1 = arith.constant 10000 : i32
    %mul3A_2 = arith.muli %add3A, %mul3A_1 : i32
    "tpu.region"() ({
      %run_scoped3A = tpu.sem_alloc : memref<!tpu.dma_semaphore, #tpu.memory_space<semaphore_mem>>
      %dma_start3A_41 = tpu.memref_slice %arg4[%mul3A_2] : memref<320000xi32, #tpu.memory_space<hbm>> -> memref<10000xi32, #tpu.memory_space<hbm>>
      %dma_start3A_42 = tpu.memref_slice %arg4[%mul3A_2] : memref<320000xi32, #tpu.memory_space<hbm>> -> memref<10000xi32, #tpu.memory_space<hbm>>
      tpu.enqueue_dma source(%dma_start3A_42 : memref<10000xi32, #tpu.memory_space<hbm>>) target(%arg7 : memref<10000xi32, #tpu.memory_space<vmem>>) target_semaphore(%run_scoped3A : memref<!tpu.dma_semaphore, #tpu.memory_space<semaphore_mem>>)
      %dma_wait3A_43 = tpu.memref_slice %arg4[%mul3A_2] : memref<320000xi32, #tpu.memory_space<hbm>> -> memref<10000xi32, #tpu.memory_space<hbm>>
      %dma_wait3A_44 = tpu.memref_slice %arg4[%mul3A_2] : memref<320000xi32, #tpu.memory_space<hbm>> -> memref<10000xi32, #tpu.memory_space<hbm>>
      tpu.wait_dma2 semaphore(%run_scoped3A : memref<!tpu.dma_semaphore, #tpu.memory_space<semaphore_mem>>) src(%dma_wait3A_44 : memref<10000xi32, #tpu.memory_space<hbm>>) dst(%arg7 : memref<10000xi32, #tpu.memory_space<vmem>>)
      tpu.yield
    }) : () -> ()
    %mul3A_3 = arith.constant 10000 : i32
    %mul3A_4 = arith.muli %add3A, %mul3A_3 : i32
    "tpu.region"() ({
      %run_scoped3A = tpu.sem_alloc : memref<!tpu.dma_semaphore, #tpu.memory_space<semaphore_mem>>
      %dma_start3A_41 = tpu.memref_slice %arg5[%mul3A_4] : memref<320000xi32, #tpu.memory_space<hbm>> -> memref<10000xi32, #tpu.memory_space<hbm>>
      %dma_start3A_42 = tpu.memref_slice %arg5[%mul3A_4] : memref<320000xi32, #tpu.memory_space<hbm>> -> memref<10000xi32, #tpu.memory_space<hbm>>
      tpu.enqueue_dma source(%dma_start3A_42 : memref<10000xi32, #tpu.memory_space<hbm>>) target(%arg8 : memref<10000xi32, #tpu.memory_space<vmem>>) target_semaphore(%run_scoped3A : memref<!tpu.dma_semaphore, #tpu.memory_space<semaphore_mem>>)
      %dma_wait3A_43 = tpu.memref_slice %arg5[%mul3A_4] : memref<320000xi32, #tpu.memory_space<hbm>> -> memref<10000xi32, #tpu.memory_space<hbm>>
      %dma_wait3A_44 = tpu.memref_slice %arg5[%mul3A_4] : memref<320000xi32, #tpu.memory_space<hbm>> -> memref<10000xi32, #tpu.memory_space<hbm>>
      tpu.wait_dma2 semaphore(%run_scoped3A : memref<!tpu.dma_semaphore, #tpu.memory_space<semaphore_mem>>) src(%dma_wait3A_44 : memref<10000xi32, #tpu.memory_space<hbm>>) dst(%arg8 : memref<10000xi32, #tpu.memory_space<vmem>>)
      tpu.yield
    }) : () -> ()
    %multiple_of3A = arith.constant 0 : i32
    %multiple_of3A_5 = tpu.assume_multiple %multiple_of3A, 16 : i32
    %dma_start3A = tpu.memref_slice %arg7[%multiple_of3A_5] : memref<10000xi32, #tpu.memory_space<vmem>> -> memref<80xi32, #tpu.memory_space<vmem>>
    %dma_start3A_6 = arith.constant 0 : i32
    %dma_start3A_7 = arith.constant 0 : i32
    %dma_start3A_8 = tpu.memref_slice %arg2[%dma_start3A_6, %dma_start3A_7] : memref<10240x128xf32, #tpu.memory_space<hbm>> -> memref<10240x128xf32, #tpu.memory_space<hbm>>
    tpu.enqueue_indirect_dma source(%dma_start3A_8 : memref<10240x128xf32, #tpu.memory_space<hbm>>) target(%arg9 : memref<80x128xf32, #tpu.memory_space<vmem>>) offsets(%dma_start3A : memref<80xi32, #tpu.memory_space<vmem>>) semaphore(%arg19 : memref<!tpu.dma_semaphore, #tpu.memory_space<semaphore_mem>>)
    %dma_start3A_9 = tpu.memref_slice %arg8[%multiple_of3A_5] : memref<10000xi32, #tpu.memory_space<vmem>> -> memref<80xi32, #tpu.memory_space<vmem>>
    %dma_start3A_10 = arith.constant 0 : i32
    %dma_start3A_11 = arith.constant 0 : i32
    %dma_start3A_12 = tpu.memref_slice %arg3[%dma_start3A_10, %dma_start3A_11] : memref<320000x128xf32, #tpu.memory_space<hbm>> -> memref<320000x128xf32, #tpu.memory_space<hbm>>
    tpu.enqueue_indirect_dma source(%dma_start3A_12 : memref<320000x128xf32, #tpu.memory_space<hbm>>) target(%arg14 : memref<80x128xf32, #tpu.memory_space<vmem>>) offsets(%dma_start3A_9 : memref<80xi32, #tpu.memory_space<vmem>>) semaphore(%arg24 : memref<!tpu.dma_semaphore, #tpu.memory_space<semaphore_mem>>)
    %scan3A = arith.constant 0 : i32
    %scan3A_13 = arith.constant 0 : i32
    %scan3A_14 = arith.constant 25 : i32
    %scan3A_15 = arith.addi %scan3A_13, %scan3A_14 : i32
    %scan3A_16 = arith.constant 1 : i32
    scf.for %scan3A_41 = %scan3A_13 to %scan3A_15 step %scan3A_16  : i32 {
      %mul3A_42 = arith.constant 5 : i32
      %mul3A_43 = arith.muli %mul3A_42, %scan3A_41 : i32
      %add3A_44 = arith.constant 0 : i32
      %add3A_45 = arith.addi %mul3A_43, %add3A_44 : i32
      %ge3A = arith.constant 4 : i32
      %ge3A_46 = arith.cmpi sge, %add3A_45, %ge3A : i32
      %convert_element_type3A = arith.extui %ge3A_46 : i1 to i32
      %cond3A = arith.constant 0 : i32
      %cond3A_47 = arith.cmpi ne, %convert_element_type3A, %cond3A : i32
      scf.if %cond3A_47 {
        %dma_wait3A_233 = arith.constant 0 : i32
        %dma_wait3A_234 = arith.constant 0 : i32
        %dma_wait3A_235 = tpu.memref_slice %arg6[%dma_wait3A_233, %dma_wait3A_234] : memref<320000x128xf32, #tpu.memory_space<hbm>> -> memref<80x128xf32, #tpu.memory_space<hbm>>
        %dma_wait3A_236 = arith.constant 0 : i32
        %dma_wait3A_237 = arith.constant 0 : i32
        %dma_wait3A_238 = tpu.memref_slice %arg6[%dma_wait3A_236, %dma_wait3A_237] : memref<320000x128xf32, #tpu.memory_space<hbm>> -> memref<80x128xf32, #tpu.memory_space<hbm>>
        tpu.wait_dma2 semaphore(%arg30 : memref<!tpu.dma_semaphore, #tpu.memory_space<semaphore_mem>>) src(%arg10 : memref<80x128xf32, #tpu.memory_space<vmem>>) dst(%dma_wait3A_238 : memref<80x128xf32, #tpu.memory_space<hbm>>)
      } else {
      }
      %lt3A = arith.constant 124 : i32
      %lt3A_48 = arith.cmpi slt, %add3A_45, %lt3A : i32
      %convert_element_type3A_49 = arith.extui %lt3A_48 : i1 to i32
      %cond3A_50 = arith.constant 0 : i32
      %cond3A_51 = arith.cmpi ne, %convert_element_type3A_49, %cond3A_50 : i32
      scf.if %cond3A_51 {
        %add3A_233 = arith.constant 1 : i32
        %add3A_234 = arith.addi %add3A_45, %add3A_233 : i32
        %mul3A_235 = arith.constant 80 : i32
        %mul3A_236 = arith.muli %add3A_234, %mul3A_235 : i32
        %multiple_of3A_237 = tpu.assume_multiple %mul3A_236, 16 : i32
        %dma_start3A_238 = tpu.memref_slice %arg7[%multiple_of3A_237] : memref<10000xi32, #tpu.memory_space<vmem>> -> memref<80xi32, #tpu.memory_space<vmem>>
        %dma_start3A_239 = arith.constant 0 : i32
        %dma_start3A_240 = arith.constant 0 : i32
        %dma_start3A_241 = tpu.memref_slice %arg2[%dma_start3A_239, %dma_start3A_240] : memref<10240x128xf32, #tpu.memory_space<hbm>> -> memref<10240x128xf32, #tpu.memory_space<hbm>>
        tpu.enqueue_indirect_dma source(%dma_start3A_241 : memref<10240x128xf32, #tpu.memory_space<hbm>>) target(%arg10 : memref<80x128xf32, #tpu.memory_space<vmem>>) offsets(%dma_start3A_238 : memref<80xi32, #tpu.memory_space<vmem>>) semaphore(%arg20 : memref<!tpu.dma_semaphore, #tpu.memory_space<semaphore_mem>>)
        %dma_start3A_242 = tpu.memref_slice %arg8[%multiple_of3A_237] : memref<10000xi32, #tpu.memory_space<vmem>> -> memref<80xi32, #tpu.memory_space<vmem>>
        %dma_start3A_243 = arith.constant 0 : i32
        %dma_start3A_244 = arith.constant 0 : i32
        %dma_start3A_245 = tpu.memref_slice %arg3[%dma_start3A_243, %dma_start3A_244] : memref<320000x128xf32, #tpu.memory_space<hbm>> -> memref<320000x128xf32, #tpu.memory_space<hbm>>
        tpu.enqueue_indirect_dma source(%dma_start3A_245 : memref<320000x128xf32, #tpu.memory_space<hbm>>) target(%arg15 : memref<80x128xf32, #tpu.memory_space<vmem>>) offsets(%dma_start3A_242 : memref<80xi32, #tpu.memory_space<vmem>>) semaphore(%arg25 : memref<!tpu.dma_semaphore, #tpu.memory_space<semaphore_mem>>)
      } else {
      }
      %dma_wait3A_52 = arith.constant 0 : i32
      %dma_wait3A_53 = tpu.memref_slice %arg7[%dma_wait3A_52] : memref<10000xi32, #tpu.memory_space<vmem>> -> memref<80xi32, #tpu.memory_space<vmem>>
      %dma_wait3A_54 = arith.constant 0 : i32
      %dma_wait3A_55 = arith.constant 0 : i32
      %dma_wait3A_56 = tpu.memref_slice %arg2[%dma_wait3A_54, %dma_wait3A_55] : memref<10240x128xf32, #tpu.memory_space<hbm>> -> memref<10240x128xf32, #tpu.memory_space<hbm>>
      tpu.wait_indirect_dma semaphore(%arg19 : memref<!tpu.dma_semaphore, #tpu.memory_space<semaphore_mem>>) src(%dma_wait3A_56 : memref<10240x128xf32, #tpu.memory_space<hbm>>) dst(%arg9 : memref<80x128xf32, #tpu.memory_space<vmem>>)
      %dma_wait3A_57 = arith.constant 0 : i32
      %dma_wait3A_58 = tpu.memref_slice %arg8[%dma_wait3A_57] : memref<10000xi32, #tpu.memory_space<vmem>> -> memref<80xi32, #tpu.memory_space<vmem>>
      %dma_wait3A_59 = arith.constant 0 : i32
      %dma_wait3A_60 = arith.constant 0 : i32
      %dma_wait3A_61 = tpu.memref_slice %arg3[%dma_wait3A_59, %dma_wait3A_60] : memref<320000x128xf32, #tpu.memory_space<hbm>> -> memref<320000x128xf32, #tpu.memory_space<hbm>>
      tpu.wait_indirect_dma semaphore(%arg24 : memref<!tpu.dma_semaphore, #tpu.memory_space<semaphore_mem>>) src(%dma_wait3A_61 : memref<320000x128xf32, #tpu.memory_space<hbm>>) dst(%arg14 : memref<80x128xf32, #tpu.memory_space<vmem>>)
      %scan3A_62 = arith.constant 0 : i32
      %scan3A_63 = arith.constant 0 : i32
      %scan3A_64 = arith.constant 80 : i32
      %scan3A_65 = arith.addi %scan3A_63, %scan3A_64 : i32
      %scan3A_66 = arith.constant 1 : i32
      scf.for %scan3A_233 = %scan3A_63 to %scan3A_65 step %scan3A_66  : i32 {
        %get3A = arith.index_cast %scan3A_233 : i32 to index
        %get3A_234 = arith.constant 0 : index
        %get3A_235 = tpu.vector_load %arg9[%get3A, %get3A_234] {strides = array<i32>} : memref<80x128xf32, #tpu.memory_space<vmem>>, vector<1x16xf32>,
        %get3A_236 = vector.shape_cast %get3A_235 : vector<1x16xf32> to vector<16xf32>
        %get3A_237 = arith.index_cast %scan3A_233 : i32 to index
        %get3A_238 = arith.constant 0 : index
        %get3A_239 = tpu.vector_load %arg14[%get3A_237, %get3A_238] {strides = array<i32>} : memref<80x128xf32, #tpu.memory_space<vmem>>, vector<1x16xf32>,
        %get3A_240 = vector.shape_cast %get3A_239 : vector<1x16xf32> to vector<16xf32>
        %sub3A = arith.subf %get3A_236, %get3A_240 : vector<16xf32>
        %swap3A = arith.index_cast %scan3A_233 : i32 to index
        %swap3A_241 = arith.constant 0 : index
        %swap3A_242 = tpu.vector_load %arg9[%swap3A, %swap3A_241] {strides = array<i32>} : memref<80x128xf32, #tpu.memory_space<vmem>>, vector<1x16xf32>,
        %swap3A_243 = vector.shape_cast %swap3A_242 : vector<1x16xf32> to vector<16xf32>
        %swap3A_244 = vector.shape_cast %sub3A : vector<16xf32> to vector<1x16xf32>
        tpu.vector_store %arg9[%swap3A, %swap3A_241], %swap3A_244 {strides = array<i32>} : memref<80x128xf32, #tpu.memory_space<vmem>>, vector<1x16xf32>,
        %get3A_245 = arith.index_cast %scan3A_233 : i32 to index
        %get3A_246 = arith.constant 16 : index
        %get3A_247 = tpu.vector_load %arg9[%get3A_245, %get3A_246] {strides = array<i32>} : memref<80x128xf32, #tpu.memory_space<vmem>>, vector<1x16xf32>,
        %get3A_248 = vector.shape_cast %get3A_247 : vector<1x16xf32> to vector<16xf32>
        %get3A_249 = arith.index_cast %scan3A_233 : i32 to index
        %get3A_250 = arith.constant 16 : index
        %get3A_251 = tpu.vector_load %arg14[%get3A_249, %get3A_250] {strides = array<i32>} : memref<80x128xf32, #tpu.memory_space<vmem>>, vector<1x16xf32>,
        %get3A_252 = vector.shape_cast %get3A_251 : vector<1x16xf32> to vector<16xf32>
        %sub3A_253 = arith.subf %get3A_248, %get3A_252 : vector<16xf32>
        %swap3A_254 = arith.index_cast %scan3A_233 : i32 to index
        %swap3A_255 = arith.constant 16 : index
        %swap3A_256 = tpu.vector_load %arg9[%swap3A_254, %swap3A_255] {strides = array<i32>} : memref<80x128xf32, #tpu.memory_space<vmem>>, vector<1x16xf32>,
        %swap3A_257 = vector.shape_cast %swap3A_256 : vector<1x16xf32> to vector<16xf32>
        %swap3A_258 = vector.shape_cast %sub3A_253 : vector<16xf32> to vector<1x16xf32>
        tpu.vector_store %arg9[%swap3A_254, %swap3A_255], %swap3A_258 {strides = array<i32>} : memref<80x128xf32, #tpu.memory_space<vmem>>, vector<1x16xf32>,
        %get3A_259 = arith.index_cast %scan3A_233 : i32 to index
        %get3A_260 = arith.constant 32 : index
        %get3A_261 = tpu.vector_load %arg9[%get3A_259, %get3A_260] {strides = array<i32>} : memref<80x128xf32, #tpu.memory_space<vmem>>, vector<1x16xf32>,
        %get3A_262 = vector.shape_cast %get3A_261 : vector<1x16xf32> to vector<16xf32>
        %get3A_263 = arith.index_cast %scan3A_233 : i32 to index
        %get3A_264 = arith.constant 32 : index
        %get3A_265 = tpu.vector_load %arg14[%get3A_263, %get3A_264] {strides = array<i32>} : memref<80x128xf32, #tpu.memory_space<vmem>>, vector<1x16xf32>,
        %get3A_266 = vector.shape_cast %get3A_265 : vector<1x16xf32> to vector<16xf32>
        %sub3A_267 = arith.subf %get3A_262, %get3A_266 : vector<16xf32>
        %swap3A_268 = arith.index_cast %scan3A_233 : i32 to index
        %swap3A_269 = arith.constant 32 : index
        %swap3A_270 = tpu.vector_load %arg9[%swap3A_268, %swap3A_269] {strides = array<i32>} : memref<80x128xf32, #tpu.memory_space<vmem>>, vector<1x16xf32>,
        %swap3A_271 = vector.shape_cast %swap3A_270 : vector<1x16xf32> to vector<16xf32>
        %swap3A_272 = vector.shape_cast %sub3A_267 : vector<16xf32> to vector<1x16xf32>
        tpu.vector_store %arg9[%swap3A_268, %swap3A_269], %swap3A_272 {strides = array<i32>} : memref<80x128xf32, #tpu.memory_space<vmem>>, vector<1x16xf32>,
        %get3A_273 = arith.index_cast %scan3A_233 : i32 to index
        %get3A_274 = arith.constant 48 : index
        %get3A_275 = tpu.vector_load %arg9[%get3A_273, %get3A_274] {strides = array<i32>} : memref<80x128xf32, #tpu.memory_space<vmem>>, vector<1x16xf32>,
        %get3A_276 = vector.shape_cast %get3A_275 : vector<1x16xf32> to vector<16xf32>
        %get3A_277 = arith.index_cast %scan3A_233 : i32 to index
        %get3A_278 = arith.constant 48 : index
        %get3A_279 = tpu.vector_load %arg14[%get3A_277, %get3A_278] {strides = array<i32>} : memref<80x128xf32, #tpu.memory_space<vmem>>, vector<1x16xf32>,
        %get3A_280 = vector.shape_cast %get3A_279 : vector<1x16xf32> to vector<16xf32>
        %sub3A_281 = arith.subf %get3A_276, %get3A_280 : vector<16xf32>
        %swap3A_282 = arith.index_cast %scan3A_233 : i32 to index
        %swap3A_283 = arith.constant 48 : index
        %swap3A_284 = tpu.vector_load %arg9[%swap3A_282, %swap3A_283] {strides = array<i32>} : memref<80x128xf32, #tpu.memory_space<vmem>>, vector<1x16xf32>,
        %swap3A_285 = vector.shape_cast %swap3A_284 : vector<1x16xf32> to vector<16xf32>
        %swap3A_286 = vector.shape_cast %sub3A_281 : vector<16xf32> to vector<1x16xf32>
        tpu.vector_store %arg9[%swap3A_282, %swap3A_283], %swap3A_286 {strides = array<i32>} : memref<80x128xf32, #tpu.memory_space<vmem>>, vector<1x16xf32>,
        %get3A_287 = arith.index_cast %scan3A_233 : i32 to index
        %get3A_288 = arith.constant 64 : index
        %get3A_289 = tpu.vector_load %arg9[%get3A_287, %get3A_288] {strides = array<i32>} : memref<80x128xf32, #tpu.memory_space<vmem>>, vector<1x16xf32>,
        %get3A_290 = vector.shape_cast %get3A_289 : vector<1x16xf32> to vector<16xf32>
        %get3A_291 = arith.index_cast %scan3A_233 : i32 to index
        %get3A_292 = arith.constant 64 : index
        %get3A_293 = tpu.vector_load %arg14[%get3A_291, %get3A_292] {strides = array<i32>} : memref<80x128xf32, #tpu.memory_space<vmem>>, vector<1x16xf32>,
        %get3A_294 = vector.shape_cast %get3A_293 : vector<1x16xf32> to vector<16xf32>
        %sub3A_295 = arith.subf %get3A_290, %get3A_294 : vector<16xf32>
        %swap3A_296 = arith.index_cast %scan3A_233 : i32 to index
        %swap3A_297 = arith.constant 64 : index
        %swap3A_298 = tpu.vector_load %arg9[%swap3A_296, %swap3A_297] {strides = array<i32>} : memref<80x128xf32, #tpu.memory_space<vmem>>, vector<1x16xf32>,
        %swap3A_299 = vector.shape_cast %swap3A_298 : vector<1x16xf32> to vector<16xf32>
        %swap3A_300 = vector.shape_cast %sub3A_295 : vector<16xf32> to vector<1x16xf32>
        tpu.vector_store %arg9[%swap3A_296, %swap3A_297], %swap3A_300 {strides = array<i32>} : memref<80x128xf32, #tpu.memory_space<vmem>>, vector<1x16xf32>,
        %get3A_301 = arith.index_cast %scan3A_233 : i32 to index
        %get3A_302 = arith.constant 80 : index
        %get3A_303 = tpu.vector_load %arg9[%get3A_301, %get3A_302] {strides = array<i32>} : memref<80x128xf32, #tpu.memory_space<vmem>>, vector<1x16xf32>,
        %get3A_304 = vector.shape_cast %get3A_303 : vector<1x16xf32> to vector<16xf32>
        %get3A_305 = arith.index_cast %scan3A_233 : i32 to index
        %get3A_306 = arith.constant 80 : index
        %get3A_307 = tpu.vector_load %arg14[%get3A_305, %get3A_306] {strides = array<i32>} : memref<80x128xf32, #tpu.memory_space<vmem>>, vector<1x16xf32>,
        %get3A_308 = vector.shape_cast %get3A_307 : vector<1x16xf32> to vector<16xf32>
        %sub3A_309 = arith.subf %get3A_304, %get3A_308 : vector<16xf32>
        %swap3A_310 = arith.index_cast %scan3A_233 : i32 to index
        %swap3A_311 = arith.constant 80 : index
        %swap3A_312 = tpu.vector_load %arg9[%swap3A_310, %swap3A_311] {strides = array<i32>} : memref<80x128xf32, #tpu.memory_space<vmem>>, vector<1x16xf32>,
        %swap3A_313 = vector.shape_cast %swap3A_312 : vector<1x16xf32> to vector<16xf32>
        %swap3A_314 = vector.shape_cast %sub3A_309 : vector<16xf32> to vector<1x16xf32>
        tpu.vector_store %arg9[%swap3A_310, %swap3A_311], %swap3A_314 {strides = array<i32>} : memref<80x128xf32, #tpu.memory_space<vmem>>, vector<1x16xf32>,
        %get3A_315 = arith.index_cast %scan3A_233 : i32 to index
        %get3A_316 = arith.constant 96 : index
        %get3A_317 = tpu.vector_load %arg9[%get3A_315, %get3A_316] {strides = array<i32>} : memref<80x128xf32, #tpu.memory_space<vmem>>, vector<1x16xf32>,
        %get3A_318 = vector.shape_cast %get3A_317 : vector<1x16xf32> to vector<16xf32>
        %get3A_319 = arith.index_cast %scan3A_233 : i32 to index
        %get3A_320 = arith.constant 96 : index
        %get3A_321 = tpu.vector_load %arg14[%get3A_319, %get3A_320] {strides = array<i32>} : memref<80x128xf32, #tpu.memory_space<vmem>>, vector<1x16xf32>,
        %get3A_322 = vector.shape_cast %get3A_321 : vector<1x16xf32> to vector<16xf32>
        %sub3A_323 = arith.subf %get3A_318, %get3A_322 : vector<16xf32>
        %swap3A_324 = arith.index_cast %scan3A_233 : i32 to index
        %swap3A_325 = arith.constant 96 : index
        %swap3A_326 = tpu.vector_load %arg9[%swap3A_324, %swap3A_325] {strides = array<i32>} : memref<80x128xf32, #tpu.memory_space<vmem>>, vector<1x16xf32>,
        %swap3A_327 = vector.shape_cast %swap3A_326 : vector<1x16xf32> to vector<16xf32>
        %swap3A_328 = vector.shape_cast %sub3A_323 : vector<16xf32> to vector<1x16xf32>
        tpu.vector_store %arg9[%swap3A_324, %swap3A_325], %swap3A_328 {strides = array<i32>} : memref<80x128xf32, #tpu.memory_space<vmem>>, vector<1x16xf32>,
        %get3A_329 = arith.index_cast %scan3A_233 : i32 to index
        %get3A_330 = arith.constant 112 : index
        %get3A_331 = tpu.vector_load %arg9[%get3A_329, %get3A_330] {strides = array<i32>} : memref<80x128xf32, #tpu.memory_space<vmem>>, vector<1x16xf32>,
        %get3A_332 = vector.shape_cast %get3A_331 : vector<1x16xf32> to vector<16xf32>
        %get3A_333 = arith.index_cast %scan3A_233 : i32 to index
        %get3A_334 = arith.constant 112 : index
        %get3A_335 = tpu.vector_load %arg14[%get3A_333, %get3A_334] {strides = array<i32>} : memref<80x128xf32, #tpu.memory_space<vmem>>, vector<1x16xf32>,
        %get3A_336 = vector.shape_cast %get3A_335 : vector<1x16xf32> to vector<16xf32>
        %sub3A_337 = arith.subf %get3A_332, %get3A_336 : vector<16xf32>
        %swap3A_338 = arith.index_cast %scan3A_233 : i32 to index
        %swap3A_339 = arith.constant 112 : index
        %swap3A_340 = tpu.vector_load %arg9[%swap3A_338, %swap3A_339] {strides = array<i32>} : memref<80x128xf32, #tpu.memory_space<vmem>>, vector<1x16xf32>,
        %swap3A_341 = vector.shape_cast %swap3A_340 : vector<1x16xf32> to vector<16xf32>
        %swap3A_342 = vector.shape_cast %sub3A_337 : vector<16xf32> to vector<1x16xf32>
        tpu.vector_store %arg9[%swap3A_338, %swap3A_339], %swap3A_342 {strides = array<i32>} : memref<80x128xf32, #tpu.memory_space<vmem>>, vector<1x16xf32>,
      }
      %scan3A_67 = arith.constant 80 : i32
      %mul3A_68 = arith.constant 10000 : i32
      %mul3A_69 = arith.muli %add3A, %mul3A_68 : i32
      %mul3A_70 = arith.constant 80 : i32
      %mul3A_71 = arith.muli %add3A_45, %mul3A_70 : i32
      %add3A_72 = arith.addi %mul3A_69, %mul3A_71 : i32
      %dma_start3A_73 = arith.constant 0 : i32
      %dma_start3A_74 = tpu.memref_slice %arg6[%add3A_72, %dma_start3A_73] : memref<320000x128xf32, #tpu.memory_space<hbm>> -> memref<80x128xf32, #tpu.memory_space<hbm>>
      %dma_start3A_75 = arith.constant 0 : i32
      %dma_start3A_76 = tpu.memref_slice %arg6[%add3A_72, %dma_start3A_75] : memref<320000x128xf32, #tpu.memory_space<hbm>> -> memref<80x128xf32, #tpu.memory_space<hbm>>
      tpu.enqueue_dma source(%arg9 : memref<80x128xf32, #tpu.memory_space<vmem>>) target(%dma_start3A_76 : memref<80x128xf32, #tpu.memory_space<hbm>>) target_semaphore(%arg29 : memref<!tpu.dma_semaphore, #tpu.memory_space<semaphore_mem>>)
      %mul3A_77 = arith.constant 5 : i32
      %mul3A_78 = arith.muli %mul3A_77, %scan3A_41 : i32
      %add3A_79 = arith.constant 1 : i32
      %add3A_80 = arith.addi %mul3A_78, %add3A_79 : i32
      %ge3A_81 = arith.constant 4 : i32
      %ge3A_82 = arith.cmpi sge, %add3A_80, %ge3A_81 : i32
      %convert_element_type3A_83 = arith.extui %ge3A_82 : i1 to i32
      %cond3A_84 = arith.constant 0 : i32
      %cond3A_85 = arith.cmpi ne, %convert_element_type3A_83, %cond3A_84 : i32
      scf.if %cond3A_85 {
        %dma_wait3A_233 = arith.constant 0 : i32
        %dma_wait3A_234 = arith.constant 0 : i32
        %dma_wait3A_235 = tpu.memref_slice %arg6[%dma_wait3A_233, %dma_wait3A_234] : memref<320000x128xf32, #tpu.memory_space<hbm>> -> memref<80x128xf32, #tpu.memory_space<hbm>>
        %dma_wait3A_236 = arith.constant 0 : i32
        %dma_wait3A_237 = arith.constant 0 : i32
        %dma_wait3A_238 = tpu.memref_slice %arg6[%dma_wait3A_236, %dma_wait3A_237] : memref<320000x128xf32, #tpu.memory_space<hbm>> -> memref<80x128xf32, #tpu.memory_space<hbm>>
        tpu.wait_dma2 semaphore(%arg31 : memref<!tpu.dma_semaphore, #tpu.memory_space<semaphore_mem>>) src(%arg11 : memref<80x128xf32, #tpu.memory_space<vmem>>) dst(%dma_wait3A_238 : memref<80x128xf32, #tpu.memory_space<hbm>>)
      } else {
      }
      %lt3A_86 = arith.constant 124 : i32
      %lt3A_87 = arith.cmpi slt, %add3A_80, %lt3A_86 : i32
      %convert_element_type3A_88 = arith.extui %lt3A_87 : i1 to i32
      %cond3A_89 = arith.constant 0 : i32
      %cond3A_90 = arith.cmpi ne, %convert_element_type3A_88, %cond3A_89 : i32
      scf.if %cond3A_90 {
        %add3A_233 = arith.constant 1 : i32
        %add3A_234 = arith.addi %add3A_80, %add3A_233 : i32
        %mul3A_235 = arith.constant 80 : i32
        %mul3A_236 = arith.muli %add3A_234, %mul3A_235 : i32
        %multiple_of3A_237 = tpu.assume_multiple %mul3A_236, 16 : i32
        %dma_start3A_238 = tpu.memref_slice %arg7[%multiple_of3A_237] : memref<10000xi32, #tpu.memory_space<vmem>> -> memref<80xi32, #tpu.memory_space<vmem>>
        %dma_start3A_239 = arith.constant 0 : i32
        %dma_start3A_240 = arith.constant 0 : i32
        %dma_start3A_241 = tpu.memref_slice %arg2[%dma_start3A_239, %dma_start3A_240] : memref<10240x128xf32, #tpu.memory_space<hbm>> -> memref<10240x128xf32, #tpu.memory_space<hbm>>
        tpu.enqueue_indirect_dma source(%dma_start3A_241 : memref<10240x128xf32, #tpu.memory_space<hbm>>) target(%arg11 : memref<80x128xf32, #tpu.memory_space<vmem>>) offsets(%dma_start3A_238 : memref<80xi32, #tpu.memory_space<vmem>>) semaphore(%arg21 : memref<!tpu.dma_semaphore, #tpu.memory_space<semaphore_mem>>)
        %dma_start3A_242 = tpu.memref_slice %arg8[%multiple_of3A_237] : memref<10000xi32, #tpu.memory_space<vmem>> -> memref<80xi32, #tpu.memory_space<vmem>>
        %dma_start3A_243 = arith.constant 0 : i32
        %dma_start3A_244 = arith.constant 0 : i32
        %dma_start3A_245 = tpu.memref_slice %arg3[%dma_start3A_243, %dma_start3A_244] : memref<320000x128xf32, #tpu.memory_space<hbm>> -> memref<320000x128xf32, #tpu.memory_space<hbm>>
        tpu.enqueue_indirect_dma source(%dma_start3A_245 : memref<320000x128xf32, #tpu.memory_space<hbm>>) target(%arg16 : memref<80x128xf32, #tpu.memory_space<vmem>>) offsets(%dma_start3A_242 : memref<80xi32, #tpu.memory_space<vmem>>) semaphore(%arg26 : memref<!tpu.dma_semaphore, #tpu.memory_space<semaphore_mem>>)
      } else {
      }
      %dma_wait3A_91 = arith.constant 0 : i32
      %dma_wait3A_92 = tpu.memref_slice %arg7[%dma_wait3A_91] : memref<10000xi32, #tpu.memory_space<vmem>> -> memref<80xi32, #tpu.memory_space<vmem>>
      %dma_wait3A_93 = arith.constant 0 : i32
      %dma_wait3A_94 = arith.constant 0 : i32
      %dma_wait3A_95 = tpu.memref_slice %arg2[%dma_wait3A_93, %dma_wait3A_94] : memref<10240x128xf32, #tpu.memory_space<hbm>> -> memref<10240x128xf32, #tpu.memory_space<hbm>>
      tpu.wait_indirect_dma semaphore(%arg20 : memref<!tpu.dma_semaphore, #tpu.memory_space<semaphore_mem>>) src(%dma_wait3A_95 : memref<10240x128xf32, #tpu.memory_space<hbm>>) dst(%arg10 : memref<80x128xf32, #tpu.memory_space<vmem>>)
      %dma_wait3A_96 = arith.constant 0 : i32
      %dma_wait3A_97 = tpu.memref_slice %arg8[%dma_wait3A_96] : memref<10000xi32, #tpu.memory_space<vmem>> -> memref<80xi32, #tpu.memory_space<vmem>>
      %dma_wait3A_98 = arith.constant 0 : i32
      %dma_wait3A_99 = arith.constant 0 : i32
      %dma_wait3A_100 = tpu.memref_slice %arg3[%dma_wait3A_98, %dma_wait3A_99] : memref<320000x128xf32, #tpu.memory_space<hbm>> -> memref<320000x128xf32, #tpu.memory_space<hbm>>
      tpu.wait_indirect_dma semaphore(%arg25 : memref<!tpu.dma_semaphore, #tpu.memory_space<semaphore_mem>>) src(%dma_wait3A_100 : memref<320000x128xf32, #tpu.memory_space<hbm>>) dst(%arg15 : memref<80x128xf32, #tpu.memory_space<vmem>>)
      %scan3A_101 = arith.constant 0 : i32
      %scan3A_102 = arith.constant 0 : i32
      %scan3A_103 = arith.constant 80 : i32
      %scan3A_104 = arith.addi %scan3A_102, %scan3A_103 : i32
      %scan3A_105 = arith.constant 1 : i32
      scf.for %scan3A_233 = %scan3A_102 to %scan3A_104 step %scan3A_105  : i32 {
        %get3A = arith.index_cast %scan3A_233 : i32 to index
        %get3A_234 = arith.constant 0 : index
        %get3A_235 = tpu.vector_load %arg10[%get3A, %get3A_234] {strides = array<i32>} : memref<80x128xf32, #tpu.memory_space<vmem>>, vector<1x16xf32>,
        %get3A_236 = vector.shape_cast %get3A_235 : vector<1x16xf32> to vector<16xf32>
        %get3A_237 = arith.index_cast %scan3A_233 : i32 to index
        %get3A_238 = arith.constant 0 : index
        %get3A_239 = tpu.vector_load %arg15[%get3A_237, %get3A_238] {strides = array<i32>} : memref<80x128xf32, #tpu.memory_space<vmem>>, vector<1x16xf32>,
        %get3A_240 = vector.shape_cast %get3A_239 : vector<1x16xf32> to vector<16xf32>
        %sub3A = arith.subf %get3A_236, %get3A_240 : vector<16xf32>
        %swap3A = arith.index_cast %scan3A_233 : i32 to index
        %swap3A_241 = arith.constant 0 : index
        %swap3A_242 = tpu.vector_load %arg10[%swap3A, %swap3A_241] {strides = array<i32>} : memref<80x128xf32, #tpu.memory_space<vmem>>, vector<1x16xf32>,
        %swap3A_243 = vector.shape_cast %swap3A_242 : vector<1x16xf32> to vector<16xf32>
        %swap3A_244 = vector.shape_cast %sub3A : vector<16xf32> to vector<1x16xf32>
        tpu.vector_store %arg10[%swap3A, %swap3A_241], %swap3A_244 {strides = array<i32>} : memref<80x128xf32, #tpu.memory_space<vmem>>, vector<1x16xf32>,
        %get3A_245 = arith.index_cast %scan3A_233 : i32 to index
        %get3A_246 = arith.constant 16 : index
        %get3A_247 = tpu.vector_load %arg10[%get3A_245, %get3A_246] {strides = array<i32>} : memref<80x128xf32, #tpu.memory_space<vmem>>, vector<1x16xf32>,
        %get3A_248 = vector.shape_cast %get3A_247 : vector<1x16xf32> to vector<16xf32>
        %get3A_249 = arith.index_cast %scan3A_233 : i32 to index
        %get3A_250 = arith.constant 16 : index
        %get3A_251 = tpu.vector_load %arg15[%get3A_249, %get3A_250] {strides = array<i32>} : memref<80x128xf32, #tpu.memory_space<vmem>>, vector<1x16xf32>,
        %get3A_252 = vector.shape_cast %get3A_251 : vector<1x16xf32> to vector<16xf32>
        %sub3A_253 = arith.subf %get3A_248, %get3A_252 : vector<16xf32>
        %swap3A_254 = arith.index_cast %scan3A_233 : i32 to index
        %swap3A_255 = arith.constant 16 : index
        %swap3A_256 = tpu.vector_load %arg10[%swap3A_254, %swap3A_255] {strides = array<i32>} : memref<80x128xf32, #tpu.memory_space<vmem>>, vector<1x16xf32>,
        %swap3A_257 = vector.shape_cast %swap3A_256 : vector<1x16xf32> to vector<16xf32>
        %swap3A_258 = vector.shape_cast %sub3A_253 : vector<16xf32> to vector<1x16xf32>
        tpu.vector_store %arg10[%swap3A_254, %swap3A_255], %swap3A_258 {strides = array<i32>} : memref<80x128xf32, #tpu.memory_space<vmem>>, vector<1x16xf32>,
        %get3A_259 = arith.index_cast %scan3A_233 : i32 to index
        %get3A_260 = arith.constant 32 : index
        %get3A_261 = tpu.vector_load %arg10[%get3A_259, %get3A_260] {strides = array<i32>} : memref<80x128xf32, #tpu.memory_space<vmem>>, vector<1x16xf32>,
        %get3A_262 = vector.shape_cast %get3A_261 : vector<1x16xf32> to vector<16xf32>
        %get3A_263 = arith.index_cast %scan3A_233 : i32 to index
        %get3A_264 = arith.constant 32 : index
        %get3A_265 = tpu.vector_load %arg15[%get3A_263, %get3A_264] {strides = array<i32>} : memref<80x128xf32, #tpu.memory_space<vmem>>, vector<1x16xf32>,
        %get3A_266 = vector.shape_cast %get3A_265 : vector<1x16xf32> to vector<16xf32>
        %sub3A_267 = arith.subf %get3A_262, %get3A_266 : vector<16xf32>
        %swap3A_268 = arith.index_cast %scan3A_233 : i32 to index
        %swap3A_269 = arith.constant 32 : index
        %swap3A_270 = tpu.vector_load %arg10[%swap3A_268, %swap3A_269] {strides = array<i32>} : memref<80x128xf32, #tpu.memory_space<vmem>>, vector<1x16xf32>,
        %swap3A_271 = vector.shape_cast %swap3A_270 : vector<1x16xf32> to vector<16xf32>
        %swap3A_272 = vector.shape_cast %sub3A_267 : vector<16xf32> to vector<1x16xf32>
        tpu.vector_store %arg10[%swap3A_268, %swap3A_269], %swap3A_272 {strides = array<i32>} : memref<80x128xf32, #tpu.memory_space<vmem>>, vector<1x16xf32>,
        %get3A_273 = arith.index_cast %scan3A_233 : i32 to index
        %get3A_274 = arith.constant 48 : index
        %get3A_275 = tpu.vector_load %arg10[%get3A_273, %get3A_274] {strides = array<i32>} : memref<80x128xf32, #tpu.memory_space<vmem>>, vector<1x16xf32>,
        %get3A_276 = vector.shape_cast %get3A_275 : vector<1x16xf32> to vector<16xf32>
        %get3A_277 = arith.index_cast %scan3A_233 : i32 to index
        %get3A_278 = arith.constant 48 : index
        %get3A_279 = tpu.vector_load %arg15[%get3A_277, %get3A_278] {strides = array<i32>} : memref<80x128xf32, #tpu.memory_space<vmem>>, vector<1x16xf32>,
        %get3A_280 = vector.shape_cast %get3A_279 : vector<1x16xf32> to vector<16xf32>
        %sub3A_281 = arith.subf %get3A_276, %get3A_280 : vector<16xf32>
        %swap3A_282 = arith.index_cast %scan3A_233 : i32 to index
        %swap3A_283 = arith.constant 48 : index
        %swap3A_284 = tpu.vector_load %arg10[%swap3A_282, %swap3A_283] {strides = array<i32>} : memref<80x128xf32, #tpu.memory_space<vmem>>, vector<1x16xf32>,
        %swap3A_285 = vector.shape_cast %swap3A_284 : vector<1x16xf32> to vector<16xf32>
        %swap3A_286 = vector.shape_cast %sub3A_281 : vector<16xf32> to vector<1x16xf32>
        tpu.vector_store %arg10[%swap3A_282, %swap3A_283], %swap3A_286 {strides = array<i32>} : memref<80x128xf32, #tpu.memory_space<vmem>>, vector<1x16xf32>,
        %get3A_287 = arith.index_cast %scan3A_233 : i32 to index
        %get3A_288 = arith.constant 64 : index
        %get3A_289 = tpu.vector_load %arg10[%get3A_287, %get3A_288] {strides = array<i32>} : memref<80x128xf32, #tpu.memory_space<vmem>>, vector<1x16xf32>,
        %get3A_290 = vector.shape_cast %get3A_289 : vector<1x16xf32> to vector<16xf32>
        %get3A_291 = arith.index_cast %scan3A_233 : i32 to index
        %get3A_292 = arith.constant 64 : index
        %get3A_293 = tpu.vector_load %arg15[%get3A_291, %get3A_292] {strides = array<i32>} : memref<80x128xf32, #tpu.memory_space<vmem>>, vector<1x16xf32>,
        %get3A_294 = vector.shape_cast %get3A_293 : vector<1x16xf32> to vector<16xf32>
        %sub3A_295 = arith.subf %get3A_290, %get3A_294 : vector<16xf32>
        %swap3A_296 = arith.index_cast %scan3A_233 : i32 to index
        %swap3A_297 = arith.constant 64 : index
        %swap3A_298 = tpu.vector_load %arg10[%swap3A_296, %swap3A_297] {strides = array<i32>} : memref<80x128xf32, #tpu.memory_space<vmem>>, vector<1x16xf32>,
        %swap3A_299 = vector.shape_cast %swap3A_298 : vector<1x16xf32> to vector<16xf32>
        %swap3A_300 = vector.shape_cast %sub3A_295 : vector<16xf32> to vector<1x16xf32>
        tpu.vector_store %arg10[%swap3A_296, %swap3A_297], %swap3A_300 {strides = array<i32>} : memref<80x128xf32, #tpu.memory_space<vmem>>, vector<1x16xf32>,
        %get3A_301 = arith.index_cast %scan3A_233 : i32 to index
        %get3A_302 = arith.constant 80 : index
        %get3A_303 = tpu.vector_load %arg10[%get3A_301, %get3A_302] {strides = array<i32>} : memref<80x128xf32, #tpu.memory_space<vmem>>, vector<1x16xf32>,
        %get3A_304 = vector.shape_cast %get3A_303 : vector<1x16xf32> to vector<16xf32>
        %get3A_305 = arith.index_cast %scan3A_233 : i32 to index
        %get3A_306 = arith.constant 80 : index
        %get3A_307 = tpu.vector_load %arg15[%get3A_305, %get3A_306] {strides = array<i32>} : memref<80x128xf32, #tpu.memory_space<vmem>>, vector<1x16xf32>,
        %get3A_308 = vector.shape_cast %get3A_307 : vector<1x16xf32> to vector<16xf32>
        %sub3A_309 = arith.subf %get3A_304, %get3A_308 : vector<16xf32>
        %swap3A_310 = arith.index_cast %scan3A_233 : i32 to index
        %swap3A_311 = arith.constant 80 : index
        %swap3A_312 = tpu.vector_load %arg10[%swap3A_310, %swap3A_311] {strides = array<i32>} : memref<80x128xf32, #tpu.memory_space<vmem>>, vector<1x16xf32>,
        %swap3A_313 = vector.shape_cast %swap3A_312 : vector<1x16xf32> to vector<16xf32>
        %swap3A_314 = vector.shape_cast %sub3A_309 : vector<16xf32> to vector<1x16xf32>
        tpu.vector_store %arg10[%swap3A_310, %swap3A_311], %swap3A_314 {strides = array<i32>} : memref<80x128xf32, #tpu.memory_space<vmem>>, vector<1x16xf32>,
        %get3A_315 = arith.index_cast %scan3A_233 : i32 to index
        %get3A_316 = arith.constant 96 : index
        %get3A_317 = tpu.vector_load %arg10[%get3A_315, %get3A_316] {strides = array<i32>} : memref<80x128xf32, #tpu.memory_space<vmem>>, vector<1x16xf32>,
        %get3A_318 = vector.shape_cast %get3A_317 : vector<1x16xf32> to vector<16xf32>
        %get3A_319 = arith.index_cast %scan3A_233 : i32 to index
        %get3A_320 = arith.constant 96 : index
        %get3A_321 = tpu.vector_load %arg15[%get3A_319, %get3A_320] {strides = array<i32>} : memref<80x128xf32, #tpu.memory_space<vmem>>, vector<1x16xf32>,
        %get3A_322 = vector.shape_cast %get3A_321 : vector<1x16xf32> to vector<16xf32>
        %sub3A_323 = arith.subf %get3A_318, %get3A_322 : vector<16xf32>
        %swap3A_324 = arith.index_cast %scan3A_233 : i32 to index
        %swap3A_325 = arith.constant 96 : index
        %swap3A_326 = tpu.vector_load %arg10[%swap3A_324, %swap3A_325] {strides = array<i32>} : memref<80x128xf32, #tpu.memory_space<vmem>>, vector<1x16xf32>,
        %swap3A_327 = vector.shape_cast %swap3A_326 : vector<1x16xf32> to vector<16xf32>
        %swap3A_328 = vector.shape_cast %sub3A_323 : vector<16xf32> to vector<1x16xf32>
        tpu.vector_store %arg10[%swap3A_324, %swap3A_325], %swap3A_328 {strides = array<i32>} : memref<80x128xf32, #tpu.memory_space<vmem>>, vector<1x16xf32>,
        %get3A_329 = arith.index_cast %scan3A_233 : i32 to index
        %get3A_330 = arith.constant 112 : index
        %get3A_331 = tpu.vector_load %arg10[%get3A_329, %get3A_330] {strides = array<i32>} : memref<80x128xf32, #tpu.memory_space<vmem>>, vector<1x16xf32>,
        %get3A_332 = vector.shape_cast %get3A_331 : vector<1x16xf32> to vector<16xf32>
        %get3A_333 = arith.index_cast %scan3A_233 : i32 to index
        %get3A_334 = arith.constant 112 : index
        %get3A_335 = tpu.vector_load %arg15[%get3A_333, %get3A_334] {strides = array<i32>} : memref<80x128xf32, #tpu.memory_space<vmem>>, vector<1x16xf32>,
        %get3A_336 = vector.shape_cast %get3A_335 : vector<1x16xf32> to vector<16xf32>
        %sub3A_337 = arith.subf %get3A_332, %get3A_336 : vector<16xf32>
        %swap3A_338 = arith.index_cast %scan3A_233 : i32 to index
        %swap3A_339 = arith.constant 112 : index
        %swap3A_340 = tpu.vector_load %arg10[%swap3A_338, %swap3A_339] {strides = array<i32>} : memref<80x128xf32, #tpu.memory_space<vmem>>, vector<1x16xf32>,
        %swap3A_341 = vector.shape_cast %swap3A_340 : vector<1x16xf32> to vector<16xf32>
        %swap3A_342 = vector.shape_cast %sub3A_337 : vector<16xf32> to vector<1x16xf32>
        tpu.vector_store %arg10[%swap3A_338, %swap3A_339], %swap3A_342 {strides = array<i32>} : memref<80x128xf32, #tpu.memory_space<vmem>>, vector<1x16xf32>,
      }
      %scan3A_106 = arith.constant 80 : i32
      %mul3A_107 = arith.constant 10000 : i32
      %mul3A_108 = arith.muli %add3A, %mul3A_107 : i32
      %mul3A_109 = arith.constant 80 : i32
      %mul3A_110 = arith.muli %add3A_80, %mul3A_109 : i32
      %add3A_111 = arith.addi %mul3A_108, %mul3A_110 : i32
      %dma_start3A_112 = arith.constant 0 : i32
      %dma_start3A_113 = tpu.memref_slice %arg6[%add3A_111, %dma_start3A_112] : memref<320000x128xf32, #tpu.memory_space<hbm>> -> memref<80x128xf32, #tpu.memory_space<hbm>>
      %dma_start3A_114 = arith.constant 0 : i32
      %dma_start3A_115 = tpu.memref_slice %arg6[%add3A_111, %dma_start3A_114] : memref<320000x128xf32, #tpu.memory_space<hbm>> -> memref<80x128xf32, #tpu.memory_space<hbm>>
      tpu.enqueue_dma source(%arg10 : memref<80x128xf32, #tpu.memory_space<vmem>>) target(%dma_start3A_115 : memref<80x128xf32, #tpu.memory_space<hbm>>) target_semaphore(%arg30 : memref<!tpu.dma_semaphore, #tpu.memory_space<semaphore_mem>>)
      %mul3A_116 = arith.constant 5 : i32
      %mul3A_117 = arith.muli %mul3A_116, %scan3A_41 : i32
      %add3A_118 = arith.constant 2 : i32
      %add3A_119 = arith.addi %mul3A_117, %add3A_118 : i32
      %ge3A_120 = arith.constant 4 : i32
      %ge3A_121 = arith.cmpi sge, %add3A_119, %ge3A_120 : i32
      %convert_element_type3A_122 = arith.extui %ge3A_121 : i1 to i32
      %cond3A_123 = arith.constant 0 : i32
      %cond3A_124 = arith.cmpi ne, %convert_element_type3A_122, %cond3A_123 : i32
      scf.if %cond3A_124 {
        %dma_wait3A_233 = arith.constant 0 : i32
        %dma_wait3A_234 = arith.constant 0 : i32
        %dma_wait3A_235 = tpu.memref_slice %arg6[%dma_wait3A_233, %dma_wait3A_234] : memref<320000x128xf32, #tpu.memory_space<hbm>> -> memref<80x128xf32, #tpu.memory_space<hbm>>
        %dma_wait3A_236 = arith.constant 0 : i32
        %dma_wait3A_237 = arith.constant 0 : i32
        %dma_wait3A_238 = tpu.memref_slice %arg6[%dma_wait3A_236, %dma_wait3A_237] : memref<320000x128xf32, #tpu.memory_space<hbm>> -> memref<80x128xf32, #tpu.memory_space<hbm>>
        tpu.wait_dma2 semaphore(%arg32 : memref<!tpu.dma_semaphore, #tpu.memory_space<semaphore_mem>>) src(%arg12 : memref<80x128xf32, #tpu.memory_space<vmem>>) dst(%dma_wait3A_238 : memref<80x128xf32, #tpu.memory_space<hbm>>)
      } else {
      }
      %lt3A_125 = arith.constant 124 : i32
      %lt3A_126 = arith.cmpi slt, %add3A_119, %lt3A_125 : i32
      %convert_element_type3A_127 = arith.extui %lt3A_126 : i1 to i32
      %cond3A_128 = arith.constant 0 : i32
      %cond3A_129 = arith.cmpi ne, %convert_element_type3A_127, %cond3A_128 : i32
      scf.if %cond3A_129 {
        %add3A_233 = arith.constant 1 : i32
        %add3A_234 = arith.addi %add3A_119, %add3A_233 : i32
        %mul3A_235 = arith.constant 80 : i32
        %mul3A_236 = arith.muli %add3A_234, %mul3A_235 : i32
        %multiple_of3A_237 = tpu.assume_multiple %mul3A_236, 16 : i32
        %dma_start3A_238 = tpu.memref_slice %arg7[%multiple_of3A_237] : memref<10000xi32, #tpu.memory_space<vmem>> -> memref<80xi32, #tpu.memory_space<vmem>>
        %dma_start3A_239 = arith.constant 0 : i32
        %dma_start3A_240 = arith.constant 0 : i32
        %dma_start3A_241 = tpu.memref_slice %arg2[%dma_start3A_239, %dma_start3A_240] : memref<10240x128xf32, #tpu.memory_space<hbm>> -> memref<10240x128xf32, #tpu.memory_space<hbm>>
        tpu.enqueue_indirect_dma source(%dma_start3A_241 : memref<10240x128xf32, #tpu.memory_space<hbm>>) target(%arg12 : memref<80x128xf32, #tpu.memory_space<vmem>>) offsets(%dma_start3A_238 : memref<80xi32, #tpu.memory_space<vmem>>) semaphore(%arg22 : memref<!tpu.dma_semaphore, #tpu.memory_space<semaphore_mem>>)
        %dma_start3A_242 = tpu.memref_slice %arg8[%multiple_of3A_237] : memref<10000xi32, #tpu.memory_space<vmem>> -> memref<80xi32, #tpu.memory_space<vmem>>
        %dma_start3A_243 = arith.constant 0 : i32
        %dma_start3A_244 = arith.constant 0 : i32
        %dma_start3A_245 = tpu.memref_slice %arg3[%dma_start3A_243, %dma_start3A_244] : memref<320000x128xf32, #tpu.memory_space<hbm>> -> memref<320000x128xf32, #tpu.memory_space<hbm>>
        tpu.enqueue_indirect_dma source(%dma_start3A_245 : memref<320000x128xf32, #tpu.memory_space<hbm>>) target(%arg17 : memref<80x128xf32, #tpu.memory_space<vmem>>) offsets(%dma_start3A_242 : memref<80xi32, #tpu.memory_space<vmem>>) semaphore(%arg27 : memref<!tpu.dma_semaphore, #tpu.memory_space<semaphore_mem>>)
      } else {
      }
      %dma_wait3A_130 = arith.constant 0 : i32
      %dma_wait3A_131 = tpu.memref_slice %arg7[%dma_wait3A_130] : memref<10000xi32, #tpu.memory_space<vmem>> -> memref<80xi32, #tpu.memory_space<vmem>>
      %dma_wait3A_132 = arith.constant 0 : i32
      %dma_wait3A_133 = arith.constant 0 : i32
      %dma_wait3A_134 = tpu.memref_slice %arg2[%dma_wait3A_132, %dma_wait3A_133] : memref<10240x128xf32, #tpu.memory_space<hbm>> -> memref<10240x128xf32, #tpu.memory_space<hbm>>
      tpu.wait_indirect_dma semaphore(%arg21 : memref<!tpu.dma_semaphore, #tpu.memory_space<semaphore_mem>>) src(%dma_wait3A_134 : memref<10240x128xf32, #tpu.memory_space<hbm>>) dst(%arg11 : memref<80x128xf32, #tpu.memory_space<vmem>>)
      %dma_wait3A_135 = arith.constant 0 : i32
      %dma_wait3A_136 = tpu.memref_slice %arg8[%dma_wait3A_135] : memref<10000xi32, #tpu.memory_space<vmem>> -> memref<80xi32, #tpu.memory_space<vmem>>
      %dma_wait3A_137 = arith.constant 0 : i32
      %dma_wait3A_138 = arith.constant 0 : i32
      %dma_wait3A_139 = tpu.memref_slice %arg3[%dma_wait3A_137, %dma_wait3A_138] : memref<320000x128xf32, #tpu.memory_space<hbm>> -> memref<320000x128xf32, #tpu.memory_space<hbm>>
      tpu.wait_indirect_dma semaphore(%arg26 : memref<!tpu.dma_semaphore, #tpu.memory_space<semaphore_mem>>) src(%dma_wait3A_139 : memref<320000x128xf32, #tpu.memory_space<hbm>>) dst(%arg16 : memref<80x128xf32, #tpu.memory_space<vmem>>)
      %scan3A_140 = arith.constant 0 : i32
      %scan3A_141 = arith.constant 0 : i32
      %scan3A_142 = arith.constant 80 : i32
      %scan3A_143 = arith.addi %scan3A_141, %scan3A_142 : i32
      %scan3A_144 = arith.constant 1 : i32
      scf.for %scan3A_233 = %scan3A_141 to %scan3A_143 step %scan3A_144  : i32 {
        %get3A = arith.index_cast %scan3A_233 : i32 to index
        %get3A_234 = arith.constant 0 : index
        %get3A_235 = tpu.vector_load %arg11[%get3A, %get3A_234] {strides = array<i32>} : memref<80x128xf32, #tpu.memory_space<vmem>>, vector<1x16xf32>,
        %get3A_236 = vector.shape_cast %get3A_235 : vector<1x16xf32> to vector<16xf32>
        %get3A_237 = arith.index_cast %scan3A_233 : i32 to index
        %get3A_238 = arith.constant 0 : index
        %get3A_239 = tpu.vector_load %arg16[%get3A_237, %get3A_238] {strides = array<i32>} : memref<80x128xf32, #tpu.memory_space<vmem>>, vector<1x16xf32>,
        %get3A_240 = vector.shape_cast %get3A_239 : vector<1x16xf32> to vector<16xf32>
        %sub3A = arith.subf %get3A_236, %get3A_240 : vector<16xf32>
        %swap3A = arith.index_cast %scan3A_233 : i32 to index
        %swap3A_241 = arith.constant 0 : index
        %swap3A_242 = tpu.vector_load %arg11[%swap3A, %swap3A_241] {strides = array<i32>} : memref<80x128xf32, #tpu.memory_space<vmem>>, vector<1x16xf32>,
        %swap3A_243 = vector.shape_cast %swap3A_242 : vector<1x16xf32> to vector<16xf32>
        %swap3A_244 = vector.shape_cast %sub3A : vector<16xf32> to vector<1x16xf32>
        tpu.vector_store %arg11[%swap3A, %swap3A_241], %swap3A_244 {strides = array<i32>} : memref<80x128xf32, #tpu.memory_space<vmem>>, vector<1x16xf32>,
        %get3A_245 = arith.index_cast %scan3A_233 : i32 to index
        %get3A_246 = arith.constant 16 : index
        %get3A_247 = tpu.vector_load %arg11[%get3A_245, %get3A_246] {strides = array<i32>} : memref<80x128xf32, #tpu.memory_space<vmem>>, vector<1x16xf32>,
        %get3A_248 = vector.shape_cast %get3A_247 : vector<1x16xf32> to vector<16xf32>
        %get3A_249 = arith.index_cast %scan3A_233 : i32 to index
        %get3A_250 = arith.constant 16 : index
        %get3A_251 = tpu.vector_load %arg16[%get3A_249, %get3A_250] {strides = array<i32>} : memref<80x128xf32, #tpu.memory_space<vmem>>, vector<1x16xf32>,
        %get3A_252 = vector.shape_cast %get3A_251 : vector<1x16xf32> to vector<16xf32>
        %sub3A_253 = arith.subf %get3A_248, %get3A_252 : vector<16xf32>
        %swap3A_254 = arith.index_cast %scan3A_233 : i32 to index
        %swap3A_255 = arith.constant 16 : index
        %swap3A_256 = tpu.vector_load %arg11[%swap3A_254, %swap3A_255] {strides = array<i32>} : memref<80x128xf32, #tpu.memory_space<vmem>>, vector<1x16xf32>,
        %swap3A_257 = vector.shape_cast %swap3A_256 : vector<1x16xf32> to vector<16xf32>
        %swap3A_258 = vector.shape_cast %sub3A_253 : vector<16xf32> to vector<1x16xf32>
        tpu.vector_store %arg11[%swap3A_254, %swap3A_255], %swap3A_258 {strides = array<i32>} : memref<80x128xf32, #tpu.memory_space<vmem>>, vector<1x16xf32>,
        %get3A_259 = arith.index_cast %scan3A_233 : i32 to index
        %get3A_260 = arith.constant 32 : index
        %get3A_261 = tpu.vector_load %arg11[%get3A_259, %get3A_260] {strides = array<i32>} : memref<80x128xf32, #tpu.memory_space<vmem>>, vector<1x16xf32>,
        %get3A_262 = vector.shape_cast %get3A_261 : vector<1x16xf32> to vector<16xf32>
        %get3A_263 = arith.index_cast %scan3A_233 : i32 to index
        %get3A_264 = arith.constant 32 : index
        %get3A_265 = tpu.vector_load %arg16[%get3A_263, %get3A_264] {strides = array<i32>} : memref<80x128xf32, #tpu.memory_space<vmem>>, vector<1x16xf32>,
        %get3A_266 = vector.shape_cast %get3A_265 : vector<1x16xf32> to vector<16xf32>
        %sub3A_267 = arith.subf %get3A_262, %get3A_266 : vector<16xf32>
        %swap3A_268 = arith.index_cast %scan3A_233 : i32 to index
        %swap3A_269 = arith.constant 32 : index
        %swap3A_270 = tpu.vector_load %arg11[%swap3A_268, %swap3A_269] {strides = array<i32>} : memref<80x128xf32, #tpu.memory_space<vmem>>, vector<1x16xf32>,
        %swap3A_271 = vector.shape_cast %swap3A_270 : vector<1x16xf32> to vector<16xf32>
        %swap3A_272 = vector.shape_cast %sub3A_267 : vector<16xf32> to vector<1x16xf32>
        tpu.vector_store %arg11[%swap3A_268, %swap3A_269], %swap3A_272 {strides = array<i32>} : memref<80x128xf32, #tpu.memory_space<vmem>>, vector<1x16xf32>,
        %get3A_273 = arith.index_cast %scan3A_233 : i32 to index
        %get3A_274 = arith.constant 48 : index
        %get3A_275 = tpu.vector_load %arg11[%get3A_273, %get3A_274] {strides = array<i32>} : memref<80x128xf32, #tpu.memory_space<vmem>>, vector<1x16xf32>,
        %get3A_276 = vector.shape_cast %get3A_275 : vector<1x16xf32> to vector<16xf32>
        %get3A_277 = arith.index_cast %scan3A_233 : i32 to index
        %get3A_278 = arith.constant 48 : index
        %get3A_279 = tpu.vector_load %arg16[%get3A_277, %get3A_278] {strides = array<i32>} : memref<80x128xf32, #tpu.memory_space<vmem>>, vector<1x16xf32>,
        %get3A_280 = vector.shape_cast %get3A_279 : vector<1x16xf32> to vector<16xf32>
        %sub3A_281 = arith.subf %get3A_276, %get3A_280 : vector<16xf32>
        %swap3A_282 = arith.index_cast %scan3A_233 : i32 to index
        %swap3A_283 = arith.constant 48 : index
        %swap3A_284 = tpu.vector_load %arg11[%swap3A_282, %swap3A_283] {strides = array<i32>} : memref<80x128xf32, #tpu.memory_space<vmem>>, vector<1x16xf32>,
        %swap3A_285 = vector.shape_cast %swap3A_284 : vector<1x16xf32> to vector<16xf32>
        %swap3A_286 = vector.shape_cast %sub3A_281 : vector<16xf32> to vector<1x16xf32>
        tpu.vector_store %arg11[%swap3A_282, %swap3A_283], %swap3A_286 {strides = array<i32>} : memref<80x128xf32, #tpu.memory_space<vmem>>, vector<1x16xf32>,
        %get3A_287 = arith.index_cast %scan3A_233 : i32 to index
        %get3A_288 = arith.constant 64 : index
        %get3A_289 = tpu.vector_load %arg11[%get3A_287, %get3A_288] {strides = array<i32>} : memref<80x128xf32, #tpu.memory_space<vmem>>, vector<1x16xf32>,
        %get3A_290 = vector.shape_cast %get3A_289 : vector<1x16xf32> to vector<16xf32>
        %get3A_291 = arith.index_cast %scan3A_233 : i32 to index
        %get3A_292 = arith.constant 64 : index
        %get3A_293 = tpu.vector_load %arg16[%get3A_291, %get3A_292] {strides = array<i32>} : memref<80x128xf32, #tpu.memory_space<vmem>>, vector<1x16xf32>,
        %get3A_294 = vector.shape_cast %get3A_293 : vector<1x16xf32> to vector<16xf32>
        %sub3A_295 = arith.subf %get3A_290, %get3A_294 : vector<16xf32>
        %swap3A_296 = arith.index_cast %scan3A_233 : i32 to index
        %swap3A_297 = arith.constant 64 : index
        %swap3A_298 = tpu.vector_load %arg11[%swap3A_296, %swap3A_297] {strides = array<i32>} : memref<80x128xf32, #tpu.memory_space<vmem>>, vector<1x16xf32>,
        %swap3A_299 = vector.shape_cast %swap3A_298 : vector<1x16xf32> to vector<16xf32>
        %swap3A_300 = vector.shape_cast %sub3A_295 : vector<16xf32> to vector<1x16xf32>
        tpu.vector_store %arg11[%swap3A_296, %swap3A_297], %swap3A_300 {strides = array<i32>} : memref<80x128xf32, #tpu.memory_space<vmem>>, vector<1x16xf32>,
        %get3A_301 = arith.index_cast %scan3A_233 : i32 to index
        %get3A_302 = arith.constant 80 : index
        %get3A_303 = tpu.vector_load %arg11[%get3A_301, %get3A_302] {strides = array<i32>} : memref<80x128xf32, #tpu.memory_space<vmem>>, vector<1x16xf32>,
        %get3A_304 = vector.shape_cast %get3A_303 : vector<1x16xf32> to vector<16xf32>
        %get3A_305 = arith.index_cast %scan3A_233 : i32 to index
        %get3A_306 = arith.constant 80 : index
        %get3A_307 = tpu.vector_load %arg16[%get3A_305, %get3A_306] {strides = array<i32>} : memref<80x128xf32, #tpu.memory_space<vmem>>, vector<1x16xf32>,
        %get3A_308 = vector.shape_cast %get3A_307 : vector<1x16xf32> to vector<16xf32>
        %sub3A_309 = arith.subf %get3A_304, %get3A_308 : vector<16xf32>
        %swap3A_310 = arith.index_cast %scan3A_233 : i32 to index
        %swap3A_311 = arith.constant 80 : index
        %swap3A_312 = tpu.vector_load %arg11[%swap3A_310, %swap3A_311] {strides = array<i32>} : memref<80x128xf32, #tpu.memory_space<vmem>>, vector<1x16xf32>,
        %swap3A_313 = vector.shape_cast %swap3A_312 : vector<1x16xf32> to vector<16xf32>
        %swap3A_314 = vector.shape_cast %sub3A_309 : vector<16xf32> to vector<1x16xf32>
        tpu.vector_store %arg11[%swap3A_310, %swap3A_311], %swap3A_314 {strides = array<i32>} : memref<80x128xf32, #tpu.memory_space<vmem>>, vector<1x16xf32>,
        %get3A_315 = arith.index_cast %scan3A_233 : i32 to index
        %get3A_316 = arith.constant 96 : index
        %get3A_317 = tpu.vector_load %arg11[%get3A_315, %get3A_316] {strides = array<i32>} : memref<80x128xf32, #tpu.memory_space<vmem>>, vector<1x16xf32>,
        %get3A_318 = vector.shape_cast %get3A_317 : vector<1x16xf32> to vector<16xf32>
        %get3A_319 = arith.index_cast %scan3A_233 : i32 to index
        %get3A_320 = arith.constant 96 : index
        %get3A_321 = tpu.vector_load %arg16[%get3A_319, %get3A_320] {strides = array<i32>} : memref<80x128xf32, #tpu.memory_space<vmem>>, vector<1x16xf32>,
        %get3A_322 = vector.shape_cast %get3A_321 : vector<1x16xf32> to vector<16xf32>
        %sub3A_323 = arith.subf %get3A_318, %get3A_322 : vector<16xf32>
        %swap3A_324 = arith.index_cast %scan3A_233 : i32 to index
        %swap3A_325 = arith.constant 96 : index
        %swap3A_326 = tpu.vector_load %arg11[%swap3A_324, %swap3A_325] {strides = array<i32>} : memref<80x128xf32, #tpu.memory_space<vmem>>, vector<1x16xf32>,
        %swap3A_327 = vector.shape_cast %swap3A_326 : vector<1x16xf32> to vector<16xf32>
        %swap3A_328 = vector.shape_cast %sub3A_323 : vector<16xf32> to vector<1x16xf32>
        tpu.vector_store %arg11[%swap3A_324, %swap3A_325], %swap3A_328 {strides = array<i32>} : memref<80x128xf32, #tpu.memory_space<vmem>>, vector<1x16xf32>,
        %get3A_329 = arith.index_cast %scan3A_233 : i32 to index
        %get3A_330 = arith.constant 112 : index
        %get3A_331 = tpu.vector_load %arg11[%get3A_329, %get3A_330] {strides = array<i32>} : memref<80x128xf32, #tpu.memory_space<vmem>>, vector<1x16xf32>,
        %get3A_332 = vector.shape_cast %get3A_331 : vector<1x16xf32> to vector<16xf32>
        %get3A_333 = arith.index_cast %scan3A_233 : i32 to index
        %get3A_334 = arith.constant 112 : index
        %get3A_335 = tpu.vector_load %arg16[%get3A_333, %get3A_334] {strides = array<i32>} : memref<80x128xf32, #tpu.memory_space<vmem>>, vector<1x16xf32>,
        %get3A_336 = vector.shape_cast %get3A_335 : vector<1x16xf32> to vector<16xf32>
        %sub3A_337 = arith.subf %get3A_332, %get3A_336 : vector<16xf32>
        %swap3A_338 = arith.index_cast %scan3A_233 : i32 to index
        %swap3A_339 = arith.constant 112 : index
        %swap3A_340 = tpu.vector_load %arg11[%swap3A_338, %swap3A_339] {strides = array<i32>} : memref<80x128xf32, #tpu.memory_space<vmem>>, vector<1x16xf32>,
        %swap3A_341 = vector.shape_cast %swap3A_340 : vector<1x16xf32> to vector<16xf32>
        %swap3A_342 = vector.shape_cast %sub3A_337 : vector<16xf32> to vector<1x16xf32>
        tpu.vector_store %arg11[%swap3A_338, %swap3A_339], %swap3A_342 {strides = array<i32>} : memref<80x128xf32, #tpu.memory_space<vmem>>, vector<1x16xf32>,
      }
      %scan3A_145 = arith.constant 80 : i32
      %mul3A_146 = arith.constant 10000 : i32
      %mul3A_147 = arith.muli %add3A, %mul3A_146 : i32
      %mul3A_148 = arith.constant 80 : i32
      %mul3A_149 = arith.muli %add3A_119, %mul3A_148 : i32
      %add3A_150 = arith.addi %mul3A_147, %mul3A_149 : i32
      %dma_start3A_151 = arith.constant 0 : i32
      %dma_start3A_152 = tpu.memref_slice %arg6[%add3A_150, %dma_start3A_151] : memref<320000x128xf32, #tpu.memory_space<hbm>> -> memref<80x128xf32, #tpu.memory_space<hbm>>
      %dma_start3A_153 = arith.constant 0 : i32
      %dma_start3A_154 = tpu.memref_slice %arg6[%add3A_150, %dma_start3A_153] : memref<320000x128xf32, #tpu.memory_space<hbm>> -> memref<80x128xf32, #tpu.memory_space<hbm>>
      tpu.enqueue_dma source(%arg11 : memref<80x128xf32, #tpu.memory_space<vmem>>) target(%dma_start3A_154 : memref<80x128xf32, #tpu.memory_space<hbm>>) target_semaphore(%arg31 : memref<!tpu.dma_semaphore, #tpu.memory_space<semaphore_mem>>)
      %mul3A_155 = arith.constant 5 : i32
      %mul3A_156 = arith.muli %mul3A_155, %scan3A_41 : i32
      %add3A_157 = arith.constant 3 : i32
      %add3A_158 = arith.addi %mul3A_156, %add3A_157 : i32
      %ge3A_159 = arith.constant 4 : i32
      %ge3A_160 = arith.cmpi sge, %add3A_158, %ge3A_159 : i32
      %convert_element_type3A_161 = arith.extui %ge3A_160 : i1 to i32
      %cond3A_162 = arith.constant 0 : i32
      %cond3A_163 = arith.cmpi ne, %convert_element_type3A_161, %cond3A_162 : i32
      scf.if %cond3A_163 {
        %dma_wait3A_233 = arith.constant 0 : i32
        %dma_wait3A_234 = arith.constant 0 : i32
        %dma_wait3A_235 = tpu.memref_slice %arg6[%dma_wait3A_233, %dma_wait3A_234] : memref<320000x128xf32, #tpu.memory_space<hbm>> -> memref<80x128xf32, #tpu.memory_space<hbm>>
        %dma_wait3A_236 = arith.constant 0 : i32
        %dma_wait3A_237 = arith.constant 0 : i32
        %dma_wait3A_238 = tpu.memref_slice %arg6[%dma_wait3A_236, %dma_wait3A_237] : memref<320000x128xf32, #tpu.memory_space<hbm>> -> memref<80x128xf32, #tpu.memory_space<hbm>>
        tpu.wait_dma2 semaphore(%arg33 : memref<!tpu.dma_semaphore, #tpu.memory_space<semaphore_mem>>) src(%arg13 : memref<80x128xf32, #tpu.memory_space<vmem>>) dst(%dma_wait3A_238 : memref<80x128xf32, #tpu.memory_space<hbm>>)
      } else {
      }
      %lt3A_164 = arith.constant 124 : i32
      %lt3A_165 = arith.cmpi slt, %add3A_158, %lt3A_164 : i32
      %convert_element_type3A_166 = arith.extui %lt3A_165 : i1 to i32
      %cond3A_167 = arith.constant 0 : i32
      %cond3A_168 = arith.cmpi ne, %convert_element_type3A_166, %cond3A_167 : i32
      scf.if %cond3A_168 {
        %add3A_233 = arith.constant 1 : i32
        %add3A_234 = arith.addi %add3A_158, %add3A_233 : i32
        %mul3A_235 = arith.constant 80 : i32
        %mul3A_236 = arith.muli %add3A_234, %mul3A_235 : i32
        %multiple_of3A_237 = tpu.assume_multiple %mul3A_236, 16 : i32
        %dma_start3A_238 = tpu.memref_slice %arg7[%multiple_of3A_237] : memref<10000xi32, #tpu.memory_space<vmem>> -> memref<80xi32, #tpu.memory_space<vmem>>
        %dma_start3A_239 = arith.constant 0 : i32
        %dma_start3A_240 = arith.constant 0 : i32
        %dma_start3A_241 = tpu.memref_slice %arg2[%dma_start3A_239, %dma_start3A_240] : memref<10240x128xf32, #tpu.memory_space<hbm>> -> memref<10240x128xf32, #tpu.memory_space<hbm>>
        tpu.enqueue_indirect_dma source(%dma_start3A_241 : memref<10240x128xf32, #tpu.memory_space<hbm>>) target(%arg13 : memref<80x128xf32, #tpu.memory_space<vmem>>) offsets(%dma_start3A_238 : memref<80xi32, #tpu.memory_space<vmem>>) semaphore(%arg23 : memref<!tpu.dma_semaphore, #tpu.memory_space<semaphore_mem>>)
        %dma_start3A_242 = tpu.memref_slice %arg8[%multiple_of3A_237] : memref<10000xi32, #tpu.memory_space<vmem>> -> memref<80xi32, #tpu.memory_space<vmem>>
        %dma_start3A_243 = arith.constant 0 : i32
        %dma_start3A_244 = arith.constant 0 : i32
        %dma_start3A_245 = tpu.memref_slice %arg3[%dma_start3A_243, %dma_start3A_244] : memref<320000x128xf32, #tpu.memory_space<hbm>> -> memref<320000x128xf32, #tpu.memory_space<hbm>>
        tpu.enqueue_indirect_dma source(%dma_start3A_245 : memref<320000x128xf32, #tpu.memory_space<hbm>>) target(%arg18 : memref<80x128xf32, #tpu.memory_space<vmem>>) offsets(%dma_start3A_242 : memref<80xi32, #tpu.memory_space<vmem>>) semaphore(%arg28 : memref<!tpu.dma_semaphore, #tpu.memory_space<semaphore_mem>>)
      } else {
      }
      %dma_wait3A_169 = arith.constant 0 : i32
      %dma_wait3A_170 = tpu.memref_slice %arg7[%dma_wait3A_169] : memref<10000xi32, #tpu.memory_space<vmem>> -> memref<80xi32, #tpu.memory_space<vmem>>
      %dma_wait3A_171 = arith.constant 0 : i32
      %dma_wait3A_172 = arith.constant 0 : i32
      %dma_wait3A_173 = tpu.memref_slice %arg2[%dma_wait3A_171, %dma_wait3A_172] : memref<10240x128xf32, #tpu.memory_space<hbm>> -> memref<10240x128xf32, #tpu.memory_space<hbm>>
      tpu.wait_indirect_dma semaphore(%arg22 : memref<!tpu.dma_semaphore, #tpu.memory_space<semaphore_mem>>) src(%dma_wait3A_173 : memref<10240x128xf32, #tpu.memory_space<hbm>>) dst(%arg12 : memref<80x128xf32, #tpu.memory_space<vmem>>)
      %dma_wait3A_174 = arith.constant 0 : i32
      %dma_wait3A_175 = tpu.memref_slice %arg8[%dma_wait3A_174] : memref<10000xi32, #tpu.memory_space<vmem>> -> memref<80xi32, #tpu.memory_space<vmem>>
      %dma_wait3A_176 = arith.constant 0 : i32
      %dma_wait3A_177 = arith.constant 0 : i32
      %dma_wait3A_178 = tpu.memref_slice %arg3[%dma_wait3A_176, %dma_wait3A_177] : memref<320000x128xf32, #tpu.memory_space<hbm>> -> memref<320000x128xf32, #tpu.memory_space<hbm>>
      tpu.wait_indirect_dma semaphore(%arg27 : memref<!tpu.dma_semaphore, #tpu.memory_space<semaphore_mem>>) src(%dma_wait3A_178 : memref<320000x128xf32, #tpu.memory_space<hbm>>) dst(%arg17 : memref<80x128xf32, #tpu.memory_space<vmem>>)
      %scan3A_179 = arith.constant 0 : i32
      %scan3A_180 = arith.constant 0 : i32
      %scan3A_181 = arith.constant 80 : i32
      %scan3A_182 = arith.addi %scan3A_180, %scan3A_181 : i32
      %scan3A_183 = arith.constant 1 : i32
      scf.for %scan3A_233 = %scan3A_180 to %scan3A_182 step %scan3A_183  : i32 {
        %get3A = arith.index_cast %scan3A_233 : i32 to index
        %get3A_234 = arith.constant 0 : index
        %get3A_235 = tpu.vector_load %arg12[%get3A, %get3A_234] {strides = array<i32>} : memref<80x128xf32, #tpu.memory_space<vmem>>, vector<1x16xf32>,
        %get3A_236 = vector.shape_cast %get3A_235 : vector<1x16xf32> to vector<16xf32>
        %get3A_237 = arith.index_cast %scan3A_233 : i32 to index
        %get3A_238 = arith.constant 0 : index
        %get3A_239 = tpu.vector_load %arg17[%get3A_237, %get3A_238] {strides = array<i32>} : memref<80x128xf32, #tpu.memory_space<vmem>>, vector<1x16xf32>,
        %get3A_240 = vector.shape_cast %get3A_239 : vector<1x16xf32> to vector<16xf32>
        %sub3A = arith.subf %get3A_236, %get3A_240 : vector<16xf32>
        %swap3A = arith.index_cast %scan3A_233 : i32 to index
        %swap3A_241 = arith.constant 0 : index
        %swap3A_242 = tpu.vector_load %arg12[%swap3A, %swap3A_241] {strides = array<i32>} : memref<80x128xf32, #tpu.memory_space<vmem>>, vector<1x16xf32>,
        %swap3A_243 = vector.shape_cast %swap3A_242 : vector<1x16xf32> to vector<16xf32>
        %swap3A_244 = vector.shape_cast %sub3A : vector<16xf32> to vector<1x16xf32>
        tpu.vector_store %arg12[%swap3A, %swap3A_241], %swap3A_244 {strides = array<i32>} : memref<80x128xf32, #tpu.memory_space<vmem>>, vector<1x16xf32>,
        %get3A_245 = arith.index_cast %scan3A_233 : i32 to index
        %get3A_246 = arith.constant 16 : index
        %get3A_247 = tpu.vector_load %arg12[%get3A_245, %get3A_246] {strides = array<i32>} : memref<80x128xf32, #tpu.memory_space<vmem>>, vector<1x16xf32>,
        %get3A_248 = vector.shape_cast %get3A_247 : vector<1x16xf32> to vector<16xf32>
        %get3A_249 = arith.index_cast %scan3A_233 : i32 to index
        %get3A_250 = arith.constant 16 : index
        %get3A_251 = tpu.vector_load %arg17[%get3A_249, %get3A_250] {strides = array<i32>} : memref<80x128xf32, #tpu.memory_space<vmem>>, vector<1x16xf32>,
        %get3A_252 = vector.shape_cast %get3A_251 : vector<1x16xf32> to vector<16xf32>
        %sub3A_253 = arith.subf %get3A_248, %get3A_252 : vector<16xf32>
        %swap3A_254 = arith.index_cast %scan3A_233 : i32 to index
        %swap3A_255 = arith.constant 16 : index
        %swap3A_256 = tpu.vector_load %arg12[%swap3A_254, %swap3A_255] {strides = array<i32>} : memref<80x128xf32, #tpu.memory_space<vmem>>, vector<1x16xf32>,
        %swap3A_257 = vector.shape_cast %swap3A_256 : vector<1x16xf32> to vector<16xf32>
        %swap3A_258 = vector.shape_cast %sub3A_253 : vector<16xf32> to vector<1x16xf32>
        tpu.vector_store %arg12[%swap3A_254, %swap3A_255], %swap3A_258 {strides = array<i32>} : memref<80x128xf32, #tpu.memory_space<vmem>>, vector<1x16xf32>,
        %get3A_259 = arith.index_cast %scan3A_233 : i32 to index
        %get3A_260 = arith.constant 32 : index
        %get3A_261 = tpu.vector_load %arg12[%get3A_259, %get3A_260] {strides = array<i32>} : memref<80x128xf32, #tpu.memory_space<vmem>>, vector<1x16xf32>,
        %get3A_262 = vector.shape_cast %get3A_261 : vector<1x16xf32> to vector<16xf32>
        %get3A_263 = arith.index_cast %scan3A_233 : i32 to index
        %get3A_264 = arith.constant 32 : index
        %get3A_265 = tpu.vector_load %arg17[%get3A_263, %get3A_264] {strides = array<i32>} : memref<80x128xf32, #tpu.memory_space<vmem>>, vector<1x16xf32>,
        %get3A_266 = vector.shape_cast %get3A_265 : vector<1x16xf32> to vector<16xf32>
        %sub3A_267 = arith.subf %get3A_262, %get3A_266 : vector<16xf32>
        %swap3A_268 = arith.index_cast %scan3A_233 : i32 to index
        %swap3A_269 = arith.constant 32 : index
        %swap3A_270 = tpu.vector_load %arg12[%swap3A_268, %swap3A_269] {strides = array<i32>} : memref<80x128xf32, #tpu.memory_space<vmem>>, vector<1x16xf32>,
        %swap3A_271 = vector.shape_cast %swap3A_270 : vector<1x16xf32> to vector<16xf32>
        %swap3A_272 = vector.shape_cast %sub3A_267 : vector<16xf32> to vector<1x16xf32>
        tpu.vector_store %arg12[%swap3A_268, %swap3A_269], %swap3A_272 {strides = array<i32>} : memref<80x128xf32, #tpu.memory_space<vmem>>, vector<1x16xf32>,
        %get3A_273 = arith.index_cast %scan3A_233 : i32 to index
        %get3A_274 = arith.constant 48 : index
        %get3A_275 = tpu.vector_load %arg12[%get3A_273, %get3A_274] {strides = array<i32>} : memref<80x128xf32, #tpu.memory_space<vmem>>, vector<1x16xf32>,
        %get3A_276 = vector.shape_cast %get3A_275 : vector<1x16xf32> to vector<16xf32>
        %get3A_277 = arith.index_cast %scan3A_233 : i32 to index
        %get3A_278 = arith.constant 48 : index
        %get3A_279 = tpu.vector_load %arg17[%get3A_277, %get3A_278] {strides = array<i32>} : memref<80x128xf32, #tpu.memory_space<vmem>>, vector<1x16xf32>,
        %get3A_280 = vector.shape_cast %get3A_279 : vector<1x16xf32> to vector<16xf32>
        %sub3A_281 = arith.subf %get3A_276, %get3A_280 : vector<16xf32>
        %swap3A_282 = arith.index_cast %scan3A_233 : i32 to index
        %swap3A_283 = arith.constant 48 : index
        %swap3A_284 = tpu.vector_load %arg12[%swap3A_282, %swap3A_283] {strides = array<i32>} : memref<80x128xf32, #tpu.memory_space<vmem>>, vector<1x16xf32>,
        %swap3A_285 = vector.shape_cast %swap3A_284 : vector<1x16xf32> to vector<16xf32>
        %swap3A_286 = vector.shape_cast %sub3A_281 : vector<16xf32> to vector<1x16xf32>
        tpu.vector_store %arg12[%swap3A_282, %swap3A_283], %swap3A_286 {strides = array<i32>} : memref<80x128xf32, #tpu.memory_space<vmem>>, vector<1x16xf32>,
        %get3A_287 = arith.index_cast %scan3A_233 : i32 to index
        %get3A_288 = arith.constant 64 : index
        %get3A_289 = tpu.vector_load %arg12[%get3A_287, %get3A_288] {strides = array<i32>} : memref<80x128xf32, #tpu.memory_space<vmem>>, vector<1x16xf32>,
        %get3A_290 = vector.shape_cast %get3A_289 : vector<1x16xf32> to vector<16xf32>
        %get3A_291 = arith.index_cast %scan3A_233 : i32 to index
        %get3A_292 = arith.constant 64 : index
        %get3A_293 = tpu.vector_load %arg17[%get3A_291, %get3A_292] {strides = array<i32>} : memref<80x128xf32, #tpu.memory_space<vmem>>, vector<1x16xf32>,
        %get3A_294 = vector.shape_cast %get3A_293 : vector<1x16xf32> to vector<16xf32>
        %sub3A_295 = arith.subf %get3A_290, %get3A_294 : vector<16xf32>
        %swap3A_296 = arith.index_cast %scan3A_233 : i32 to index
        %swap3A_297 = arith.constant 64 : index
        %swap3A_298 = tpu.vector_load %arg12[%swap3A_296, %swap3A_297] {strides = array<i32>} : memref<80x128xf32, #tpu.memory_space<vmem>>, vector<1x16xf32>,
        %swap3A_299 = vector.shape_cast %swap3A_298 : vector<1x16xf32> to vector<16xf32>
        %swap3A_300 = vector.shape_cast %sub3A_295 : vector<16xf32> to vector<1x16xf32>
        tpu.vector_store %arg12[%swap3A_296, %swap3A_297], %swap3A_300 {strides = array<i32>} : memref<80x128xf32, #tpu.memory_space<vmem>>, vector<1x16xf32>,
        %get3A_301 = arith.index_cast %scan3A_233 : i32 to index
        %get3A_302 = arith.constant 80 : index
        %get3A_303 = tpu.vector_load %arg12[%get3A_301, %get3A_302] {strides = array<i32>} : memref<80x128xf32, #tpu.memory_space<vmem>>, vector<1x16xf32>,
        %get3A_304 = vector.shape_cast %get3A_303 : vector<1x16xf32> to vector<16xf32>
        %get3A_305 = arith.index_cast %scan3A_233 : i32 to index
        %get3A_306 = arith.constant 80 : index
        %get3A_307 = tpu.vector_load %arg17[%get3A_305, %get3A_306] {strides = array<i32>} : memref<80x128xf32, #tpu.memory_space<vmem>>, vector<1x16xf32>,
        %get3A_308 = vector.shape_cast %get3A_307 : vector<1x16xf32> to vector<16xf32>
        %sub3A_309 = arith.subf %get3A_304, %get3A_308 : vector<16xf32>
        %swap3A_310 = arith.index_cast %scan3A_233 : i32 to index
        %swap3A_311 = arith.constant 80 : index
        %swap3A_312 = tpu.vector_load %arg12[%swap3A_310, %swap3A_311] {strides = array<i32>} : memref<80x128xf32, #tpu.memory_space<vmem>>, vector<1x16xf32>,
        %swap3A_313 = vector.shape_cast %swap3A_312 : vector<1x16xf32> to vector<16xf32>
        %swap3A_314 = vector.shape_cast %sub3A_309 : vector<16xf32> to vector<1x16xf32>
        tpu.vector_store %arg12[%swap3A_310, %swap3A_311], %swap3A_314 {strides = array<i32>} : memref<80x128xf32, #tpu.memory_space<vmem>>, vector<1x16xf32>,
        %get3A_315 = arith.index_cast %scan3A_233 : i32 to index
        %get3A_316 = arith.constant 96 : index
        %get3A_317 = tpu.vector_load %arg12[%get3A_315, %get3A_316] {strides = array<i32>} : memref<80x128xf32, #tpu.memory_space<vmem>>, vector<1x16xf32>,
        %get3A_318 = vector.shape_cast %get3A_317 : vector<1x16xf32> to vector<16xf32>
        %get3A_319 = arith.index_cast %scan3A_233 : i32 to index
        %get3A_320 = arith.constant 96 : index
        %get3A_321 = tpu.vector_load %arg17[%get3A_319, %get3A_320] {strides = array<i32>} : memref<80x128xf32, #tpu.memory_space<vmem>>, vector<1x16xf32>,
        %get3A_322 = vector.shape_cast %get3A_321 : vector<1x16xf32> to vector<16xf32>
        %sub3A_323 = arith.subf %get3A_318, %get3A_322 : vector<16xf32>
        %swap3A_324 = arith.index_cast %scan3A_233 : i32 to index
        %swap3A_325 = arith.constant 96 : index
        %swap3A_326 = tpu.vector_load %arg12[%swap3A_324, %swap3A_325] {strides = array<i32>} : memref<80x128xf32, #tpu.memory_space<vmem>>, vector<1x16xf32>,
        %swap3A_327 = vector.shape_cast %swap3A_326 : vector<1x16xf32> to vector<16xf32>
        %swap3A_328 = vector.shape_cast %sub3A_323 : vector<16xf32> to vector<1x16xf32>
        tpu.vector_store %arg12[%swap3A_324, %swap3A_325], %swap3A_328 {strides = array<i32>} : memref<80x128xf32, #tpu.memory_space<vmem>>, vector<1x16xf32>,
        %get3A_329 = arith.index_cast %scan3A_233 : i32 to index
        %get3A_330 = arith.constant 112 : index
        %get3A_331 = tpu.vector_load %arg12[%get3A_329, %get3A_330] {strides = array<i32>} : memref<80x128xf32, #tpu.memory_space<vmem>>, vector<1x16xf32>,
        %get3A_332 = vector.shape_cast %get3A_331 : vector<1x16xf32> to vector<16xf32>
        %get3A_333 = arith.index_cast %scan3A_233 : i32 to index
        %get3A_334 = arith.constant 112 : index
        %get3A_335 = tpu.vector_load %arg17[%get3A_333, %get3A_334] {strides = array<i32>} : memref<80x128xf32, #tpu.memory_space<vmem>>, vector<1x16xf32>,
        %get3A_336 = vector.shape_cast %get3A_335 : vector<1x16xf32> to vector<16xf32>
        %sub3A_337 = arith.subf %get3A_332, %get3A_336 : vector<16xf32>
        %swap3A_338 = arith.index_cast %scan3A_233 : i32 to index
        %swap3A_339 = arith.constant 112 : index
        %swap3A_340 = tpu.vector_load %arg12[%swap3A_338, %swap3A_339] {strides = array<i32>} : memref<80x128xf32, #tpu.memory_space<vmem>>, vector<1x16xf32>,
        %swap3A_341 = vector.shape_cast %swap3A_340 : vector<1x16xf32> to vector<16xf32>
        %swap3A_342 = vector.shape_cast %sub3A_337 : vector<16xf32> to vector<1x16xf32>
        tpu.vector_store %arg12[%swap3A_338, %swap3A_339], %swap3A_342 {strides = array<i32>} : memref<80x128xf32, #tpu.memory_space<vmem>>, vector<1x16xf32>,
      }
      %scan3A_184 = arith.constant 80 : i32
      %mul3A_185 = arith.constant 10000 : i32
      %mul3A_186 = arith.muli %add3A, %mul3A_185 : i32
      %mul3A_187 = arith.constant 80 : i32
      %mul3A_188 = arith.muli %add3A_158, %mul3A_187 : i32
      %add3A_189 = arith.addi %mul3A_186, %mul3A_188 : i32
      %dma_start3A_190 = arith.constant 0 : i32
      %dma_start3A_191 = tpu.memref_slice %arg6[%add3A_189, %dma_start3A_190] : memref<320000x128xf32, #tpu.memory_space<hbm>> -> memref<80x128xf32, #tpu.memory_space<hbm>>
      %dma_start3A_192 = arith.constant 0 : i32
      %dma_start3A_193 = tpu.memref_slice %arg6[%add3A_189, %dma_start3A_192] : memref<320000x128xf32, #tpu.memory_space<hbm>> -> memref<80x128xf32, #tpu.memory_space<hbm>>
      tpu.enqueue_dma source(%arg12 : memref<80x128xf32, #tpu.memory_space<vmem>>) target(%dma_start3A_193 : memref<80x128xf32, #tpu.memory_space<hbm>>) target_semaphore(%arg32 : memref<!tpu.dma_semaphore, #tpu.memory_space<semaphore_mem>>)
      %mul3A_194 = arith.constant 5 : i32
      %mul3A_195 = arith.muli %mul3A_194, %scan3A_41 : i32
      %add3A_196 = arith.constant 4 : i32
      %add3A_197 = arith.addi %mul3A_195, %add3A_196 : i32
      %ge3A_198 = arith.constant 4 : i32
      %ge3A_199 = arith.cmpi sge, %add3A_197, %ge3A_198 : i32
      %convert_element_type3A_200 = arith.extui %ge3A_199 : i1 to i32
      %cond3A_201 = arith.constant 0 : i32
      %cond3A_202 = arith.cmpi ne, %convert_element_type3A_200, %cond3A_201 : i32
      scf.if %cond3A_202 {
        %dma_wait3A_233 = arith.constant 0 : i32
        %dma_wait3A_234 = arith.constant 0 : i32
        %dma_wait3A_235 = tpu.memref_slice %arg6[%dma_wait3A_233, %dma_wait3A_234] : memref<320000x128xf32, #tpu.memory_space<hbm>> -> memref<80x128xf32, #tpu.memory_space<hbm>>
        %dma_wait3A_236 = arith.constant 0 : i32
        %dma_wait3A_237 = arith.constant 0 : i32
        %dma_wait3A_238 = tpu.memref_slice %arg6[%dma_wait3A_236, %dma_wait3A_237] : memref<320000x128xf32, #tpu.memory_space<hbm>> -> memref<80x128xf32, #tpu.memory_space<hbm>>
        tpu.wait_dma2 semaphore(%arg29 : memref<!tpu.dma_semaphore, #tpu.memory_space<semaphore_mem>>) src(%arg9 : memref<80x128xf32, #tpu.memory_space<vmem>>) dst(%dma_wait3A_238 : memref<80x128xf32, #tpu.memory_space<hbm>>)
      } else {
      }
      %lt3A_203 = arith.constant 124 : i32
      %lt3A_204 = arith.cmpi slt, %add3A_197, %lt3A_203 : i32
      %convert_element_type3A_205 = arith.extui %lt3A_204 : i1 to i32
      %cond3A_206 = arith.constant 0 : i32
      %cond3A_207 = arith.cmpi ne, %convert_element_type3A_205, %cond3A_206 : i32
      scf.if %cond3A_207 {
        %add3A_233 = arith.constant 1 : i32
        %add3A_234 = arith.addi %add3A_197, %add3A_233 : i32
        %mul3A_235 = arith.constant 80 : i32
        %mul3A_236 = arith.muli %add3A_234, %mul3A_235 : i32
        %multiple_of3A_237 = tpu.assume_multiple %mul3A_236, 16 : i32
        %dma_start3A_238 = tpu.memref_slice %arg7[%multiple_of3A_237] : memref<10000xi32, #tpu.memory_space<vmem>> -> memref<80xi32, #tpu.memory_space<vmem>>
        %dma_start3A_239 = arith.constant 0 : i32
        %dma_start3A_240 = arith.constant 0 : i32
        %dma_start3A_241 = tpu.memref_slice %arg2[%dma_start3A_239, %dma_start3A_240] : memref<10240x128xf32, #tpu.memory_space<hbm>> -> memref<10240x128xf32, #tpu.memory_space<hbm>>
        tpu.enqueue_indirect_dma source(%dma_start3A_241 : memref<10240x128xf32, #tpu.memory_space<hbm>>) target(%arg9 : memref<80x128xf32, #tpu.memory_space<vmem>>) offsets(%dma_start3A_238 : memref<80xi32, #tpu.memory_space<vmem>>) semaphore(%arg19 : memref<!tpu.dma_semaphore, #tpu.memory_space<semaphore_mem>>)
        %dma_start3A_242 = tpu.memref_slice %arg8[%multiple_of3A_237] : memref<10000xi32, #tpu.memory_space<vmem>> -> memref<80xi32, #tpu.memory_space<vmem>>
        %dma_start3A_243 = arith.constant 0 : i32
        %dma_start3A_244 = arith.constant 0 : i32
        %dma_start3A_245 = tpu.memref_slice %arg3[%dma_start3A_243, %dma_start3A_244] : memref<320000x128xf32, #tpu.memory_space<hbm>> -> memref<320000x128xf32, #tpu.memory_space<hbm>>
        tpu.enqueue_indirect_dma source(%dma_start3A_245 : memref<320000x128xf32, #tpu.memory_space<hbm>>) target(%arg14 : memref<80x128xf32, #tpu.memory_space<vmem>>) offsets(%dma_start3A_242 : memref<80xi32, #tpu.memory_space<vmem>>) semaphore(%arg24 : memref<!tpu.dma_semaphore, #tpu.memory_space<semaphore_mem>>)
      } else {
      }
      %dma_wait3A_208 = arith.constant 0 : i32
      %dma_wait3A_209 = tpu.memref_slice %arg7[%dma_wait3A_208] : memref<10000xi32, #tpu.memory_space<vmem>> -> memref<80xi32, #tpu.memory_space<vmem>>
      %dma_wait3A_210 = arith.constant 0 : i32
      %dma_wait3A_211 = arith.constant 0 : i32
      %dma_wait3A_212 = tpu.memref_slice %arg2[%dma_wait3A_210, %dma_wait3A_211] : memref<10240x128xf32, #tpu.memory_space<hbm>> -> memref<10240x128xf32, #tpu.memory_space<hbm>>
      tpu.wait_indirect_dma semaphore(%arg23 : memref<!tpu.dma_semaphore, #tpu.memory_space<semaphore_mem>>) src(%dma_wait3A_212 : memref<10240x128xf32, #tpu.memory_space<hbm>>) dst(%arg13 : memref<80x128xf32, #tpu.memory_space<vmem>>)
      %dma_wait3A_213 = arith.constant 0 : i32
      %dma_wait3A_214 = tpu.memref_slice %arg8[%dma_wait3A_213] : memref<10000xi32, #tpu.memory_space<vmem>> -> memref<80xi32, #tpu.memory_space<vmem>>
      %dma_wait3A_215 = arith.constant 0 : i32
      %dma_wait3A_216 = arith.constant 0 : i32
      %dma_wait3A_217 = tpu.memref_slice %arg3[%dma_wait3A_215, %dma_wait3A_216] : memref<320000x128xf32, #tpu.memory_space<hbm>> -> memref<320000x128xf32, #tpu.memory_space<hbm>>
      tpu.wait_indirect_dma semaphore(%arg28 : memref<!tpu.dma_semaphore, #tpu.memory_space<semaphore_mem>>) src(%dma_wait3A_217 : memref<320000x128xf32, #tpu.memory_space<hbm>>) dst(%arg18 : memref<80x128xf32, #tpu.memory_space<vmem>>)
      %scan3A_218 = arith.constant 0 : i32
      %scan3A_219 = arith.constant 0 : i32
      %scan3A_220 = arith.constant 80 : i32
      %scan3A_221 = arith.addi %scan3A_219, %scan3A_220 : i32
      %scan3A_222 = arith.constant 1 : i32
      scf.for %scan3A_233 = %scan3A_219 to %scan3A_221 step %scan3A_222  : i32 {
        %get3A = arith.index_cast %scan3A_233 : i32 to index
        %get3A_234 = arith.constant 0 : index
        %get3A_235 = tpu.vector_load %arg13[%get3A, %get3A_234] {strides = array<i32>} : memref<80x128xf32, #tpu.memory_space<vmem>>, vector<1x16xf32>,
        %get3A_236 = vector.shape_cast %get3A_235 : vector<1x16xf32> to vector<16xf32>
        %get3A_237 = arith.index_cast %scan3A_233 : i32 to index
        %get3A_238 = arith.constant 0 : index
        %get3A_239 = tpu.vector_load %arg18[%get3A_237, %get3A_238] {strides = array<i32>} : memref<80x128xf32, #tpu.memory_space<vmem>>, vector<1x16xf32>,
        %get3A_240 = vector.shape_cast %get3A_239 : vector<1x16xf32> to vector<16xf32>
        %sub3A = arith.subf %get3A_236, %get3A_240 : vector<16xf32>
        %swap3A = arith.index_cast %scan3A_233 : i32 to index
        %swap3A_241 = arith.constant 0 : index
        %swap3A_242 = tpu.vector_load %arg13[%swap3A, %swap3A_241] {strides = array<i32>} : memref<80x128xf32, #tpu.memory_space<vmem>>, vector<1x16xf32>,
        %swap3A_243 = vector.shape_cast %swap3A_242 : vector<1x16xf32> to vector<16xf32>
        %swap3A_244 = vector.shape_cast %sub3A : vector<16xf32> to vector<1x16xf32>
        tpu.vector_store %arg13[%swap3A, %swap3A_241], %swap3A_244 {strides = array<i32>} : memref<80x128xf32, #tpu.memory_space<vmem>>, vector<1x16xf32>,
        %get3A_245 = arith.index_cast %scan3A_233 : i32 to index
        %get3A_246 = arith.constant 16 : index
        %get3A_247 = tpu.vector_load %arg13[%get3A_245, %get3A_246] {strides = array<i32>} : memref<80x128xf32, #tpu.memory_space<vmem>>, vector<1x16xf32>,
        %get3A_248 = vector.shape_cast %get3A_247 : vector<1x16xf32> to vector<16xf32>
        %get3A_249 = arith.index_cast %scan3A_233 : i32 to index
        %get3A_250 = arith.constant 16 : index
        %get3A_251 = tpu.vector_load %arg18[%get3A_249, %get3A_250] {strides = array<i32>} : memref<80x128xf32, #tpu.memory_space<vmem>>, vector<1x16xf32>,
        %get3A_252 = vector.shape_cast %get3A_251 : vector<1x16xf32> to vector<16xf32>
        %sub3A_253 = arith.subf %get3A_248, %get3A_252 : vector<16xf32>
        %swap3A_254 = arith.index_cast %scan3A_233 : i32 to index
        %swap3A_255 = arith.constant 16 : index
        %swap3A_256 = tpu.vector_load %arg13[%swap3A_254, %swap3A_255] {strides = array<i32>} : memref<80x128xf32, #tpu.memory_space<vmem>>, vector<1x16xf32>,
        %swap3A_257 = vector.shape_cast %swap3A_256 : vector<1x16xf32> to vector<16xf32>
        %swap3A_258 = vector.shape_cast %sub3A_253 : vector<16xf32> to vector<1x16xf32>
        tpu.vector_store %arg13[%swap3A_254, %swap3A_255], %swap3A_258 {strides = array<i32>} : memref<80x128xf32, #tpu.memory_space<vmem>>, vector<1x16xf32>,
        %get3A_259 = arith.index_cast %scan3A_233 : i32 to index
        %get3A_260 = arith.constant 32 : index
        %get3A_261 = tpu.vector_load %arg13[%get3A_259, %get3A_260] {strides = array<i32>} : memref<80x128xf32, #tpu.memory_space<vmem>>, vector<1x16xf32>,
        %get3A_262 = vector.shape_cast %get3A_261 : vector<1x16xf32> to vector<16xf32>
        %get3A_263 = arith.index_cast %scan3A_233 : i32 to index
        %get3A_264 = arith.constant 32 : index
        %get3A_265 = tpu.vector_load %arg18[%get3A_263, %get3A_264] {strides = array<i32>} : memref<80x128xf32, #tpu.memory_space<vmem>>, vector<1x16xf32>,
        %get3A_266 = vector.shape_cast %get3A_265 : vector<1x16xf32> to vector<16xf32>
        %sub3A_267 = arith.subf %get3A_262, %get3A_266 : vector<16xf32>
        %swap3A_268 = arith.index_cast %scan3A_233 : i32 to index
        %swap3A_269 = arith.constant 32 : index
        %swap3A_270 = tpu.vector_load %arg13[%swap3A_268, %swap3A_269] {strides = array<i32>} : memref<80x128xf32, #tpu.memory_space<vmem>>, vector<1x16xf32>,
        %swap3A_271 = vector.shape_cast %swap3A_270 : vector<1x16xf32> to vector<16xf32>
        %swap3A_272 = vector.shape_cast %sub3A_267 : vector<16xf32> to vector<1x16xf32>
        tpu.vector_store %arg13[%swap3A_268, %swap3A_269], %swap3A_272 {strides = array<i32>} : memref<80x128xf32, #tpu.memory_space<vmem>>, vector<1x16xf32>,
        %get3A_273 = arith.index_cast %scan3A_233 : i32 to index
        %get3A_274 = arith.constant 48 : index
        %get3A_275 = tpu.vector_load %arg13[%get3A_273, %get3A_274] {strides = array<i32>} : memref<80x128xf32, #tpu.memory_space<vmem>>, vector<1x16xf32>,
        %get3A_276 = vector.shape_cast %get3A_275 : vector<1x16xf32> to vector<16xf32>
        %get3A_277 = arith.index_cast %scan3A_233 : i32 to index
        %get3A_278 = arith.constant 48 : index
        %get3A_279 = tpu.vector_load %arg18[%get3A_277, %get3A_278] {strides = array<i32>} : memref<80x128xf32, #tpu.memory_space<vmem>>, vector<1x16xf32>,
        %get3A_280 = vector.shape_cast %get3A_279 : vector<1x16xf32> to vector<16xf32>
        %sub3A_281 = arith.subf %get3A_276, %get3A_280 : vector<16xf32>
        %swap3A_282 = arith.index_cast %scan3A_233 : i32 to index
        %swap3A_283 = arith.constant 48 : index
        %swap3A_284 = tpu.vector_load %arg13[%swap3A_282, %swap3A_283] {strides = array<i32>} : memref<80x128xf32, #tpu.memory_space<vmem>>, vector<1x16xf32>,
        %swap3A_285 = vector.shape_cast %swap3A_284 : vector<1x16xf32> to vector<16xf32>
        %swap3A_286 = vector.shape_cast %sub3A_281 : vector<16xf32> to vector<1x16xf32>
        tpu.vector_store %arg13[%swap3A_282, %swap3A_283], %swap3A_286 {strides = array<i32>} : memref<80x128xf32, #tpu.memory_space<vmem>>, vector<1x16xf32>,
        %get3A_287 = arith.index_cast %scan3A_233 : i32 to index
        %get3A_288 = arith.constant 64 : index
        %get3A_289 = tpu.vector_load %arg13[%get3A_287, %get3A_288] {strides = array<i32>} : memref<80x128xf32, #tpu.memory_space<vmem>>, vector<1x16xf32>,
        %get3A_290 = vector.shape_cast %get3A_289 : vector<1x16xf32> to vector<16xf32>
        %get3A_291 = arith.index_cast %scan3A_233 : i32 to index
        %get3A_292 = arith.constant 64 : index
        %get3A_293 = tpu.vector_load %arg18[%get3A_291, %get3A_292] {strides = array<i32>} : memref<80x128xf32, #tpu.memory_space<vmem>>, vector<1x16xf32>,
        %get3A_294 = vector.shape_cast %get3A_293 : vector<1x16xf32> to vector<16xf32>
        %sub3A_295 = arith.subf %get3A_290, %get3A_294 : vector<16xf32>
        %swap3A_296 = arith.index_cast %scan3A_233 : i32 to index
        %swap3A_297 = arith.constant 64 : index
        %swap3A_298 = tpu.vector_load %arg13[%swap3A_296, %swap3A_297] {strides = array<i32>} : memref<80x128xf32, #tpu.memory_space<vmem>>, vector<1x16xf32>,
        %swap3A_299 = vector.shape_cast %swap3A_298 : vector<1x16xf32> to vector<16xf32>
        %swap3A_300 = vector.shape_cast %sub3A_295 : vector<16xf32> to vector<1x16xf32>
        tpu.vector_store %arg13[%swap3A_296, %swap3A_297], %swap3A_300 {strides = array<i32>} : memref<80x128xf32, #tpu.memory_space<vmem>>, vector<1x16xf32>,
        %get3A_301 = arith.index_cast %scan3A_233 : i32 to index
        %get3A_302 = arith.constant 80 : index
        %get3A_303 = tpu.vector_load %arg13[%get3A_301, %get3A_302] {strides = array<i32>} : memref<80x128xf32, #tpu.memory_space<vmem>>, vector<1x16xf32>,
        %get3A_304 = vector.shape_cast %get3A_303 : vector<1x16xf32> to vector<16xf32>
        %get3A_305 = arith.index_cast %scan3A_233 : i32 to index
        %get3A_306 = arith.constant 80 : index
        %get3A_307 = tpu.vector_load %arg18[%get3A_305, %get3A_306] {strides = array<i32>} : memref<80x128xf32, #tpu.memory_space<vmem>>, vector<1x16xf32>,
        %get3A_308 = vector.shape_cast %get3A_307 : vector<1x16xf32> to vector<16xf32>
        %sub3A_309 = arith.subf %get3A_304, %get3A_308 : vector<16xf32>
        %swap3A_310 = arith.index_cast %scan3A_233 : i32 to index
        %swap3A_311 = arith.constant 80 : index
        %swap3A_312 = tpu.vector_load %arg13[%swap3A_310, %swap3A_311] {strides = array<i32>} : memref<80x128xf32, #tpu.memory_space<vmem>>, vector<1x16xf32>,
        %swap3A_313 = vector.shape_cast %swap3A_312 : vector<1x16xf32> to vector<16xf32>
        %swap3A_314 = vector.shape_cast %sub3A_309 : vector<16xf32> to vector<1x16xf32>
        tpu.vector_store %arg13[%swap3A_310, %swap3A_311], %swap3A_314 {strides = array<i32>} : memref<80x128xf32, #tpu.memory_space<vmem>>, vector<1x16xf32>,
        %get3A_315 = arith.index_cast %scan3A_233 : i32 to index
        %get3A_316 = arith.constant 96 : index
        %get3A_317 = tpu.vector_load %arg13[%get3A_315, %get3A_316] {strides = array<i32>} : memref<80x128xf32, #tpu.memory_space<vmem>>, vector<1x16xf32>,
        %get3A_318 = vector.shape_cast %get3A_317 : vector<1x16xf32> to vector<16xf32>
        %get3A_319 = arith.index_cast %scan3A_233 : i32 to index
        %get3A_320 = arith.constant 96 : index
        %get3A_321 = tpu.vector_load %arg18[%get3A_319, %get3A_320] {strides = array<i32>} : memref<80x128xf32, #tpu.memory_space<vmem>>, vector<1x16xf32>,
        %get3A_322 = vector.shape_cast %get3A_321 : vector<1x16xf32> to vector<16xf32>
        %sub3A_323 = arith.subf %get3A_318, %get3A_322 : vector<16xf32>
        %swap3A_324 = arith.index_cast %scan3A_233 : i32 to index
        %swap3A_325 = arith.constant 96 : index
        %swap3A_326 = tpu.vector_load %arg13[%swap3A_324, %swap3A_325] {strides = array<i32>} : memref<80x128xf32, #tpu.memory_space<vmem>>, vector<1x16xf32>,
        %swap3A_327 = vector.shape_cast %swap3A_326 : vector<1x16xf32> to vector<16xf32>
        %swap3A_328 = vector.shape_cast %sub3A_323 : vector<16xf32> to vector<1x16xf32>
        tpu.vector_store %arg13[%swap3A_324, %swap3A_325], %swap3A_328 {strides = array<i32>} : memref<80x128xf32, #tpu.memory_space<vmem>>, vector<1x16xf32>,
        %get3A_329 = arith.index_cast %scan3A_233 : i32 to index
        %get3A_330 = arith.constant 112 : index
        %get3A_331 = tpu.vector_load %arg13[%get3A_329, %get3A_330] {strides = array<i32>} : memref<80x128xf32, #tpu.memory_space<vmem>>, vector<1x16xf32>,
        %get3A_332 = vector.shape_cast %get3A_331 : vector<1x16xf32> to vector<16xf32>
        %get3A_333 = arith.index_cast %scan3A_233 : i32 to index
        %get3A_334 = arith.constant 112 : index
        %get3A_335 = tpu.vector_load %arg18[%get3A_333, %get3A_334] {strides = array<i32>} : memref<80x128xf32, #tpu.memory_space<vmem>>, vector<1x16xf32>,
        %get3A_336 = vector.shape_cast %get3A_335 : vector<1x16xf32> to vector<16xf32>
        %sub3A_337 = arith.subf %get3A_332, %get3A_336 : vector<16xf32>
        %swap3A_338 = arith.index_cast %scan3A_233 : i32 to index
        %swap3A_339 = arith.constant 112 : index
        %swap3A_340 = tpu.vector_load %arg13[%swap3A_338, %swap3A_339] {strides = array<i32>} : memref<80x128xf32, #tpu.memory_space<vmem>>, vector<1x16xf32>,
        %swap3A_341 = vector.shape_cast %swap3A_340 : vector<1x16xf32> to vector<16xf32>
        %swap3A_342 = vector.shape_cast %sub3A_337 : vector<16xf32> to vector<1x16xf32>
        tpu.vector_store %arg13[%swap3A_338, %swap3A_339], %swap3A_342 {strides = array<i32>} : memref<80x128xf32, #tpu.memory_space<vmem>>, vector<1x16xf32>,
      }
      %scan3A_223 = arith.constant 80 : i32
      %mul3A_224 = arith.constant 10000 : i32
      %mul3A_225 = arith.muli %add3A, %mul3A_224 : i32
      %mul3A_226 = arith.constant 80 : i32
      %mul3A_227 = arith.muli %add3A_197, %mul3A_226 : i32
      %add3A_228 = arith.addi %mul3A_225, %mul3A_227 : i32
      %dma_start3A_229 = arith.constant 0 : i32
      %dma_start3A_230 = tpu.memref_slice %arg6[%add3A_228, %dma_start3A_229] : memref<320000x128xf32, #tpu.memory_space<hbm>> -> memref<80x128xf32, #tpu.memory_space<hbm>>
      %dma_start3A_231 = arith.constant 0 : i32
      %dma_start3A_232 = tpu.memref_slice %arg6[%add3A_228, %dma_start3A_231] : memref<320000x128xf32, #tpu.memory_space<hbm>> -> memref<80x128xf32, #tpu.memory_space<hbm>>
      tpu.enqueue_dma source(%arg13 : memref<80x128xf32, #tpu.memory_space<vmem>>) target(%dma_start3A_232 : memref<80x128xf32, #tpu.memory_space<hbm>>) target_semaphore(%arg33 : memref<!tpu.dma_semaphore, #tpu.memory_space<semaphore_mem>>)
    }
    %scan3A_17 = arith.constant 25 : i32
    %dma_wait3A = arith.constant 0 : i32
    %dma_wait3A_18 = arith.constant 0 : i32
    %dma_wait3A_19 = tpu.memref_slice %arg6[%dma_wait3A, %dma_wait3A_18] : memref<320000x128xf32, #tpu.memory_space<hbm>> -> memref<80x128xf32, #tpu.memory_space<hbm>>
    %dma_wait3A_20 = arith.constant 0 : i32
    %dma_wait3A_21 = arith.constant 0 : i32
    %dma_wait3A_22 = tpu.memref_slice %arg6[%dma_wait3A_20, %dma_wait3A_21] : memref<320000x128xf32, #tpu.memory_space<hbm>> -> memref<80x128xf32, #tpu.memory_space<hbm>>
    tpu.wait_dma2 semaphore(%arg30 : memref<!tpu.dma_semaphore, #tpu.memory_space<semaphore_mem>>) src(%arg10 : memref<80x128xf32, #tpu.memory_space<vmem>>) dst(%dma_wait3A_22 : memref<80x128xf32, #tpu.memory_space<hbm>>)
    %dma_wait3A_23 = arith.constant 0 : i32
    %dma_wait3A_24 = arith.constant 0 : i32
    %dma_wait3A_25 = tpu.memref_slice %arg6[%dma_wait3A_23, %dma_wait3A_24] : memref<320000x128xf32, #tpu.memory_space<hbm>> -> memref<80x128xf32, #tpu.memory_space<hbm>>
    %dma_wait3A_26 = arith.constant 0 : i32
    %dma_wait3A_27 = arith.constant 0 : i32
    %dma_wait3A_28 = tpu.memref_slice %arg6[%dma_wait3A_26, %dma_wait3A_27] : memref<320000x128xf32, #tpu.memory_space<hbm>> -> memref<80x128xf32, #tpu.memory_space<hbm>>
    tpu.wait_dma2 semaphore(%arg31 : memref<!tpu.dma_semaphore, #tpu.memory_space<semaphore_mem>>) src(%arg11 : memref<80x128xf32, #tpu.memory_space<vmem>>) dst(%dma_wait3A_28 : memref<80x128xf32, #tpu.memory_space<hbm>>)
    %dma_wait3A_29 = arith.constant 0 : i32
    %dma_wait3A_30 = arith.constant 0 : i32
    %dma_wait3A_31 = tpu.memref_slice %arg6[%dma_wait3A_29, %dma_wait3A_30] : memref<320000x128xf32, #tpu.memory_space<hbm>> -> memref<80x128xf32, #tpu.memory_space<hbm>>
    %dma_wait3A_32 = arith.constant 0 : i32
    %dma_wait3A_33 = arith.constant 0 : i32
    %dma_wait3A_34 = tpu.memref_slice %arg6[%dma_wait3A_32, %dma_wait3A_33] : memref<320000x128xf32, #tpu.memory_space<hbm>> -> memref<80x128xf32, #tpu.memory_space<hbm>>
    tpu.wait_dma2 semaphore(%arg32 : memref<!tpu.dma_semaphore, #tpu.memory_space<semaphore_mem>>) src(%arg12 : memref<80x128xf32, #tpu.memory_space<vmem>>) dst(%dma_wait3A_34 : memref<80x128xf32, #tpu.memory_space<hbm>>)
    %dma_wait3A_35 = arith.constant 0 : i32
    %dma_wait3A_36 = arith.constant 0 : i32
    %dma_wait3A_37 = tpu.memref_slice %arg6[%dma_wait3A_35, %dma_wait3A_36] : memref<320000x128xf32, #tpu.memory_space<hbm>> -> memref<80x128xf32, #tpu.memory_space<hbm>>
    %dma_wait3A_38 = arith.constant 0 : i32
    %dma_wait3A_39 = arith.constant 0 : i32
    %dma_wait3A_40 = tpu.memref_slice %arg6[%dma_wait3A_38, %dma_wait3A_39] : memref<320000x128xf32, #tpu.memory_space<hbm>> -> memref<80x128xf32, #tpu.memory_space<hbm>>
    tpu.wait_dma2 semaphore(%arg33 : memref<!tpu.dma_semaphore, #tpu.memory_space<semaphore_mem>>) src(%arg13 : memref<80x128xf32, #tpu.memory_space<vmem>>) dst(%dma_wait3A_40 : memref<80x128xf32, #tpu.memory_space<hbm>>)
    return
  }
}

#map = affine_map<(d0, d1) -> (0, 0)>
#map1 = affine_map<(d0, d1) -> (0)>
#map2 = affine_map<(d0, d1) -> (0, 0, 0)>
module attributes {stable_mosaic.version = 14 : i64} {
  func.func @_sc_scatter(%arg0: i32, %arg1: i32, %arg2: memref<320000x128xf32, #tpu.memory_space<hbm>>, %arg3: memref<320000xi32, #tpu.memory_space<hbm>>, %arg4: memref<10240x128xf32, #tpu.memory_space<hbm>>, %arg5: memref<2x10240x128xf32, #tpu.memory_space<hbm>>, %arg6: memref<10000xi32, #tpu.memory_space<vmem>>, %arg7: memref<80xi32, #tpu.memory_space<vmem>>, %arg8: memref<80xi32, #tpu.memory_space<vmem>>, %arg9: memref<80x128xf32, #tpu.memory_space<vmem>>, %arg10: memref<80x128xf32, #tpu.memory_space<vmem>>, %arg11: memref<10240x128xf32, #tpu.memory_space<vmem_shared>>, %arg12: memref<!tpu.dma_semaphore, #tpu.memory_space<semaphore_mem>>, %arg13: memref<!tpu.dma_semaphore, #tpu.memory_space<semaphore_mem>>, %arg14: memref<!tpu.dma_semaphore, #tpu.memory_space<semaphore_mem>>, %arg15: memref<!tpu.dma_semaphore, #tpu.memory_space<semaphore_mem>>) attributes {dimension_semantics = [#tpu.dimension_semantics<core_parallel>, #tpu.dimension_semantics<subcore_parallel>], iteration_bounds = array<i64: 2, 16>, scalar_prefetch = 0 : i64, scratch_operands = 10 : i64, tpu.core_type = #tpu.core_type<sc_vector_subcore>, window_params = [{transform_indices = #map}, {transform_indices = #map1}, {transform_indices = #map}, {transform_indices = #map2}]} {
    %mul3A = arith.constant 2 : i32
    %mul3A_0 = arith.muli %arg1, %mul3A : i32
    %add3A = arith.addi %mul3A_0, %arg0 : i32
    %mul3A_1 = arith.constant 640 : i32
    %mul3A_2 = arith.muli %arg1, %mul3A_1 : i32
    %mul3A_3 = arith.constant 640 : i32
    %mul3A_4 = arith.muli %arg1, %mul3A_3 : i32
    "tpu.region"() ({
      %run_scoped3A = tpu.sem_alloc : memref<!tpu.dma_semaphore, #tpu.memory_space<semaphore_mem>>
      %dma_start3A_82 = arith.constant 0 : i32
      %dma_start3A_83 = tpu.memref_slice %arg11[%mul3A_4, %dma_start3A_82] : memref<10240x128xf32, #tpu.memory_space<vmem_shared>> -> memref<640x128xf32, #tpu.memory_space<vmem_shared>>
      %dma_start3A_84 = arith.constant 0 : i32
      %dma_start3A_85 = tpu.memref_slice %arg4[%mul3A_2, %dma_start3A_84] : memref<10240x128xf32, #tpu.memory_space<hbm>> -> memref<640x128xf32, #tpu.memory_space<hbm>>
      tpu.enqueue_dma source(%dma_start3A_85 : memref<640x128xf32, #tpu.memory_space<hbm>>) target(%dma_start3A_83 : memref<640x128xf32, #tpu.memory_space<vmem_shared>>) target_semaphore(%run_scoped3A : memref<!tpu.dma_semaphore, #tpu.memory_space<semaphore_mem>>)
      %dma_wait3A_86 = arith.constant 0 : i32
      %dma_wait3A_87 = tpu.memref_slice %arg11[%mul3A_4, %dma_wait3A_86] : memref<10240x128xf32, #tpu.memory_space<vmem_shared>> -> memref<640x128xf32, #tpu.memory_space<vmem_shared>>
      %dma_wait3A_88 = arith.constant 0 : i32
      %dma_wait3A_89 = tpu.memref_slice %arg4[%mul3A_2, %dma_wait3A_88] : memref<10240x128xf32, #tpu.memory_space<hbm>> -> memref<640x128xf32, #tpu.memory_space<hbm>>
      tpu.wait_dma2 semaphore(%run_scoped3A : memref<!tpu.dma_semaphore, #tpu.memory_space<semaphore_mem>>) src(%dma_wait3A_89 : memref<640x128xf32, #tpu.memory_space<hbm>>) dst(%dma_wait3A_87 : memref<640x128xf32, #tpu.memory_space<vmem_shared>>)
      tpu.yield
    }) : () -> ()
    %mul3A_5 = arith.constant 10000 : i32
    %mul3A_6 = arith.muli %add3A, %mul3A_5 : i32
    "tpu.region"() ({
      %run_scoped3A = tpu.sem_alloc : memref<!tpu.dma_semaphore, #tpu.memory_space<semaphore_mem>>
      %dma_start3A_82 = tpu.memref_slice %arg3[%mul3A_6] : memref<320000xi32, #tpu.memory_space<hbm>> -> memref<10000xi32, #tpu.memory_space<hbm>>
      %dma_start3A_83 = tpu.memref_slice %arg3[%mul3A_6] : memref<320000xi32, #tpu.memory_space<hbm>> -> memref<10000xi32, #tpu.memory_space<hbm>>
      tpu.enqueue_dma source(%dma_start3A_83 : memref<10000xi32, #tpu.memory_space<hbm>>) target(%arg6 : memref<10000xi32, #tpu.memory_space<vmem>>) target_semaphore(%run_scoped3A : memref<!tpu.dma_semaphore, #tpu.memory_space<semaphore_mem>>)
      %dma_wait3A_84 = tpu.memref_slice %arg3[%mul3A_6] : memref<320000xi32, #tpu.memory_space<hbm>> -> memref<10000xi32, #tpu.memory_space<hbm>>
      %dma_wait3A_85 = tpu.memref_slice %arg3[%mul3A_6] : memref<320000xi32, #tpu.memory_space<hbm>> -> memref<10000xi32, #tpu.memory_space<hbm>>
      tpu.wait_dma2 semaphore(%run_scoped3A : memref<!tpu.dma_semaphore, #tpu.memory_space<semaphore_mem>>) src(%dma_wait3A_85 : memref<10000xi32, #tpu.memory_space<hbm>>) dst(%arg6 : memref<10000xi32, #tpu.memory_space<vmem>>)
      tpu.yield
    }) : () -> ()
    %barrier3A = arith.constant 0 : index
    tpu.barrier barrier_id(%barrier3A)
    %mul3A_7 = arith.constant 10000 : i32
    %mul3A_8 = arith.muli %add3A, %mul3A_7 : i32
    %add3A_9 = arith.constant 0 : i32
    %add3A_10 = arith.addi %mul3A_8, %add3A_9 : i32
    %dma_start3A = arith.constant 0 : i32
    %dma_start3A_11 = tpu.memref_slice %arg2[%add3A_10, %dma_start3A] : memref<320000x128xf32, #tpu.memory_space<hbm>> -> memref<80x128xf32, #tpu.memory_space<hbm>>
    %dma_start3A_12 = arith.constant 0 : i32
    %dma_start3A_13 = tpu.memref_slice %arg2[%add3A_10, %dma_start3A_12] : memref<320000x128xf32, #tpu.memory_space<hbm>> -> memref<80x128xf32, #tpu.memory_space<hbm>>
    tpu.enqueue_dma source(%dma_start3A_13 : memref<80x128xf32, #tpu.memory_space<hbm>>) target(%arg9 : memref<80x128xf32, #tpu.memory_space<vmem>>) target_semaphore(%arg12 : memref<!tpu.dma_semaphore, #tpu.memory_space<semaphore_mem>>)
    %multiple_of3A = arith.constant 0 : i32
    %multiple_of3A_14 = tpu.assume_multiple %multiple_of3A, 16 : i32
    %add3A_15 = arith.constant 0 : i32
    %add3A_16 = arith.addi %multiple_of3A_14, %add3A_15 : i32
    %get3A = arith.index_cast %add3A_16 : i32 to index
    %get3A_17 = tpu.vector_load %arg6[%get3A] {strides = array<i32>} : memref<10000xi32, #tpu.memory_space<vmem>>, vector<16xi32>,
    %get3A_18 = vector.shape_cast %get3A_17 : vector<16xi32> to vector<16xi32>
    %swap3A = arith.constant 0 : index
    %swap3A_19 = tpu.vector_load %arg7[%swap3A] {strides = array<i32>} : memref<80xi32, #tpu.memory_space<vmem>>, vector<16xi32>,
    %swap3A_20 = vector.shape_cast %swap3A_19 : vector<16xi32> to vector<16xi32>
    %swap3A_21 = vector.shape_cast %get3A_18 : vector<16xi32> to vector<16xi32>
    tpu.vector_store %arg7[%swap3A], %swap3A_21 {strides = array<i32>} : memref<80xi32, #tpu.memory_space<vmem>>, vector<16xi32>,
    %add3A_22 = arith.constant 16 : i32
    %add3A_23 = arith.addi %multiple_of3A_14, %add3A_22 : i32
    %get3A_24 = arith.index_cast %add3A_23 : i32 to index
    %get3A_25 = tpu.vector_load %arg6[%get3A_24] {strides = array<i32>} : memref<10000xi32, #tpu.memory_space<vmem>>, vector<16xi32>,
    %get3A_26 = vector.shape_cast %get3A_25 : vector<16xi32> to vector<16xi32>
    %swap3A_27 = arith.constant 16 : index
    %swap3A_28 = tpu.vector_load %arg7[%swap3A_27] {strides = array<i32>} : memref<80xi32, #tpu.memory_space<vmem>>, vector<16xi32>,
    %swap3A_29 = vector.shape_cast %swap3A_28 : vector<16xi32> to vector<16xi32>
    %swap3A_30 = vector.shape_cast %get3A_26 : vector<16xi32> to vector<16xi32>
    tpu.vector_store %arg7[%swap3A_27], %swap3A_30 {strides = array<i32>} : memref<80xi32, #tpu.memory_space<vmem>>, vector<16xi32>,
    %add3A_31 = arith.constant 32 : i32
    %add3A_32 = arith.addi %multiple_of3A_14, %add3A_31 : i32
    %get3A_33 = arith.index_cast %add3A_32 : i32 to index
    %get3A_34 = tpu.vector_load %arg6[%get3A_33] {strides = array<i32>} : memref<10000xi32, #tpu.memory_space<vmem>>, vector<16xi32>,
    %get3A_35 = vector.shape_cast %get3A_34 : vector<16xi32> to vector<16xi32>
    %swap3A_36 = arith.constant 32 : index
    %swap3A_37 = tpu.vector_load %arg7[%swap3A_36] {strides = array<i32>} : memref<80xi32, #tpu.memory_space<vmem>>, vector<16xi32>,
    %swap3A_38 = vector.shape_cast %swap3A_37 : vector<16xi32> to vector<16xi32>
    %swap3A_39 = vector.shape_cast %get3A_35 : vector<16xi32> to vector<16xi32>
    tpu.vector_store %arg7[%swap3A_36], %swap3A_39 {strides = array<i32>} : memref<80xi32, #tpu.memory_space<vmem>>, vector<16xi32>,
    %add3A_40 = arith.constant 48 : i32
    %add3A_41 = arith.addi %multiple_of3A_14, %add3A_40 : i32
    %get3A_42 = arith.index_cast %add3A_41 : i32 to index
    %get3A_43 = tpu.vector_load %arg6[%get3A_42] {strides = array<i32>} : memref<10000xi32, #tpu.memory_space<vmem>>, vector<16xi32>,
    %get3A_44 = vector.shape_cast %get3A_43 : vector<16xi32> to vector<16xi32>
    %swap3A_45 = arith.constant 48 : index
    %swap3A_46 = tpu.vector_load %arg7[%swap3A_45] {strides = array<i32>} : memref<80xi32, #tpu.memory_space<vmem>>, vector<16xi32>,
    %swap3A_47 = vector.shape_cast %swap3A_46 : vector<16xi32> to vector<16xi32>
    %swap3A_48 = vector.shape_cast %get3A_44 : vector<16xi32> to vector<16xi32>
    tpu.vector_store %arg7[%swap3A_45], %swap3A_48 {strides = array<i32>} : memref<80xi32, #tpu.memory_space<vmem>>, vector<16xi32>,
    %add3A_49 = arith.constant 64 : i32
    %add3A_50 = arith.addi %multiple_of3A_14, %add3A_49 : i32
    %get3A_51 = arith.index_cast %add3A_50 : i32 to index
    %get3A_52 = tpu.vector_load %arg6[%get3A_51] {strides = array<i32>} : memref<10000xi32, #tpu.memory_space<vmem>>, vector<16xi32>,
    %get3A_53 = vector.shape_cast %get3A_52 : vector<16xi32> to vector<16xi32>
    %swap3A_54 = arith.constant 64 : index
    %swap3A_55 = tpu.vector_load %arg7[%swap3A_54] {strides = array<i32>} : memref<80xi32, #tpu.memory_space<vmem>>, vector<16xi32>,
    %swap3A_56 = vector.shape_cast %swap3A_55 : vector<16xi32> to vector<16xi32>
    %swap3A_57 = vector.shape_cast %get3A_53 : vector<16xi32> to vector<16xi32>
    tpu.vector_store %arg7[%swap3A_54], %swap3A_57 {strides = array<i32>} : memref<80xi32, #tpu.memory_space<vmem>>, vector<16xi32>,
    %scan3A = arith.constant 0 : i32
    %scan3A_58 = arith.constant 0 : i32
    %scan3A_59 = arith.constant 62 : i32
    %scan3A_60 = arith.addi %scan3A_58, %scan3A_59 : i32
    %scan3A_61 = arith.constant 1 : i32
    scf.for %scan3A_82 = %scan3A_58 to %scan3A_60 step %scan3A_61  : i32 {
      %mul3A_83 = arith.constant 2 : i32
      %mul3A_84 = arith.muli %mul3A_83, %scan3A_82 : i32
      %add3A_85 = arith.constant 0 : i32
      %add3A_86 = arith.addi %mul3A_84, %add3A_85 : i32
      %ge3A = arith.constant 1 : i32
      %ge3A_87 = arith.cmpi sge, %add3A_86, %ge3A : i32
      %convert_element_type3A = arith.extui %ge3A_87 : i1 to i32
      %cond3A = arith.constant 0 : i32
      %cond3A_88 = arith.cmpi ne, %convert_element_type3A, %cond3A : i32
      scf.if %cond3A_88 {
        %dma_wait3A_234 = arith.constant 0 : i32
        %dma_wait3A_235 = arith.constant 0 : i32
        %dma_wait3A_236 = tpu.memref_slice %arg11[%dma_wait3A_234, %dma_wait3A_235] : memref<10240x128xf32, #tpu.memory_space<vmem_shared>> -> memref<10240x128xf32, #tpu.memory_space<vmem_shared>>
        tpu.wait_indirect_dma semaphore(%arg15 : memref<!tpu.dma_semaphore, #tpu.memory_space<semaphore_mem>>) src(%arg10 : memref<80x128xf32, #tpu.memory_space<vmem>>) dst(%dma_wait3A_236 : memref<10240x128xf32, #tpu.memory_space<vmem_shared>>)
      } else {
      }
      %add3A_89 = arith.constant 1 : i32
      %add3A_90 = arith.addi %add3A_86, %add3A_89 : i32
      %mul3A_91 = arith.constant 10000 : i32
      %mul3A_92 = arith.muli %add3A, %mul3A_91 : i32
      %mul3A_93 = arith.constant 80 : i32
      %mul3A_94 = arith.muli %add3A_90, %mul3A_93 : i32
      %add3A_95 = arith.addi %mul3A_92, %mul3A_94 : i32
      %dma_start3A_96 = arith.constant 0 : i32
      %dma_start3A_97 = tpu.memref_slice %arg2[%add3A_95, %dma_start3A_96] : memref<320000x128xf32, #tpu.memory_space<hbm>> -> memref<80x128xf32, #tpu.memory_space<hbm>>
      %dma_start3A_98 = arith.constant 0 : i32
      %dma_start3A_99 = tpu.memref_slice %arg2[%add3A_95, %dma_start3A_98] : memref<320000x128xf32, #tpu.memory_space<hbm>> -> memref<80x128xf32, #tpu.memory_space<hbm>>
      tpu.enqueue_dma source(%dma_start3A_99 : memref<80x128xf32, #tpu.memory_space<hbm>>) target(%arg10 : memref<80x128xf32, #tpu.memory_space<vmem>>) target_semaphore(%arg13 : memref<!tpu.dma_semaphore, #tpu.memory_space<semaphore_mem>>)
      %mul3A_100 = arith.constant 80 : i32
      %mul3A_101 = arith.muli %add3A_90, %mul3A_100 : i32
      %multiple_of3A_102 = tpu.assume_multiple %mul3A_101, 16 : i32
      %add3A_103 = arith.constant 0 : i32
      %add3A_104 = arith.addi %multiple_of3A_102, %add3A_103 : i32
      %get3A_105 = arith.index_cast %add3A_104 : i32 to index
      %get3A_106 = tpu.vector_load %arg6[%get3A_105] {strides = array<i32>} : memref<10000xi32, #tpu.memory_space<vmem>>, vector<16xi32>,
      %get3A_107 = vector.shape_cast %get3A_106 : vector<16xi32> to vector<16xi32>
      %swap3A_108 = arith.constant 0 : index
      %swap3A_109 = tpu.vector_load %arg8[%swap3A_108] {strides = array<i32>} : memref<80xi32, #tpu.memory_space<vmem>>, vector<16xi32>,
      %swap3A_110 = vector.shape_cast %swap3A_109 : vector<16xi32> to vector<16xi32>
      %swap3A_111 = vector.shape_cast %get3A_107 : vector<16xi32> to vector<16xi32>
      tpu.vector_store %arg8[%swap3A_108], %swap3A_111 {strides = array<i32>} : memref<80xi32, #tpu.memory_space<vmem>>, vector<16xi32>,
      %add3A_112 = arith.constant 16 : i32
      %add3A_113 = arith.addi %multiple_of3A_102, %add3A_112 : i32
      %get3A_114 = arith.index_cast %add3A_113 : i32 to index
      %get3A_115 = tpu.vector_load %arg6[%get3A_114] {strides = array<i32>} : memref<10000xi32, #tpu.memory_space<vmem>>, vector<16xi32>,
      %get3A_116 = vector.shape_cast %get3A_115 : vector<16xi32> to vector<16xi32>
      %swap3A_117 = arith.constant 16 : index
      %swap3A_118 = tpu.vector_load %arg8[%swap3A_117] {strides = array<i32>} : memref<80xi32, #tpu.memory_space<vmem>>, vector<16xi32>,
      %swap3A_119 = vector.shape_cast %swap3A_118 : vector<16xi32> to vector<16xi32>
      %swap3A_120 = vector.shape_cast %get3A_116 : vector<16xi32> to vector<16xi32>
      tpu.vector_store %arg8[%swap3A_117], %swap3A_120 {strides = array<i32>} : memref<80xi32, #tpu.memory_space<vmem>>, vector<16xi32>,
      %add3A_121 = arith.constant 32 : i32
      %add3A_122 = arith.addi %multiple_of3A_102, %add3A_121 : i32
      %get3A_123 = arith.index_cast %add3A_122 : i32 to index
      %get3A_124 = tpu.vector_load %arg6[%get3A_123] {strides = array<i32>} : memref<10000xi32, #tpu.memory_space<vmem>>, vector<16xi32>,
      %get3A_125 = vector.shape_cast %get3A_124 : vector<16xi32> to vector<16xi32>
      %swap3A_126 = arith.constant 32 : index
      %swap3A_127 = tpu.vector_load %arg8[%swap3A_126] {strides = array<i32>} : memref<80xi32, #tpu.memory_space<vmem>>, vector<16xi32>,
      %swap3A_128 = vector.shape_cast %swap3A_127 : vector<16xi32> to vector<16xi32>
      %swap3A_129 = vector.shape_cast %get3A_125 : vector<16xi32> to vector<16xi32>
      tpu.vector_store %arg8[%swap3A_126], %swap3A_129 {strides = array<i32>} : memref<80xi32, #tpu.memory_space<vmem>>, vector<16xi32>,
      %add3A_130 = arith.constant 48 : i32
      %add3A_131 = arith.addi %multiple_of3A_102, %add3A_130 : i32
      %get3A_132 = arith.index_cast %add3A_131 : i32 to index
      %get3A_133 = tpu.vector_load %arg6[%get3A_132] {strides = array<i32>} : memref<10000xi32, #tpu.memory_space<vmem>>, vector<16xi32>,
      %get3A_134 = vector.shape_cast %get3A_133 : vector<16xi32> to vector<16xi32>
      %swap3A_135 = arith.constant 48 : index
      %swap3A_136 = tpu.vector_load %arg8[%swap3A_135] {strides = array<i32>} : memref<80xi32, #tpu.memory_space<vmem>>, vector<16xi32>,
      %swap3A_137 = vector.shape_cast %swap3A_136 : vector<16xi32> to vector<16xi32>
      %swap3A_138 = vector.shape_cast %get3A_134 : vector<16xi32> to vector<16xi32>
      tpu.vector_store %arg8[%swap3A_135], %swap3A_138 {strides = array<i32>} : memref<80xi32, #tpu.memory_space<vmem>>, vector<16xi32>,
      %add3A_139 = arith.constant 64 : i32
      %add3A_140 = arith.addi %multiple_of3A_102, %add3A_139 : i32
      %get3A_141 = arith.index_cast %add3A_140 : i32 to index
      %get3A_142 = tpu.vector_load %arg6[%get3A_141] {strides = array<i32>} : memref<10000xi32, #tpu.memory_space<vmem>>, vector<16xi32>,
      %get3A_143 = vector.shape_cast %get3A_142 : vector<16xi32> to vector<16xi32>
      %swap3A_144 = arith.constant 64 : index
      %swap3A_145 = tpu.vector_load %arg8[%swap3A_144] {strides = array<i32>} : memref<80xi32, #tpu.memory_space<vmem>>, vector<16xi32>,
      %swap3A_146 = vector.shape_cast %swap3A_145 : vector<16xi32> to vector<16xi32>
      %swap3A_147 = vector.shape_cast %get3A_143 : vector<16xi32> to vector<16xi32>
      tpu.vector_store %arg8[%swap3A_144], %swap3A_147 {strides = array<i32>} : memref<80xi32, #tpu.memory_space<vmem>>, vector<16xi32>,
      %dma_wait3A_148 = arith.constant 0 : i32
      %dma_wait3A_149 = arith.constant 0 : i32
      %dma_wait3A_150 = tpu.memref_slice %arg2[%dma_wait3A_148, %dma_wait3A_149] : memref<320000x128xf32, #tpu.memory_space<hbm>> -> memref<80x128xf32, #tpu.memory_space<hbm>>
      %dma_wait3A_151 = arith.constant 0 : i32
      %dma_wait3A_152 = arith.constant 0 : i32
      %dma_wait3A_153 = tpu.memref_slice %arg2[%dma_wait3A_151, %dma_wait3A_152] : memref<320000x128xf32, #tpu.memory_space<hbm>> -> memref<80x128xf32, #tpu.memory_space<hbm>>
      tpu.wait_dma2 semaphore(%arg12 : memref<!tpu.dma_semaphore, #tpu.memory_space<semaphore_mem>>) src(%dma_wait3A_153 : memref<80x128xf32, #tpu.memory_space<hbm>>) dst(%arg9 : memref<80x128xf32, #tpu.memory_space<vmem>>)
      %dma_start3A_154 = arith.constant 0 : i32
      %dma_start3A_155 = arith.constant 0 : i32
      %dma_start3A_156 = tpu.memref_slice %arg11[%dma_start3A_154, %dma_start3A_155] : memref<10240x128xf32, #tpu.memory_space<vmem_shared>> -> memref<10240x128xf32, #tpu.memory_space<vmem_shared>>
      tpu.enqueue_indirect_dma source(%arg9 : memref<80x128xf32, #tpu.memory_space<vmem>>) target(%dma_start3A_156 : memref<10240x128xf32, #tpu.memory_space<vmem_shared>>) offsets(%arg7 : memref<80xi32, #tpu.memory_space<vmem>>) semaphore(%arg14 : memref<!tpu.dma_semaphore, #tpu.memory_space<semaphore_mem>>) {add = true}
      %mul3A_157 = arith.constant 2 : i32
      %mul3A_158 = arith.muli %mul3A_157, %scan3A_82 : i32
      %add3A_159 = arith.constant 1 : i32
      %add3A_160 = arith.addi %mul3A_158, %add3A_159 : i32
      %ge3A_161 = arith.constant 1 : i32
      %ge3A_162 = arith.cmpi sge, %add3A_160, %ge3A_161 : i32
      %convert_element_type3A_163 = arith.extui %ge3A_162 : i1 to i32
      %cond3A_164 = arith.constant 0 : i32
      %cond3A_165 = arith.cmpi ne, %convert_element_type3A_163, %cond3A_164 : i32
      scf.if %cond3A_165 {
        %dma_wait3A_234 = arith.constant 0 : i32
        %dma_wait3A_235 = arith.constant 0 : i32
        %dma_wait3A_236 = tpu.memref_slice %arg11[%dma_wait3A_234, %dma_wait3A_235] : memref<10240x128xf32, #tpu.memory_space<vmem_shared>> -> memref<10240x128xf32, #tpu.memory_space<vmem_shared>>
        tpu.wait_indirect_dma semaphore(%arg14 : memref<!tpu.dma_semaphore, #tpu.memory_space<semaphore_mem>>) src(%arg9 : memref<80x128xf32, #tpu.memory_space<vmem>>) dst(%dma_wait3A_236 : memref<10240x128xf32, #tpu.memory_space<vmem_shared>>)
      } else {
      }
      %add3A_166 = arith.constant 1 : i32
      %add3A_167 = arith.addi %add3A_160, %add3A_166 : i32
      %mul3A_168 = arith.constant 10000 : i32
      %mul3A_169 = arith.muli %add3A, %mul3A_168 : i32
      %mul3A_170 = arith.constant 80 : i32
      %mul3A_171 = arith.muli %add3A_167, %mul3A_170 : i32
      %add3A_172 = arith.addi %mul3A_169, %mul3A_171 : i32
      %dma_start3A_173 = arith.constant 0 : i32
      %dma_start3A_174 = tpu.memref_slice %arg2[%add3A_172, %dma_start3A_173] : memref<320000x128xf32, #tpu.memory_space<hbm>> -> memref<80x128xf32, #tpu.memory_space<hbm>>
      %dma_start3A_175 = arith.constant 0 : i32
      %dma_start3A_176 = tpu.memref_slice %arg2[%add3A_172, %dma_start3A_175] : memref<320000x128xf32, #tpu.memory_space<hbm>> -> memref<80x128xf32, #tpu.memory_space<hbm>>
      tpu.enqueue_dma source(%dma_start3A_176 : memref<80x128xf32, #tpu.memory_space<hbm>>) target(%arg9 : memref<80x128xf32, #tpu.memory_space<vmem>>) target_semaphore(%arg12 : memref<!tpu.dma_semaphore, #tpu.memory_space<semaphore_mem>>)
      %mul3A_177 = arith.constant 80 : i32
      %mul3A_178 = arith.muli %add3A_167, %mul3A_177 : i32
      %multiple_of3A_179 = tpu.assume_multiple %mul3A_178, 16 : i32
      %add3A_180 = arith.constant 0 : i32
      %add3A_181 = arith.addi %multiple_of3A_179, %add3A_180 : i32
      %get3A_182 = arith.index_cast %add3A_181 : i32 to index
      %get3A_183 = tpu.vector_load %arg6[%get3A_182] {strides = array<i32>} : memref<10000xi32, #tpu.memory_space<vmem>>, vector<16xi32>,
      %get3A_184 = vector.shape_cast %get3A_183 : vector<16xi32> to vector<16xi32>
      %swap3A_185 = arith.constant 0 : index
      %swap3A_186 = tpu.vector_load %arg7[%swap3A_185] {strides = array<i32>} : memref<80xi32, #tpu.memory_space<vmem>>, vector<16xi32>,
      %swap3A_187 = vector.shape_cast %swap3A_186 : vector<16xi32> to vector<16xi32>
      %swap3A_188 = vector.shape_cast %get3A_184 : vector<16xi32> to vector<16xi32>
      tpu.vector_store %arg7[%swap3A_185], %swap3A_188 {strides = array<i32>} : memref<80xi32, #tpu.memory_space<vmem>>, vector<16xi32>,
      %add3A_189 = arith.constant 16 : i32
      %add3A_190 = arith.addi %multiple_of3A_179, %add3A_189 : i32
      %get3A_191 = arith.index_cast %add3A_190 : i32 to index
      %get3A_192 = tpu.vector_load %arg6[%get3A_191] {strides = array<i32>} : memref<10000xi32, #tpu.memory_space<vmem>>, vector<16xi32>,
      %get3A_193 = vector.shape_cast %get3A_192 : vector<16xi32> to vector<16xi32>
      %swap3A_194 = arith.constant 16 : index
      %swap3A_195 = tpu.vector_load %arg7[%swap3A_194] {strides = array<i32>} : memref<80xi32, #tpu.memory_space<vmem>>, vector<16xi32>,
      %swap3A_196 = vector.shape_cast %swap3A_195 : vector<16xi32> to vector<16xi32>
      %swap3A_197 = vector.shape_cast %get3A_193 : vector<16xi32> to vector<16xi32>
      tpu.vector_store %arg7[%swap3A_194], %swap3A_197 {strides = array<i32>} : memref<80xi32, #tpu.memory_space<vmem>>, vector<16xi32>,
      %add3A_198 = arith.constant 32 : i32
      %add3A_199 = arith.addi %multiple_of3A_179, %add3A_198 : i32
      %get3A_200 = arith.index_cast %add3A_199 : i32 to index
      %get3A_201 = tpu.vector_load %arg6[%get3A_200] {strides = array<i32>} : memref<10000xi32, #tpu.memory_space<vmem>>, vector<16xi32>,
      %get3A_202 = vector.shape_cast %get3A_201 : vector<16xi32> to vector<16xi32>
      %swap3A_203 = arith.constant 32 : index
      %swap3A_204 = tpu.vector_load %arg7[%swap3A_203] {strides = array<i32>} : memref<80xi32, #tpu.memory_space<vmem>>, vector<16xi32>,
      %swap3A_205 = vector.shape_cast %swap3A_204 : vector<16xi32> to vector<16xi32>
      %swap3A_206 = vector.shape_cast %get3A_202 : vector<16xi32> to vector<16xi32>
      tpu.vector_store %arg7[%swap3A_203], %swap3A_206 {strides = array<i32>} : memref<80xi32, #tpu.memory_space<vmem>>, vector<16xi32>,
      %add3A_207 = arith.constant 48 : i32
      %add3A_208 = arith.addi %multiple_of3A_179, %add3A_207 : i32
      %get3A_209 = arith.index_cast %add3A_208 : i32 to index
      %get3A_210 = tpu.vector_load %arg6[%get3A_209] {strides = array<i32>} : memref<10000xi32, #tpu.memory_space<vmem>>, vector<16xi32>,
      %get3A_211 = vector.shape_cast %get3A_210 : vector<16xi32> to vector<16xi32>
      %swap3A_212 = arith.constant 48 : index
      %swap3A_213 = tpu.vector_load %arg7[%swap3A_212] {strides = array<i32>} : memref<80xi32, #tpu.memory_space<vmem>>, vector<16xi32>,
      %swap3A_214 = vector.shape_cast %swap3A_213 : vector<16xi32> to vector<16xi32>
      %swap3A_215 = vector.shape_cast %get3A_211 : vector<16xi32> to vector<16xi32>
      tpu.vector_store %arg7[%swap3A_212], %swap3A_215 {strides = array<i32>} : memref<80xi32, #tpu.memory_space<vmem>>, vector<16xi32>,
      %add3A_216 = arith.constant 64 : i32
      %add3A_217 = arith.addi %multiple_of3A_179, %add3A_216 : i32
      %get3A_218 = arith.index_cast %add3A_217 : i32 to index
      %get3A_219 = tpu.vector_load %arg6[%get3A_218] {strides = array<i32>} : memref<10000xi32, #tpu.memory_space<vmem>>, vector<16xi32>,
      %get3A_220 = vector.shape_cast %get3A_219 : vector<16xi32> to vector<16xi32>
      %swap3A_221 = arith.constant 64 : index
      %swap3A_222 = tpu.vector_load %arg7[%swap3A_221] {strides = array<i32>} : memref<80xi32, #tpu.memory_space<vmem>>, vector<16xi32>,
      %swap3A_223 = vector.shape_cast %swap3A_222 : vector<16xi32> to vector<16xi32>
      %swap3A_224 = vector.shape_cast %get3A_220 : vector<16xi32> to vector<16xi32>
      tpu.vector_store %arg7[%swap3A_221], %swap3A_224 {strides = array<i32>} : memref<80xi32, #tpu.memory_space<vmem>>, vector<16xi32>,
      %dma_wait3A_225 = arith.constant 0 : i32
      %dma_wait3A_226 = arith.constant 0 : i32
      %dma_wait3A_227 = tpu.memref_slice %arg2[%dma_wait3A_225, %dma_wait3A_226] : memref<320000x128xf32, #tpu.memory_space<hbm>> -> memref<80x128xf32, #tpu.memory_space<hbm>>
      %dma_wait3A_228 = arith.constant 0 : i32
      %dma_wait3A_229 = arith.constant 0 : i32
      %dma_wait3A_230 = tpu.memref_slice %arg2[%dma_wait3A_228, %dma_wait3A_229] : memref<320000x128xf32, #tpu.memory_space<hbm>> -> memref<80x128xf32, #tpu.memory_space<hbm>>
      tpu.wait_dma2 semaphore(%arg13 : memref<!tpu.dma_semaphore, #tpu.memory_space<semaphore_mem>>) src(%dma_wait3A_230 : memref<80x128xf32, #tpu.memory_space<hbm>>) dst(%arg10 : memref<80x128xf32, #tpu.memory_space<vmem>>)
      %dma_start3A_231 = arith.constant 0 : i32
      %dma_start3A_232 = arith.constant 0 : i32
      %dma_start3A_233 = tpu.memref_slice %arg11[%dma_start3A_231, %dma_start3A_232] : memref<10240x128xf32, #tpu.memory_space<vmem_shared>> -> memref<10240x128xf32, #tpu.memory_space<vmem_shared>>
      tpu.enqueue_indirect_dma source(%arg10 : memref<80x128xf32, #tpu.memory_space<vmem>>) target(%dma_start3A_233 : memref<10240x128xf32, #tpu.memory_space<vmem_shared>>) offsets(%arg8 : memref<80xi32, #tpu.memory_space<vmem>>) semaphore(%arg15 : memref<!tpu.dma_semaphore, #tpu.memory_space<semaphore_mem>>) {add = true}
    }
    %scan3A_62 = arith.constant 62 : i32
    %dma_wait3A = arith.constant 0 : i32
    %dma_wait3A_63 = arith.constant 0 : i32
    %dma_wait3A_64 = tpu.memref_slice %arg2[%dma_wait3A, %dma_wait3A_63] : memref<320000x128xf32, #tpu.memory_space<hbm>> -> memref<80x128xf32, #tpu.memory_space<hbm>>
    %dma_wait3A_65 = arith.constant 0 : i32
    %dma_wait3A_66 = arith.constant 0 : i32
    %dma_wait3A_67 = tpu.memref_slice %arg2[%dma_wait3A_65, %dma_wait3A_66] : memref<320000x128xf32, #tpu.memory_space<hbm>> -> memref<80x128xf32, #tpu.memory_space<hbm>>
    tpu.wait_dma2 semaphore(%arg12 : memref<!tpu.dma_semaphore, #tpu.memory_space<semaphore_mem>>) src(%dma_wait3A_67 : memref<80x128xf32, #tpu.memory_space<hbm>>) dst(%arg9 : memref<80x128xf32, #tpu.memory_space<vmem>>)
    %dma_start3A_68 = arith.constant 0 : i32
    %dma_start3A_69 = arith.constant 0 : i32
    %dma_start3A_70 = tpu.memref_slice %arg11[%dma_start3A_68, %dma_start3A_69] : memref<10240x128xf32, #tpu.memory_space<vmem_shared>> -> memref<10240x128xf32, #tpu.memory_space<vmem_shared>>
    tpu.enqueue_indirect_dma source(%arg9 : memref<80x128xf32, #tpu.memory_space<vmem>>) target(%dma_start3A_70 : memref<10240x128xf32, #tpu.memory_space<vmem_shared>>) offsets(%arg7 : memref<80xi32, #tpu.memory_space<vmem>>) semaphore(%arg14 : memref<!tpu.dma_semaphore, #tpu.memory_space<semaphore_mem>>) {add = true}
    %dma_wait3A_71 = arith.constant 0 : i32
    %dma_wait3A_72 = arith.constant 0 : i32
    %dma_wait3A_73 = tpu.memref_slice %arg11[%dma_wait3A_71, %dma_wait3A_72] : memref<10240x128xf32, #tpu.memory_space<vmem_shared>> -> memref<10240x128xf32, #tpu.memory_space<vmem_shared>>
    tpu.wait_indirect_dma semaphore(%arg14 : memref<!tpu.dma_semaphore, #tpu.memory_space<semaphore_mem>>) src(%arg9 : memref<80x128xf32, #tpu.memory_space<vmem>>) dst(%dma_wait3A_73 : memref<10240x128xf32, #tpu.memory_space<vmem_shared>>)
    %dma_wait3A_74 = arith.constant 0 : i32
    %dma_wait3A_75 = arith.constant 0 : i32
    %dma_wait3A_76 = tpu.memref_slice %arg11[%dma_wait3A_74, %dma_wait3A_75] : memref<10240x128xf32, #tpu.memory_space<vmem_shared>> -> memref<10240x128xf32, #tpu.memory_space<vmem_shared>>
    tpu.wait_indirect_dma semaphore(%arg15 : memref<!tpu.dma_semaphore, #tpu.memory_space<semaphore_mem>>) src(%arg10 : memref<80x128xf32, #tpu.memory_space<vmem>>) dst(%dma_wait3A_76 : memref<10240x128xf32, #tpu.memory_space<vmem_shared>>)
    %barrier3A_77 = arith.constant 0 : index
    tpu.barrier barrier_id(%barrier3A_77)
    %mul3A_78 = arith.constant 640 : i32
    %mul3A_79 = arith.muli %arg1, %mul3A_78 : i32
    %mul3A_80 = arith.constant 640 : i32
    %mul3A_81 = arith.muli %arg1, %mul3A_80 : i32
    "tpu.region"() ({
      %run_scoped3A = tpu.sem_alloc : memref<!tpu.dma_semaphore, #tpu.memory_space<semaphore_mem>>
      %dma_start3A_82 = arith.constant 0 : i32
      %dma_start3A_83 = tpu.memref_slice %arg5[%arg0, %mul3A_81, %dma_start3A_82] : memref<2x10240x128xf32, #tpu.memory_space<hbm>> -> memref<1x640x128xf32, #tpu.memory_space<hbm>>
      %dma_start3A_84 = tpu.memref_squeeze %dma_start3A_83 : memref<1x640x128xf32, #tpu.memory_space<hbm>> -> memref<640x128xf32, #tpu.memory_space<hbm>>
      %dma_start3A_85 = arith.constant 0 : i32
      %dma_start3A_86 = tpu.memref_slice %arg11[%mul3A_79, %dma_start3A_85] : memref<10240x128xf32, #tpu.memory_space<vmem_shared>> -> memref<640x128xf32, #tpu.memory_space<vmem_shared>>
      tpu.enqueue_dma source(%dma_start3A_86 : memref<640x128xf32, #tpu.memory_space<vmem_shared>>) target(%dma_start3A_84 : memref<640x128xf32, #tpu.memory_space<hbm>>) target_semaphore(%run_scoped3A : memref<!tpu.dma_semaphore, #tpu.memory_space<semaphore_mem>>)
      %dma_wait3A_87 = arith.constant 0 : i32
      %dma_wait3A_88 = tpu.memref_slice %arg5[%arg0, %mul3A_81, %dma_wait3A_87] : memref<2x10240x128xf32, #tpu.memory_space<hbm>> -> memref<1x640x128xf32, #tpu.memory_space<hbm>>
      %dma_wait3A_89 = tpu.memref_squeeze %dma_wait3A_88 : memref<1x640x128xf32, #tpu.memory_space<hbm>> -> memref<640x128xf32, #tpu.memory_space<hbm>>
      %dma_wait3A_90 = arith.constant 0 : i32
      %dma_wait3A_91 = tpu.memref_slice %arg11[%mul3A_79, %dma_wait3A_90] : memref<10240x128xf32, #tpu.memory_space<vmem_shared>> -> memref<640x128xf32, #tpu.memory_space<vmem_shared>>
      tpu.wait_dma2 semaphore(%run_scoped3A : memref<!tpu.dma_semaphore, #tpu.memory_space<semaphore_mem>>) src(%dma_wait3A_91 : memref<640x128xf32, #tpu.memory_space<vmem_shared>>) dst(%dma_wait3A_89 : memref<640x128xf32, #tpu.memory_space<hbm>>)
      tpu.yield
    }) : () -> ()
    return
  }
}

module attributes {stable_mosaic.version = 14 : i64} {
  func.func @_edge0_body(%arg0: i32, %arg1: memref<2000x128xf32, #tpu.memory_space<vmem>>, %arg2: memref<2000x16xf32, #tpu.memory_space<vmem>>, %arg3: memref<128x128xf32, #tpu.memory_space<vmem>>, %arg4: memref<16x128xf32, #tpu.memory_space<vmem>>, %arg5: memref<1x128xf32, #tpu.memory_space<vmem>>, %arg6: memref<128x128xf32, #tpu.memory_space<vmem>>, %arg7: memref<2000x128xbf16, #tpu.memory_space<vmem>>, %arg8: memref<2000x128xf32, #tpu.memory_space<vmem>>) attributes {dimension_semantics = [#tpu.dimension_semantics<arbitrary>], iteration_bounds = array<i64: 160>, scalar_prefetch = 0 : i64, scratch_operands = 0 : i64, tpu.core_type = #tpu.core_type<tc>, window_params = [{transform_indices = @transform_0, window_bounds = array<i64: 2000, 128>}, {transform_indices = @transform_1, window_bounds = array<i64: 2000, 16>}, {pipeline_mode = #tpu.pipeline_mode<synchronous>, transform_indices = @transform_2, window_bounds = array<i64: 128, 128>}, {pipeline_mode = #tpu.pipeline_mode<synchronous>, transform_indices = @transform_3, window_bounds = array<i64: 16, 128>}, {pipeline_mode = #tpu.pipeline_mode<synchronous>, transform_indices = @transform_4, window_bounds = array<i64: 1, 128>}, {pipeline_mode = #tpu.pipeline_mode<synchronous>, transform_indices = @transform_5, window_bounds = array<i64: 128, 128>}, {transform_indices = @transform_6, window_bounds = array<i64: 2000, 128>}, {transform_indices = @transform_7, window_bounds = array<i64: 2000, 128>}]} {
    %get3A = arith.constant 0 : index
    %get3A_0 = arith.constant 0 : index
    %get3A_1 = vector.load %arg1[%get3A, %get3A_0] : memref<2000x128xf32, #tpu.memory_space<vmem>>, vector<2000x128xf32>
    %get3A_2 = arith.constant 0 : index
    %get3A_3 = arith.constant 0 : index
    %get3A_4 = vector.load %arg3[%get3A_2, %get3A_3] : memref<128x128xf32, #tpu.memory_space<vmem>>, vector<128x128xf32>
    %dot_general3A = arith.constant dense<0.000000e+00> : vector<2000x128xf32>
    %dot_general3A_5 = tpu.matmul %get3A_1, %get3A_4, %dot_general3A {dimension_numbers = #tpu.dot_dimension_numbers<[1], [0], [0], [1], [0, 0, 1, 1], [], []>, transpose_lhs_hint = false} : vector<2000x128xf32>, vector<128x128xf32>, vector<2000x128xf32> -> vector<2000x128xf32>
    %get3A_6 = arith.constant 0 : index
    %get3A_7 = arith.constant 0 : index
    %get3A_8 = vector.load %arg2[%get3A_6, %get3A_7] : memref<2000x16xf32, #tpu.memory_space<vmem>>, vector<2000x16xf32>
    %get3A_9 = arith.constant 0 : index
    %get3A_10 = arith.constant 0 : index
    %get3A_11 = vector.load %arg4[%get3A_9, %get3A_10] : memref<16x128xf32, #tpu.memory_space<vmem>>, vector<16x128xf32>
    %dot_general3A_12 = arith.constant dense<0.000000e+00> : vector<2000x128xf32>
    %dot_general3A_13 = tpu.matmul %get3A_8, %get3A_11, %dot_general3A_12 {dimension_numbers = #tpu.dot_dimension_numbers<[1], [0], [0], [1], [0, 0, 1, 1], [], []>, transpose_lhs_hint = false} : vector<2000x16xf32>, vector<16x128xf32>, vector<2000x128xf32> -> vector<2000x128xf32>
    %add3A = arith.addf %dot_general3A_5, %dot_general3A_13 : vector<2000x128xf32>
    %get3A_14 = arith.constant 0 : index
    %get3A_15 = arith.constant 0 : index
    %get3A_16 = vector.load %arg5[%get3A_14, %get3A_15] : memref<1x128xf32, #tpu.memory_space<vmem>>, vector<1x128xf32>
    %add3A_17 = vector.broadcast %get3A_16 : vector<1x128xf32> to vector<2000x128xf32>
    %add3A_18 = arith.addf %add3A, %add3A_17 : vector<2000x128xf32>
    %convert_element_type3A = arith.truncf %add3A_18 : vector<2000x128xf32> to vector<2000x128xbf16>
    %swap3A = arith.constant 0 : index
    %swap3A_19 = arith.constant 0 : index
    %swap3A_20 = vector.load %arg7[%swap3A, %swap3A_19] : memref<2000x128xbf16, #tpu.memory_space<vmem>>, vector<2000x128xbf16>
    tpu.vector_store %arg7[%swap3A, %swap3A_19], %convert_element_type3A {strides = array<i32>} : memref<2000x128xbf16, #tpu.memory_space<vmem>>, vector<2000x128xbf16>,
    %max3A = arith.constant 0.000000e+00 : f32
    %max3A_21 = vector.broadcast %max3A : f32 to vector<2000x128xf32>
    %max3A_22 = arith.maximumf %add3A_18, %max3A_21 : vector<2000x128xf32>
    %get3A_23 = arith.constant 0 : index
    %get3A_24 = arith.constant 0 : index
    %get3A_25 = vector.load %arg6[%get3A_23, %get3A_24] : memref<128x128xf32, #tpu.memory_space<vmem>>, vector<128x128xf32>
    %dot_general3A_26 = arith.constant dense<0.000000e+00> : vector<2000x128xf32>
    %dot_general3A_27 = tpu.matmul %max3A_22, %get3A_25, %dot_general3A_26 {dimension_numbers = #tpu.dot_dimension_numbers<[1], [0], [0], [1], [0, 0, 1, 1], [], []>, transpose_lhs_hint = false} : vector<2000x128xf32>, vector<128x128xf32>, vector<2000x128xf32> -> vector<2000x128xf32>
    %swap3A_28 = arith.constant 0 : index
    %swap3A_29 = arith.constant 0 : index
    %swap3A_30 = vector.load %arg8[%swap3A_28, %swap3A_29] : memref<2000x128xf32, #tpu.memory_space<vmem>>, vector<2000x128xf32>
    tpu.vector_store %arg8[%swap3A_28, %swap3A_29], %dot_general3A_27 {strides = array<i32>} : memref<2000x128xf32, #tpu.memory_space<vmem>>, vector<2000x128xf32>,
    return
  }
  func.func @transform_0(%arg0: i32) -> (i32, i32) {
    %c0_i32 = arith.constant 0 : i32
    %c0_i32_0 = arith.constant 0 : i32
    return %arg0, %c0_i32 : i32, i32
  }
  func.func @transform_1(%arg0: i32) -> (i32, i32) {
    %c0_i32 = arith.constant 0 : i32
    %c0_i32_0 = arith.constant 0 : i32
    return %arg0, %c0_i32 : i32, i32
  }
  func.func @transform_2(%arg0: i32) -> (i32, i32) {
    %c0_i32 = arith.constant 0 : i32
    %c0_i32_0 = arith.constant 0 : i32
    %c0_i32_1 = arith.constant 0 : i32
    return %c0_i32, %c0_i32_0 : i32, i32
  }
  func.func @transform_3(%arg0: i32) -> (i32, i32) {
    %c0_i32 = arith.constant 0 : i32
    %c0_i32_0 = arith.constant 0 : i32
    %c0_i32_1 = arith.constant 0 : i32
    return %c0_i32, %c0_i32_0 : i32, i32
  }
  func.func @transform_4(%arg0: i32) -> (i32, i32) {
    %c0_i32 = arith.constant 0 : i32
    %c0_i32_0 = arith.constant 0 : i32
    %c0_i32_1 = arith.constant 0 : i32
    return %c0_i32, %c0_i32_0 : i32, i32
  }
  func.func @transform_5(%arg0: i32) -> (i32, i32) {
    %c0_i32 = arith.constant 0 : i32
    %c0_i32_0 = arith.constant 0 : i32
    %c0_i32_1 = arith.constant 0 : i32
    return %c0_i32, %c0_i32_0 : i32, i32
  }
  func.func @transform_6(%arg0: i32) -> (i32, i32) {
    %c0_i32 = arith.constant 0 : i32
    %c0_i32_0 = arith.constant 0 : i32
    return %arg0, %c0_i32 : i32, i32
  }
  func.func @transform_7(%arg0: i32) -> (i32, i32) {
    %c0_i32 = arith.constant 0 : i32
    %c0_i32_0 = arith.constant 0 : i32
    return %arg0, %c0_i32 : i32, i32
  }
}

module attributes {stable_mosaic.version = 14 : i64} {
  func.func @_comb_body(%arg0: memref<2x10240x128xf32, #tpu.memory_space<vmem>>, %arg1: memref<10240x128xf32, #tpu.memory_space<vmem>>) attributes {dimension_semantics = [], scalar_prefetch = 0 : i64, scratch_operands = 0 : i64, tpu.core_type = #tpu.core_type<tc>} {
    %get3A = arith.constant 0 : index
    %get3A_0 = arith.constant 0 : index
    %get3A_1 = arith.constant 0 : index
    %get3A_2 = vector.load %arg0[%get3A, %get3A_0, %get3A_1] : memref<2x10240x128xf32, #tpu.memory_space<vmem>>, vector<1x10240x128xf32>
    %get3A_3 = vector.shape_cast %get3A_2 : vector<1x10240x128xf32> to vector<10240x128xf32>
    %get3A_4 = arith.constant 1 : index
    %get3A_5 = arith.constant 0 : index
    %get3A_6 = arith.constant 0 : index
    %get3A_7 = vector.load %arg0[%get3A_4, %get3A_5, %get3A_6] : memref<2x10240x128xf32, #tpu.memory_space<vmem>>, vector<1x10240x128xf32>
    %get3A_8 = vector.shape_cast %get3A_7 : vector<1x10240x128xf32> to vector<10240x128xf32>
    %add3A = arith.addf %get3A_3, %get3A_8 : vector<10240x128xf32>
    %swap3A = arith.constant 0 : index
    %swap3A_9 = arith.constant 0 : index
    %swap3A_10 = vector.load %arg1[%swap3A, %swap3A_9] : memref<10240x128xf32, #tpu.memory_space<vmem>>, vector<10240x128xf32>
    tpu.vector_store %arg1[%swap3A, %swap3A_9], %add3A {strides = array<i32>} : memref<10240x128xf32, #tpu.memory_space<vmem>>, vector<10240x128xf32>,
    return
  }
}

module attributes {stable_mosaic.version = 14 : i64} {
  func.func @_mid_body(%arg0: i32, %arg1: memref<2000x128xbf16, #tpu.memory_space<vmem>>, %arg2: memref<2000x128xf32, #tpu.memory_space<vmem>>, %arg3: memref<1x128xf32, #tpu.memory_space<vmem>>, %arg4: memref<128x128xf32, #tpu.memory_space<vmem>>, %arg5: memref<2000x128xf32, #tpu.memory_space<vmem>>) attributes {dimension_semantics = [#tpu.dimension_semantics<arbitrary>], iteration_bounds = array<i64: 160>, scalar_prefetch = 0 : i64, scratch_operands = 0 : i64, tpu.core_type = #tpu.core_type<tc>, window_params = [{transform_indices = @transform_0, window_bounds = array<i64: 2000, 128>}, {transform_indices = @transform_1, window_bounds = array<i64: 2000, 128>}, {pipeline_mode = #tpu.pipeline_mode<synchronous>, transform_indices = @transform_2, window_bounds = array<i64: 1, 128>}, {pipeline_mode = #tpu.pipeline_mode<synchronous>, transform_indices = @transform_3, window_bounds = array<i64: 128, 128>}, {transform_indices = @transform_4, window_bounds = array<i64: 2000, 128>}]} {
    %get3A = arith.constant 0 : index
    %get3A_0 = arith.constant 0 : index
    %get3A_1 = vector.load %arg1[%get3A, %get3A_0] : memref<2000x128xbf16, #tpu.memory_space<vmem>>, vector<2000x128xbf16>
    %convert_element_type3A = arith.extf %get3A_1 : vector<2000x128xbf16> to vector<2000x128xf32>
    %get3A_2 = arith.constant 0 : index
    %get3A_3 = arith.constant 0 : index
    %get3A_4 = vector.load %arg2[%get3A_2, %get3A_3] : memref<2000x128xf32, #tpu.memory_space<vmem>>, vector<2000x128xf32>
    %add3A = arith.addf %convert_element_type3A, %get3A_4 : vector<2000x128xf32>
    %get3A_5 = arith.constant 0 : index
    %get3A_6 = arith.constant 0 : index
    %get3A_7 = vector.load %arg3[%get3A_5, %get3A_6] : memref<1x128xf32, #tpu.memory_space<vmem>>, vector<1x128xf32>
    %add3A_8 = vector.broadcast %get3A_7 : vector<1x128xf32> to vector<2000x128xf32>
    %add3A_9 = arith.addf %add3A, %add3A_8 : vector<2000x128xf32>
    %max3A = arith.constant 0.000000e+00 : f32
    %max3A_10 = vector.broadcast %max3A : f32 to vector<2000x128xf32>
    %max3A_11 = arith.maximumf %add3A_9, %max3A_10 : vector<2000x128xf32>
    %get3A_12 = arith.constant 0 : index
    %get3A_13 = arith.constant 0 : index
    %get3A_14 = vector.load %arg4[%get3A_12, %get3A_13] : memref<128x128xf32, #tpu.memory_space<vmem>>, vector<128x128xf32>
    %dot_general3A = arith.constant dense<0.000000e+00> : vector<2000x128xf32>
    %dot_general3A_15 = tpu.matmul %max3A_11, %get3A_14, %dot_general3A {dimension_numbers = #tpu.dot_dimension_numbers<[1], [0], [0], [1], [0, 0, 1, 1], [], []>, transpose_lhs_hint = false} : vector<2000x128xf32>, vector<128x128xf32>, vector<2000x128xf32> -> vector<2000x128xf32>
    %swap3A = arith.constant 0 : index
    %swap3A_16 = arith.constant 0 : index
    %swap3A_17 = vector.load %arg5[%swap3A, %swap3A_16] : memref<2000x128xf32, #tpu.memory_space<vmem>>, vector<2000x128xf32>
    tpu.vector_store %arg5[%swap3A, %swap3A_16], %dot_general3A_15 {strides = array<i32>} : memref<2000x128xf32, #tpu.memory_space<vmem>>, vector<2000x128xf32>,
    return
  }
  func.func @transform_0(%arg0: i32) -> (i32, i32) {
    %c0_i32 = arith.constant 0 : i32
    %c0_i32_0 = arith.constant 0 : i32
    return %arg0, %c0_i32 : i32, i32
  }
  func.func @transform_1(%arg0: i32) -> (i32, i32) {
    %c0_i32 = arith.constant 0 : i32
    %c0_i32_0 = arith.constant 0 : i32
    return %arg0, %c0_i32 : i32, i32
  }
  func.func @transform_2(%arg0: i32) -> (i32, i32) {
    %c0_i32 = arith.constant 0 : i32
    %c0_i32_0 = arith.constant 0 : i32
    %c0_i32_1 = arith.constant 0 : i32
    return %c0_i32, %c0_i32_0 : i32, i32
  }
  func.func @transform_3(%arg0: i32) -> (i32, i32) {
    %c0_i32 = arith.constant 0 : i32
    %c0_i32_0 = arith.constant 0 : i32
    %c0_i32_1 = arith.constant 0 : i32
    return %c0_i32, %c0_i32_0 : i32, i32
  }
  func.func @transform_4(%arg0: i32) -> (i32, i32) {
    %c0_i32 = arith.constant 0 : i32
    %c0_i32_0 = arith.constant 0 : i32
    return %arg0, %c0_i32 : i32, i32
  }
}

module attributes {stable_mosaic.version = 14 : i64} {
  func.func @_last_body(%arg0: i32, %arg1: memref<2000x128xbf16, #tpu.memory_space<vmem>>, %arg2: memref<2000x128xf32, #tpu.memory_space<vmem>>, %arg3: memref<1x128xf32, #tpu.memory_space<vmem>>, %arg4: memref<2000x128xf32, #tpu.memory_space<vmem>>) attributes {dimension_semantics = [#tpu.dimension_semantics<arbitrary>], iteration_bounds = array<i64: 160>, scalar_prefetch = 0 : i64, scratch_operands = 0 : i64, tpu.core_type = #tpu.core_type<tc>, window_params = [{transform_indices = @transform_0, window_bounds = array<i64: 2000, 128>}, {transform_indices = @transform_1, window_bounds = array<i64: 2000, 128>}, {pipeline_mode = #tpu.pipeline_mode<synchronous>, transform_indices = @transform_2, window_bounds = array<i64: 1, 128>}, {transform_indices = @transform_3, window_bounds = array<i64: 2000, 128>}]} {
    %get3A = arith.constant 0 : index
    %get3A_0 = arith.constant 0 : index
    %get3A_1 = vector.load %arg1[%get3A, %get3A_0] : memref<2000x128xbf16, #tpu.memory_space<vmem>>, vector<2000x128xbf16>
    %convert_element_type3A = arith.extf %get3A_1 : vector<2000x128xbf16> to vector<2000x128xf32>
    %get3A_2 = arith.constant 0 : index
    %get3A_3 = arith.constant 0 : index
    %get3A_4 = vector.load %arg2[%get3A_2, %get3A_3] : memref<2000x128xf32, #tpu.memory_space<vmem>>, vector<2000x128xf32>
    %add3A = arith.addf %convert_element_type3A, %get3A_4 : vector<2000x128xf32>
    %get3A_5 = arith.constant 0 : index
    %get3A_6 = arith.constant 0 : index
    %get3A_7 = vector.load %arg3[%get3A_5, %get3A_6] : memref<1x128xf32, #tpu.memory_space<vmem>>, vector<1x128xf32>
    %add3A_8 = vector.broadcast %get3A_7 : vector<1x128xf32> to vector<2000x128xf32>
    %add3A_9 = arith.addf %add3A, %add3A_8 : vector<2000x128xf32>
    %max3A = arith.constant 0.000000e+00 : f32
    %max3A_10 = vector.broadcast %max3A : f32 to vector<2000x128xf32>
    %max3A_11 = arith.maximumf %add3A_9, %max3A_10 : vector<2000x128xf32>
    %swap3A = arith.constant 0 : index
    %swap3A_12 = arith.constant 0 : index
    %swap3A_13 = vector.load %arg4[%swap3A, %swap3A_12] : memref<2000x128xf32, #tpu.memory_space<vmem>>, vector<2000x128xf32>
    tpu.vector_store %arg4[%swap3A, %swap3A_12], %max3A_11 {strides = array<i32>} : memref<2000x128xf32, #tpu.memory_space<vmem>>, vector<2000x128xf32>,
    return
  }
  func.func @transform_0(%arg0: i32) -> (i32, i32) {
    %c0_i32 = arith.constant 0 : i32
    %c0_i32_0 = arith.constant 0 : i32
    return %arg0, %c0_i32 : i32, i32
  }
  func.func @transform_1(%arg0: i32) -> (i32, i32) {
    %c0_i32 = arith.constant 0 : i32
    %c0_i32_0 = arith.constant 0 : i32
    return %arg0, %c0_i32 : i32, i32
  }
  func.func @transform_2(%arg0: i32) -> (i32, i32) {
    %c0_i32 = arith.constant 0 : i32
    %c0_i32_0 = arith.constant 0 : i32
    %c0_i32_1 = arith.constant 0 : i32
    return %c0_i32, %c0_i32_0 : i32, i32
  }
  func.func @transform_3(%arg0: i32) -> (i32, i32) {
    %c0_i32 = arith.constant 0 : i32
    %c0_i32_0 = arith.constant 0 : i32
    return %arg0, %c0_i32 : i32, i32
  }
}

module attributes {stable_mosaic.version = 14 : i64} {
  func.func @_final_body(%arg0: memref<2x10240x128xf32, #tpu.memory_space<vmem>>, %arg1: memref<10000x128xf32, #tpu.memory_space<vmem>>, %arg2: memref<128x128xf32, #tpu.memory_space<vmem>>, %arg3: memref<128x128xf32, #tpu.memory_space<vmem>>, %arg4: memref<1x128xf32, #tpu.memory_space<vmem>>, %arg5: memref<10000x128xf32, #tpu.memory_space<vmem>>) attributes {dimension_semantics = [], scalar_prefetch = 0 : i64, scratch_operands = 0 : i64, tpu.core_type = #tpu.core_type<tc>} {
    %get3A = arith.constant 0 : index
    %get3A_0 = arith.constant 0 : index
    %get3A_1 = arith.constant 0 : index
    %get3A_2 = vector.load %arg0[%get3A, %get3A_0, %get3A_1] : memref<2x10240x128xf32, #tpu.memory_space<vmem>>, vector<1x10000x128xf32>
    %get3A_3 = vector.shape_cast %get3A_2 : vector<1x10000x128xf32> to vector<10000x128xf32>
    %get3A_4 = arith.constant 1 : index
    %get3A_5 = arith.constant 0 : index
    %get3A_6 = arith.constant 0 : index
    %get3A_7 = vector.load %arg0[%get3A_4, %get3A_5, %get3A_6] : memref<2x10240x128xf32, #tpu.memory_space<vmem>>, vector<1x10000x128xf32>
    %get3A_8 = vector.shape_cast %get3A_7 : vector<1x10000x128xf32> to vector<10000x128xf32>
    %add3A = arith.addf %get3A_3, %get3A_8 : vector<10000x128xf32>
    %reduce_sum3A = arith.constant dense<0.000000e+00> : vector<10000xf32>
    %reduce_sum3A_9 = vector.multi_reduction <add>, %add3A, %reduce_sum3A [1] : vector<10000x128xf32> to vector<10000xf32>
    %broadcast_in_dim3A = vector.shape_cast %reduce_sum3A_9 : vector<10000xf32> to vector<10000x1xf32>
    %eq3A = arith.constant 0.000000e+00 : f32
    %eq3A_10 = vector.broadcast %eq3A : f32 to vector<10000x1xf32>
    %eq3A_11 = arith.cmpf oeq, %broadcast_in_dim3A, %eq3A_10 : vector<10000x1xf32>
    %get3A_12 = arith.constant 0 : index
    %get3A_13 = arith.constant 0 : index
    %get3A_14 = vector.load %arg1[%get3A_12, %get3A_13] : memref<10000x128xf32, #tpu.memory_space<vmem>>, vector<10000x128xf32>
    %broadcast_in_dim3A_15 = vector.shape_cast %eq3A_11 : vector<10000x1xi1> to vector<10000x1xi1>
    %broadcast_in_dim3A_16 = vector.broadcast %broadcast_in_dim3A_15 : vector<10000x1xi1> to vector<10000x128xi1>
    %select_n3A = arith.select %broadcast_in_dim3A_16, %get3A_14, %add3A : vector<10000x128xi1>, vector<10000x128xf32>
    %get3A_17 = arith.constant 0 : index
    %get3A_18 = arith.constant 0 : index
    %get3A_19 = vector.load %arg1[%get3A_17, %get3A_18] : memref<10000x128xf32, #tpu.memory_space<vmem>>, vector<10000x128xf32>
    %get3A_20 = arith.constant 0 : index
    %get3A_21 = arith.constant 0 : index
    %get3A_22 = vector.load %arg2[%get3A_20, %get3A_21] : memref<128x128xf32, #tpu.memory_space<vmem>>, vector<128x128xf32>
    %dot_general3A = arith.constant dense<0.000000e+00> : vector<10000x128xf32>
    %dot_general3A_23 = tpu.matmul %get3A_19, %get3A_22, %dot_general3A {dimension_numbers = #tpu.dot_dimension_numbers<[1], [0], [0], [1], [0, 0, 1, 1], [], []>, transpose_lhs_hint = false} : vector<10000x128xf32>, vector<128x128xf32>, vector<10000x128xf32> -> vector<10000x128xf32>
    %get3A_24 = arith.constant 0 : index
    %get3A_25 = arith.constant 0 : index
    %get3A_26 = vector.load %arg3[%get3A_24, %get3A_25] : memref<128x128xf32, #tpu.memory_space<vmem>>, vector<128x128xf32>
    %dot_general3A_27 = arith.constant dense<0.000000e+00> : vector<10000x128xf32>
    %dot_general3A_28 = tpu.matmul %select_n3A, %get3A_26, %dot_general3A_27 {dimension_numbers = #tpu.dot_dimension_numbers<[1], [0], [0], [1], [0, 0, 1, 1], [], []>, transpose_lhs_hint = false} : vector<10000x128xf32>, vector<128x128xf32>, vector<10000x128xf32> -> vector<10000x128xf32>
    %add3A_29 = arith.addf %dot_general3A_23, %dot_general3A_28 : vector<10000x128xf32>
    %get3A_30 = arith.constant 0 : index
    %get3A_31 = arith.constant 0 : index
    %get3A_32 = vector.load %arg4[%get3A_30, %get3A_31] : memref<1x128xf32, #tpu.memory_space<vmem>>, vector<1x128xf32>
    %add3A_33 = vector.broadcast %get3A_32 : vector<1x128xf32> to vector<10000x128xf32>
    %add3A_34 = arith.addf %add3A_29, %add3A_33 : vector<10000x128xf32>
    %max3A = arith.constant 0.000000e+00 : f32
    %max3A_35 = vector.broadcast %max3A : f32 to vector<10000x128xf32>
    %max3A_36 = arith.maximumf %add3A_34, %max3A_35 : vector<10000x128xf32>
    %swap3A = arith.constant 0 : index
    %swap3A_37 = arith.constant 0 : index
    %swap3A_38 = vector.load %arg5[%swap3A, %swap3A_37] : memref<10000x128xf32, #tpu.memory_space<vmem>>, vector<10000x128xf32>
    tpu.vector_store %arg5[%swap3A, %swap3A_37], %max3A_36 {strides = array<i32>} : memref<10000x128xf32, #tpu.memory_space<vmem>>, vector<10000x128xf32>,
    return
  }
}

</mosaic_0001>

<sc_bundles>
// kernel: kernel.14.cloned.1.call-start
scs
__scs_entry_jumppad:
0x0: {  	(pc) =	sbr.rel $0x88, $3  }
0x1: {  	(tag) =	ssettag $0x0;
	lr =	simm.s32 $0x1  }
0x2: {  	[smem:$0x3F97] =	sst lr;
	_ =	strace $0xD0000000  }
0x3: {  	_ = 	snop  }
0x4: {  	_ = 	snop  }
0x5: {  	_ = 	snop  }
0x6: {  	_ = 	snop  }
0x7: {  	_ = 	snop  }
__scs_overlays_trampoline_lowered:
0x8: {  	[smem:$0x3FA6] =	sst s0  }
0x9: {  	[smem:$0x3FA7] =	sst s1  }
0xa: {  	[smem:$0x3FA8] =	sst s2  }
0xb: {  	[smem:$0x3FA9] =	sst s3  }
0xc: {  	[smem:$0x3FAA] =	sst s4  }
0xd: {  	[smem:$0x3FAB] =	sst s5  }
0xe: {  	[smem:$0x3FAC] =	sst s6  }
0xf: {  	[smem:$0x3FAD] =	sst s7  }
0x10: {  	[smem:$0x3FAE] =	sst s8  }
0x11: {  	[smem:$0x3FAF] =	sst s9;
	s0 =	simm.s32 @!p0 $0x0  }
0x12: {  	s1 =	sld [smem:$0x3F95];
	s0 =	simm.s32 @p0 $0x1  }
0x13: {  	[smem:$0x3FB0] =	sst s0;
	s0 =	simm.s32 @!p1 $0x0  }
0x14: {  	s2 =	sld [smem:$0x3F94];
	s0 =	simm.s32 @p1 $0x1  }
0x15: {  	[smem:$0x3FB1] =	sst s0;
	s0 =	simm.s32 @!p2 $0x0  }
0x16: {  	s3 =	sld [smem:$0x3FDB];
	s0 =	simm.s32 @p2 $0x1  }
0x17: {  	s4 =	simm.s32 $0x1BF5;
	[smem:$0x3FB3] =	sst s0  }
0x18: {  	s0 =	sld [smem:$0x3F96];
	_ =	swait.ge [sflag:s4], $0x0  }
0x19: {  	s7 =	sld [smem:$0x3F97]  }
0x1a: {  	s8 =	sadd.s32 $0xFFFFE003, lr  }
0x1b: {  	s9 =	sadd.s32 $0xFFFFFEF7, lr;
	s5 =	simm.s32 $0xFFFFFFFF;
	p2 =	slt.u32 s8, $0xFFFFF086  }
0x1c: {  	p1 =	slt.u32 s9, $0xF7A;
	s5 =	simm.s32 @!p2 $0x0  }
0x1d: {  	s5 =	simm.s32 @p1 $0x1;
	p0 =	seq.s32 s7, s2  }
0x1e: {  	s7 =	smul.u32 @!p0 $0xF7A, s2;
	p2 =	seq.s32 @!p0 s5, $0x0  }
0x1f: {  	s9 =	smul.u32 $0xF7A, s1;
	s8 =	simm.s32 @!p0 $0x1BF5;
	p2 =	por !p2, p0  }
0x20: {  	[sflag:s8] =	ssyncset.s32 @!p0 $0xFFFFF086;
	s6 =	sadd.s32 @!p0 s3, s7;
	s7 =	simm.s32 @!p0 $0x108  }
0x21: {  	s3 =	sadd.s32 s3, s9;
	s6 =	sadd.s32 @!p0 $0x88, s6;
	s7 =	simm.s32 @p2 $0x1082  }
0x22: {  	[simem:s7], [sflag:s8] =	dma.local @!p0 [hbm:s6], $0xF7A  }
0x23: {  	s9 =	sor.u32 $0xD0000000, s2;
	s6 =	simm.s32 $0x108;
	_ =	swait.ge @!p0 [sflag:s8], $0x0  }
0x24: {  	s3 =	sadd.s32 $0x88, s3;
	s6 =	simm.s32 @!p1 $0x1082;
	[sflag:s4] =	ssyncset.s32 $0xFFFFF086  }
0x25: {  	[simem:s6], [sflag:s4] =	dma.local [hbm:s3], $0xF7A  }
0x26: {  	[smem:$0x3F97] =	sst s1;
	(tag) =	ssettag s2;
	_ =	strace s9  }
0x27: {  	s1 =	sld [smem:$0x3FA7]  }
0x28: {  	s2 =	sld [smem:$0x3FA8]  }
0x29: {  	s4 =	sld [smem:$0x3FAA]  }
0x2a: {  	p0 =	seq.s32 s5, $0x0;
	s5 =	sld [smem:$0x3FAB]  }
0x2b: {  	s6 =	sld [smem:$0x3FAC]  }
0x2c: {  	s7 =	sld [smem:$0x3FAD]  }
0x2d: {  	s3 =	simm.s32 $0x108;
	s8 =	sld [smem:$0x3FAE]  }
0x2e: {  	s3 =	simm.s32 @!p0 $0x1082;
	s9 =	sld [smem:$0x3FAF]  }
0x2f: {  	lr =	sadd.s32 s0, s3;
	s0 =	sld [smem:$0x3FA6]  }
0x30: {  	s3 =	sld [smem:$0x3FA9]  }
0x31: {  	[smem:$0x3FB2] =	sst s10  }
0x32: {  	s10 =	sld [smem:$0x3FB0];
	_ =	sdelay $0x3  }
0x33: {  	p0 =	seq.s32 s10, $0x1;
	s10 =	sld [smem:$0x3FB2];
	_ =	sdelay $0x3  }
0x34: {  	[smem:$0x3FB2] =	sst s10  }
0x35: {  	s10 =	sld [smem:$0x3FB1];
	_ =	sdelay $0x3  }
0x36: {  	p1 =	seq.s32 s10, $0x1;
	s10 =	sld [smem:$0x3FB2];
	_ =	sdelay $0x3  }
0x37: {  	[smem:$0x3FB2] =	sst s10  }
0x38: {  	s10 =	sld [smem:$0x3FB3]  }
0x39: {  	_ = 	snop;
	(pc) =	sbr.ind lr, $3  }
0x3a: {  	_ = 	snop  }
0x3b: {  	_ = 	snop  }
0x3c: {  	p2 =	seq.s32 s10, $0x1;
	s10 =	sld [smem:$0x3FB2]  }
0x3d: {  	_ =	shalt  }
0x3e: {  	_ =	shalt  }
0x3f: {  	_ =	shalt  }
0x40: {  	_ =	shalt  }
0x41: {  	_ =	shalt  }
0x42: {  	_ =	shalt  }
0x43: {  	_ =	shalt  }
0x44: {  	_ =	shalt  }
0x45: {  	_ =	shalt  }
0x46: {  	_ =	shalt  }
0x47: {  	_ =	shalt  }
0x48: {  	_ =	shalt  }
0x49: {  	_ =	shalt  }
0x4a: {  	_ =	shalt  }
0x4b: {  	_ =	shalt  }
0x4c: {  	_ =	shalt  }
0x4d: {  	_ =	shalt  }
0x4e: {  	_ =	shalt  }
0x4f: {  	_ =	shalt  }
0x50: {  	_ =	shalt  }
0x51: {  	_ =	shalt  }
0x52: {  	_ =	shalt  }
0x53: {  	_ =	shalt  }
0x54: {  	_ =	shalt  }
0x55: {  	_ =	shalt  }
0x56: {  	_ =	shalt  }
0x57: {  	_ =	shalt  }
0x58: {  	_ =	shalt  }
0x59: {  	_ =	shalt  }
0x5a: {  	_ =	shalt  }
0x5b: {  	_ =	shalt  }
0x5c: {  	_ =	shalt  }
0x5d: {  	_ =	shalt  }
0x5e: {  	_ =	shalt  }
0x5f: {  	_ =	shalt  }
0x60: {  	_ =	shalt  }
0x61: {  	_ =	shalt  }
0x62: {  	_ =	shalt  }
0x63: {  	_ =	shalt  }
0x64: {  	_ =	shalt  }
0x65: {  	_ =	shalt  }
0x66: {  	_ =	shalt  }
0x67: {  	_ =	shalt  }
0x68: {  	_ =	shalt  }
0x69: {  	_ =	shalt  }
0x6a: {  	_ =	shalt  }
0x6b: {  	_ =	shalt  }
0x6c: {  	_ =	shalt  }
0x6d: {  	_ =	shalt  }
0x6e: {  	_ =	shalt  }
0x6f: {  	_ =	shalt  }
0x70: {  	_ =	shalt  }
0x71: {  	_ =	shalt  }
0x72: {  	_ =	shalt  }
0x73: {  	_ =	shalt  }
0x74: {  	_ =	shalt  }
0x75: {  	_ =	shalt  }
0x76: {  	_ =	shalt  }
0x77: {  	_ =	shalt  }
0x78: {  	_ =	shalt  }
0x79: {  	_ =	shalt  }
0x7a: {  	_ =	shalt  }
0x7b: {  	_ =	shalt  }
0x7c: {  	_ =	shalt  }
0x7d: {  	_ =	shalt  }
0x7e: {  	_ =	shalt  }
0x7f: {  	_ =	shalt  }
0x80: {  	_ =	shalt  }
0x81: {  	_ =	shalt  }
0x82: {  	_ =	shalt  }
0x83: {  	_ =	shalt  }
0x84: {  	_ =	shalt  }
0x85: {  	_ =	shalt  }
0x86: {  	_ =	shalt  }
0x87: {  	_ =	shalt  }
.Lfunc_end0:
.L_simem_size_0:
called_computation_lowered:
.L_overlay_start_0:
0x88: {  	s2 =	sld [smem:$0x3FD9]  }
0x89: {  	s3 =	sld [smem:$0x3FFE];
	_ =	sdelay $0x1  }
0x8a: {  	s1 =	srdreg.scid  }
0x8b: {  	s0 =	sand.u32 $0x1, s1  }
0x8c: {  	s17 =	sshll.u32 s0, $0xA;
	s2 =	sadd.s32 s3, s2  }
0x8d: {  	s2 =	sadd.s32 s2, s17  }
0x8e: {  	[smem:$0x3FBE] =	sst s2  }
0x8f: {  	_ = 	snop  }
0x90: {  	s2 =	sld [smem:$0x3FC9];
	(tm) =	ssettm $0x1  }
0x91: {  	s18 =	sld [smem:$0x3FFB];
	_ =	sdelay $0x3  }
0x92: {  	_ =	strace s18  }
0x93: {  	s3 =	sld [smem:$0x3FFC];
	_ =	sdelay $0x3  }
0x94: {  	_ =	strace s3  }
0x95: {  	s3 =	sld [smem:$0x3FFD];
	_ =	sdelay $0x3  }
0x96: {  	_ =	strace s3  }
0x97: {  	_ =	strace $0x8FFFFFFF  }
0x98: {  	s19 =	sld [smem:$0x3FDB];
	_ =	sdelay $0x1  }
0x99: {  	s4 =	simm.s32 $_scs_section_size  }
0x9a: {  	s5 =	simm.s32 $_size__tile_overlayer_lowered;
	s6 =	simm.s32 $_tile_overlayer_lowered  }
0x9b: {  	s22 =	simm.s32 $0x1BFF;
	s21 =	sshll.u32 s6, $0x1;
	s3 =	sadd.s32 s4, s19  }
0x9c: {  	s7 =	simm.s32 $0x0;
	s20 =	sshll.u32 s5, $0x1;
	s5 =	sadd.s32 s21, s3  }
0x9d: {  	[timem:s7], [sflag:s22] =	dma.local [hbm:s5], s20  }
0x9e: {  	_ =	swait.ge [sflag:s22], s20  }
0x9f: {  	s4 =	ssub.s32 $0x0, s20;
	[sflag:s22] =	ssyncset.done $0x0  }
0xa0: {  	[sflag:s22] =	ssyncadd.s32 s4;
	_ =	sdelay $0x1  }
0xa1: {  	s23 =	simm.s32 $0x1B8B  }
0xa2: {  	_ =	swait.ge [sflag:s23], $0x1  }
0xa3: {  	[sflag:s23] =	ssyncset.done $0x0  }
0xa4: {  	s25 =	simm.s32 $0x1B8E;
	s24 =	sld [smem:$0x3FFE];
	[sflag:s23] =	ssyncadd.s32 $0xFFFFFFFF  }
0xa5: {  	s26 =	simm.s32 $execute0_lowered;
	[smem:$0x3FD2] =	sst s25  }
0xa6: {  	s5 =	sshll.u32 s26, $0x1;
	_ =	strace $0x80000046;
	[dreg:$0x1] =	wrdreg $0xFFFFFFFF  }
0xa7: {  	s28 =	simm.s32 $_size_execute0_lowered;
	s3 =	sadd.s32 s3, s5;
	[dreg:$0x0] =	wrdreg $0x0  }
0xa8: {  	s5 =	sshll.u32 s28, $0x1;
	[dreg:$0x2] =	wrdreg s3  }
0xa9: {  	[dreg:$0x3] =	wrdreg s5  }
0xaa: {  	[dreg:$0x4] =	wrdreg $0xC0  }
0xab: {  	_ =	task [dreg:s7], $0x5FFFF  }
0xac: {  	[dreg:$0x1] =	wrdreg $0xFFFFFFFF  }
0xad: {  	[dreg:$0x0] =	wrdreg $0x60  }
0xae: {  	[dreg:$0x2] =	wrdreg s2  }
0xaf: {  	[dreg:$0x3] =	wrdreg s24  }
0xb0: {  	[dreg:$0x4] =	wrdreg $0x9  }
0xb1: {  	_ =	task.clear_ibuf [dreg:s7], $0x5FFFF;
	_ =	strace $0x90000046  }
0xb2: {  	s29 =	simm.s32 $0x9;
	_ =	strace $0x80000048  }
0xb3: {  	_ =	swait.ge [sflag:s29], $0x1  }
0xb4: {  	[sflag:s29] =	ssyncadd.s32 $0xFFFFFFFF  }
0xb5: {  	_ =	strace $0x90000048  }
0xb6: {  	_ =	sfence  }
0xb7: {  	s30 =	sld [smem:$0x0];
	_ =	sdelay $0x2  }
0xb8: {  	s31 =	sshll.u32 s1, $0xD;
	s1 =	sshrl.u32 s1, $0x2  }
0xb9: {  	s3 =	sand.u32 $0x4000, s31;
	s1 =	sadd.s32 s1, s30  }
0xba: {  	s0 =	sor.u32 s3, s0;
	s1 =	sshll.u32 s1, $0x11  }
0xbb: {  	s0 =	sor.u32 s1, s0  }
0xbc: {  	s0 =	sadd.s32 $0x8F2B, s0  }
0xbd: {  	[sflag:s0] =	ssyncadd.remote.s32 $0x1  }
0xbe: {  	_ =	sfence.sel $0xFFFF  }
0xbf: {  	[dreg:$0x0] =	wrdreg $0xFFFFFFFF;
	(pc) =	sbr.abs _section_cstart, $3  }
0xc0: {  	[dreg:$0x1] =	wrdreg $0xFFFFFFFF  }
0xc1: {  	_ =	task.clear_ibuf [dreg:s7], $0x2FFFF;
	_ =	strace $0x9FFFFFFF  }
0xc2: {  	(tm) =	ssettm $0x7FFFFFFF  }
0xc3: {  	_ =	shalt  }
tec
execute0_lowered:
.L_overlay_start_1:
0x0: {  	(tag) =	ssettag $0x1  }
0x1: {  	s1 =	srdreg.scid;
	s2 =	rddreg [dreg:$0x0]  }
0x2: {  	s0 =	stileid.u32;
	s5 =	rddreg [dreg:$0x1]  }
0x3: {  	s3 =	simm.s32 $0x0;
	s10 =	simm.s32 $0x1;
	s11 =	simm.s32 $0x7780  }
0x4: {  	s12 =	simm.s32 $0x2;
	s13 =	simm.s32 $0x9F80;
	s14 =	simm.s32 $0x3  }
0x5: {  	s15 =	simm.s32 $0xC780;
	s16 =	simm.s32 $0x4;
	s17 =	simm.s32 $0x6  }
0x6: {  	s18 =	simm.s32 $0x5;
	s19 =	simm.s32 $0x7;
	s20 =	simm.s32 $0x8  }
0x7: {  	s21 =	simm.s32 $0x9;
	s22 =	simm.s32 $0xA;
	s23 =	simm.s32 $0x0  }
0x8: {  	s4 =	sand.u32 $0x1, s1;
	s30 =	sshll.u32 s0, $0x1;
	s7 =	smul.u32 $0x4E200, s0  }
0x9: {  	[smem:$0x7FF] =	sst s3;
	s1 =	sor.u32 s4, s30;
	s8 =	smul.u32 $0x27100, s4  }
0xa: {  	s4 =	ssub.s32 $0x2, s4;
	s6 =	smul.u32 $0x2710, s1;
	s1 =	rddreg [dreg:$0x2]  }
0xb: {  	_ =	strace $0x80000047;
	s7 =	sadd.s32 s7, s5;
	s9 =	sshrl.u32 s4, $0x1  }
0xc: {  	s7 =	sadd.s32 s8, s7;
	s31 =	ssub.s32 s4, s9;
	s8 =	simm.s32 $0x2780  }
0xd: {  	s9 =	simm.s32 $0x4F80;
	s6 =	sshrl.u32 s6, $0x3;
	s7 =	sadd.s32 $0xCE00, s7  }
0xe: {  	s5 =	sadd.s32 s6, s5;
	[dreg:$0x3] =	wrdreg s7;
	s6 =	simm.s32 $0xB  }
0xf: {  	s7 =	simm.s32 $0x50;
	s4 =	sadd.s32 $0x3000, s5;
	s5 =	smax.u32 s31, $0x1  }
.LBB2_1:
0x10: {  	[tilespmem:s3], [sflag:$0xB] =	stream.linear.gather [hbm4b:s4+s3], $0x2710, $0x38;
	[tilespmem:$0xEF80] =	vst v63  }
0x11: {  	_ =	swait.ge [sflag:s6], $0x2710  }
0x12: {  	p0 =	por $0x1, $0x1;
	[sflag:s6] =	ssyncset.done $0x0  }
0x13: {  	s24 =	simm.s32 @!p0 $0x7;
	[sflag:s6] =	ssyncadd.s32 $0xFFFFD8F0  }
0x14: {  	[tilespmem:s8], [sflag:$0x1] =	stream.indirect.gather [hbm4b:s2+s7], $0x80, s3, s7, $0xb8;
	[tilespmem:$0xEF80] =	vst v63  }
0x15: {  	_ =	swait.ge @!p0 [sflag:s24], $0x2800  }
0x16: {  	[sflag:s24] =	ssyncset.done @!p0 $0x0  }
0x17: {  	s26 =	simm.s32 $0x50;
	[sflag:s24] =	ssyncadd.s32 @!p0 $0xFFFFD800  }
0x18: {  	[tilespmem:s9], [sflag:$0x2] =	stream.indirect.gather [hbm4b:s2+s7], $0x80, s26, s7, $0xb8;
	[tilespmem:$0xEF80] =	vst v63  }
0x19: {  	_ =	swait.ge [sflag:s10], $0x2800  }
0x1a: {  	s28 =	rddreg [dreg:$0x3];
	[sflag:s10] =	ssyncset.done $0x0  }
0x1b: {  	s24 =	simm.s32 @!p0 $0x8;
	[sflag:s10] =	ssyncadd.s32 $0xFFFFD800;
	s28 =	sadd.s32 $0x0, s28  }
0x1c: {  	[hbm4b:s28+s3] =	stream.linear.scatter [tilespmem:s8], [sflag:$0x6], $0x2800, $0x38;
	[tilespmem:$0xEF80] =	vst v63  }
0x1d: {  	_ =	swait.ge @!p0 [sflag:s24], $0x2800  }
0x1e: {  	[sflag:s24] =	ssyncset.done @!p0 $0x0  }
0x1f: {  	s30 =	simm.s32 $0xA0;
	[sflag:s24] =	ssyncadd.s32 @!p0 $0xFFFFD800  }
0x20: {  	[tilespmem:s11], [sflag:$0x3] =	stream.indirect.gather [hbm4b:s2+s7], $0x80, s30, s7, $0xb8;
	[tilespmem:$0xEF80] =	vst v63  }
0x21: {  	_ =	swait.ge [sflag:s12], $0x2800  }
0x22: {  	[sflag:s12] =	ssyncset.done $0x0  }
0x23: {  	s25 =	simm.s32 @!p0 $0x9;
	s31 =	sadd.s32 $0x500, s28;
	[sflag:s12] =	ssyncadd.s32 $0xFFFFD800  }
0x24: {  	[hbm4b:s31+s3] =	stream.linear.scatter [tilespmem:s9], [sflag:$0x7], $0x2800, $0x38;
	[tilespmem:$0xEF80] =	vst v63  }
0x25: {  	_ =	swait.ge @!p0 [sflag:s25], $0x2800  }
0x26: {  	[sflag:s25] =	ssyncset.done @!p0 $0x0  }
0x27: {  	[sflag:s25] =	ssyncadd.s32 @!p0 $0xFFFFD800;
	s25 =	simm.s32 $0xF0  }
0x28: {  	[tilespmem:s13], [sflag:$0x4] =	stream.indirect.gather [hbm4b:s2+s7], $0x80, s25, s7, $0xb8;
	[tilespmem:$0xEF80] =	vst v63  }
0x29: {  	_ =	swait.ge [sflag:s14], $0x2800  }
0x2a: {  	[sflag:s14] =	ssyncset.done $0x0  }
0x2b: {  	s26 =	sadd.s32 $0xA00, s28;
	s25 =	simm.s32 @!p0 $0xA;
	[sflag:s14] =	ssyncadd.s32 $0xFFFFD800  }
0x2c: {  	[hbm4b:s26+s3] =	stream.linear.scatter [tilespmem:s11], [sflag:$0x8], $0x2800, $0x38;
	[tilespmem:$0xEF80] =	vst v63  }
0x2d: {  	_ =	swait.ge @!p0 [sflag:s25], $0x2800  }
0x2e: {  	[sflag:s25] =	ssyncset.done @!p0 $0x0  }
0x2f: {  	s30 =	simm.s32 $0x140;
	[sflag:s25] =	ssyncadd.s32 @!p0 $0xFFFFD800  }
0x30: {  	[tilespmem:s15], [sflag:$0x5] =	stream.indirect.gather [hbm4b:s2+s7], $0x80, s30, s7, $0xb8;
	[tilespmem:$0xEF80] =	vst v63  }
0x31: {  	_ =	swait.ge [sflag:s16], $0x2800  }
0x32: {  	[sflag:s16] =	ssyncset.done $0x0  }
0x33: {  	s31 =	sadd.s32 $0xF00, s28;
	[sflag:s16] =	ssyncadd.s32 $0xFFFFD800  }
0x34: {  	[hbm4b:s31+s3] =	stream.linear.scatter [tilespmem:s13], [sflag:$0x9], $0x2800, $0x38;
	[tilespmem:$0xEF80] =	vst v63  }
0x35: {  	s24 =	simm.s32 $0x190;
	_ =	swait.ge [sflag:s17], $0x2800  }
0x36: {  	s25 =	simm.s32 $0x1900;
	p0 =	por $0x0, $0x0;
	[sflag:s17] =	ssyncset.done $0x0  }
0x37: {  	s26 =	simm.s32 @!p0 $0x50;
	s29 =	simm.s32 @!p0 $0x2780;
	[sflag:s17] =	ssyncadd.s32 $0xFFFFD800  }
0x38: {  	[tilespmem:s29], [sflag:$0x1] =	stream.indirect.gather @!p0 [hbm4b:s2+s26], $0x80, s24, s26, $0xb8;
	[tilespmem:$0xEF80] =	vst v63  }
0x39: {  	s26 =	simm.s32 $0x3200;
	s24 =	simm.s32 $0x320;
	_ =	swait.ge [sflag:s18], $0x2800  }
0x3a: {  	p0 =	por $0x0, $0x0;
	s29 =	sadd.s32 $0x1400, s28;
	[sflag:s18] =	ssyncset.done $0x0  }
.LBB2_2:
0x3b: {  	s30 =	simm.s32 @!p0 $0x7;
	[sflag:s18] =	ssyncadd.s32 $0xFFFFD800  }
0x3c: {  	[hbm4b:s29+s3] =	stream.linear.scatter [tilespmem:s15], [sflag:$0xA], $0x2800, $0x38;
	[tilespmem:$0xEF80] =	vst v63  }
0x3d: {  	_ =	swait.ge @!p0 [sflag:s30], $0x2800  }
0x3e: {  	[sflag:s30] =	ssyncset.done @!p0 $0x0  }
0x3f: {  	s29 =	sadd.s32 $0xFFFFFEC0, s24;
	[sflag:s30] =	ssyncadd.s32 @!p0 $0xFFFFD800  }
0x40: {  	[tilespmem:s9], [sflag:$0x2] =	stream.indirect.gather [hbm4b:s2+s7], $0x80, s29, s7, $0xb8;
	[tilespmem:$0xEF80] =	vst v63  }
0x41: {  	_ =	swait.ge [sflag:s10], $0x2800  }
0x42: {  	s29 =	rddreg [dreg:$0x3];
	[sflag:s10] =	ssyncset.done $0x0  }
0x43: {  	s30 =	simm.s32 @!p0 $0x8;
	[sflag:s10] =	ssyncadd.s32 $0xFFFFD800;
	s29 =	sadd.s32 s25, s29  }
0x44: {  	[hbm4b:s29+s3] =	stream.linear.scatter [tilespmem:s8], [sflag:$0x6], $0x2800, $0x38;
	[tilespmem:$0xEF80] =	vst v63  }
0x45: {  	_ =	swait.ge @!p0 [sflag:s30], $0x2800  }
0x46: {  	[sflag:s30] =	ssyncset.done @!p0 $0x0  }
0x47: {  	s31 =	sadd.s32 $0xFFFFFF10, s24;
	[sflag:s30] =	ssyncadd.s32 @!p0 $0xFFFFD800  }
0x48: {  	[tilespmem:s11], [sflag:$0x3] =	stream.indirect.gather [hbm4b:s2+s7], $0x80, s31, s7, $0xb8;
	[tilespmem:$0xEF80] =	vst v63  }
0x49: {  	_ =	swait.ge [sflag:s12], $0x2800  }
0x4a: {  	[sflag:s12] =	ssyncset.done $0x0  }
0x4b: {  	s30 =	sadd.s32 $0x500, s29;
	s31 =	simm.s32 @!p0 $0x9;
	[sflag:s12] =	ssyncadd.s32 $0xFFFFD800  }
0x4c: {  	[hbm4b:s30+s3] =	stream.linear.scatter [tilespmem:s9], [sflag:$0x7], $0x2800, $0x38;
	[tilespmem:$0xEF80] =	vst v63  }
0x4d: {  	_ =	swait.ge @!p0 [sflag:s31], $0x2800  }
0x4e: {  	[sflag:s31] =	ssyncset.done @!p0 $0x0  }
0x4f: {  	[sflag:s31] =	ssyncadd.s32 @!p0 $0xFFFFD800;
	s31 =	sadd.s32 $0xFFFFFF60, s24  }
0x50: {  	[tilespmem:s13], [sflag:$0x4] =	stream.indirect.gather [hbm4b:s2+s7], $0x80, s31, s7, $0xb8;
	[tilespmem:$0xEF80] =	vst v63  }
0x51: {  	_ =	swait.ge [sflag:s14], $0x2800  }
0x52: {  	[sflag:s14] =	ssyncset.done $0x0  }
0x53: {  	s30 =	sadd.s32 $0xA00, s29;
	s31 =	simm.s32 @!p0 $0xA;
	[sflag:s14] =	ssyncadd.s32 $0xFFFFD800  }
0x54: {  	[hbm4b:s30+s3] =	stream.linear.scatter [tilespmem:s11], [sflag:$0x8], $0x2800, $0x38;
	[tilespmem:$0xEF80] =	vst v63  }
0x55: {  	_ =	swait.ge @!p0 [sflag:s31], $0x2800  }
0x56: {  	[sflag:s31] =	ssyncset.done @!p0 $0x0  }
0x57: {  	[sflag:s31] =	ssyncadd.s32 @!p0 $0xFFFFD800;
	s31 =	sadd.s32 $0xFFFFFFB0, s24  }
0x58: {  	[tilespmem:s15], [sflag:$0x5] =	stream.indirect.gather [hbm4b:s2+s7], $0x80, s31, s7, $0xb8;
	[tilespmem:$0xEF80] =	vst v63  }
0x59: {  	_ =	swait.ge [sflag:s16], $0x2800  }
0x5a: {  	s28 =	smov.u32 s26;
	[sflag:s16] =	ssyncset.done $0x0  }
0x5b: {  	s26 =	sadd.s32 $0x1900, s26;
	s31 =	sadd.s32 $0xF00, s29;
	[sflag:s16] =	ssyncadd.s32 $0xFFFFD800  }
0x5c: {  	[hbm4b:s31+s3] =	stream.linear.scatter [tilespmem:s13], [sflag:$0x9], $0x2800, $0x38;
	[tilespmem:$0xEF80] =	vst v63  }
0x5d: {  	p1 =	sne.s32 s26, $0x27100;
	_ =	swait.ge [sflag:s17], $0x2800  }
.Ltmp0:
0x5e: {  	p0 =	seq.s32 s25, $0x25800;
	[sflag:s17] =	ssyncset.done $0x0;
	(pc) =	sbr.rel @p1 .LBB2_2-.Ltmp0, $4  }
0x5f: {  	s25 =	simm.s32 @!p0 $0x50;
	s30 =	simm.s32 @!p0 $0x2780;
	[sflag:s17] =	ssyncadd.s32 $0xFFFFD800  }
0x60: {  	[tilespmem:s30], [sflag:$0x1] =	stream.indirect.gather @!p0 [hbm4b:s2+s25], $0x80, s24, s25, $0xb8;
	[tilespmem:$0xEF80] =	vst v63  }
0x61: {  	s29 =	sadd.s32 $0x1400, s29;
	s25 =	smov.u32 s28;
	_ =	swait.ge [sflag:s18], $0x2800  }
0x62: {  	s24 =	sadd.s32 $0x190, s24;
	p0 =	seq.s32 s25, $0x0;
	[sflag:s18] =	ssyncset.done $0x0  }
0x63: {  	s26 =	simm.s32 @!p0 $0x7;
	[sflag:s18] =	ssyncadd.s32 $0xFFFFD800  }
0x64: {  	[hbm4b:s29+s3] =	stream.linear.scatter [tilespmem:s15], [sflag:$0xA], $0x2800, $0x38;
	[tilespmem:$0xEF80] =	vst v63  }
0x65: {  	_ =	swait.ge @!p0 [sflag:s26], $0x2800  }
0x66: {  	[sflag:s26] =	ssyncset.done @!p0 $0x0  }
0x67: {  	s28 =	sadd.s32 $0xFFFFFEC0, s24;
	[sflag:s26] =	ssyncadd.s32 @!p0 $0xFFFFD800  }
0x68: {  	[tilespmem:s9], [sflag:$0x2] =	stream.indirect.gather [hbm4b:s2+s7], $0x80, s28, s7, $0xb8;
	[tilespmem:$0xEF80] =	vst v63  }
0x69: {  	_ =	swait.ge [sflag:s10], $0x2800  }
0x6a: {  	s29 =	rddreg [dreg:$0x3];
	[sflag:s10] =	ssyncset.done $0x0  }
0x6b: {  	s28 =	simm.s32 @!p0 $0x8;
	[sflag:s10] =	ssyncadd.s32 $0xFFFFD800;
	s26 =	sadd.s32 s25, s29  }
0x6c: {  	[hbm4b:s26+s3] =	stream.linear.scatter [tilespmem:s8], [sflag:$0x6], $0x2800, $0x38;
	[tilespmem:$0xEF80] =	vst v63  }
0x6d: {  	_ =	swait.ge @!p0 [sflag:s28], $0x2800  }
0x6e: {  	[sflag:s28] =	ssyncset.done @!p0 $0x0  }
0x6f: {  	s30 =	sadd.s32 $0xFFFFFF10, s24;
	[sflag:s28] =	ssyncadd.s32 @!p0 $0xFFFFD800  }
0x70: {  	[tilespmem:s11], [sflag:$0x3] =	stream.indirect.gather [hbm4b:s2+s7], $0x80, s30, s7, $0xb8;
	[tilespmem:$0xEF80] =	vst v63  }
0x71: {  	_ =	swait.ge [sflag:s12], $0x2800  }
0x72: {  	[sflag:s12] =	ssyncset.done $0x0  }
0x73: {  	s29 =	simm.s32 @!p0 $0x9;
	s31 =	sadd.s32 $0x500, s26;
	[sflag:s12] =	ssyncadd.s32 $0xFFFFD800  }
0x74: {  	[hbm4b:s31+s3] =	stream.linear.scatter [tilespmem:s9], [sflag:$0x7], $0x2800, $0x38;
	[tilespmem:$0xEF80] =	vst v63  }
0x75: {  	_ =	swait.ge @!p0 [sflag:s29], $0x2800  }
0x76: {  	[sflag:s29] =	ssyncset.done @!p0 $0x0  }
0x77: {  	s30 =	sadd.s32 $0xFFFFFF60, s24;
	[sflag:s29] =	ssyncadd.s32 @!p0 $0xFFFFD800  }
0x78: {  	[tilespmem:s13], [sflag:$0x4] =	stream.indirect.gather [hbm4b:s2+s7], $0x80, s30, s7, $0xb8;
	[tilespmem:$0xEF80] =	vst v63  }
0x79: {  	_ =	swait.ge [sflag:s14], $0x2800  }
0x7a: {  	[sflag:s14] =	ssyncset.done $0x0  }
0x7b: {  	s31 =	sadd.s32 $0xA00, s26;
	s29 =	simm.s32 @!p0 $0xA;
	[sflag:s14] =	ssyncadd.s32 $0xFFFFD800  }
0x7c: {  	[hbm4b:s31+s3] =	stream.linear.scatter [tilespmem:s11], [sflag:$0x8], $0x2800, $0x38;
	[tilespmem:$0xEF80] =	vst v63  }
0x7d: {  	_ =	swait.ge @!p0 [sflag:s29], $0x2800  }
0x7e: {  	[sflag:s29] =	ssyncset.done @!p0 $0x0  }
0x7f: {  	[sflag:s29] =	ssyncadd.s32 @!p0 $0xFFFFD800;
	s29 =	sadd.s32 $0xFFFFFFB0, s24  }
0x80: {  	[tilespmem:s15], [sflag:$0x5] =	stream.indirect.gather [hbm4b:s2+s7], $0x80, s29, s7, $0xb8;
	[tilespmem:$0xEF80] =	vst v63  }
0x81: {  	_ =	swait.ge [sflag:s16], $0x2800  }
0x82: {  	[sflag:s16] =	ssyncset.done $0x0  }
0x83: {  	s30 =	sadd.s32 $0xF00, s26;
	[sflag:s16] =	ssyncadd.s32 $0xFFFFD800  }
0x84: {  	[hbm4b:s30+s3] =	stream.linear.scatter [tilespmem:s13], [sflag:$0x9], $0x2800, $0x38;
	[tilespmem:$0xEF80] =	vst v63  }
0x85: {  	_ =	swait.ge [sflag:s17], $0x2800  }
0x86: {  	p0 =	seq.s32 s25, $0x25800;
	[sflag:s17] =	ssyncset.done $0x0  }
0x87: {  	s25 =	simm.s32 @!p0 $0x50;
	s28 =	simm.s32 @!p0 $0x2780;
	[sflag:s17] =	ssyncadd.s32 $0xFFFFD800  }
0x88: {  	[tilespmem:s28], [sflag:$0x1] =	stream.indirect.gather @!p0 [hbm4b:s2+s25], $0x80, s24, s25, $0xb8;
	[tilespmem:$0xEF80] =	vst v63  }
0x89: {  	_ =	swait.ge [sflag:s18], $0x2800  }
0x8a: {  	[sflag:s18] =	ssyncset.done $0x0  }
0x8b: {  	s31 =	sadd.s32 $0x1400, s26;
	[sflag:s18] =	ssyncadd.s32 $0xFFFFD800  }
0x8c: {  	[hbm4b:s31+s3] =	stream.linear.scatter [tilespmem:s15], [sflag:$0xA], $0x2800, $0x38;
	[tilespmem:$0xEF80] =	vst v63  }
0x8d: {  	_ =	swait.ge [sflag:s19], $0x2800  }
0x8e: {  	[sflag:s19] =	ssyncset.done $0x0  }
0x8f: {  	[sflag:s19] =	ssyncadd.s32 $0xFFFFD800  }
0x90: {  	_ =	swait.ge [sflag:s20], $0x2800  }
0x91: {  	[sflag:s20] =	ssyncset.done $0x0  }
0x92: {  	s23 =	sadd.s32 $0x1, s23;
	[sflag:s20] =	ssyncadd.s32 $0xFFFFD800  }
0x93: {  	p0 =	sne.s32 s23, s5;
	_ =	swait.ge [sflag:s21], $0x2800  }
.Ltmp1:
0x94: {  	[sflag:s21] =	ssyncset.done $0x0;
	(pc) =	sbr.rel @p0 .LBB2_1-.Ltmp1, $4  }
0x95: {  	[sflag:s21] =	ssyncadd.s32 $0xFFFFD800  }
0x96: {  	_ =	swait.ge [sflag:s22], $0x2800  }
0x97: {  	[sflag:s22] =	ssyncset.done $0x0  }
0x98: {  	[sflag:s22] =	ssyncadd.s32 $0xFFFFD800  }
0x99: {  	_ =	sfence.sel $0x180000  }
0x9a: {  	[bflag:$0x0] =	sbarrier.arrive $0xFFFF  }
0x9b: {  	p0 =	sne.s32 s0, $0x0;
	_ =	strace $0x90000047  }
0x9c: {  	s0 =	sadd.s32 @!p0 $0x100000, s1;
	[bflag:$0x2] =	sbarrier.arrive $0xFFFF  }
0x9d: {  	[sflag:s0] =	ssyncadd.tile.s32 @!p0 $0x1;
	_ =	shalt  }
.Lfunc_end2:
_tile_overlayer_lowered:
.L_overlay_start_2:
0x9e: {  	(tag) =	ssettag $0x2  }
0x9f: {  	s0 =	rddreg [dreg:$0x0];
	s2 =	stileid.u32  }
0xa0: {  	s1 =	rddreg [dreg:$0x1];
	p0 =	sne.s32 s2, $0x0  }
0xa1: {  	s3 =	rddreg [dreg:$0x2];
	[bflag:$0x3] =	sbarrier.arrive $0xFFFF;
	s2 =	simm.s32 @!p0 $0x1C0B  }
0xa2: {  	[timem:s3], [sflag:s2] =	dma.local @!p0 [hbm:s0], s1  }
0xa3: {  	s0 =	simm.s32 @!p0 $0xB  }
0xa4: {  	_ =	swait.ge @!p0 [sflag:s0], s1  }
0xa5: {  	s1 =	ssub.s32 @!p0 $0x0, s1;
	[sflag:s0] =	ssyncset.done @!p0 $0x0  }
0xa6: {  	[sflag:s0] =	ssyncadd.s32 @!p0 s1  }
0xa7: {  	[bflag:$0x3] =	sbarrier.arrive $0xFFFF  }
0xa8: {  	_ =	shalt  }

// kernel: kernel.17.cloned.1.call-start
scs
__scs_entry_jumppad:
0x0: {  	(pc) =	sbr.rel $0x88, $3  }
0x1: {  	(tag) =	ssettag $0x0;
	lr =	simm.s32 $0x1  }
0x2: {  	[smem:$0x3F97] =	sst lr;
	_ =	strace $0xD0000000  }
0x3: {  	_ = 	snop  }
0x4: {  	_ = 	snop  }
0x5: {  	_ = 	snop  }
0x6: {  	_ = 	snop  }
0x7: {  	_ = 	snop  }
__scs_overlays_trampoline_lowered:
0x8: {  	[smem:$0x3FA6] =	sst s0  }
0x9: {  	[smem:$0x3FA7] =	sst s1  }
0xa: {  	[smem:$0x3FA8] =	sst s2  }
0xb: {  	[smem:$0x3FA9] =	sst s3  }
0xc: {  	[smem:$0x3FAA] =	sst s4  }
0xd: {  	[smem:$0x3FAB] =	sst s5  }
0xe: {  	[smem:$0x3FAC] =	sst s6  }
0xf: {  	[smem:$0x3FAD] =	sst s7  }
0x10: {  	[smem:$0x3FAE] =	sst s8  }
0x11: {  	[smem:$0x3FAF] =	sst s9;
	s0 =	simm.s32 @!p0 $0x0  }
0x12: {  	s1 =	sld [smem:$0x3F95];
	s0 =	simm.s32 @p0 $0x1  }
0x13: {  	[smem:$0x3FB0] =	sst s0;
	s0 =	simm.s32 @!p1 $0x0  }
0x14: {  	s2 =	sld [smem:$0x3F94];
	s0 =	simm.s32 @p1 $0x1  }
0x15: {  	[smem:$0x3FB1] =	sst s0;
	s0 =	simm.s32 @!p2 $0x0  }
0x16: {  	s3 =	sld [smem:$0x3FDB];
	s0 =	simm.s32 @p2 $0x1  }
0x17: {  	s4 =	simm.s32 $0x1BF5;
	[smem:$0x3FB3] =	sst s0  }
0x18: {  	s0 =	sld [smem:$0x3F96];
	_ =	swait.ge [sflag:s4], $0x0  }
0x19: {  	s7 =	sld [smem:$0x3F97]  }
0x1a: {  	s8 =	sadd.s32 $0xFFFFE003, lr  }
0x1b: {  	s9 =	sadd.s32 $0xFFFFFEF7, lr;
	s5 =	simm.s32 $0xFFFFFFFF;
	p2 =	slt.u32 s8, $0xFFFFF086  }
0x1c: {  	p1 =	slt.u32 s9, $0xF7A;
	s5 =	simm.s32 @!p2 $0x0  }
0x1d: {  	s5 =	simm.s32 @p1 $0x1;
	p0 =	seq.s32 s7, s2  }
0x1e: {  	s7 =	smul.u32 @!p0 $0xF7A, s2;
	p2 =	seq.s32 @!p0 s5, $0x0  }
0x1f: {  	s9 =	smul.u32 $0xF7A, s1;
	s8 =	simm.s32 @!p0 $0x1BF5;
	p2 =	por !p2, p0  }
0x20: {  	[sflag:s8] =	ssyncset.s32 @!p0 $0xFFFFF086;
	s6 =	sadd.s32 @!p0 s3, s7;
	s7 =	simm.s32 @!p0 $0x108  }
0x21: {  	s3 =	sadd.s32 s3, s9;
	s6 =	sadd.s32 @!p0 $0x88, s6;
	s7 =	simm.s32 @p2 $0x1082  }
0x22: {  	[simem:s7], [sflag:s8] =	dma.local @!p0 [hbm:s6], $0xF7A  }
0x23: {  	s9 =	sor.u32 $0xD0000000, s2;
	s6 =	simm.s32 $0x108;
	_ =	swait.ge @!p0 [sflag:s8], $0x0  }
0x24: {  	s3 =	sadd.s32 $0x88, s3;
	s6 =	simm.s32 @!p1 $0x1082;
	[sflag:s4] =	ssyncset.s32 $0xFFFFF086  }
0x25: {  	[simem:s6], [sflag:s4] =	dma.local [hbm:s3], $0xF7A  }
0x26: {  	[smem:$0x3F97] =	sst s1;
	(tag) =	ssettag s2;
	_ =	strace s9  }
0x27: {  	s1 =	sld [smem:$0x3FA7]  }
0x28: {  	s2 =	sld [smem:$0x3FA8]  }
0x29: {  	s4 =	sld [smem:$0x3FAA]  }
0x2a: {  	p0 =	seq.s32 s5, $0x0;
	s5 =	sld [smem:$0x3FAB]  }
0x2b: {  	s6 =	sld [smem:$0x3FAC]  }
0x2c: {  	s7 =	sld [smem:$0x3FAD]  }
0x2d: {  	s3 =	simm.s32 $0x108;
	s8 =	sld [smem:$0x3FAE]  }
0x2e: {  	s3 =	simm.s32 @!p0 $0x1082;
	s9 =	sld [smem:$0x3FAF]  }
0x2f: {  	lr =	sadd.s32 s0, s3;
	s0 =	sld [smem:$0x3FA6]  }
0x30: {  	s3 =	sld [smem:$0x3FA9]  }
0x31: {  	[smem:$0x3FB2] =	sst s10  }
0x32: {  	s10 =	sld [smem:$0x3FB0];
	_ =	sdelay $0x3  }
0x33: {  	p0 =	seq.s32 s10, $0x1;
	s10 =	sld [smem:$0x3FB2];
	_ =	sdelay $0x3  }
0x34: {  	[smem:$0x3FB2] =	sst s10  }
0x35: {  	s10 =	sld [smem:$0x3FB1];
	_ =	sdelay $0x3  }
0x36: {  	p1 =	seq.s32 s10, $0x1;
	s10 =	sld [smem:$0x3FB2];
	_ =	sdelay $0x3  }
0x37: {  	[smem:$0x3FB2] =	sst s10  }
0x38: {  	s10 =	sld [smem:$0x3FB3]  }
0x39: {  	_ = 	snop;
	(pc) =	sbr.ind lr, $3  }
0x3a: {  	_ = 	snop  }
0x3b: {  	_ = 	snop  }
0x3c: {  	p2 =	seq.s32 s10, $0x1;
	s10 =	sld [smem:$0x3FB2]  }
0x3d: {  	_ =	shalt  }
0x3e: {  	_ =	shalt  }
0x3f: {  	_ =	shalt  }
0x40: {  	_ =	shalt  }
0x41: {  	_ =	shalt  }
0x42: {  	_ =	shalt  }
0x43: {  	_ =	shalt  }
0x44: {  	_ =	shalt  }
0x45: {  	_ =	shalt  }
0x46: {  	_ =	shalt  }
0x47: {  	_ =	shalt  }
0x48: {  	_ =	shalt  }
0x49: {  	_ =	shalt  }
0x4a: {  	_ =	shalt  }
0x4b: {  	_ =	shalt  }
0x4c: {  	_ =	shalt  }
0x4d: {  	_ =	shalt  }
0x4e: {  	_ =	shalt  }
0x4f: {  	_ =	shalt  }
0x50: {  	_ =	shalt  }
0x51: {  	_ =	shalt  }
0x52: {  	_ =	shalt  }
0x53: {  	_ =	shalt  }
0x54: {  	_ =	shalt  }
0x55: {  	_ =	shalt  }
0x56: {  	_ =	shalt  }
0x57: {  	_ =	shalt  }
0x58: {  	_ =	shalt  }
0x59: {  	_ =	shalt  }
0x5a: {  	_ =	shalt  }
0x5b: {  	_ =	shalt  }
0x5c: {  	_ =	shalt  }
0x5d: {  	_ =	shalt  }
0x5e: {  	_ =	shalt  }
0x5f: {  	_ =	shalt  }
0x60: {  	_ =	shalt  }
0x61: {  	_ =	shalt  }
0x62: {  	_ =	shalt  }
0x63: {  	_ =	shalt  }
0x64: {  	_ =	shalt  }
0x65: {  	_ =	shalt  }
0x66: {  	_ =	shalt  }
0x67: {  	_ =	shalt  }
0x68: {  	_ =	shalt  }
0x69: {  	_ =	shalt  }
0x6a: {  	_ =	shalt  }
0x6b: {  	_ =	shalt  }
0x6c: {  	_ =	shalt  }
0x6d: {  	_ =	shalt  }
0x6e: {  	_ =	shalt  }
0x6f: {  	_ =	shalt  }
0x70: {  	_ =	shalt  }
0x71: {  	_ =	shalt  }
0x72: {  	_ =	shalt  }
0x73: {  	_ =	shalt  }
0x74: {  	_ =	shalt  }
0x75: {  	_ =	shalt  }
0x76: {  	_ =	shalt  }
0x77: {  	_ =	shalt  }
0x78: {  	_ =	shalt  }
0x79: {  	_ =	shalt  }
0x7a: {  	_ =	shalt  }
0x7b: {  	_ =	shalt  }
0x7c: {  	_ =	shalt  }
0x7d: {  	_ =	shalt  }
0x7e: {  	_ =	shalt  }
0x7f: {  	_ =	shalt  }
0x80: {  	_ =	shalt  }
0x81: {  	_ =	shalt  }
0x82: {  	_ =	shalt  }
0x83: {  	_ =	shalt  }
0x84: {  	_ =	shalt  }
0x85: {  	_ =	shalt  }
0x86: {  	_ =	shalt  }
0x87: {  	_ =	shalt  }
.Lfunc_end0:
.L_simem_size_0:
called_computation.1_lowered:
.L_overlay_start_0:
0x88: {  	s2 =	sld [smem:$0x3FD9]  }
0x89: {  	s3 =	sld [smem:$0x3FFE];
	_ =	sdelay $0x1  }
0x8a: {  	s1 =	srdreg.scid  }
0x8b: {  	s0 =	sand.u32 $0x1, s1  }
0x8c: {  	s17 =	sshll.u32 s0, $0xA;
	s2 =	sadd.s32 s3, s2  }
0x8d: {  	s2 =	sadd.s32 s2, s17  }
0x8e: {  	[smem:$0x3FBE] =	sst s2  }
0x8f: {  	_ = 	snop  }
0x90: {  	s2 =	sld [smem:$0x3FD0];
	(tm) =	ssettm $0x1  }
0x91: {  	s18 =	sld [smem:$0x3FFB];
	_ =	sdelay $0x3  }
0x92: {  	_ =	strace s18  }
0x93: {  	s3 =	sld [smem:$0x3FFC];
	_ =	sdelay $0x3  }
0x94: {  	_ =	strace s3  }
0x95: {  	s3 =	sld [smem:$0x3FFD];
	_ =	sdelay $0x3  }
0x96: {  	_ =	strace s3  }
0x97: {  	_ =	strace $0x8FFFFFFF  }
0x98: {  	s19 =	sld [smem:$0x3FDB];
	_ =	sdelay $0x1  }
0x99: {  	s4 =	simm.s32 $_scs_section_size  }
0x9a: {  	s5 =	simm.s32 $_size__tile_overlayer_lowered;
	s6 =	simm.s32 $_tile_overlayer_lowered  }
0x9b: {  	s22 =	simm.s32 $0x1BFF;
	s21 =	sshll.u32 s6, $0x1;
	s3 =	sadd.s32 s4, s19  }
0x9c: {  	s7 =	simm.s32 $0x0;
	s20 =	sshll.u32 s5, $0x1;
	s5 =	sadd.s32 s21, s3  }
0x9d: {  	[timem:s7], [sflag:s22] =	dma.local [hbm:s5], s20  }
0x9e: {  	_ =	swait.ge [sflag:s22], s20  }
0x9f: {  	s4 =	ssub.s32 $0x0, s20;
	[sflag:s22] =	ssyncset.done $0x0  }
0xa0: {  	[sflag:s22] =	ssyncadd.s32 s4;
	_ =	sdelay $0x1  }
0xa1: {  	s23 =	simm.s32 $0x1B8B  }
0xa2: {  	_ =	swait.ge [sflag:s23], $0x1  }
0xa3: {  	[sflag:s23] =	ssyncset.done $0x0  }
0xa4: {  	s25 =	simm.s32 $0x1B8E;
	s24 =	sld [smem:$0x3FFE];
	[sflag:s23] =	ssyncadd.s32 $0xFFFFFFFF  }
0xa5: {  	s26 =	simm.s32 $execute0_lowered;
	[smem:$0x3FD2] =	sst s25  }
0xa6: {  	s5 =	sshll.u32 s26, $0x1;
	_ =	strace $0x80000049;
	[dreg:$0x1] =	wrdreg $0xFFFFFFFF  }
0xa7: {  	s28 =	simm.s32 $_size_execute0_lowered;
	s3 =	sadd.s32 s3, s5;
	[dreg:$0x0] =	wrdreg $0x0  }
0xa8: {  	s5 =	sshll.u32 s28, $0x1;
	[dreg:$0x2] =	wrdreg s3  }
0xa9: {  	[dreg:$0x3] =	wrdreg s5  }
0xaa: {  	[dreg:$0x4] =	wrdreg $0xC0  }
0xab: {  	_ =	task [dreg:s7], $0x5FFFF  }
0xac: {  	[dreg:$0x1] =	wrdreg $0xFFFFFFFF  }
0xad: {  	[dreg:$0x0] =	wrdreg $0x60  }
0xae: {  	[dreg:$0x2] =	wrdreg s24  }
0xaf: {  	[dreg:$0x3] =	wrdreg s2  }
0xb0: {  	[dreg:$0x4] =	wrdreg $0x78800  }
0xb1: {  	[dreg:$0x5] =	wrdreg $0x9  }
0xb2: {  	_ =	task.clear_ibuf [dreg:s7], $0x6FFFF;
	_ =	strace $0x90000049  }
0xb3: {  	s29 =	simm.s32 $0x9;
	_ =	strace $0x8000004B  }
0xb4: {  	_ =	swait.ge [sflag:s29], $0x1  }
0xb5: {  	[sflag:s29] =	ssyncadd.s32 $0xFFFFFFFF  }
0xb6: {  	_ =	strace $0x9000004B  }
0xb7: {  	_ =	sfence  }
0xb8: {  	s30 =	sld [smem:$0x0];
	_ =	sdelay $0x2  }
0xb9: {  	s31 =	sshll.u32 s1, $0xD;
	s1 =	sshrl.u32 s1, $0x2  }
0xba: {  	s3 =	sand.u32 $0x4000, s31;
	s1 =	sadd.s32 s1, s30  }
0xbb: {  	s0 =	sor.u32 s3, s0;
	s1 =	sshll.u32 s1, $0x11  }
0xbc: {  	s0 =	sor.u32 s1, s0  }
0xbd: {  	s0 =	sadd.s32 $0x8F2B, s0  }
0xbe: {  	[sflag:s0] =	ssyncadd.remote.s32 $0x1  }
0xbf: {  	_ =	sfence.sel $0xFFFF  }
0xc0: {  	[dreg:$0x0] =	wrdreg $0xFFFFFFFF;
	(pc) =	sbr.abs _section_cstart, $3  }
0xc1: {  	[dreg:$0x1] =	wrdreg $0xFFFFFFFF  }
0xc2: {  	_ =	task.clear_ibuf [dreg:s7], $0x2FFFF;
	_ =	strace $0x9FFFFFFF  }
0xc3: {  	(tm) =	ssettm $0x7FFFFFFF  }
tec
execute0_lowered:
.L_overlay_start_1:
0x0: {  	(tag) =	ssettag $0x1  }
0x1: {  	s4 =	rddreg [dreg:$0x0]  }
0x2: {  	s6 =	rddreg [dreg:$0x1]  }
0x3: {  	s2 =	rddreg [dreg:$0x2]  }
0x4: {  	s0 =	rddreg [dreg:$0x3]  }
0x5: {  	s1 =	stileid.u32;
	s5 =	srdreg.scid  }
0x6: {  	s3 =	simm.s32 $0x0;
	s16 =	simm.s32 $0x5080;
	s17 =	simm.s32 $0x1  }
0x7: {  	s18 =	simm.s32 $0x50;
	s19 =	simm.s32 $0x2780;
	s20 =	simm.s32 $0x3  }
0x8: {  	s21 =	simm.s32 $0x2;
	s7 =	smul.u32 $0x14000, s1;
	s8 =	sand.u32 $0x1, s5  }
0x9: {  	[smem:$0x7FF] =	sst s3;
	s10 =	sadd.s32 $0x9D0E00, s4;
	s23 =	smul.u32 $0x50000, s1  }
0xa: {  	s25 =	sshll.u32 s1, $0x1;
	s28 =	sshll.u32 s1, $0x6;
	s15 =	smul.u32 $0x4E200, s1  }
0xb: {  	s5 =	smul.u32 $0x140000, s8;
	_ =	strace $0x8000004A;
	s24 =	ssub.s32 $0x2, s8  }
0xc: {  	s30 =	smul.u32 $0x27100, s8;
	s9 =	sshrl.u32 s7, $0x3;
	s12 =	sshrl.u32 s24, $0x1  }
0xd: {  	s31 =	sadd.s32 s15, s10;
	s15 =	simm.s32 $0x2880;
	s5 =	sadd.s32 s7, s5  }
0xe: {  	s22 =	sadd.s32 s9, s4;
	s9 =	sshrl.u32 s23, $0x2;
	s12 =	ssub.s32 s24, s12  }
0xf: {  	s23 =	simm.s32 $0x4;
	s24 =	simm.s32 $0x0;
	s5 =	sshrl.u32 s5, $0x3  }
0x10: {  	s13 =	sadd.s32 s9, s2;
	s11 =	sadd.s32 s5, s4;
	s5 =	sor.u32 s8, s25  }
0x11: {  	s9 =	smax.u32 s12, $0x1;
	s12 =	sadd.s32 s30, s31;
	s26 =	smul.u32 $0x2710, s5  }
0x12: {  	s4 =	sadd.s32 $0xCE00, s22;
	s13 =	sshrl.u32 s13, $0x3;
	s14 =	smul.u32 $0x27100, s5  }
0x13: {  	s22 =	simm.s32 $0x2800;
	s5 =	sor.u32 $0x1C05, s28;
	s8 =	sadd.s32 $0x34E00, s11  }
0x14: {  	s29 =	sshrl.u32 s26, $0x3;
	s7 =	sadd.s32 s10, s14;
	s14 =	simm.s32 $0x5  }
0x15: {  	s6 =	sadd.s32 s6, s29;
	s10 =	sadd.s32 $0x500, s7;
	s11 =	sadd.s32 $0xA00, s7  }
.LBB2_1:
0x16: {  	[spmem:s13], [sflag:s5] =	dma.local [hbm:s4], $0x2800  }
0x17: {  	_ =	swait.ge [sflag:s14], $0x2800  }
0x18: {  	[sflag:s14] =	ssyncset.done $0x0  }
0x19: {  	[sflag:s14] =	ssyncadd.s32 $0xFFFFD800  }
0x1a: {  	[tilespmem:s3], [sflag:$0x5] =	stream.linear.gather [hbm4b:s6+s3], $0x2710, $0x38;
	[tilespmem:$0x1B880] =	vst v63  }
0x1b: {  	_ =	swait.ge [sflag:s14], $0x2710  }
0x1c: {  	[sflag:s14] =	ssyncset.done $0x0  }
0x1d: {  	[sflag:s14] =	ssyncadd.s32 $0xFFFFD8F0  }
0x1e: {  	[bflag:$0x0] =	sbarrier.arrive $0xFFFF  }
0x1f: {  	[tilespmem:s15], [sflag:$0x1] =	stream.linear.gather [hbm4b:s7+s3], $0x2800, $0x38;
	[tilespmem:$0x1B880] =	vst v63  }
0x20: {  	v0 =	vld [tilespmem:$0x0]  }
0x21: {  	v1 =	vld [tilespmem:$0x10]  }
0x22: {  	v2 =	vld [tilespmem:$0x20]  }
0x23: {  	v3 =	vld [tilespmem:$0x30]  }
0x24: {  	v4 =	vld [tilespmem:$0x40]  }
0x25: {  	[tilespmem:$0x2780] =	vst v0  }
0x26: {  	[tilespmem:$0x2790] =	vst v1  }
0x27: {  	[tilespmem:$0x27A0] =	vst v2  }
0x28: {  	[tilespmem:$0x27B0] =	vst v3  }
0x29: {  	[tilespmem:$0x27C0] =	vst v4  }
0x2a: {  	[tilespmem:s16], [sflag:$0x2] =	stream.linear.gather [hbm4b:s10+s3], $0x2800, $0x38;
	[tilespmem:$0x1B880] =	vst v63  }
0x2b: {  	v52 =	vld [tilespmem:$0x50]  }
0x2c: {  	v53 =	vld [tilespmem:$0x60]  }
0x2d: {  	v54 =	vld [tilespmem:$0x70]  }
0x2e: {  	v55 =	vld [tilespmem:$0x80]  }
0x2f: {  	v56 =	vld [tilespmem:$0x90]  }
0x30: {  	[tilespmem:$0x2800] =	vst v52  }
0x31: {  	[tilespmem:$0x2810] =	vst v53  }
0x32: {  	[tilespmem:$0x2820] =	vst v54  }
0x33: {  	[tilespmem:$0x2830] =	vst v55  }
0x34: {  	[tilespmem:$0x2840] =	vst v56  }
0x35: {  	_ =	swait.ge [sflag:s17], $0x2800  }
0x36: {  	[sflag:s17] =	ssyncset.done $0x0  }
0x37: {  	[sflag:s17] =	ssyncadd.s32 $0xFFFFD800  }
0x38: {  	[spmem:s2] =	stream.indirect.scatter.add.f32 [tilespmem:s15], [sflag:$0x3], $0x80, s19, s18, $0xb8;
	[tilespmem:$0x1B880] =	vst v63  }
0x39: {  	_ =	swait.ge [sflag:s20], $0x2800  }
0x3a: {  	[sflag:s20] =	ssyncset.done $0x0  }
0x3b: {  	[sflag:s20] =	ssyncadd.s32 $0xFFFFD800  }
0x3c: {  	[tilespmem:s15], [sflag:$0x1] =	stream.linear.gather [hbm4b:s11+s3], $0x2800, $0x38;
	[tilespmem:$0x1B880] =	vst v63  }
0x3d: {  	v57 =	vld [tilespmem:$0xA0]  }
0x3e: {  	v58 =	vld [tilespmem:$0xB0]  }
0x3f: {  	v59 =	vld [tilespmem:$0xC0]  }
0x40: {  	v60 =	vld [tilespmem:$0xD0]  }
0x41: {  	v61 =	vld [tilespmem:$0xE0]  }
0x42: {  	[tilespmem:$0x2780] =	vst v57  }
0x43: {  	[tilespmem:$0x2790] =	vst v58  }
0x44: {  	[tilespmem:$0x27A0] =	vst v59  }
0x45: {  	[tilespmem:$0x27B0] =	vst v60  }
0x46: {  	[tilespmem:$0x27C0] =	vst v61  }
0x47: {  	_ =	swait.ge [sflag:s21], $0x2800  }
0x48: {  	[sflag:s21] =	ssyncset.done $0x0  }
0x49: {  	[sflag:s21] =	ssyncadd.s32 $0xFFFFD800  }
0x4a: {  	[spmem:s2] =	stream.indirect.scatter.add.f32 [tilespmem:s16], [sflag:$0x4], $0x80, s22, s18, $0xb8;
	[tilespmem:$0x1B880] =	vst v63  }
0x4b: {  	_ =	swait.ge [sflag:s23], $0x2800  }
0x4c: {  	s25 =	sadd.s32 $0xFFFD9E00, s12;
	[sflag:s23] =	ssyncset.done $0x0  }
0x4d: {  	s26 =	simm.s32 $0x180;
	s28 =	sadd.s32 $0x27100, s25;
	[sflag:s23] =	ssyncadd.s32 $0xFFFFD800  }
0x4e: {  	[tilespmem:s16], [sflag:$0x2] =	stream.linear.gather [hbm4b:s28+s3], $0x2800, $0x38;
	[tilespmem:$0x1B880] =	vst v63  }
0x4f: {  	v62 =	vld [tilespmem:s26+$0xFFFFFF70];
	_ =	sdelay $0x4  }
0x50: {  	[tilespmem:$0x2800] =	vst v62  }
0x51: {  	v0 =	vld [tilespmem:s26+$0xFFFFFF80];
	_ =	sdelay $0x4  }
0x52: {  	[tilespmem:$0x2810] =	vst v0  }
0x53: {  	v0 =	vld [tilespmem:s26+$0xFFFFFF90];
	_ =	sdelay $0x4  }
0x54: {  	[tilespmem:$0x2820] =	vst v0  }
0x55: {  	v0 =	vld [tilespmem:s26+$0xFFFFFFA0];
	_ =	sdelay $0x4  }
0x56: {  	[tilespmem:$0x2830] =	vst v0  }
0x57: {  	v0 =	vld [tilespmem:s26+$0xFFFFFFB0];
	_ =	sdelay $0x4  }
0x58: {  	[tilespmem:$0x2840] =	vst v0  }
0x59: {  	_ =	swait.ge [sflag:s17], $0x2800  }
0x5a: {  	[sflag:s17] =	ssyncset.done $0x0  }
0x5b: {  	[sflag:s17] =	ssyncadd.s32 $0xFFFFD800  }
0x5c: {  	[spmem:s2] =	stream.indirect.scatter.add.f32 [tilespmem:s15], [sflag:$0x3], $0x80, s19, s18, $0xb8;
	[tilespmem:$0x1B880] =	vst v63  }
0x5d: {  	_ =	swait.ge [sflag:s20], $0x2800  }
0x5e: {  	[sflag:s20] =	ssyncset.done $0x0  }
0x5f: {  	s25 =	sadd.s32 $0x27600, s25;
	[sflag:s20] =	ssyncadd.s32 $0xFFFFD800  }
0x60: {  	[tilespmem:s15], [sflag:$0x1] =	stream.linear.gather [hbm4b:s25+s3], $0x2800, $0x38;
	[tilespmem:$0x1B880] =	vst v63  }
0x61: {  	v63 =	vld [tilespmem:s26+$0xFFFFFFC0];
	_ =	sdelay $0x4  }
0x62: {  	[tilespmem:$0x2780] =	vst v63  }
0x63: {  	v0 =	vld [tilespmem:s26+$0xFFFFFFD0];
	_ =	sdelay $0x4  }
0x64: {  	[tilespmem:$0x2790] =	vst v0  }
0x65: {  	v0 =	vld [tilespmem:s26+$0xFFFFFFE0];
	_ =	sdelay $0x4  }
0x66: {  	[tilespmem:$0x27A0] =	vst v0  }
0x67: {  	v0 =	vld [tilespmem:s26+$0xFFFFFFF0];
	_ =	sdelay $0x4  }
0x68: {  	[tilespmem:$0x27B0] =	vst v0  }
0x69: {  	v0 =	vld [tilespmem:s26+$0x0];
	_ =	sdelay $0x4  }
0x6a: {  	[tilespmem:$0x27C0] =	vst v0  }
0x6b: {  	_ =	swait.ge [sflag:s21], $0x2800  }
0x6c: {  	[sflag:s21] =	ssyncset.done $0x0  }
0x6d: {  	s25 =	simm.s32 $0xFFFDA800;
	s26 =	simm.s32 $0x220;
	[sflag:s21] =	ssyncadd.s32 $0xFFFFD800  }
.LBB2_2:
0x6e: {  	[spmem:s2] =	stream.indirect.scatter.add.f32 [tilespmem:s16], [sflag:$0x4], $0x80, s22, s18, $0xb8;
	[tilespmem:$0x1B880] =	vst v63  }
0x6f: {  	s28 =	smov.u32 s25  }
0x70: {  	p0 =	sne.s32 s25, $0xFFFFF600;
	s25 =	sadd.s32 $0xA00, s25;
	_ =	swait.ge [sflag:s23], $0x2800  }
0x71: {  	s28 =	sadd.s32 s28, s12;
	[sflag:s23] =	ssyncset.done $0x0  }
0x72: {  	s29 =	sadd.s32 $0x27100, s28;
	[sflag:s23] =	ssyncadd.s32 $0xFFFFD800  }
0x73: {  	[tilespmem:s16], [sflag:$0x2] =	stream.linear.gather [hbm4b:s29+s3], $0x2800, $0x38;
	[tilespmem:$0x1B880] =	vst v63  }
0x74: {  	v0 =	vld [tilespmem:s26+$0xFFFFFF70];
	_ =	sdelay $0x4  }
0x75: {  	[tilespmem:$0x2800] =	vst v0  }
0x76: {  	v0 =	vld [tilespmem:s26+$0xFFFFFF80];
	_ =	sdelay $0x4  }
0x77: {  	[tilespmem:$0x2810] =	vst v0  }
0x78: {  	v0 =	vld [tilespmem:s26+$0xFFFFFF90];
	_ =	sdelay $0x4  }
0x79: {  	[tilespmem:$0x2820] =	vst v0  }
0x7a: {  	v0 =	vld [tilespmem:s26+$0xFFFFFFA0];
	_ =	sdelay $0x4  }
0x7b: {  	[tilespmem:$0x2830] =	vst v0  }
0x7c: {  	v0 =	vld [tilespmem:s26+$0xFFFFFFB0];
	_ =	sdelay $0x4  }
0x7d: {  	[tilespmem:$0x2840] =	vst v0  }
0x7e: {  	_ =	swait.ge [sflag:s17], $0x2800  }
0x7f: {  	[sflag:s17] =	ssyncset.done $0x0  }
0x80: {  	[sflag:s17] =	ssyncadd.s32 $0xFFFFD800  }
0x81: {  	[spmem:s2] =	stream.indirect.scatter.add.f32 [tilespmem:s15], [sflag:$0x3], $0x80, s19, s18, $0xb8;
	[tilespmem:$0x1B880] =	vst v63  }
0x82: {  	_ =	swait.ge [sflag:s20], $0x2800  }
0x83: {  	[sflag:s20] =	ssyncset.done $0x0  }
0x84: {  	s28 =	sadd.s32 $0x27600, s28;
	[sflag:s20] =	ssyncadd.s32 $0xFFFFD800  }
0x85: {  	[tilespmem:s15], [sflag:$0x1] =	stream.linear.gather [hbm4b:s28+s3], $0x2800, $0x38;
	[tilespmem:$0x1B880] =	vst v63  }
0x86: {  	v0 =	vld [tilespmem:s26+$0xFFFFFFC0];
	_ =	sdelay $0x4  }
0x87: {  	[tilespmem:$0x2780] =	vst v0  }
0x88: {  	v0 =	vld [tilespmem:s26+$0xFFFFFFD0];
	_ =	sdelay $0x4  }
0x89: {  	[tilespmem:$0x2790] =	vst v0  }
0x8a: {  	v0 =	vld [tilespmem:s26+$0xFFFFFFE0];
	_ =	sdelay $0x4  }
0x8b: {  	[tilespmem:$0x27A0] =	vst v0  }
0x8c: {  	v0 =	vld [tilespmem:s26+$0xFFFFFFF0];
	_ =	sdelay $0x4  }
0x8d: {  	[tilespmem:$0x27B0] =	vst v0  }
0x8e: {  	v0 =	vld [tilespmem:s26+$0x0];
	_ =	sdelay $0x3  }
.Ltmp0:
0x8f: {  	(pc) =	sbr.rel @p0 .LBB2_2-.Ltmp0, $4  }
0x90: {  	[tilespmem:$0x27C0] =	vst v0  }
0x91: {  	_ =	swait.ge [sflag:s21], $0x2800  }
0x92: {  	[sflag:s21] =	ssyncset.done $0x0  }
0x93: {  	s26 =	sadd.s32 $0xA0, s26;
	[sflag:s21] =	ssyncadd.s32 $0xFFFFD800  }
0x94: {  	[spmem:s2] =	stream.indirect.scatter.add.f32 [tilespmem:s16], [sflag:$0x4], $0x80, s22, s18, $0xb8;
	[tilespmem:$0x1B880] =	vst v63  }
0x95: {  	_ =	swait.ge [sflag:s17], $0x2800  }
0x96: {  	[sflag:s17] =	ssyncset.done $0x0  }
0x97: {  	[sflag:s17] =	ssyncadd.s32 $0xFFFFD800  }
0x98: {  	[spmem:s2] =	stream.indirect.scatter.add.f32 [tilespmem:s15], [sflag:$0x3], $0x80, s19, s18, $0xb8;
	[tilespmem:$0x1B880] =	vst v63  }
0x99: {  	_ =	swait.ge [sflag:s20], $0x2800  }
0x9a: {  	[sflag:s20] =	ssyncset.done $0x0  }
0x9b: {  	[sflag:s20] =	ssyncadd.s32 $0xFFFFD800  }
0x9c: {  	_ =	swait.ge [sflag:s23], $0x2800  }
0x9d: {  	s24 =	sadd.s32 $0x1, s24;
	[sflag:s23] =	ssyncset.done $0x0  }
0x9e: {  	p0 =	sne.s32 s24, s9;
	[sflag:s23] =	ssyncadd.s32 $0xFFFFD800  }
.Ltmp1:
0x9f: {  	[bflag:$0x0] =	sbarrier.arrive $0xFFFF;
	(pc) =	sbr.rel @p0 .LBB2_1-.Ltmp1, $4  }
0xa0: {  	[hbm:s8], [sflag:s5] =	dma.local [spmem:s13], $0x2800  }
0xa1: {  	_ =	swait.ge [sflag:s14], $0x2800  }
0xa2: {  	[sflag:s14] =	ssyncset.done $0x0  }
0xa3: {  	[sflag:s14] =	ssyncadd.s32 $0xFFFFD800  }
0xa4: {  	_ =	sfence.sel $0x180000  }
0xa5: {  	[bflag:$0x0] =	sbarrier.arrive $0xFFFF  }
0xa6: {  	p0 =	sne.s32 s1, $0x0;
	_ =	strace $0x9000004A  }
0xa7: {  	s0 =	sadd.s32 @!p0 $0x100000, s0;
	[bflag:$0x2] =	sbarrier.arrive $0xFFFF  }
0xa8: {  	[sflag:s0] =	ssyncadd.tile.s32 @!p0 $0x1;
	_ =	shalt  }
.Lfunc_end2:
_tile_overlayer_lowered:
.L_overlay_start_2:
0xa9: {  	(tag) =	ssettag $0x2  }
0xaa: {  	s0 =	rddreg [dreg:$0x0];
	s2 =	stileid.u32  }
0xab: {  	s1 =	rddreg [dreg:$0x1];
	p0 =	sne.s32 s2, $0x0  }
0xac: {  	s3 =	rddreg [dreg:$0x2];
	[bflag:$0x3] =	sbarrier.arrive $0xFFFF;
	s2 =	simm.s32 @!p0 $0x1C05  }
0xad: {  	[timem:s3], [sflag:s2] =	dma.local @!p0 [hbm:s0], s1  }
0xae: {  	s0 =	simm.s32 @!p0 $0x5  }
0xaf: {  	_ =	swait.ge @!p0 [sflag:s0], s1  }
0xb0: {  	s1 =	ssub.s32 @!p0 $0x0, s1;
	[sflag:s0] =	ssyncset.done @!p0 $0x0  }
0xb1: {  	[sflag:s0] =	ssyncadd.s32 @!p0 s1  }
0xb2: {  	[bflag:$0x3] =	sbarrier.arrive $0xFFFF  }
0xb3: {  	_ =	shalt  }

// kernel: kernel.20.cloned.1.call-start
scs
__scs_entry_jumppad:
0x0: {  	(pc) =	sbr.rel $0x88, $3  }
0x1: {  	(tag) =	ssettag $0x0;
	lr =	simm.s32 $0x1  }
0x2: {  	[smem:$0x3F97] =	sst lr;
	_ =	strace $0xD0000000  }
0x3: {  	_ = 	snop  }
0x4: {  	_ = 	snop  }
0x5: {  	_ = 	snop  }
0x6: {  	_ = 	snop  }
0x7: {  	_ = 	snop  }
__scs_overlays_trampoline_lowered:
0x8: {  	[smem:$0x3FA6] =	sst s0  }
0x9: {  	[smem:$0x3FA7] =	sst s1  }
0xa: {  	[smem:$0x3FA8] =	sst s2  }
0xb: {  	[smem:$0x3FA9] =	sst s3  }
0xc: {  	[smem:$0x3FAA] =	sst s4  }
0xd: {  	[smem:$0x3FAB] =	sst s5  }
0xe: {  	[smem:$0x3FAC] =	sst s6  }
0xf: {  	[smem:$0x3FAD] =	sst s7  }
0x10: {  	[smem:$0x3FAE] =	sst s8  }
0x11: {  	[smem:$0x3FAF] =	sst s9;
	s0 =	simm.s32 @!p0 $0x0  }
0x12: {  	s1 =	sld [smem:$0x3F95];
	s0 =	simm.s32 @p0 $0x1  }
0x13: {  	[smem:$0x3FB0] =	sst s0;
	s0 =	simm.s32 @!p1 $0x0  }
0x14: {  	s2 =	sld [smem:$0x3F94];
	s0 =	simm.s32 @p1 $0x1  }
0x15: {  	[smem:$0x3FB1] =	sst s0;
	s0 =	simm.s32 @!p2 $0x0  }
0x16: {  	s3 =	sld [smem:$0x3FDB];
	s0 =	simm.s32 @p2 $0x1  }
0x17: {  	s4 =	simm.s32 $0x1BF5;
	[smem:$0x3FB3] =	sst s0  }
0x18: {  	s0 =	sld [smem:$0x3F96];
	_ =	swait.ge [sflag:s4], $0x0  }
0x19: {  	s7 =	sld [smem:$0x3F97]  }
0x1a: {  	s8 =	sadd.s32 $0xFFFFE003, lr  }
0x1b: {  	s9 =	sadd.s32 $0xFFFFFEF7, lr;
	s5 =	simm.s32 $0xFFFFFFFF;
	p2 =	slt.u32 s8, $0xFFFFF086  }
0x1c: {  	p1 =	slt.u32 s9, $0xF7A;
	s5 =	simm.s32 @!p2 $0x0  }
0x1d: {  	s5 =	simm.s32 @p1 $0x1;
	p0 =	seq.s32 s7, s2  }
0x1e: {  	s7 =	smul.u32 @!p0 $0xF7A, s2;
	p2 =	seq.s32 @!p0 s5, $0x0  }
0x1f: {  	s9 =	smul.u32 $0xF7A, s1;
	s8 =	simm.s32 @!p0 $0x1BF5;
	p2 =	por !p2, p0  }
0x20: {  	[sflag:s8] =	ssyncset.s32 @!p0 $0xFFFFF086;
	s6 =	sadd.s32 @!p0 s3, s7;
	s7 =	simm.s32 @!p0 $0x108  }
0x21: {  	s3 =	sadd.s32 s3, s9;
	s6 =	sadd.s32 @!p0 $0x88, s6;
	s7 =	simm.s32 @p2 $0x1082  }
0x22: {  	[simem:s7], [sflag:s8] =	dma.local @!p0 [hbm:s6], $0xF7A  }
0x23: {  	s9 =	sor.u32 $0xD0000000, s2;
	s6 =	simm.s32 $0x108;
	_ =	swait.ge @!p0 [sflag:s8], $0x0  }
0x24: {  	s3 =	sadd.s32 $0x88, s3;
	s6 =	simm.s32 @!p1 $0x1082;
	[sflag:s4] =	ssyncset.s32 $0xFFFFF086  }
0x25: {  	[simem:s6], [sflag:s4] =	dma.local [hbm:s3], $0xF7A  }
0x26: {  	[smem:$0x3F97] =	sst s1;
	(tag) =	ssettag s2;
	_ =	strace s9  }
0x27: {  	s1 =	sld [smem:$0x3FA7]  }
0x28: {  	s2 =	sld [smem:$0x3FA8]  }
0x29: {  	s4 =	sld [smem:$0x3FAA]  }
0x2a: {  	p0 =	seq.s32 s5, $0x0;
	s5 =	sld [smem:$0x3FAB]  }
0x2b: {  	s6 =	sld [smem:$0x3FAC]  }
0x2c: {  	s7 =	sld [smem:$0x3FAD]  }
0x2d: {  	s3 =	simm.s32 $0x108;
	s8 =	sld [smem:$0x3FAE]  }
0x2e: {  	s3 =	simm.s32 @!p0 $0x1082;
	s9 =	sld [smem:$0x3FAF]  }
0x2f: {  	lr =	sadd.s32 s0, s3;
	s0 =	sld [smem:$0x3FA6]  }
0x30: {  	s3 =	sld [smem:$0x3FA9]  }
0x31: {  	[smem:$0x3FB2] =	sst s10  }
0x32: {  	s10 =	sld [smem:$0x3FB0];
	_ =	sdelay $0x3  }
0x33: {  	p0 =	seq.s32 s10, $0x1;
	s10 =	sld [smem:$0x3FB2];
	_ =	sdelay $0x3  }
0x34: {  	[smem:$0x3FB2] =	sst s10  }
0x35: {  	s10 =	sld [smem:$0x3FB1];
	_ =	sdelay $0x3  }
0x36: {  	p1 =	seq.s32 s10, $0x1;
	s10 =	sld [smem:$0x3FB2];
	_ =	sdelay $0x3  }
0x37: {  	[smem:$0x3FB2] =	sst s10  }
0x38: {  	s10 =	sld [smem:$0x3FB3]  }
0x39: {  	_ = 	snop;
	(pc) =	sbr.ind lr, $3  }
0x3a: {  	_ = 	snop  }
0x3b: {  	_ = 	snop  }
0x3c: {  	p2 =	seq.s32 s10, $0x1;
	s10 =	sld [smem:$0x3FB2]  }
0x3d: {  	_ =	shalt  }
0x3e: {  	_ =	shalt  }
0x3f: {  	_ =	shalt  }
0x40: {  	_ =	shalt  }
0x41: {  	_ =	shalt  }
0x42: {  	_ =	shalt  }
0x43: {  	_ =	shalt  }
0x44: {  	_ =	shalt  }
0x45: {  	_ =	shalt  }
0x46: {  	_ =	shalt  }
0x47: {  	_ =	shalt  }
0x48: {  	_ =	shalt  }
0x49: {  	_ =	shalt  }
0x4a: {  	_ =	shalt  }
0x4b: {  	_ =	shalt  }
0x4c: {  	_ =	shalt  }
0x4d: {  	_ =	shalt  }
0x4e: {  	_ =	shalt  }
0x4f: {  	_ =	shalt  }
0x50: {  	_ =	shalt  }
0x51: {  	_ =	shalt  }
0x52: {  	_ =	shalt  }
0x53: {  	_ =	shalt  }
0x54: {  	_ =	shalt  }
0x55: {  	_ =	shalt  }
0x56: {  	_ =	shalt  }
0x57: {  	_ =	shalt  }
0x58: {  	_ =	shalt  }
0x59: {  	_ =	shalt  }
0x5a: {  	_ =	shalt  }
0x5b: {  	_ =	shalt  }
0x5c: {  	_ =	shalt  }
0x5d: {  	_ =	shalt  }
0x5e: {  	_ =	shalt  }
0x5f: {  	_ =	shalt  }
0x60: {  	_ =	shalt  }
0x61: {  	_ =	shalt  }
0x62: {  	_ =	shalt  }
0x63: {  	_ =	shalt  }
0x64: {  	_ =	shalt  }
0x65: {  	_ =	shalt  }
0x66: {  	_ =	shalt  }
0x67: {  	_ =	shalt  }
0x68: {  	_ =	shalt  }
0x69: {  	_ =	shalt  }
0x6a: {  	_ =	shalt  }
0x6b: {  	_ =	shalt  }
0x6c: {  	_ =	shalt  }
0x6d: {  	_ =	shalt  }
0x6e: {  	_ =	shalt  }
0x6f: {  	_ =	shalt  }
0x70: {  	_ =	shalt  }
0x71: {  	_ =	shalt  }
0x72: {  	_ =	shalt  }
0x73: {  	_ =	shalt  }
0x74: {  	_ =	shalt  }
0x75: {  	_ =	shalt  }
0x76: {  	_ =	shalt  }
0x77: {  	_ =	shalt  }
0x78: {  	_ =	shalt  }
0x79: {  	_ =	shalt  }
0x7a: {  	_ =	shalt  }
0x7b: {  	_ =	shalt  }
0x7c: {  	_ =	shalt  }
0x7d: {  	_ =	shalt  }
0x7e: {  	_ =	shalt  }
0x7f: {  	_ =	shalt  }
0x80: {  	_ =	shalt  }
0x81: {  	_ =	shalt  }
0x82: {  	_ =	shalt  }
0x83: {  	_ =	shalt  }
0x84: {  	_ =	shalt  }
0x85: {  	_ =	shalt  }
0x86: {  	_ =	shalt  }
0x87: {  	_ =	shalt  }
.Lfunc_end0:
.L_simem_size_0:
called_computation.2_lowered:
.L_overlay_start_0:
0x88: {  	s2 =	sld [smem:$0x3FD9]  }
0x89: {  	s3 =	sld [smem:$0x3FFE];
	_ =	sdelay $0x1  }
0x8a: {  	s1 =	srdreg.scid  }
0x8b: {  	s0 =	sand.u32 $0x1, s1  }
0x8c: {  	s17 =	sshll.u32 s0, $0xA;
	s2 =	sadd.s32 s3, s2  }
0x8d: {  	s2 =	sadd.s32 s2, s17  }
0x8e: {  	[smem:$0x3FBE] =	sst s2  }
0x8f: {  	_ = 	snop  }
0x90: {  	s2 =	sld [smem:$0x3FC6];
	(tm) =	ssettm $0x1  }
0x91: {  	s18 =	sld [smem:$0x3FFB];
	_ =	sdelay $0x3  }
0x92: {  	_ =	strace s18  }
0x93: {  	s3 =	sld [smem:$0x3FFC];
	_ =	sdelay $0x3  }
0x94: {  	_ =	strace s3  }
0x95: {  	s3 =	sld [smem:$0x3FFD];
	_ =	sdelay $0x3  }
0x96: {  	_ =	strace s3  }
0x97: {  	_ =	strace $0x8FFFFFFF  }
0x98: {  	s19 =	sld [smem:$0x3FDB];
	_ =	sdelay $0x1  }
0x99: {  	s4 =	simm.s32 $_scs_section_size  }
0x9a: {  	s5 =	simm.s32 $_size__tile_overlayer_lowered;
	s6 =	simm.s32 $_tile_overlayer_lowered  }
0x9b: {  	s22 =	simm.s32 $0x1BFF;
	s21 =	sshll.u32 s6, $0x1;
	s3 =	sadd.s32 s4, s19  }
0x9c: {  	s7 =	simm.s32 $0x0;
	s20 =	sshll.u32 s5, $0x1;
	s5 =	sadd.s32 s21, s3  }
0x9d: {  	[timem:s7], [sflag:s22] =	dma.local [hbm:s5], s20  }
0x9e: {  	_ =	swait.ge [sflag:s22], s20  }
0x9f: {  	s4 =	ssub.s32 $0x0, s20;
	[sflag:s22] =	ssyncset.done $0x0  }
0xa0: {  	[sflag:s22] =	ssyncadd.s32 s4;
	_ =	sdelay $0x1  }
0xa1: {  	s23 =	simm.s32 $0x1B8B  }
0xa2: {  	_ =	swait.ge [sflag:s23], $0x1  }
0xa3: {  	[sflag:s23] =	ssyncset.done $0x0  }
0xa4: {  	s25 =	simm.s32 $0x1B8E;
	s24 =	sld [smem:$0x3FFE];
	[sflag:s23] =	ssyncadd.s32 $0xFFFFFFFF  }
0xa5: {  	s26 =	simm.s32 $execute0_lowered;
	[smem:$0x3FD2] =	sst s25  }
0xa6: {  	s5 =	sshll.u32 s26, $0x1;
	_ =	strace $0x8000004C;
	[dreg:$0x1] =	wrdreg $0xFFFFFFFF  }
0xa7: {  	s28 =	simm.s32 $_size_execute0_lowered;
	s3 =	sadd.s32 s3, s5;
	[dreg:$0x0] =	wrdreg $0x0  }
0xa8: {  	s5 =	sshll.u32 s28, $0x1;
	[dreg:$0x2] =	wrdreg s3  }
0xa9: {  	[dreg:$0x3] =	wrdreg s5  }
0xaa: {  	[dreg:$0x4] =	wrdreg $0xC0  }
0xab: {  	_ =	task [dreg:s7], $0x5FFFF  }
0xac: {  	[dreg:$0x1] =	wrdreg $0xFFFFFFFF  }
0xad: {  	[dreg:$0x0] =	wrdreg $0x60  }
0xae: {  	[dreg:$0x2] =	wrdreg s24  }
0xaf: {  	[dreg:$0x3] =	wrdreg s2  }
0xb0: {  	[dreg:$0x4] =	wrdreg $0x9  }
0xb1: {  	_ =	task.clear_ibuf [dreg:s7], $0x5FFFF;
	_ =	strace $0x9000004C  }
0xb2: {  	s29 =	simm.s32 $0x9;
	_ =	strace $0x8000004E  }
0xb3: {  	_ =	swait.ge [sflag:s29], $0x1  }
0xb4: {  	[sflag:s29] =	ssyncadd.s32 $0xFFFFFFFF  }
0xb5: {  	_ =	strace $0x9000004E  }
0xb6: {  	_ =	sfence  }
0xb7: {  	s30 =	sld [smem:$0x0];
	_ =	sdelay $0x2  }
0xb8: {  	s31 =	sshll.u32 s1, $0xD;
	s1 =	sshrl.u32 s1, $0x2  }
0xb9: {  	s3 =	sand.u32 $0x4000, s31;
	s1 =	sadd.s32 s1, s30  }
0xba: {  	s0 =	sor.u32 s3, s0;
	s1 =	sshll.u32 s1, $0x11  }
0xbb: {  	s0 =	sor.u32 s1, s0  }
0xbc: {  	s0 =	sadd.s32 $0x8F2B, s0  }
0xbd: {  	[sflag:s0] =	ssyncadd.remote.s32 $0x1  }
0xbe: {  	_ =	sfence.sel $0xFFFF  }
0xbf: {  	[dreg:$0x0] =	wrdreg $0xFFFFFFFF;
	(pc) =	sbr.abs _section_cstart, $3  }
0xc0: {  	[dreg:$0x1] =	wrdreg $0xFFFFFFFF  }
0xc1: {  	_ =	task.clear_ibuf [dreg:s7], $0x2FFFF;
	_ =	strace $0x9FFFFFFF  }
0xc2: {  	(tm) =	ssettm $0x7FFFFFFF  }
0xc3: {  	_ =	shalt  }
tec
execute0_lowered:
.L_overlay_start_1:
0x0: {  	(tag) =	ssettag $0x1  }
0x1: {  	s0 =	rddreg [dreg:$0x0]  }
0x2: {  	s1 =	srdreg.scid;
	s2 =	stileid.u32  }
0x3: {  	s7 =	rddreg [dreg:$0x1];
	s12 =	simm.s32 $0x50;
	s13 =	simm.s32 $0x4F00  }
0x4: {  	s15 =	simm.s32 $0x7700;
	s17 =	simm.s32 $0x1;
	s18 =	simm.s32 $0x6  }
0x5: {  	s19 =	simm.s32 $0x9F00;
	s21 =	simm.s32 $0x2;
	s22 =	simm.s32 $0x7  }
0x6: {  	s23 =	simm.s32 $0xC700;
	s28 =	simm.s32 $0xEF00;
	s29 =	simm.s32 $0x1B700  }
0x7: {  	s30 =	simm.s32 $0x4;
	s1 =	sand.u32 $0x1, s1;
	s3 =	sshll.u32 s2, $0x1  }
0x8: {  	s31 =	simm.s32 $0x9;
	s14 =	simm.s32 $0xA;
	s3 =	sor.u32 s1, s3  }
0x9: {  	s2 =	simm.s32 $0x0;
	s4 =	sadd.s32 $0x34E00, s0;
	s3 =	smul.u32 $0x2710, s3  }
0xa: {  	s5 =	sadd.s32 $0x9D0E00, s0;
	s6 =	sadd.s32 $0x5CE00, s0;
	s1 =	ssub.s32 $0x2, s1  }
0xb: {  	[smem:$0x7FF] =	sst s2;
	s24 =	sshrl.u32 s1, $0x1;
	s8 =	sshrl.u32 s3, $0x3  }
0xc: {  	_ =	strace $0x8000004D;
	s9 =	sadd.s32 s8, s0;
	s0 =	ssub.s32 s1, s24  }
0xd: {  	s26 =	sadd.s32 s7, s8;
	s24 =	simm.s32 $0x18F00;
	s1 =	simm.s32 $0xB  }
0xe: {  	s25 =	sadd.s32 $0x3000, s9;
	[dreg:$0x4] =	wrdreg s26;
	s0 =	smax.u32 s0, $0x1  }
0xf: {  	s26 =	simm.s32 $0x8;
	s9 =	simm.s32 $0x0;
	[dreg:$0x3] =	wrdreg s25  }
0x10: {  	[dreg:$0x5] =	wrdreg s0;
	s25 =	simm.s32 $0x3;
	s0 =	simm.s32 $0x5  }
.LBB2_1:
0x11: {  	[dreg:$0x6] =	wrdreg s9  }
0x12: {  	s7 =	rddreg [dreg:$0x3];
	s8 =	simm.s32 $0x10  }
0x13: {  	[tilespmem:s2], [sflag:$0x10] =	stream.linear.gather [hbm4b:s7+s2], $0x2710, $0x38;
	[tilespmem:$0x1DF00] =	vst v63  }
0x14: {  	_ =	swait.ge [sflag:s8], $0x2710  }
0x15: {  	[sflag:s8] =	ssyncset.done $0x0  }
0x16: {  	s16 =	simm.s32 $0x2780;
	s11 =	rddreg [dreg:$0x4];
	[sflag:s8] =	ssyncadd.s32 $0xFFFFD8F0  }
0x17: {  	[tilespmem:s16], [sflag:$0x10] =	stream.linear.gather [hbm4b:s11+s2], $0x2710, $0x38;
	[tilespmem:$0x1DF00] =	vst v63  }
0x18: {  	_ =	swait.ge [sflag:s8], $0x2710  }
0x19: {  	[sflag:s8] =	ssyncset.done $0x0  }
0x1a: {  	[sflag:s8] =	ssyncadd.s32 $0xFFFFD8F0  }
0x1b: {  	[tilespmem:s13], [sflag:$0x1] =	stream.indirect.gather [hbm4b:s4+s12], $0x80, s2, s12, $0xb8;
	[tilespmem:$0x1DF00] =	vst v63  }
0x1c: {  	s20 =	simm.s32 $0x11700;
	s7 =	simm.s32 $0x0  }
0x1d: {  	[tilespmem:s20], [sflag:$0x6] =	stream.indirect.gather [hbm4b:s5+s12], $0x80, s16, s12, $0xb8;
	[tilespmem:$0x1DF00] =	vst v63  }
.LBB2_2:
0x1e: {  	p0 =	seq.s32 s7, $0x0  }
0x1f: {  	s9 =	simm.s32 @!p0 $0xC  }
0x20: {  	s8 =	smul.u32 $0x190, s7;
	_ =	swait.ge @!p0 [sflag:s9], $0x2800  }
0x21: {  	[sflag:s9] =	ssyncset.done @!p0 $0x0  }
0x22: {  	[sflag:s9] =	ssyncadd.s32 @!p0 $0xFFFFD800;
	s9 =	sadd.s32 $0x50, s8  }
0x23: {  	[tilespmem:s15], [sflag:$0x2] =	stream.indirect.gather [hbm4b:s4+s12], $0x80, s9, s12, $0xb8;
	[tilespmem:$0x1DF00] =	vst v63  }
0x24: {  	s11 =	simm.s32 $0x13F00;
	s10 =	sadd.s32 $0x27D0, s8  }
0x25: {  	[tilespmem:s11], [sflag:$0x7] =	stream.indirect.gather [hbm4b:s5+s12], $0x80, s10, s12, $0xb8;
	[tilespmem:$0x1DF00] =	vst v63  }
0x26: {  	_ =	swait.ge [sflag:s17], $0x2800  }
0x27: {  	[sflag:s17] =	ssyncset.done $0x0  }
0x28: {  	[sflag:s17] =	ssyncadd.s32 $0xFFFFD800  }
0x29: {  	_ =	swait.ge [sflag:s18], $0x2800  }
0x2a: {  	[sflag:s18] =	ssyncset.done $0x0  }
0x2b: {  	s10 =	simm.s32 $0x0;
	[sflag:s18] =	ssyncadd.s32 $0xFFFFD800  }
0x2c: {  	v7 =	vld [tilespmem:s10+$0x11700]  }
0x2d: {  	v11 =	vld [tilespmem:s10+$0x11710]  }
0x2e: {  	v5 =	vld [tilespmem:s10+$0x11720]  }
0x2f: {  	v4 =	vld [tilespmem:s10+$0x11730]  }
0x30: {  	v3 =	vld [tilespmem:s10+$0x11740]  }
0x31: {  	v2 =	vld [tilespmem:s10+$0x11750]  }
0x32: {  	v1 =	vld [tilespmem:s10+$0x11760]  }
0x33: {  	v0 =	vld [tilespmem:s10+$0x11770]  }
0x34: {  	v12 =	vld [tilespmem:s10+$0x4F00]  }
0x35: {  	v13 =	vld [tilespmem:s10+$0x4F10]  }
0x36: {  	v10 =	vld [tilespmem:s10+$0x4F20]  }
0x37: {  	v9 =	vld [tilespmem:s10+$0x4F30]  }
0x38: {  	v8 =	vld [tilespmem:s10+$0x4F40]  }
0x39: {  	v6 =	vld [tilespmem:s10+$0x4F50];
	v12 =	vsub.f32 v12, v7  }
0x3a: {  	s11 =	simm.s32 $0x200;
	v11 =	vsub.f32 v13, v11;
	v7 =	vld [tilespmem:s10+$0x4F60]  }
.LBB2_3:
0x3b: {  	s16 =	sshra.s32 s11, $0x2;
	p1 =	sne.s32 s11, $0x9E00;
	[tilespmem:s10+$0x4F00] =	vst v12;
	v5 =	vsub.f32 v10, v5;
	v10 =	vld [tilespmem:s10+$0x4F70]  }
0x3c: {  	v12 =	vld [tilespmem:s16+$0x11700];
	[tilespmem:s10+$0x4F10] =	vst v11;
	v4 =	vsub.f32 v9, v4  }
0x3d: {  	v11 =	vld [tilespmem:s16+$0x11710];
	[tilespmem:s10+$0x4F20] =	vst v5;
	v3 =	vsub.f32 v8, v3  }
0x3e: {  	v5 =	vld [tilespmem:s16+$0x11720];
	[tilespmem:s10+$0x4F30] =	vst v4;
	v2 =	vsub.f32 v6, v2  }
0x3f: {  	v4 =	vld [tilespmem:s16+$0x11730];
	[tilespmem:s10+$0x4F40] =	vst v3;
	v1 =	vsub.f32 v7, v1  }
0x40: {  	v3 =	vld [tilespmem:s16+$0x11740];
	[tilespmem:s10+$0x4F50] =	vst v2;
	v0 =	vsub.f32 v10, v0  }
0x41: {  	v2 =	vld [tilespmem:s16+$0x11750];
	[tilespmem:s10+$0x4F60] =	vst v1  }
0x42: {  	v1 =	vld [tilespmem:s16+$0x11760];
	[tilespmem:s10+$0x4F70] =	vst v0;
	s10 =	smov.u32 s16  }
0x43: {  	v0 =	vld [tilespmem:s10+$0x11770]  }
0x44: {  	v6 =	vld [tilespmem:s10+$0x4F00]  }
0x45: {  	v7 =	vld [tilespmem:s10+$0x4F10]  }
.Ltmp0:
0x46: {  	v10 =	vld [tilespmem:s10+$0x4F20];
	(pc) =	sbr.rel @p1 .LBB2_3-.Ltmp0, $4  }
0x47: {  	v9 =	vld [tilespmem:s10+$0x4F30]  }
0x48: {  	v8 =	vld [tilespmem:s10+$0x4F40]  }
0x49: {  	v12 =	vsub.f32 v6, v12;
	v6 =	vld [tilespmem:s10+$0x4F50]  }
0x4a: {  	s11 =	sadd.s32 $0x200, s11;
	v11 =	vsub.f32 v7, v11;
	v7 =	vld [tilespmem:s10+$0x4F60]  }
0x4b: {  	[tilespmem:s10+$0x4F00] =	vst v12;
	v5 =	vsub.f32 v10, v5;
	v10 =	vld [tilespmem:s10+$0x4F70]  }
0x4c: {  	[tilespmem:s10+$0x4F10] =	vst v11;
	v4 =	vsub.f32 v9, v4  }
0x4d: {  	[tilespmem:s10+$0x4F20] =	vst v5;
	v3 =	vsub.f32 v8, v3  }
0x4e: {  	[tilespmem:s10+$0x4F30] =	vst v4;
	v2 =	vsub.f32 v6, v2  }
0x4f: {  	[tilespmem:s10+$0x4F40] =	vst v3;
	v1 =	vsub.f32 v7, v1  }
0x50: {  	s11 =	sadd.s32 s3, s8;
	[tilespmem:s10+$0x4F50] =	vst v2;
	v0 =	vsub.f32 v10, v0  }
0x51: {  	s11 =	sshll.u32 s11, $0x4;
	[tilespmem:s10+$0x4F60] =	vst v1  }
0x52: {  	s16 =	sadd.s32 s6, s11;
	[tilespmem:s10+$0x4F70] =	vst v0;
	s10 =	simm.s32 @!p0 $0xD  }
0x53: {  	[hbm4b:s16+s2] =	stream.linear.scatter [tilespmem:s13], [sflag:$0xB], $0x2800, $0x38;
	[tilespmem:$0x1DF00] =	vst v63  }
0x54: {  	_ =	swait.ge @!p0 [sflag:s10], $0x2800  }
0x55: {  	[sflag:s10] =	ssyncset.done @!p0 $0x0  }
0x56: {  	[sflag:s10] =	ssyncadd.s32 @!p0 $0xFFFFD800;
	s10 =	sadd.s32 $0xA0, s8  }
0x57: {  	[tilespmem:s19], [sflag:$0x3] =	stream.indirect.gather [hbm4b:s4+s12], $0x80, s10, s12, $0xb8;
	[tilespmem:$0x1DF00] =	vst v63  }
0x58: {  	s20 =	sadd.s32 $0x2820, s8;
	s16 =	simm.s32 $0x16700  }
0x59: {  	[tilespmem:s16], [sflag:$0x8] =	stream.indirect.gather [hbm4b:s5+s12], $0x80, s20, s12, $0xb8;
	[tilespmem:$0x1DF00] =	vst v63  }
0x5a: {  	_ =	swait.ge [sflag:s21], $0x2800  }
0x5b: {  	[sflag:s21] =	ssyncset.done $0x0  }
0x5c: {  	[sflag:s21] =	ssyncadd.s32 $0xFFFFD800  }
0x5d: {  	_ =	swait.ge [sflag:s22], $0x2800  }
0x5e: {  	[sflag:s22] =	ssyncset.done $0x0  }
0x5f: {  	s11 =	simm.s32 $0x0;
	[sflag:s22] =	ssyncadd.s32 $0xFFFFD800  }
0x60: {  	v7 =	vld [tilespmem:s11+$0x13F00]  }
0x61: {  	v11 =	vld [tilespmem:s11+$0x13F10]  }
0x62: {  	v5 =	vld [tilespmem:s11+$0x13F20]  }
0x63: {  	v4 =	vld [tilespmem:s11+$0x13F30]  }
0x64: {  	v3 =	vld [tilespmem:s11+$0x13F40]  }
0x65: {  	v2 =	vld [tilespmem:s11+$0x13F50]  }
0x66: {  	v1 =	vld [tilespmem:s11+$0x13F60]  }
0x67: {  	v0 =	vld [tilespmem:s11+$0x13F70]  }
0x68: {  	v12 =	vld [tilespmem:s11+$0x7700]  }
0x69: {  	v13 =	vld [tilespmem:s11+$0x7710]  }
0x6a: {  	v10 =	vld [tilespmem:s11+$0x7720]  }
0x6b: {  	v9 =	vld [tilespmem:s11+$0x7730]  }
0x6c: {  	v8 =	vld [tilespmem:s11+$0x7740]  }
0x6d: {  	v6 =	vld [tilespmem:s11+$0x7750];
	v12 =	vsub.f32 v12, v7  }
0x6e: {  	s16 =	simm.s32 $0x200;
	v11 =	vsub.f32 v13, v11;
	v7 =	vld [tilespmem:s11+$0x7760]  }
.LBB2_5:
0x6f: {  	s20 =	sshra.s32 s16, $0x2;
	p1 =	sne.s32 s16, $0x9E00;
	[tilespmem:s11+$0x7700] =	vst v12;
	v5 =	vsub.f32 v10, v5;
	v10 =	vld [tilespmem:s11+$0x7770]  }
0x70: {  	v12 =	vld [tilespmem:s20+$0x13F00];
	[tilespmem:s11+$0x7710] =	vst v11;
	v4 =	vsub.f32 v9, v4  }
0x71: {  	v11 =	vld [tilespmem:s20+$0x13F10];
	[tilespmem:s11+$0x7720] =	vst v5;
	v3 =	vsub.f32 v8, v3  }
0x72: {  	v5 =	vld [tilespmem:s20+$0x13F20];
	[tilespmem:s11+$0x7730] =	vst v4;
	v2 =	vsub.f32 v6, v2  }
0x73: {  	v4 =	vld [tilespmem:s20+$0x13F30];
	[tilespmem:s11+$0x7740] =	vst v3;
	v1 =	vsub.f32 v7, v1  }
0x74: {  	v3 =	vld [tilespmem:s20+$0x13F40];
	[tilespmem:s11+$0x7750] =	vst v2;
	v0 =	vsub.f32 v10, v0  }
0x75: {  	v2 =	vld [tilespmem:s20+$0x13F50];
	[tilespmem:s11+$0x7760] =	vst v1  }
0x76: {  	v1 =	vld [tilespmem:s20+$0x13F60];
	[tilespmem:s11+$0x7770] =	vst v0;
	s11 =	smov.u32 s20  }
0x77: {  	v0 =	vld [tilespmem:s11+$0x13F70]  }
0x78: {  	v6 =	vld [tilespmem:s11+$0x7700]  }
0x79: {  	v7 =	vld [tilespmem:s11+$0x7710]  }
.Ltmp1:
0x7a: {  	v10 =	vld [tilespmem:s11+$0x7720];
	(pc) =	sbr.rel @p1 .LBB2_5-.Ltmp1, $4  }
0x7b: {  	v9 =	vld [tilespmem:s11+$0x7730]  }
0x7c: {  	v8 =	vld [tilespmem:s11+$0x7740]  }
0x7d: {  	v12 =	vsub.f32 v6, v12;
	v6 =	vld [tilespmem:s11+$0x7750]  }
0x7e: {  	s16 =	sadd.s32 $0x200, s16;
	v11 =	vsub.f32 v7, v11;
	v7 =	vld [tilespmem:s11+$0x7760]  }
0x7f: {  	[tilespmem:s11+$0x7700] =	vst v12;
	v5 =	vsub.f32 v10, v5;
	v10 =	vld [tilespmem:s11+$0x7770]  }
0x80: {  	[tilespmem:s11+$0x7710] =	vst v11;
	v4 =	vsub.f32 v9, v4  }
0x81: {  	[tilespmem:s11+$0x7720] =	vst v5;
	v3 =	vsub.f32 v8, v3  }
0x82: {  	[tilespmem:s11+$0x7730] =	vst v4;
	v2 =	vsub.f32 v6, v2  }
0x83: {  	[tilespmem:s11+$0x7740] =	vst v3;
	v1 =	vsub.f32 v7, v1  }
0x84: {  	s9 =	sadd.s32 s3, s9;
	[tilespmem:s11+$0x7750] =	vst v2;
	v0 =	vsub.f32 v10, v0  }
0x85: {  	s9 =	sshll.u32 s9, $0x4;
	[tilespmem:s11+$0x7760] =	vst v1  }
0x86: {  	s9 =	sadd.s32 s6, s9;
	[tilespmem:s11+$0x7770] =	vst v0  }
0x87: {  	[hbm4b:s9+s2] =	stream.linear.scatter [tilespmem:s15], [sflag:$0xC], $0x2800, $0x38;
	[tilespmem:$0x1DF00] =	vst v63  }
0x88: {  	s9 =	simm.s32 @!p0 $0xE  }
0x89: {  	_ =	swait.ge @!p0 [sflag:s9], $0x2800  }
0x8a: {  	[sflag:s9] =	ssyncset.done @!p0 $0x0  }
0x8b: {  	s11 =	sadd.s32 $0xF0, s8;
	[sflag:s9] =	ssyncadd.s32 @!p0 $0xFFFFD800  }
0x8c: {  	[tilespmem:s23], [sflag:$0x4] =	stream.indirect.gather [hbm4b:s4+s12], $0x80, s11, s12, $0xb8;
	[tilespmem:$0x1DF00] =	vst v63  }
0x8d: {  	s20 =	sadd.s32 $0x2870, s8  }
0x8e: {  	[tilespmem:s24], [sflag:$0x9] =	stream.indirect.gather [hbm4b:s5+s12], $0x80, s20, s12, $0xb8;
	[tilespmem:$0x1DF00] =	vst v63  }
0x8f: {  	_ =	swait.ge [sflag:s25], $0x2800  }
0x90: {  	[sflag:s25] =	ssyncset.done $0x0  }
0x91: {  	[sflag:s25] =	ssyncadd.s32 $0xFFFFD800  }
0x92: {  	_ =	swait.ge [sflag:s26], $0x2800  }
0x93: {  	[sflag:s26] =	ssyncset.done $0x0  }
0x94: {  	s9 =	simm.s32 $0x0;
	[sflag:s26] =	ssyncadd.s32 $0xFFFFD800  }
0x95: {  	v7 =	vld [tilespmem:s9+$0x16700]  }
0x96: {  	v11 =	vld [tilespmem:s9+$0x16710]  }
0x97: {  	v5 =	vld [tilespmem:s9+$0x16720]  }
0x98: {  	v4 =	vld [tilespmem:s9+$0x16730]  }
0x99: {  	v3 =	vld [tilespmem:s9+$0x16740]  }
0x9a: {  	v2 =	vld [tilespmem:s9+$0x16750]  }
0x9b: {  	v1 =	vld [tilespmem:s9+$0x16760]  }
0x9c: {  	v0 =	vld [tilespmem:s9+$0x16770]  }
0x9d: {  	v12 =	vld [tilespmem:s9+$0x9F00]  }
0x9e: {  	v13 =	vld [tilespmem:s9+$0x9F10]  }
0x9f: {  	v10 =	vld [tilespmem:s9+$0x9F20]  }
0xa0: {  	v9 =	vld [tilespmem:s9+$0x9F30]  }
0xa1: {  	v8 =	vld [tilespmem:s9+$0x9F40]  }
0xa2: {  	v6 =	vld [tilespmem:s9+$0x9F50];
	v12 =	vsub.f32 v12, v7  }
0xa3: {  	s16 =	simm.s32 $0x200;
	v11 =	vsub.f32 v13, v11;
	v7 =	vld [tilespmem:s9+$0x9F60]  }
.LBB2_7:
0xa4: {  	s20 =	sshra.s32 s16, $0x2;
	p1 =	sne.s32 s16, $0x9E00;
	[tilespmem:s9+$0x9F00] =	vst v12;
	v5 =	vsub.f32 v10, v5;
	v10 =	vld [tilespmem:s9+$0x9F70]  }
0xa5: {  	v12 =	vld [tilespmem:s20+$0x16700];
	[tilespmem:s9+$0x9F10] =	vst v11;
	v4 =	vsub.f32 v9, v4  }
0xa6: {  	v11 =	vld [tilespmem:s20+$0x16710];
	[tilespmem:s9+$0x9F20] =	vst v5;
	v3 =	vsub.f32 v8, v3  }
0xa7: {  	v5 =	vld [tilespmem:s20+$0x16720];
	[tilespmem:s9+$0x9F30] =	vst v4;
	v2 =	vsub.f32 v6, v2  }
0xa8: {  	v4 =	vld [tilespmem:s20+$0x16730];
	[tilespmem:s9+$0x9F40] =	vst v3;
	v1 =	vsub.f32 v7, v1  }
0xa9: {  	v3 =	vld [tilespmem:s20+$0x16740];
	[tilespmem:s9+$0x9F50] =	vst v2;
	v0 =	vsub.f32 v10, v0  }
0xaa: {  	v2 =	vld [tilespmem:s20+$0x16750];
	[tilespmem:s9+$0x9F60] =	vst v1  }
0xab: {  	v1 =	vld [tilespmem:s20+$0x16760];
	[tilespmem:s9+$0x9F70] =	vst v0;
	s9 =	smov.u32 s20  }
0xac: {  	v0 =	vld [tilespmem:s9+$0x16770]  }
0xad: {  	v6 =	vld [tilespmem:s9+$0x9F00]  }
0xae: {  	v7 =	vld [tilespmem:s9+$0x9F10]  }
.Ltmp2:
0xaf: {  	v10 =	vld [tilespmem:s9+$0x9F20];
	(pc) =	sbr.rel @p1 .LBB2_7-.Ltmp2, $4  }
0xb0: {  	v9 =	vld [tilespmem:s9+$0x9F30]  }
0xb1: {  	v8 =	vld [tilespmem:s9+$0x9F40]  }
0xb2: {  	v12 =	vsub.f32 v6, v12;
	v6 =	vld [tilespmem:s9+$0x9F50]  }
0xb3: {  	s16 =	sadd.s32 $0x200, s16;
	v11 =	vsub.f32 v7, v11;
	v7 =	vld [tilespmem:s9+$0x9F60]  }
0xb4: {  	[tilespmem:s9+$0x9F00] =	vst v12;
	v5 =	vsub.f32 v10, v5;
	v10 =	vld [tilespmem:s9+$0x9F70]  }
0xb5: {  	[tilespmem:s9+$0x9F10] =	vst v11;
	v4 =	vsub.f32 v9, v4  }
0xb6: {  	[tilespmem:s9+$0x9F20] =	vst v5;
	v3 =	vsub.f32 v8, v3  }
0xb7: {  	[tilespmem:s9+$0x9F30] =	vst v4;
	v2 =	vsub.f32 v6, v2  }
0xb8: {  	[tilespmem:s9+$0x9F40] =	vst v3;
	v1 =	vsub.f32 v7, v1  }
0xb9: {  	s10 =	sadd.s32 s3, s10;
	[tilespmem:s9+$0x9F50] =	vst v2;
	v0 =	vsub.f32 v10, v0  }
0xba: {  	s10 =	sshll.u32 s10, $0x4;
	[tilespmem:s9+$0x9F60] =	vst v1  }
0xbb: {  	s16 =	sadd.s32 s6, s10;
	[tilespmem:s9+$0x9F70] =	vst v0;
	s9 =	simm.s32 @!p0 $0xF  }
0xbc: {  	[hbm4b:s16+s2] =	stream.linear.scatter [tilespmem:s19], [sflag:$0xD], $0x2800, $0x38;
	[tilespmem:$0x1DF00] =	vst v63  }
0xbd: {  	_ =	swait.ge @!p0 [sflag:s9], $0x2800  }
0xbe: {  	[sflag:s9] =	ssyncset.done @!p0 $0x0  }
0xbf: {  	[sflag:s9] =	ssyncadd.s32 @!p0 $0xFFFFD800;
	s9 =	sadd.s32 $0x140, s8  }
0xc0: {  	[tilespmem:s28], [sflag:$0x5] =	stream.indirect.gather [hbm4b:s4+s12], $0x80, s9, s12, $0xb8;
	[tilespmem:$0x1DF00] =	vst v63  }
0xc1: {  	s20 =	sadd.s32 $0x28C0, s8  }
0xc2: {  	[tilespmem:s29], [sflag:$0xA] =	stream.indirect.gather [hbm4b:s5+s12], $0x80, s20, s12, $0xb8;
	[tilespmem:$0x1DF00] =	vst v63  }
0xc3: {  	_ =	swait.ge [sflag:s30], $0x2800  }
0xc4: {  	[sflag:s30] =	ssyncset.done $0x0  }
0xc5: {  	[sflag:s30] =	ssyncadd.s32 $0xFFFFD800  }
0xc6: {  	_ =	swait.ge [sflag:s31], $0x2800  }
0xc7: {  	[sflag:s31] =	ssyncset.done $0x0  }
0xc8: {  	s10 =	simm.s32 $0x0;
	[sflag:s31] =	ssyncadd.s32 $0xFFFFD800  }
0xc9: {  	v7 =	vld [tilespmem:s10+$0x18F00]  }
0xca: {  	v11 =	vld [tilespmem:s10+$0x18F10]  }
0xcb: {  	v5 =	vld [tilespmem:s10+$0x18F20]  }
0xcc: {  	v4 =	vld [tilespmem:s10+$0x18F30]  }
0xcd: {  	v3 =	vld [tilespmem:s10+$0x18F40]  }
0xce: {  	v2 =	vld [tilespmem:s10+$0x18F50]  }
0xcf: {  	v1 =	vld [tilespmem:s10+$0x18F60]  }
0xd0: {  	v0 =	vld [tilespmem:s10+$0x18F70]  }
0xd1: {  	v12 =	vld [tilespmem:s10+$0xC700]  }
0xd2: {  	v13 =	vld [tilespmem:s10+$0xC710]  }
0xd3: {  	v10 =	vld [tilespmem:s10+$0xC720]  }
0xd4: {  	v9 =	vld [tilespmem:s10+$0xC730]  }
0xd5: {  	v8 =	vld [tilespmem:s10+$0xC740]  }
0xd6: {  	v6 =	vld [tilespmem:s10+$0xC750];
	v12 =	vsub.f32 v12, v7  }
0xd7: {  	s16 =	simm.s32 $0x200;
	v11 =	vsub.f32 v13, v11;
	v7 =	vld [tilespmem:s10+$0xC760]  }
.LBB2_9:
0xd8: {  	s20 =	sshra.s32 s16, $0x2;
	p0 =	sne.s32 s16, $0x9E00;
	[tilespmem:s10+$0xC700] =	vst v12;
	v5 =	vsub.f32 v10, v5;
	v10 =	vld [tilespmem:s10+$0xC770]  }
0xd9: {  	v12 =	vld [tilespmem:s20+$0x18F00];
	[tilespmem:s10+$0xC710] =	vst v11;
	v4 =	vsub.f32 v9, v4  }
0xda: {  	v11 =	vld [tilespmem:s20+$0x18F10];
	[tilespmem:s10+$0xC720] =	vst v5;
	v3 =	vsub.f32 v8, v3  }
0xdb: {  	v5 =	vld [tilespmem:s20+$0x18F20];
	[tilespmem:s10+$0xC730] =	vst v4;
	v2 =	vsub.f32 v6, v2  }
0xdc: {  	v4 =	vld [tilespmem:s20+$0x18F30];
	[tilespmem:s10+$0xC740] =	vst v3;
	v1 =	vsub.f32 v7, v1  }
0xdd: {  	v3 =	vld [tilespmem:s20+$0x18F40];
	[tilespmem:s10+$0xC750] =	vst v2;
	v0 =	vsub.f32 v10, v0  }
0xde: {  	v2 =	vld [tilespmem:s20+$0x18F50];
	[tilespmem:s10+$0xC760] =	vst v1  }
0xdf: {  	v1 =	vld [tilespmem:s20+$0x18F60];
	[tilespmem:s10+$0xC770] =	vst v0;
	s10 =	smov.u32 s20  }
0xe0: {  	v0 =	vld [tilespmem:s10+$0x18F70]  }
0xe1: {  	v6 =	vld [tilespmem:s10+$0xC700]  }
0xe2: {  	v7 =	vld [tilespmem:s10+$0xC710]  }
.Ltmp3:
0xe3: {  	v10 =	vld [tilespmem:s10+$0xC720];
	(pc) =	sbr.rel @p0 .LBB2_9-.Ltmp3, $4  }
0xe4: {  	v9 =	vld [tilespmem:s10+$0xC730]  }
0xe5: {  	v8 =	vld [tilespmem:s10+$0xC740]  }
0xe6: {  	v12 =	vsub.f32 v6, v12;
	v6 =	vld [tilespmem:s10+$0xC750]  }
0xe7: {  	s16 =	sadd.s32 $0x200, s16;
	v11 =	vsub.f32 v7, v11;
	v7 =	vld [tilespmem:s10+$0xC760]  }
0xe8: {  	[tilespmem:s10+$0xC700] =	vst v12;
	v5 =	vsub.f32 v10, v5;
	v10 =	vld [tilespmem:s10+$0xC770]  }
0xe9: {  	[tilespmem:s10+$0xC710] =	vst v11;
	v4 =	vsub.f32 v9, v4  }
0xea: {  	[tilespmem:s10+$0xC720] =	vst v5;
	v3 =	vsub.f32 v8, v3  }
0xeb: {  	[tilespmem:s10+$0xC730] =	vst v4;
	v2 =	vsub.f32 v6, v2  }
0xec: {  	[tilespmem:s10+$0xC740] =	vst v3;
	v1 =	vsub.f32 v7, v1  }
0xed: {  	s11 =	sadd.s32 s3, s11;
	[tilespmem:s10+$0xC750] =	vst v2;
	v0 =	vsub.f32 v10, v0  }
0xee: {  	s11 =	sshll.u32 s11, $0x4;
	[tilespmem:s10+$0xC760] =	vst v1  }
0xef: {  	s20 =	sadd.s32 s6, s11;
	[tilespmem:s10+$0xC770] =	vst v0  }
0xf0: {  	[hbm4b:s20+s2] =	stream.linear.scatter [tilespmem:s23], [sflag:$0xE], $0x2800, $0x38;
	[tilespmem:$0x1DF00] =	vst v63  }
0xf1: {  	p0 =	seq.s32 s7, $0x18;
	_ =	swait.ge [sflag:s1], $0x2800  }
0xf2: {  	s16 =	simm.s32 @!p0 $0x4F00;
	[sflag:s1] =	ssyncset.done $0x0  }
0xf3: {  	s11 =	simm.s32 @!p0 $0x50;
	s10 =	sadd.s32 @!p0 $0x190, s8;
	[sflag:s1] =	ssyncadd.s32 $0xFFFFD800  }
0xf4: {  	[tilespmem:s16], [sflag:$0x1] =	stream.indirect.gather @!p0 [hbm4b:s4+s11], $0x80, s10, s11, $0xb8;
	[tilespmem:$0x1DF00] =	vst v63  }
0xf5: {  	s8 =	sadd.s32 @!p0 $0x2910, s8;
	s10 =	simm.s32 @!p0 $0x11700  }
0xf6: {  	[tilespmem:s10], [sflag:$0x6] =	stream.indirect.gather @!p0 [hbm4b:s5+s11], $0x80, s8, s11, $0xb8;
	[tilespmem:$0x1DF00] =	vst v63  }
0xf7: {  	_ =	swait.ge [sflag:s0], $0x2800  }
0xf8: {  	[sflag:s0] =	ssyncset.done $0x0  }
0xf9: {  	[sflag:s0] =	ssyncadd.s32 $0xFFFFD800  }
0xfa: {  	_ =	swait.ge [sflag:s14], $0x2800  }
0xfb: {  	[sflag:s14] =	ssyncset.done $0x0  }
0xfc: {  	s8 =	simm.s32 $0x0;
	[sflag:s14] =	ssyncadd.s32 $0xFFFFD800  }
0xfd: {  	v7 =	vld [tilespmem:s8+$0x1B700]  }
0xfe: {  	v11 =	vld [tilespmem:s8+$0x1B710]  }
0xff: {  	v5 =	vld [tilespmem:s8+$0x1B720]  }
0x100: {  	v4 =	vld [tilespmem:s8+$0x1B730]  }
0x101: {  	v3 =	vld [tilespmem:s8+$0x1B740]  }
0x102: {  	v2 =	vld [tilespmem:s8+$0x1B750]  }
0x103: {  	v1 =	vld [tilespmem:s8+$0x1B760]  }
0x104: {  	v0 =	vld [tilespmem:s8+$0x1B770]  }
0x105: {  	v12 =	vld [tilespmem:s8+$0xEF00]  }
0x106: {  	v13 =	vld [tilespmem:s8+$0xEF10]  }
0x107: {  	v10 =	vld [tilespmem:s8+$0xEF20]  }
0x108: {  	v9 =	vld [tilespmem:s8+$0xEF30]  }
0x109: {  	v8 =	vld [tilespmem:s8+$0xEF40]  }
0x10a: {  	v6 =	vld [tilespmem:s8+$0xEF50];
	v12 =	vsub.f32 v12, v7  }
0x10b: {  	s10 =	simm.s32 $0x200;
	v11 =	vsub.f32 v13, v11;
	v7 =	vld [tilespmem:s8+$0xEF60]  }
.LBB2_11:
0x10c: {  	s11 =	sshra.s32 s10, $0x2;
	p0 =	sne.s32 s10, $0x9E00;
	[tilespmem:s8+$0xEF00] =	vst v12;
	v5 =	vsub.f32 v10, v5;
	v10 =	vld [tilespmem:s8+$0xEF70]  }
0x10d: {  	v12 =	vld [tilespmem:s11+$0x1B700];
	[tilespmem:s8+$0xEF10] =	vst v11;
	v4 =	vsub.f32 v9, v4  }
0x10e: {  	v11 =	vld [tilespmem:s11+$0x1B710];
	[tilespmem:s8+$0xEF20] =	vst v5;
	v3 =	vsub.f32 v8, v3  }
0x10f: {  	v5 =	vld [tilespmem:s11+$0x1B720];
	[tilespmem:s8+$0xEF30] =	vst v4;
	v2 =	vsub.f32 v6, v2  }
0x110: {  	v4 =	vld [tilespmem:s11+$0x1B730];
	[tilespmem:s8+$0xEF40] =	vst v3;
	v1 =	vsub.f32 v7, v1  }
0x111: {  	v3 =	vld [tilespmem:s11+$0x1B740];
	[tilespmem:s8+$0xEF50] =	vst v2;
	v0 =	vsub.f32 v10, v0  }
0x112: {  	v2 =	vld [tilespmem:s11+$0x1B750];
	[tilespmem:s8+$0xEF60] =	vst v1  }
0x113: {  	v1 =	vld [tilespmem:s11+$0x1B760];
	[tilespmem:s8+$0xEF70] =	vst v0;
	s8 =	smov.u32 s11  }
0x114: {  	v0 =	vld [tilespmem:s8+$0x1B770]  }
0x115: {  	v6 =	vld [tilespmem:s8+$0xEF00]  }
0x116: {  	v7 =	vld [tilespmem:s8+$0xEF10]  }
.Ltmp4:
0x117: {  	v10 =	vld [tilespmem:s8+$0xEF20];
	(pc) =	sbr.rel @p0 .LBB2_11-.Ltmp4, $4  }
0x118: {  	v9 =	vld [tilespmem:s8+$0xEF30]  }
0x119: {  	v8 =	vld [tilespmem:s8+$0xEF40]  }
0x11a: {  	v12 =	vsub.f32 v6, v12;
	v6 =	vld [tilespmem:s8+$0xEF50]  }
0x11b: {  	s10 =	sadd.s32 $0x200, s10;
	v11 =	vsub.f32 v7, v11;
	v7 =	vld [tilespmem:s8+$0xEF60]  }
0x11c: {  	[tilespmem:s8+$0xEF00] =	vst v12;
	v5 =	vsub.f32 v10, v5;
	v63 =	vld [tilespmem:s8+$0xEF70]  }
0x11d: {  	[tilespmem:s8+$0xEF10] =	vst v11;
	v4 =	vsub.f32 v9, v4  }
0x11e: {  	s7 =	sadd.s32 $0x1, s7;
	[tilespmem:s8+$0xEF20] =	vst v5;
	v3 =	vsub.f32 v8, v3  }
0x11f: {  	p0 =	sne.s32 s7, $0x19;
	[tilespmem:s8+$0xEF30] =	vst v4;
	v2 =	vsub.f32 v6, v2  }
.Ltmp5:
0x120: {  	[tilespmem:s8+$0xEF40] =	vst v3;
	v1 =	vsub.f32 v7, v1;
	(pc) =	sbr.rel @p0 .LBB2_2-.Ltmp5, $4  }
0x121: {  	s9 =	sadd.s32 s3, s9;
	[tilespmem:s8+$0xEF50] =	vst v2;
	v0 =	vsub.f32 v63, v0  }
0x122: {  	s9 =	sshll.u32 s9, $0x4;
	[tilespmem:s8+$0xEF60] =	vst v1  }
0x123: {  	s20 =	sadd.s32 s6, s9;
	[tilespmem:s8+$0xEF70] =	vst v0  }
0x124: {  	[hbm4b:s20+s2] =	stream.linear.scatter [tilespmem:s28], [sflag:$0xF], $0x2800, $0x38;
	[tilespmem:$0x1DF00] =	vst v63  }
0x125: {  	s7 =	simm.s32 $0xC  }
0x126: {  	_ =	swait.ge [sflag:s7], $0x2800  }
0x127: {  	[sflag:s7] =	ssyncset.done $0x0  }
0x128: {  	s11 =	simm.s32 $0xD;
	[sflag:s7] =	ssyncadd.s32 $0xFFFFD800  }
0x129: {  	_ =	swait.ge [sflag:s11], $0x2800  }
0x12a: {  	[sflag:s11] =	ssyncset.done $0x0  }
0x12b: {  	s16 =	simm.s32 $0xE;
	[sflag:s11] =	ssyncadd.s32 $0xFFFFD800  }
0x12c: {  	_ =	swait.ge [sflag:s16], $0x2800  }
0x12d: {  	[sflag:s16] =	ssyncset.done $0x0  }
0x12e: {  	s8 =	simm.s32 $0xF;
	[sflag:s16] =	ssyncadd.s32 $0xFFFFD800  }
0x12f: {  	_ =	swait.ge [sflag:s8], $0x2800  }
0x130: {  	s9 =	rddreg [dreg:$0x6]  }
0x131: {  	s20 =	rddreg [dreg:$0x5];
	s9 =	sadd.s32 $0x1, s9  }
0x132: {  	p0 =	sne.s32 s9, s20  }
.Ltmp6:
0x133: {  	_ = 	snop;
	(pc) =	sbr.rel @p0 .LBB2_1-.Ltmp6, $3  }
0x134: {  	_ =	sdelay $0x1  }
0x135: {  	[sflag:s8] =	ssyncset.done $0x0  }
0x136: {  	[sflag:s8] =	ssyncadd.s32 $0xFFFFD800  }
0x137: {  	_ =	sfence.sel $0x180000  }
0x138: {  	[bflag:$0x0] =	sbarrier.arrive $0xFFFF  }
0x139: {  	_ =	strace $0x9000004D  }
0x13a: {  	s0 =	stileid.u32;
	[bflag:$0x2] =	sbarrier.arrive $0xFFFF  }
0x13b: {  	p0 =	sne.s32 s0, $0x0;
	s0 =	rddreg [dreg:$0x2]  }
0x13c: {  	s0 =	sadd.s32 @!p0 $0x100000, s0  }
0x13d: {  	[sflag:s0] =	ssyncadd.tile.s32 @!p0 $0x1;
	_ =	shalt  }
.Lfunc_end2:
_tile_overlayer_lowered:
.L_overlay_start_2:
0x13e: {  	(tag) =	ssettag $0x2  }
0x13f: {  	s0 =	rddreg [dreg:$0x0];
	s2 =	stileid.u32  }
0x140: {  	s1 =	rddreg [dreg:$0x1];
	p0 =	sne.s32 s2, $0x0  }
0x141: {  	s3 =	rddreg [dreg:$0x2];
	[bflag:$0x3] =	sbarrier.arrive $0xFFFF;
	s2 =	simm.s32 @!p0 $0x1C10  }
0x142: {  	[timem:s3], [sflag:s2] =	dma.local @!p0 [hbm:s0], s1  }
0x143: {  	s0 =	simm.s32 @!p0 $0x10  }
0x144: {  	_ =	swait.ge @!p0 [sflag:s0], s1  }
0x145: {  	s1 =	ssub.s32 @!p0 $0x0, s1;
	[sflag:s0] =	ssyncset.done @!p0 $0x0  }
0x146: {  	[sflag:s0] =	ssyncadd.s32 @!p0 s1  }
0x147: {  	[bflag:$0x3] =	sbarrier.arrive $0xFFFF  }
0x148: {  	_ =	shalt  }

// kernel: kernel.23.cloned.1.call-start
scs
__scs_entry_jumppad:
0x0: {  	(pc) =	sbr.rel $0x88, $3  }
0x1: {  	(tag) =	ssettag $0x0;
	lr =	simm.s32 $0x1  }
0x2: {  	[smem:$0x3F97] =	sst lr;
	_ =	strace $0xD0000000  }
0x3: {  	_ = 	snop  }
0x4: {  	_ = 	snop  }
0x5: {  	_ = 	snop  }
0x6: {  	_ = 	snop  }
0x7: {  	_ = 	snop  }
__scs_overlays_trampoline_lowered:
0x8: {  	[smem:$0x3FA6] =	sst s0  }
0x9: {  	[smem:$0x3FA7] =	sst s1  }
0xa: {  	[smem:$0x3FA8] =	sst s2  }
0xb: {  	[smem:$0x3FA9] =	sst s3  }
0xc: {  	[smem:$0x3FAA] =	sst s4  }
0xd: {  	[smem:$0x3FAB] =	sst s5  }
0xe: {  	[smem:$0x3FAC] =	sst s6  }
0xf: {  	[smem:$0x3FAD] =	sst s7  }
0x10: {  	[smem:$0x3FAE] =	sst s8  }
0x11: {  	[smem:$0x3FAF] =	sst s9;
	s0 =	simm.s32 @!p0 $0x0  }
0x12: {  	s1 =	sld [smem:$0x3F95];
	s0 =	simm.s32 @p0 $0x1  }
0x13: {  	[smem:$0x3FB0] =	sst s0;
	s0 =	simm.s32 @!p1 $0x0  }
0x14: {  	s2 =	sld [smem:$0x3F94];
	s0 =	simm.s32 @p1 $0x1  }
0x15: {  	[smem:$0x3FB1] =	sst s0;
	s0 =	simm.s32 @!p2 $0x0  }
0x16: {  	s3 =	sld [smem:$0x3FDB];
	s0 =	simm.s32 @p2 $0x1  }
0x17: {  	s4 =	simm.s32 $0x1BF5;
	[smem:$0x3FB3] =	sst s0  }
0x18: {  	s0 =	sld [smem:$0x3F96];
	_ =	swait.ge [sflag:s4], $0x0  }
0x19: {  	s7 =	sld [smem:$0x3F97]  }
0x1a: {  	s8 =	sadd.s32 $0xFFFFE003, lr  }
0x1b: {  	s9 =	sadd.s32 $0xFFFFFEF7, lr;
	s5 =	simm.s32 $0xFFFFFFFF;
	p2 =	slt.u32 s8, $0xFFFFF086  }
0x1c: {  	p1 =	slt.u32 s9, $0xF7A;
	s5 =	simm.s32 @!p2 $0x0  }
0x1d: {  	s5 =	simm.s32 @p1 $0x1;
	p0 =	seq.s32 s7, s2  }
0x1e: {  	s7 =	smul.u32 @!p0 $0xF7A, s2;
	p2 =	seq.s32 @!p0 s5, $0x0  }
0x1f: {  	s9 =	smul.u32 $0xF7A, s1;
	s8 =	simm.s32 @!p0 $0x1BF5;
	p2 =	por !p2, p0  }
0x20: {  	[sflag:s8] =	ssyncset.s32 @!p0 $0xFFFFF086;
	s6 =	sadd.s32 @!p0 s3, s7;
	s7 =	simm.s32 @!p0 $0x108  }
0x21: {  	s3 =	sadd.s32 s3, s9;
	s6 =	sadd.s32 @!p0 $0x88, s6;
	s7 =	simm.s32 @p2 $0x1082  }
0x22: {  	[simem:s7], [sflag:s8] =	dma.local @!p0 [hbm:s6], $0xF7A  }
0x23: {  	s9 =	sor.u32 $0xD0000000, s2;
	s6 =	simm.s32 $0x108;
	_ =	swait.ge @!p0 [sflag:s8], $0x0  }
0x24: {  	s3 =	sadd.s32 $0x88, s3;
	s6 =	simm.s32 @!p1 $0x1082;
	[sflag:s4] =	ssyncset.s32 $0xFFFFF086  }
0x25: {  	[simem:s6], [sflag:s4] =	dma.local [hbm:s3], $0xF7A  }
0x26: {  	[smem:$0x3F97] =	sst s1;
	(tag) =	ssettag s2;
	_ =	strace s9  }
0x27: {  	s1 =	sld [smem:$0x3FA7]  }
0x28: {  	s2 =	sld [smem:$0x3FA8]  }
0x29: {  	s4 =	sld [smem:$0x3FAA]  }
0x2a: {  	p0 =	seq.s32 s5, $0x0;
	s5 =	sld [smem:$0x3FAB]  }
0x2b: {  	s6 =	sld [smem:$0x3FAC]  }
0x2c: {  	s7 =	sld [smem:$0x3FAD]  }
0x2d: {  	s3 =	simm.s32 $0x108;
	s8 =	sld [smem:$0x3FAE]  }
0x2e: {  	s3 =	simm.s32 @!p0 $0x1082;
	s9 =	sld [smem:$0x3FAF]  }
0x2f: {  	lr =	sadd.s32 s0, s3;
	s0 =	sld [smem:$0x3FA6]  }
0x30: {  	s3 =	sld [smem:$0x3FA9]  }
0x31: {  	[smem:$0x3FB2] =	sst s10  }
0x32: {  	s10 =	sld [smem:$0x3FB0];
	_ =	sdelay $0x3  }
0x33: {  	p0 =	seq.s32 s10, $0x1;
	s10 =	sld [smem:$0x3FB2];
	_ =	sdelay $0x3  }
0x34: {  	[smem:$0x3FB2] =	sst s10  }
0x35: {  	s10 =	sld [smem:$0x3FB1];
	_ =	sdelay $0x3  }
0x36: {  	p1 =	seq.s32 s10, $0x1;
	s10 =	sld [smem:$0x3FB2];
	_ =	sdelay $0x3  }
0x37: {  	[smem:$0x3FB2] =	sst s10  }
0x38: {  	s10 =	sld [smem:$0x3FB3]  }
0x39: {  	_ = 	snop;
	(pc) =	sbr.ind lr, $3  }
0x3a: {  	_ = 	snop  }
0x3b: {  	_ = 	snop  }
0x3c: {  	p2 =	seq.s32 s10, $0x1;
	s10 =	sld [smem:$0x3FB2]  }
0x3d: {  	_ =	shalt  }
0x3e: {  	_ =	shalt  }
0x3f: {  	_ =	shalt  }
0x40: {  	_ =	shalt  }
0x41: {  	_ =	shalt  }
0x42: {  	_ =	shalt  }
0x43: {  	_ =	shalt  }
0x44: {  	_ =	shalt  }
0x45: {  	_ =	shalt  }
0x46: {  	_ =	shalt  }
0x47: {  	_ =	shalt  }
0x48: {  	_ =	shalt  }
0x49: {  	_ =	shalt  }
0x4a: {  	_ =	shalt  }
0x4b: {  	_ =	shalt  }
0x4c: {  	_ =	shalt  }
0x4d: {  	_ =	shalt  }
0x4e: {  	_ =	shalt  }
0x4f: {  	_ =	shalt  }
0x50: {  	_ =	shalt  }
0x51: {  	_ =	shalt  }
0x52: {  	_ =	shalt  }
0x53: {  	_ =	shalt  }
0x54: {  	_ =	shalt  }
0x55: {  	_ =	shalt  }
0x56: {  	_ =	shalt  }
0x57: {  	_ =	shalt  }
0x58: {  	_ =	shalt  }
0x59: {  	_ =	shalt  }
0x5a: {  	_ =	shalt  }
0x5b: {  	_ =	shalt  }
0x5c: {  	_ =	shalt  }
0x5d: {  	_ =	shalt  }
0x5e: {  	_ =	shalt  }
0x5f: {  	_ =	shalt  }
0x60: {  	_ =	shalt  }
0x61: {  	_ =	shalt  }
0x62: {  	_ =	shalt  }
0x63: {  	_ =	shalt  }
0x64: {  	_ =	shalt  }
0x65: {  	_ =	shalt  }
0x66: {  	_ =	shalt  }
0x67: {  	_ =	shalt  }
0x68: {  	_ =	shalt  }
0x69: {  	_ =	shalt  }
0x6a: {  	_ =	shalt  }
0x6b: {  	_ =	shalt  }
0x6c: {  	_ =	shalt  }
0x6d: {  	_ =	shalt  }
0x6e: {  	_ =	shalt  }
0x6f: {  	_ =	shalt  }
0x70: {  	_ =	shalt  }
0x71: {  	_ =	shalt  }
0x72: {  	_ =	shalt  }
0x73: {  	_ =	shalt  }
0x74: {  	_ =	shalt  }
0x75: {  	_ =	shalt  }
0x76: {  	_ =	shalt  }
0x77: {  	_ =	shalt  }
0x78: {  	_ =	shalt  }
0x79: {  	_ =	shalt  }
0x7a: {  	_ =	shalt  }
0x7b: {  	_ =	shalt  }
0x7c: {  	_ =	shalt  }
0x7d: {  	_ =	shalt  }
0x7e: {  	_ =	shalt  }
0x7f: {  	_ =	shalt  }
0x80: {  	_ =	shalt  }
0x81: {  	_ =	shalt  }
0x82: {  	_ =	shalt  }
0x83: {  	_ =	shalt  }
0x84: {  	_ =	shalt  }
0x85: {  	_ =	shalt  }
0x86: {  	_ =	shalt  }
0x87: {  	_ =	shalt  }
.Lfunc_end0:
.L_simem_size_0:
called_computation.3_lowered:
.L_overlay_start_0:
0x88: {  	s2 =	sld [smem:$0x3FD9]  }
0x89: {  	s3 =	sld [smem:$0x3FFE];
	_ =	sdelay $0x1  }
0x8a: {  	s1 =	srdreg.scid  }
0x8b: {  	s0 =	sand.u32 $0x1, s1  }
0x8c: {  	s17 =	sshll.u32 s0, $0xA;
	s2 =	sadd.s32 s3, s2  }
0x8d: {  	s2 =	sadd.s32 s2, s17  }
0x8e: {  	[smem:$0x3FBE] =	sst s2  }
0x8f: {  	_ = 	snop  }
0x90: {  	s2 =	sld [smem:$0x3FD0];
	(tm) =	ssettm $0x1  }
0x91: {  	s18 =	sld [smem:$0x3FFB];
	_ =	sdelay $0x3  }
0x92: {  	_ =	strace s18  }
0x93: {  	s3 =	sld [smem:$0x3FFC];
	_ =	sdelay $0x3  }
0x94: {  	_ =	strace s3  }
0x95: {  	s3 =	sld [smem:$0x3FFD];
	_ =	sdelay $0x3  }
0x96: {  	_ =	strace s3  }
0x97: {  	_ =	strace $0x8FFFFFFF  }
0x98: {  	s19 =	sld [smem:$0x3FDB];
	_ =	sdelay $0x1  }
0x99: {  	s4 =	simm.s32 $_scs_section_size  }
0x9a: {  	s5 =	simm.s32 $_size__tile_overlayer_lowered;
	s6 =	simm.s32 $_tile_overlayer_lowered  }
0x9b: {  	s22 =	simm.s32 $0x1BFF;
	s21 =	sshll.u32 s6, $0x1;
	s3 =	sadd.s32 s4, s19  }
0x9c: {  	s7 =	simm.s32 $0x0;
	s20 =	sshll.u32 s5, $0x1;
	s5 =	sadd.s32 s21, s3  }
0x9d: {  	[timem:s7], [sflag:s22] =	dma.local [hbm:s5], s20  }
0x9e: {  	_ =	swait.ge [sflag:s22], s20  }
0x9f: {  	s4 =	ssub.s32 $0x0, s20;
	[sflag:s22] =	ssyncset.done $0x0  }
0xa0: {  	[sflag:s22] =	ssyncadd.s32 s4;
	_ =	sdelay $0x1  }
0xa1: {  	s23 =	simm.s32 $0x1B8B  }
0xa2: {  	_ =	swait.ge [sflag:s23], $0x1  }
0xa3: {  	[sflag:s23] =	ssyncset.done $0x0  }
0xa4: {  	s25 =	simm.s32 $0x1B8E;
	s24 =	sld [smem:$0x3FFE];
	[sflag:s23] =	ssyncadd.s32 $0xFFFFFFFF  }
0xa5: {  	s26 =	simm.s32 $execute0_lowered;
	[smem:$0x3FD2] =	sst s25  }
0xa6: {  	s5 =	sshll.u32 s26, $0x1;
	_ =	strace $0x8000004F;
	[dreg:$0x1] =	wrdreg $0xFFFFFFFF  }
0xa7: {  	s28 =	simm.s32 $_size_execute0_lowered;
	s3 =	sadd.s32 s3, s5;
	[dreg:$0x0] =	wrdreg $0x0  }
0xa8: {  	s5 =	sshll.u32 s28, $0x1;
	[dreg:$0x2] =	wrdreg s3  }
0xa9: {  	[dreg:$0x3] =	wrdreg s5  }
0xaa: {  	[dreg:$0x4] =	wrdreg $0xC0  }
0xab: {  	_ =	task [dreg:s7], $0x5FFFF  }
0xac: {  	[dreg:$0x1] =	wrdreg $0xFFFFFFFF  }
0xad: {  	[dreg:$0x0] =	wrdreg $0x60  }
0xae: {  	[dreg:$0x2] =	wrdreg s24  }
0xaf: {  	[dreg:$0x3] =	wrdreg s2  }
0xb0: {  	[dreg:$0x4] =	wrdreg $0x78800  }
0xb1: {  	[dreg:$0x5] =	wrdreg $0x9  }
0xb2: {  	_ =	task.clear_ibuf [dreg:s7], $0x6FFFF;
	_ =	strace $0x9000004F  }
0xb3: {  	s29 =	simm.s32 $0x9;
	_ =	strace $0x80000051  }
0xb4: {  	_ =	swait.ge [sflag:s29], $0x1  }
0xb5: {  	[sflag:s29] =	ssyncadd.s32 $0xFFFFFFFF  }
0xb6: {  	_ =	strace $0x90000051  }
0xb7: {  	_ =	sfence  }
0xb8: {  	s30 =	sld [smem:$0x0];
	_ =	sdelay $0x2  }
0xb9: {  	s31 =	sshll.u32 s1, $0xD;
	s1 =	sshrl.u32 s1, $0x2  }
0xba: {  	s3 =	sand.u32 $0x4000, s31;
	s1 =	sadd.s32 s1, s30  }
0xbb: {  	s0 =	sor.u32 s3, s0;
	s1 =	sshll.u32 s1, $0x11  }
0xbc: {  	s0 =	sor.u32 s1, s0  }
0xbd: {  	s0 =	sadd.s32 $0x8F2B, s0  }
0xbe: {  	[sflag:s0] =	ssyncadd.remote.s32 $0x1  }
0xbf: {  	_ =	sfence.sel $0xFFFF  }
0xc0: {  	[dreg:$0x0] =	wrdreg $0xFFFFFFFF;
	(pc) =	sbr.abs _section_cstart, $3  }
0xc1: {  	[dreg:$0x1] =	wrdreg $0xFFFFFFFF  }
0xc2: {  	_ =	task.clear_ibuf [dreg:s7], $0x2FFFF;
	_ =	strace $0x9FFFFFFF  }
0xc3: {  	(tm) =	ssettm $0x7FFFFFFF  }
tec
execute0_lowered:
.L_overlay_start_1:
0x0: {  	(tag) =	ssettag $0x1  }
0x1: {  	s4 =	rddreg [dreg:$0x0]  }
0x2: {  	s6 =	rddreg [dreg:$0x1]  }
0x3: {  	s2 =	rddreg [dreg:$0x2]  }
0x4: {  	s0 =	rddreg [dreg:$0x3]  }
0x5: {  	s1 =	stileid.u32;
	s5 =	srdreg.scid  }
0x6: {  	s3 =	simm.s32 $0x0;
	s16 =	simm.s32 $0x5080;
	s17 =	simm.s32 $0x1  }
0x7: {  	s18 =	simm.s32 $0x50;
	s19 =	simm.s32 $0x2780;
	s20 =	simm.s32 $0x3  }
0x8: {  	s21 =	simm.s32 $0x2;
	s7 =	smul.u32 $0x14000, s1;
	s8 =	sand.u32 $0x1, s5  }
0x9: {  	[smem:$0x7FF] =	sst s3;
	s10 =	sadd.s32 $0x53EE00, s4;
	s23 =	smul.u32 $0x50000, s1  }
0xa: {  	s25 =	sshll.u32 s1, $0x1;
	s28 =	sshll.u32 s1, $0x6;
	s15 =	smul.u32 $0x4E200, s1  }
0xb: {  	s5 =	smul.u32 $0x140000, s8;
	_ =	strace $0x80000050;
	s24 =	ssub.s32 $0x2, s8  }
0xc: {  	s30 =	smul.u32 $0x27100, s8;
	s9 =	sshrl.u32 s7, $0x3;
	s12 =	sshrl.u32 s24, $0x1  }
0xd: {  	s31 =	sadd.s32 s15, s10;
	s15 =	simm.s32 $0x2880;
	s5 =	sadd.s32 s7, s5  }
0xe: {  	s22 =	sadd.s32 s9, s4;
	s9 =	sshrl.u32 s23, $0x2;
	s12 =	ssub.s32 s24, s12  }
0xf: {  	s23 =	simm.s32 $0x4;
	s24 =	simm.s32 $0x0;
	s5 =	sshrl.u32 s5, $0x3  }
0x10: {  	s13 =	sadd.s32 s9, s2;
	s11 =	sadd.s32 s5, s4;
	s5 =	sor.u32 s8, s25  }
0x11: {  	s9 =	smax.u32 s12, $0x1;
	s12 =	sadd.s32 s30, s31;
	s26 =	smul.u32 $0x2710, s5  }
0x12: {  	s4 =	sadd.s32 $0xCE00, s22;
	s13 =	sshrl.u32 s13, $0x3;
	s14 =	smul.u32 $0x27100, s5  }
0x13: {  	s22 =	simm.s32 $0x2800;
	s5 =	sor.u32 $0x1C05, s28;
	s8 =	sadd.s32 $0xA20E00, s11  }
0x14: {  	s29 =	sshrl.u32 s26, $0x3;
	s7 =	sadd.s32 s10, s14;
	s14 =	simm.s32 $0x5  }
0x15: {  	s6 =	sadd.s32 s6, s29;
	s10 =	sadd.s32 $0x500, s7;
	s11 =	sadd.s32 $0xA00, s7  }
.LBB2_1:
0x16: {  	[spmem:s13], [sflag:s5] =	dma.local [hbm:s4], $0x2800  }
0x17: {  	_ =	swait.ge [sflag:s14], $0x2800  }
0x18: {  	[sflag:s14] =	ssyncset.done $0x0  }
0x19: {  	[sflag:s14] =	ssyncadd.s32 $0xFFFFD800  }
0x1a: {  	[tilespmem:s3], [sflag:$0x5] =	stream.linear.gather [hbm4b:s6+s3], $0x2710, $0x38;
	[tilespmem:$0x1B880] =	vst v63  }
0x1b: {  	_ =	swait.ge [sflag:s14], $0x2710  }
0x1c: {  	[sflag:s14] =	ssyncset.done $0x0  }
0x1d: {  	[sflag:s14] =	ssyncadd.s32 $0xFFFFD8F0  }
0x1e: {  	[bflag:$0x0] =	sbarrier.arrive $0xFFFF  }
0x1f: {  	[tilespmem:s15], [sflag:$0x1] =	stream.linear.gather [hbm4b:s7+s3], $0x2800, $0x38;
	[tilespmem:$0x1B880] =	vst v63  }
0x20: {  	v0 =	vld [tilespmem:$0x0]  }
0x21: {  	v1 =	vld [tilespmem:$0x10]  }
0x22: {  	v2 =	vld [tilespmem:$0x20]  }
0x23: {  	v3 =	vld [tilespmem:$0x30]  }
0x24: {  	v4 =	vld [tilespmem:$0x40]  }
0x25: {  	[tilespmem:$0x2780] =	vst v0  }
0x26: {  	[tilespmem:$0x2790] =	vst v1  }
0x27: {  	[tilespmem:$0x27A0] =	vst v2  }
0x28: {  	[tilespmem:$0x27B0] =	vst v3  }
0x29: {  	[tilespmem:$0x27C0] =	vst v4  }
0x2a: {  	[tilespmem:s16], [sflag:$0x2] =	stream.linear.gather [hbm4b:s10+s3], $0x2800, $0x38;
	[tilespmem:$0x1B880] =	vst v63  }
0x2b: {  	v52 =	vld [tilespmem:$0x50]  }
0x2c: {  	v53 =	vld [tilespmem:$0x60]  }
0x2d: {  	v54 =	vld [tilespmem:$0x70]  }
0x2e: {  	v55 =	vld [tilespmem:$0x80]  }
0x2f: {  	v56 =	vld [tilespmem:$0x90]  }
0x30: {  	[tilespmem:$0x2800] =	vst v52  }
0x31: {  	[tilespmem:$0x2810] =	vst v53  }
0x32: {  	[tilespmem:$0x2820] =	vst v54  }
0x33: {  	[tilespmem:$0x2830] =	vst v55  }
0x34: {  	[tilespmem:$0x2840] =	vst v56  }
0x35: {  	_ =	swait.ge [sflag:s17], $0x2800  }
0x36: {  	[sflag:s17] =	ssyncset.done $0x0  }
0x37: {  	[sflag:s17] =	ssyncadd.s32 $0xFFFFD800  }
0x38: {  	[spmem:s2] =	stream.indirect.scatter.add.f32 [tilespmem:s15], [sflag:$0x3], $0x80, s19, s18, $0xb8;
	[tilespmem:$0x1B880] =	vst v63  }
0x39: {  	_ =	swait.ge [sflag:s20], $0x2800  }
0x3a: {  	[sflag:s20] =	ssyncset.done $0x0  }
0x3b: {  	[sflag:s20] =	ssyncadd.s32 $0xFFFFD800  }
0x3c: {  	[tilespmem:s15], [sflag:$0x1] =	stream.linear.gather [hbm4b:s11+s3], $0x2800, $0x38;
	[tilespmem:$0x1B880] =	vst v63  }
0x3d: {  	v57 =	vld [tilespmem:$0xA0]  }
0x3e: {  	v58 =	vld [tilespmem:$0xB0]  }
0x3f: {  	v59 =	vld [tilespmem:$0xC0]  }
0x40: {  	v60 =	vld [tilespmem:$0xD0]  }
0x41: {  	v61 =	vld [tilespmem:$0xE0]  }
0x42: {  	[tilespmem:$0x2780] =	vst v57  }
0x43: {  	[tilespmem:$0x2790] =	vst v58  }
0x44: {  	[tilespmem:$0x27A0] =	vst v59  }
0x45: {  	[tilespmem:$0x27B0] =	vst v60  }
0x46: {  	[tilespmem:$0x27C0] =	vst v61  }
0x47: {  	_ =	swait.ge [sflag:s21], $0x2800  }
0x48: {  	[sflag:s21] =	ssyncset.done $0x0  }
0x49: {  	[sflag:s21] =	ssyncadd.s32 $0xFFFFD800  }
0x4a: {  	[spmem:s2] =	stream.indirect.scatter.add.f32 [tilespmem:s16], [sflag:$0x4], $0x80, s22, s18, $0xb8;
	[tilespmem:$0x1B880] =	vst v63  }
0x4b: {  	_ =	swait.ge [sflag:s23], $0x2800  }
0x4c: {  	s25 =	sadd.s32 $0xFFFD9E00, s12;
	[sflag:s23] =	ssyncset.done $0x0  }
0x4d: {  	s26 =	simm.s32 $0x180;
	s28 =	sadd.s32 $0x27100, s25;
	[sflag:s23] =	ssyncadd.s32 $0xFFFFD800  }
0x4e: {  	[tilespmem:s16], [sflag:$0x2] =	stream.linear.gather [hbm4b:s28+s3], $0x2800, $0x38;
	[tilespmem:$0x1B880] =	vst v63  }
0x4f: {  	v62 =	vld [tilespmem:s26+$0xFFFFFF70];
	_ =	sdelay $0x4  }
0x50: {  	[tilespmem:$0x2800] =	vst v62  }
0x51: {  	v0 =	vld [tilespmem:s26+$0xFFFFFF80];
	_ =	sdelay $0x4  }
0x52: {  	[tilespmem:$0x2810] =	vst v0  }
0x53: {  	v0 =	vld [tilespmem:s26+$0xFFFFFF90];
	_ =	sdelay $0x4  }
0x54: {  	[tilespmem:$0x2820] =	vst v0  }
0x55: {  	v0 =	vld [tilespmem:s26+$0xFFFFFFA0];
	_ =	sdelay $0x4  }
0x56: {  	[tilespmem:$0x2830] =	vst v0  }
0x57: {  	v0 =	vld [tilespmem:s26+$0xFFFFFFB0];
	_ =	sdelay $0x4  }
0x58: {  	[tilespmem:$0x2840] =	vst v0  }
0x59: {  	_ =	swait.ge [sflag:s17], $0x2800  }
0x5a: {  	[sflag:s17] =	ssyncset.done $0x0  }
0x5b: {  	[sflag:s17] =	ssyncadd.s32 $0xFFFFD800  }
0x5c: {  	[spmem:s2] =	stream.indirect.scatter.add.f32 [tilespmem:s15], [sflag:$0x3], $0x80, s19, s18, $0xb8;
	[tilespmem:$0x1B880] =	vst v63  }
0x5d: {  	_ =	swait.ge [sflag:s20], $0x2800  }
0x5e: {  	[sflag:s20] =	ssyncset.done $0x0  }
0x5f: {  	s25 =	sadd.s32 $0x27600, s25;
	[sflag:s20] =	ssyncadd.s32 $0xFFFFD800  }
0x60: {  	[tilespmem:s15], [sflag:$0x1] =	stream.linear.gather [hbm4b:s25+s3], $0x2800, $0x38;
	[tilespmem:$0x1B880] =	vst v63  }
0x61: {  	v63 =	vld [tilespmem:s26+$0xFFFFFFC0];
	_ =	sdelay $0x4  }
0x62: {  	[tilespmem:$0x2780] =	vst v63  }
0x63: {  	v0 =	vld [tilespmem:s26+$0xFFFFFFD0];
	_ =	sdelay $0x4  }
0x64: {  	[tilespmem:$0x2790] =	vst v0  }
0x65: {  	v0 =	vld [tilespmem:s26+$0xFFFFFFE0];
	_ =	sdelay $0x4  }
0x66: {  	[tilespmem:$0x27A0] =	vst v0  }
0x67: {  	v0 =	vld [tilespmem:s26+$0xFFFFFFF0];
	_ =	sdelay $0x4  }
0x68: {  	[tilespmem:$0x27B0] =	vst v0  }
0x69: {  	v0 =	vld [tilespmem:s26+$0x0];
	_ =	sdelay $0x4  }
0x6a: {  	[tilespmem:$0x27C0] =	vst v0  }
0x6b: {  	_ =	swait.ge [sflag:s21], $0x2800  }
0x6c: {  	[sflag:s21] =	ssyncset.done $0x0  }
0x6d: {  	s25 =	simm.s32 $0xFFFDA800;
	s26 =	simm.s32 $0x220;
	[sflag:s21] =	ssyncadd.s32 $0xFFFFD800  }
.LBB2_2:
0x6e: {  	[spmem:s2] =	stream.indirect.scatter.add.f32 [tilespmem:s16], [sflag:$0x4], $0x80, s22, s18, $0xb8;
	[tilespmem:$0x1B880] =	vst v63  }
0x6f: {  	s28 =	smov.u32 s25  }
0x70: {  	p0 =	sne.s32 s25, $0xFFFFF600;
	s25 =	sadd.s32 $0xA00, s25;
	_ =	swait.ge [sflag:s23], $0x2800  }
0x71: {  	s28 =	sadd.s32 s28, s12;
	[sflag:s23] =	ssyncset.done $0x0  }
0x72: {  	s29 =	sadd.s32 $0x27100, s28;
	[sflag:s23] =	ssyncadd.s32 $0xFFFFD800  }
0x73: {  	[tilespmem:s16], [sflag:$0x2] =	stream.linear.gather [hbm4b:s29+s3], $0x2800, $0x38;
	[tilespmem:$0x1B880] =	vst v63  }
0x74: {  	v0 =	vld [tilespmem:s26+$0xFFFFFF70];
	_ =	sdelay $0x4  }
0x75: {  	[tilespmem:$0x2800] =	vst v0  }
0x76: {  	v0 =	vld [tilespmem:s26+$0xFFFFFF80];
	_ =	sdelay $0x4  }
0x77: {  	[tilespmem:$0x2810] =	vst v0  }
0x78: {  	v0 =	vld [tilespmem:s26+$0xFFFFFF90];
	_ =	sdelay $0x4  }
0x79: {  	[tilespmem:$0x2820] =	vst v0  }
0x7a: {  	v0 =	vld [tilespmem:s26+$0xFFFFFFA0];
	_ =	sdelay $0x4  }
0x7b: {  	[tilespmem:$0x2830] =	vst v0  }
0x7c: {  	v0 =	vld [tilespmem:s26+$0xFFFFFFB0];
	_ =	sdelay $0x4  }
0x7d: {  	[tilespmem:$0x2840] =	vst v0  }
0x7e: {  	_ =	swait.ge [sflag:s17], $0x2800  }
0x7f: {  	[sflag:s17] =	ssyncset.done $0x0  }
0x80: {  	[sflag:s17] =	ssyncadd.s32 $0xFFFFD800  }
0x81: {  	[spmem:s2] =	stream.indirect.scatter.add.f32 [tilespmem:s15], [sflag:$0x3], $0x80, s19, s18, $0xb8;
	[tilespmem:$0x1B880] =	vst v63  }
0x82: {  	_ =	swait.ge [sflag:s20], $0x2800  }
0x83: {  	[sflag:s20] =	ssyncset.done $0x0  }
0x84: {  	s28 =	sadd.s32 $0x27600, s28;
	[sflag:s20] =	ssyncadd.s32 $0xFFFFD800  }
0x85: {  	[tilespmem:s15], [sflag:$0x1] =	stream.linear.gather [hbm4b:s28+s3], $0x2800, $0x38;
	[tilespmem:$0x1B880] =	vst v63  }
0x86: {  	v0 =	vld [tilespmem:s26+$0xFFFFFFC0];
	_ =	sdelay $0x4  }
0x87: {  	[tilespmem:$0x2780] =	vst v0  }
0x88: {  	v0 =	vld [tilespmem:s26+$0xFFFFFFD0];
	_ =	sdelay $0x4  }
0x89: {  	[tilespmem:$0x2790] =	vst v0  }
0x8a: {  	v0 =	vld [tilespmem:s26+$0xFFFFFFE0];
	_ =	sdelay $0x4  }
0x8b: {  	[tilespmem:$0x27A0] =	vst v0  }
0x8c: {  	v0 =	vld [tilespmem:s26+$0xFFFFFFF0];
	_ =	sdelay $0x4  }
0x8d: {  	[tilespmem:$0x27B0] =	vst v0  }
0x8e: {  	v0 =	vld [tilespmem:s26+$0x0];
	_ =	sdelay $0x3  }
.Ltmp0:
0x8f: {  	(pc) =	sbr.rel @p0 .LBB2_2-.Ltmp0, $4  }
0x90: {  	[tilespmem:$0x27C0] =	vst v0  }
0x91: {  	_ =	swait.ge [sflag:s21], $0x2800  }
0x92: {  	[sflag:s21] =	ssyncset.done $0x0  }
0x93: {  	s26 =	sadd.s32 $0xA0, s26;
	[sflag:s21] =	ssyncadd.s32 $0xFFFFD800  }
0x94: {  	[spmem:s2] =	stream.indirect.scatter.add.f32 [tilespmem:s16], [sflag:$0x4], $0x80, s22, s18, $0xb8;
	[tilespmem:$0x1B880] =	vst v63  }
0x95: {  	_ =	swait.ge [sflag:s17], $0x2800  }
0x96: {  	[sflag:s17] =	ssyncset.done $0x0  }
0x97: {  	[sflag:s17] =	ssyncadd.s32 $0xFFFFD800  }
0x98: {  	[spmem:s2] =	stream.indirect.scatter.add.f32 [tilespmem:s15], [sflag:$0x3], $0x80, s19, s18, $0xb8;
	[tilespmem:$0x1B880] =	vst v63  }
0x99: {  	_ =	swait.ge [sflag:s20], $0x2800  }
0x9a: {  	[sflag:s20] =	ssyncset.done $0x0  }
0x9b: {  	[sflag:s20] =	ssyncadd.s32 $0xFFFFD800  }
0x9c: {  	_ =	swait.ge [sflag:s23], $0x2800  }
0x9d: {  	s24 =	sadd.s32 $0x1, s24;
	[sflag:s23] =	ssyncset.done $0x0  }
0x9e: {  	p0 =	sne.s32 s24, s9;
	[sflag:s23] =	ssyncadd.s32 $0xFFFFD800  }
.Ltmp1:
0x9f: {  	[bflag:$0x0] =	sbarrier.arrive $0xFFFF;
	(pc) =	sbr.rel @p0 .LBB2_1-.Ltmp1, $4  }
0xa0: {  	[hbm:s8], [sflag:s5] =	dma.local [spmem:s13], $0x2800  }
0xa1: {  	_ =	swait.ge [sflag:s14], $0x2800  }
0xa2: {  	[sflag:s14] =	ssyncset.done $0x0  }
0xa3: {  	[sflag:s14] =	ssyncadd.s32 $0xFFFFD800  }
0xa4: {  	_ =	sfence.sel $0x180000  }
0xa5: {  	[bflag:$0x0] =	sbarrier.arrive $0xFFFF  }
0xa6: {  	p0 =	sne.s32 s1, $0x0;
	_ =	strace $0x90000050  }
0xa7: {  	s0 =	sadd.s32 @!p0 $0x100000, s0;
	[bflag:$0x2] =	sbarrier.arrive $0xFFFF  }
0xa8: {  	[sflag:s0] =	ssyncadd.tile.s32 @!p0 $0x1;
	_ =	shalt  }
.Lfunc_end2:
_tile_overlayer_lowered:
.L_overlay_start_2:
0xa9: {  	(tag) =	ssettag $0x2  }
0xaa: {  	s0 =	rddreg [dreg:$0x0];
	s2 =	stileid.u32  }
0xab: {  	s1 =	rddreg [dreg:$0x1];
	p0 =	sne.s32 s2, $0x0  }
0xac: {  	s3 =	rddreg [dreg:$0x2];
	[bflag:$0x3] =	sbarrier.arrive $0xFFFF;
	s2 =	simm.s32 @!p0 $0x1C05  }
0xad: {  	[timem:s3], [sflag:s2] =	dma.local @!p0 [hbm:s0], s1  }
0xae: {  	s0 =	simm.s32 @!p0 $0x5  }
0xaf: {  	_ =	swait.ge @!p0 [sflag:s0], s1  }
0xb0: {  	s1 =	ssub.s32 @!p0 $0x0, s1;
	[sflag:s0] =	ssyncset.done @!p0 $0x0  }
0xb1: {  	[sflag:s0] =	ssyncadd.s32 @!p0 s1  }
0xb2: {  	[bflag:$0x3] =	sbarrier.arrive $0xFFFF  }
0xb3: {  	_ =	shalt  }

// kernel: kernel.26.cloned.1.call-start
scs
__scs_entry_jumppad:
0x0: {  	(pc) =	sbr.rel $0x88, $3  }
0x1: {  	(tag) =	ssettag $0x0;
	lr =	simm.s32 $0x1  }
0x2: {  	[smem:$0x3F97] =	sst lr;
	_ =	strace $0xD0000000  }
0x3: {  	_ = 	snop  }
0x4: {  	_ = 	snop  }
0x5: {  	_ = 	snop  }
0x6: {  	_ = 	snop  }
0x7: {  	_ = 	snop  }
__scs_overlays_trampoline_lowered:
0x8: {  	[smem:$0x3FA6] =	sst s0  }
0x9: {  	[smem:$0x3FA7] =	sst s1  }
0xa: {  	[smem:$0x3FA8] =	sst s2  }
0xb: {  	[smem:$0x3FA9] =	sst s3  }
0xc: {  	[smem:$0x3FAA] =	sst s4  }
0xd: {  	[smem:$0x3FAB] =	sst s5  }
0xe: {  	[smem:$0x3FAC] =	sst s6  }
0xf: {  	[smem:$0x3FAD] =	sst s7  }
0x10: {  	[smem:$0x3FAE] =	sst s8  }
0x11: {  	[smem:$0x3FAF] =	sst s9;
	s0 =	simm.s32 @!p0 $0x0  }
0x12: {  	s1 =	sld [smem:$0x3F95];
	s0 =	simm.s32 @p0 $0x1  }
0x13: {  	[smem:$0x3FB0] =	sst s0;
	s0 =	simm.s32 @!p1 $0x0  }
0x14: {  	s2 =	sld [smem:$0x3F94];
	s0 =	simm.s32 @p1 $0x1  }
0x15: {  	[smem:$0x3FB1] =	sst s0;
	s0 =	simm.s32 @!p2 $0x0  }
0x16: {  	s3 =	sld [smem:$0x3FDB];
	s0 =	simm.s32 @p2 $0x1  }
0x17: {  	s4 =	simm.s32 $0x1BF5;
	[smem:$0x3FB3] =	sst s0  }
0x18: {  	s0 =	sld [smem:$0x3F96];
	_ =	swait.ge [sflag:s4], $0x0  }
0x19: {  	s7 =	sld [smem:$0x3F97]  }
0x1a: {  	s8 =	sadd.s32 $0xFFFFE003, lr  }
0x1b: {  	s9 =	sadd.s32 $0xFFFFFEF7, lr;
	s5 =	simm.s32 $0xFFFFFFFF;
	p2 =	slt.u32 s8, $0xFFFFF086  }
0x1c: {  	p1 =	slt.u32 s9, $0xF7A;
	s5 =	simm.s32 @!p2 $0x0  }
0x1d: {  	s5 =	simm.s32 @p1 $0x1;
	p0 =	seq.s32 s7, s2  }
0x1e: {  	s7 =	smul.u32 @!p0 $0xF7A, s2;
	p2 =	seq.s32 @!p0 s5, $0x0  }
0x1f: {  	s9 =	smul.u32 $0xF7A, s1;
	s8 =	simm.s32 @!p0 $0x1BF5;
	p2 =	por !p2, p0  }
0x20: {  	[sflag:s8] =	ssyncset.s32 @!p0 $0xFFFFF086;
	s6 =	sadd.s32 @!p0 s3, s7;
	s7 =	simm.s32 @!p0 $0x108  }
0x21: {  	s3 =	sadd.s32 s3, s9;
	s6 =	sadd.s32 @!p0 $0x88, s6;
	s7 =	simm.s32 @p2 $0x1082  }
0x22: {  	[simem:s7], [sflag:s8] =	dma.local @!p0 [hbm:s6], $0xF7A  }
0x23: {  	s9 =	sor.u32 $0xD0000000, s2;
	s6 =	simm.s32 $0x108;
	_ =	swait.ge @!p0 [sflag:s8], $0x0  }
0x24: {  	s3 =	sadd.s32 $0x88, s3;
	s6 =	simm.s32 @!p1 $0x1082;
	[sflag:s4] =	ssyncset.s32 $0xFFFFF086  }
0x25: {  	[simem:s6], [sflag:s4] =	dma.local [hbm:s3], $0xF7A  }
0x26: {  	[smem:$0x3F97] =	sst s1;
	(tag) =	ssettag s2;
	_ =	strace s9  }
0x27: {  	s1 =	sld [smem:$0x3FA7]  }
0x28: {  	s2 =	sld [smem:$0x3FA8]  }
0x29: {  	s4 =	sld [smem:$0x3FAA]  }
0x2a: {  	p0 =	seq.s32 s5, $0x0;
	s5 =	sld [smem:$0x3FAB]  }
0x2b: {  	s6 =	sld [smem:$0x3FAC]  }
0x2c: {  	s7 =	sld [smem:$0x3FAD]  }
0x2d: {  	s3 =	simm.s32 $0x108;
	s8 =	sld [smem:$0x3FAE]  }
0x2e: {  	s3 =	simm.s32 @!p0 $0x1082;
	s9 =	sld [smem:$0x3FAF]  }
0x2f: {  	lr =	sadd.s32 s0, s3;
	s0 =	sld [smem:$0x3FA6]  }
0x30: {  	s3 =	sld [smem:$0x3FA9]  }
0x31: {  	[smem:$0x3FB2] =	sst s10  }
0x32: {  	s10 =	sld [smem:$0x3FB0];
	_ =	sdelay $0x3  }
0x33: {  	p0 =	seq.s32 s10, $0x1;
	s10 =	sld [smem:$0x3FB2];
	_ =	sdelay $0x3  }
0x34: {  	[smem:$0x3FB2] =	sst s10  }
0x35: {  	s10 =	sld [smem:$0x3FB1];
	_ =	sdelay $0x3  }
0x36: {  	p1 =	seq.s32 s10, $0x1;
	s10 =	sld [smem:$0x3FB2];
	_ =	sdelay $0x3  }
0x37: {  	[smem:$0x3FB2] =	sst s10  }
0x38: {  	s10 =	sld [smem:$0x3FB3]  }
0x39: {  	_ = 	snop;
	(pc) =	sbr.ind lr, $3  }
0x3a: {  	_ = 	snop  }
0x3b: {  	_ = 	snop  }
0x3c: {  	p2 =	seq.s32 s10, $0x1;
	s10 =	sld [smem:$0x3FB2]  }
0x3d: {  	_ =	shalt  }
0x3e: {  	_ =	shalt  }
0x3f: {  	_ =	shalt  }
0x40: {  	_ =	shalt  }
0x41: {  	_ =	shalt  }
0x42: {  	_ =	shalt  }
0x43: {  	_ =	shalt  }
0x44: {  	_ =	shalt  }
0x45: {  	_ =	shalt  }
0x46: {  	_ =	shalt  }
0x47: {  	_ =	shalt  }
0x48: {  	_ =	shalt  }
0x49: {  	_ =	shalt  }
0x4a: {  	_ =	shalt  }
0x4b: {  	_ =	shalt  }
0x4c: {  	_ =	shalt  }
0x4d: {  	_ =	shalt  }
0x4e: {  	_ =	shalt  }
0x4f: {  	_ =	shalt  }
0x50: {  	_ =	shalt  }
0x51: {  	_ =	shalt  }
0x52: {  	_ =	shalt  }
0x53: {  	_ =	shalt  }
0x54: {  	_ =	shalt  }
0x55: {  	_ =	shalt  }
0x56: {  	_ =	shalt  }
0x57: {  	_ =	shalt  }
0x58: {  	_ =	shalt  }
0x59: {  	_ =	shalt  }
0x5a: {  	_ =	shalt  }
0x5b: {  	_ =	shalt  }
0x5c: {  	_ =	shalt  }
0x5d: {  	_ =	shalt  }
0x5e: {  	_ =	shalt  }
0x5f: {  	_ =	shalt  }
0x60: {  	_ =	shalt  }
0x61: {  	_ =	shalt  }
0x62: {  	_ =	shalt  }
0x63: {  	_ =	shalt  }
0x64: {  	_ =	shalt  }
0x65: {  	_ =	shalt  }
0x66: {  	_ =	shalt  }
0x67: {  	_ =	shalt  }
0x68: {  	_ =	shalt  }
0x69: {  	_ =	shalt  }
0x6a: {  	_ =	shalt  }
0x6b: {  	_ =	shalt  }
0x6c: {  	_ =	shalt  }
0x6d: {  	_ =	shalt  }
0x6e: {  	_ =	shalt  }
0x6f: {  	_ =	shalt  }
0x70: {  	_ =	shalt  }
0x71: {  	_ =	shalt  }
0x72: {  	_ =	shalt  }
0x73: {  	_ =	shalt  }
0x74: {  	_ =	shalt  }
0x75: {  	_ =	shalt  }
0x76: {  	_ =	shalt  }
0x77: {  	_ =	shalt  }
0x78: {  	_ =	shalt  }
0x79: {  	_ =	shalt  }
0x7a: {  	_ =	shalt  }
0x7b: {  	_ =	shalt  }
0x7c: {  	_ =	shalt  }
0x7d: {  	_ =	shalt  }
0x7e: {  	_ =	shalt  }
0x7f: {  	_ =	shalt  }
0x80: {  	_ =	shalt  }
0x81: {  	_ =	shalt  }
0x82: {  	_ =	shalt  }
0x83: {  	_ =	shalt  }
0x84: {  	_ =	shalt  }
0x85: {  	_ =	shalt  }
0x86: {  	_ =	shalt  }
0x87: {  	_ =	shalt  }
.Lfunc_end0:
.L_simem_size_0:
called_computation.4_lowered:
.L_overlay_start_0:
0x88: {  	s2 =	sld [smem:$0x3FD9]  }
0x89: {  	s3 =	sld [smem:$0x3FFE];
	_ =	sdelay $0x1  }
0x8a: {  	s1 =	srdreg.scid  }
0x8b: {  	s0 =	sand.u32 $0x1, s1  }
0x8c: {  	s17 =	sshll.u32 s0, $0xA;
	s2 =	sadd.s32 s3, s2  }
0x8d: {  	s2 =	sadd.s32 s2, s17  }
0x8e: {  	[smem:$0x3FBE] =	sst s2  }
0x8f: {  	_ = 	snop  }
0x90: {  	s2 =	sld [smem:$0x3FC6];
	(tm) =	ssettm $0x1  }
0x91: {  	s18 =	sld [smem:$0x3FFB];
	_ =	sdelay $0x3  }
0x92: {  	_ =	strace s18  }
0x93: {  	s3 =	sld [smem:$0x3FFC];
	_ =	sdelay $0x3  }
0x94: {  	_ =	strace s3  }
0x95: {  	s3 =	sld [smem:$0x3FFD];
	_ =	sdelay $0x3  }
0x96: {  	_ =	strace s3  }
0x97: {  	_ =	strace $0x8FFFFFFF  }
0x98: {  	s19 =	sld [smem:$0x3FDB];
	_ =	sdelay $0x1  }
0x99: {  	s4 =	simm.s32 $_scs_section_size  }
0x9a: {  	s5 =	simm.s32 $_size__tile_overlayer_lowered;
	s6 =	simm.s32 $_tile_overlayer_lowered  }
0x9b: {  	s22 =	simm.s32 $0x1BFF;
	s21 =	sshll.u32 s6, $0x1;
	s3 =	sadd.s32 s4, s19  }
0x9c: {  	s7 =	simm.s32 $0x0;
	s20 =	sshll.u32 s5, $0x1;
	s5 =	sadd.s32 s21, s3  }
0x9d: {  	[timem:s7], [sflag:s22] =	dma.local [hbm:s5], s20  }
0x9e: {  	_ =	swait.ge [sflag:s22], s20  }
0x9f: {  	s4 =	ssub.s32 $0x0, s20;
	[sflag:s22] =	ssyncset.done $0x0  }
0xa0: {  	[sflag:s22] =	ssyncadd.s32 s4;
	_ =	sdelay $0x1  }
0xa1: {  	s23 =	simm.s32 $0x1B8B  }
0xa2: {  	_ =	swait.ge [sflag:s23], $0x1  }
0xa3: {  	[sflag:s23] =	ssyncset.done $0x0  }
0xa4: {  	s25 =	simm.s32 $0x1B8E;
	s24 =	sld [smem:$0x3FFE];
	[sflag:s23] =	ssyncadd.s32 $0xFFFFFFFF  }
0xa5: {  	s26 =	simm.s32 $execute0_lowered;
	[smem:$0x3FD2] =	sst s25  }
0xa6: {  	s5 =	sshll.u32 s26, $0x1;
	_ =	strace $0x80000052;
	[dreg:$0x1] =	wrdreg $0xFFFFFFFF  }
0xa7: {  	s28 =	simm.s32 $_size_execute0_lowered;
	s3 =	sadd.s32 s3, s5;
	[dreg:$0x0] =	wrdreg $0x0  }
0xa8: {  	s5 =	sshll.u32 s28, $0x1;
	[dreg:$0x2] =	wrdreg s3  }
0xa9: {  	[dreg:$0x3] =	wrdreg s5  }
0xaa: {  	[dreg:$0x4] =	wrdreg $0xC0  }
0xab: {  	_ =	task [dreg:s7], $0x5FFFF  }
0xac: {  	[dreg:$0x1] =	wrdreg $0xFFFFFFFF  }
0xad: {  	[dreg:$0x0] =	wrdreg $0x60  }
0xae: {  	[dreg:$0x2] =	wrdreg s24  }
0xaf: {  	[dreg:$0x3] =	wrdreg s2  }
0xb0: {  	[dreg:$0x4] =	wrdreg $0x9  }
0xb1: {  	_ =	task.clear_ibuf [dreg:s7], $0x5FFFF;
	_ =	strace $0x90000052  }
0xb2: {  	s29 =	simm.s32 $0x9;
	_ =	strace $0x80000054  }
0xb3: {  	_ =	swait.ge [sflag:s29], $0x1  }
0xb4: {  	[sflag:s29] =	ssyncadd.s32 $0xFFFFFFFF  }
0xb5: {  	_ =	strace $0x90000054  }
0xb6: {  	_ =	sfence  }
0xb7: {  	s30 =	sld [smem:$0x0];
	_ =	sdelay $0x2  }
0xb8: {  	s31 =	sshll.u32 s1, $0xD;
	s1 =	sshrl.u32 s1, $0x2  }
0xb9: {  	s3 =	sand.u32 $0x4000, s31;
	s1 =	sadd.s32 s1, s30  }
0xba: {  	s0 =	sor.u32 s3, s0;
	s1 =	sshll.u32 s1, $0x11  }
0xbb: {  	s0 =	sor.u32 s1, s0  }
0xbc: {  	s0 =	sadd.s32 $0x8F2B, s0  }
0xbd: {  	[sflag:s0] =	ssyncadd.remote.s32 $0x1  }
0xbe: {  	_ =	sfence.sel $0xFFFF  }
0xbf: {  	[dreg:$0x0] =	wrdreg $0xFFFFFFFF;
	(pc) =	sbr.abs _section_cstart, $3  }
0xc0: {  	[dreg:$0x1] =	wrdreg $0xFFFFFFFF  }
0xc1: {  	_ =	task.clear_ibuf [dreg:s7], $0x2FFFF;
	_ =	strace $0x9FFFFFFF  }
0xc2: {  	(tm) =	ssettm $0x7FFFFFFF  }
0xc3: {  	_ =	shalt  }
tec
execute0_lowered:
.L_overlay_start_1:
0x0: {  	(tag) =	ssettag $0x1  }
0x1: {  	s0 =	rddreg [dreg:$0x0]  }
0x2: {  	s1 =	srdreg.scid;
	s2 =	stileid.u32  }
0x3: {  	s7 =	rddreg [dreg:$0x1];
	s12 =	simm.s32 $0x50;
	s13 =	simm.s32 $0x4F00  }
0x4: {  	s15 =	simm.s32 $0x7700;
	s17 =	simm.s32 $0x1;
	s18 =	simm.s32 $0x6  }
0x5: {  	s19 =	simm.s32 $0x9F00;
	s21 =	simm.s32 $0x2;
	s22 =	simm.s32 $0x7  }
0x6: {  	s23 =	simm.s32 $0xC700;
	s28 =	simm.s32 $0xEF00;
	s29 =	simm.s32 $0x1B700  }
0x7: {  	s30 =	simm.s32 $0x4;
	s1 =	sand.u32 $0x1, s1;
	s3 =	sshll.u32 s2, $0x1  }
0x8: {  	s31 =	simm.s32 $0x9;
	s14 =	simm.s32 $0xA;
	s3 =	sor.u32 s1, s3  }
0x9: {  	s2 =	simm.s32 $0x0;
	s4 =	sadd.s32 $0xA20E00, s0;
	s3 =	smul.u32 $0x2710, s3  }
0xa: {  	s5 =	sadd.s32 $0x53EE00, s0;
	s6 =	sadd.s32 $0x34E00, s0;
	s1 =	ssub.s32 $0x2, s1  }
0xb: {  	[smem:$0x7FF] =	sst s2;
	s24 =	sshrl.u32 s1, $0x1;
	s8 =	sshrl.u32 s3, $0x3  }
0xc: {  	_ =	strace $0x80000053;
	s9 =	sadd.s32 s8, s0;
	s0 =	ssub.s32 s1, s24  }
0xd: {  	s26 =	sadd.s32 s7, s8;
	s24 =	simm.s32 $0x18F00;
	s1 =	simm.s32 $0xB  }
0xe: {  	s25 =	sadd.s32 $0x3000, s9;
	[dreg:$0x4] =	wrdreg s26;
	s0 =	smax.u32 s0, $0x1  }
0xf: {  	s26 =	simm.s32 $0x8;
	s9 =	simm.s32 $0x0;
	[dreg:$0x3] =	wrdreg s25  }
0x10: {  	[dreg:$0x5] =	wrdreg s0;
	s25 =	simm.s32 $0x3;
	s0 =	simm.s32 $0x5  }
.LBB2_1:
0x11: {  	[dreg:$0x6] =	wrdreg s9  }
0x12: {  	s7 =	rddreg [dreg:$0x3];
	s8 =	simm.s32 $0x10  }
0x13: {  	[tilespmem:s2], [sflag:$0x10] =	stream.linear.gather [hbm4b:s7+s2], $0x2710, $0x38;
	[tilespmem:$0x1DF00] =	vst v63  }
0x14: {  	_ =	swait.ge [sflag:s8], $0x2710  }
0x15: {  	[sflag:s8] =	ssyncset.done $0x0  }
0x16: {  	s16 =	simm.s32 $0x2780;
	s11 =	rddreg [dreg:$0x4];
	[sflag:s8] =	ssyncadd.s32 $0xFFFFD8F0  }
0x17: {  	[tilespmem:s16], [sflag:$0x10] =	stream.linear.gather [hbm4b:s11+s2], $0x2710, $0x38;
	[tilespmem:$0x1DF00] =	vst v63  }
0x18: {  	_ =	swait.ge [sflag:s8], $0x2710  }
0x19: {  	[sflag:s8] =	ssyncset.done $0x0  }
0x1a: {  	[sflag:s8] =	ssyncadd.s32 $0xFFFFD8F0  }
0x1b: {  	[tilespmem:s13], [sflag:$0x1] =	stream.indirect.gather [hbm4b:s4+s12], $0x80, s2, s12, $0xb8;
	[tilespmem:$0x1DF00] =	vst v63  }
0x1c: {  	s20 =	simm.s32 $0x11700;
	s7 =	simm.s32 $0x0  }
0x1d: {  	[tilespmem:s20], [sflag:$0x6] =	stream.indirect.gather [hbm4b:s5+s12], $0x80, s16, s12, $0xb8;
	[tilespmem:$0x1DF00] =	vst v63  }
.LBB2_2:
0x1e: {  	p0 =	seq.s32 s7, $0x0  }
0x1f: {  	s9 =	simm.s32 @!p0 $0xC  }
0x20: {  	s8 =	smul.u32 $0x190, s7;
	_ =	swait.ge @!p0 [sflag:s9], $0x2800  }
0x21: {  	[sflag:s9] =	ssyncset.done @!p0 $0x0  }
0x22: {  	[sflag:s9] =	ssyncadd.s32 @!p0 $0xFFFFD800;
	s9 =	sadd.s32 $0x50, s8  }
0x23: {  	[tilespmem:s15], [sflag:$0x2] =	stream.indirect.gather [hbm4b:s4+s12], $0x80, s9, s12, $0xb8;
	[tilespmem:$0x1DF00] =	vst v63  }
0x24: {  	s11 =	simm.s32 $0x13F00;
	s10 =	sadd.s32 $0x27D0, s8  }
0x25: {  	[tilespmem:s11], [sflag:$0x7] =	stream.indirect.gather [hbm4b:s5+s12], $0x80, s10, s12, $0xb8;
	[tilespmem:$0x1DF00] =	vst v63  }
0x26: {  	_ =	swait.ge [sflag:s17], $0x2800  }
0x27: {  	[sflag:s17] =	ssyncset.done $0x0  }
0x28: {  	[sflag:s17] =	ssyncadd.s32 $0xFFFFD800  }
0x29: {  	_ =	swait.ge [sflag:s18], $0x2800  }
0x2a: {  	[sflag:s18] =	ssyncset.done $0x0  }
0x2b: {  	s10 =	simm.s32 $0x0;
	[sflag:s18] =	ssyncadd.s32 $0xFFFFD800  }
0x2c: {  	v7 =	vld [tilespmem:s10+$0x11700]  }
0x2d: {  	v11 =	vld [tilespmem:s10+$0x11710]  }
0x2e: {  	v5 =	vld [tilespmem:s10+$0x11720]  }
0x2f: {  	v4 =	vld [tilespmem:s10+$0x11730]  }
0x30: {  	v3 =	vld [tilespmem:s10+$0x11740]  }
0x31: {  	v2 =	vld [tilespmem:s10+$0x11750]  }
0x32: {  	v1 =	vld [tilespmem:s10+$0x11760]  }
0x33: {  	v0 =	vld [tilespmem:s10+$0x11770]  }
0x34: {  	v12 =	vld [tilespmem:s10+$0x4F00]  }
0x35: {  	v13 =	vld [tilespmem:s10+$0x4F10]  }
0x36: {  	v10 =	vld [tilespmem:s10+$0x4F20]  }
0x37: {  	v9 =	vld [tilespmem:s10+$0x4F30]  }
0x38: {  	v8 =	vld [tilespmem:s10+$0x4F40]  }
0x39: {  	v6 =	vld [tilespmem:s10+$0x4F50];
	v12 =	vsub.f32 v12, v7  }
0x3a: {  	s11 =	simm.s32 $0x200;
	v11 =	vsub.f32 v13, v11;
	v7 =	vld [tilespmem:s10+$0x4F60]  }
.LBB2_3:
0x3b: {  	s16 =	sshra.s32 s11, $0x2;
	p1 =	sne.s32 s11, $0x9E00;
	[tilespmem:s10+$0x4F00] =	vst v12;
	v5 =	vsub.f32 v10, v5;
	v10 =	vld [tilespmem:s10+$0x4F70]  }
0x3c: {  	v12 =	vld [tilespmem:s16+$0x11700];
	[tilespmem:s10+$0x4F10] =	vst v11;
	v4 =	vsub.f32 v9, v4  }
0x3d: {  	v11 =	vld [tilespmem:s16+$0x11710];
	[tilespmem:s10+$0x4F20] =	vst v5;
	v3 =	vsub.f32 v8, v3  }
0x3e: {  	v5 =	vld [tilespmem:s16+$0x11720];
	[tilespmem:s10+$0x4F30] =	vst v4;
	v2 =	vsub.f32 v6, v2  }
0x3f: {  	v4 =	vld [tilespmem:s16+$0x11730];
	[tilespmem:s10+$0x4F40] =	vst v3;
	v1 =	vsub.f32 v7, v1  }
0x40: {  	v3 =	vld [tilespmem:s16+$0x11740];
	[tilespmem:s10+$0x4F50] =	vst v2;
	v0 =	vsub.f32 v10, v0  }
0x41: {  	v2 =	vld [tilespmem:s16+$0x11750];
	[tilespmem:s10+$0x4F60] =	vst v1  }
0x42: {  	v1 =	vld [tilespmem:s16+$0x11760];
	[tilespmem:s10+$0x4F70] =	vst v0;
	s10 =	smov.u32 s16  }
0x43: {  	v0 =	vld [tilespmem:s10+$0x11770]  }
0x44: {  	v6 =	vld [tilespmem:s10+$0x4F00]  }
0x45: {  	v7 =	vld [tilespmem:s10+$0x4F10]  }
.Ltmp0:
0x46: {  	v10 =	vld [tilespmem:s10+$0x4F20];
	(pc) =	sbr.rel @p1 .LBB2_3-.Ltmp0, $4  }
0x47: {  	v9 =	vld [tilespmem:s10+$0x4F30]  }
0x48: {  	v8 =	vld [tilespmem:s10+$0x4F40]  }
0x49: {  	v12 =	vsub.f32 v6, v12;
	v6 =	vld [tilespmem:s10+$0x4F50]  }
0x4a: {  	s11 =	sadd.s32 $0x200, s11;
	v11 =	vsub.f32 v7, v11;
	v7 =	vld [tilespmem:s10+$0x4F60]  }
0x4b: {  	[tilespmem:s10+$0x4F00] =	vst v12;
	v5 =	vsub.f32 v10, v5;
	v10 =	vld [tilespmem:s10+$0x4F70]  }
0x4c: {  	[tilespmem:s10+$0x4F10] =	vst v11;
	v4 =	vsub.f32 v9, v4  }
0x4d: {  	[tilespmem:s10+$0x4F20] =	vst v5;
	v3 =	vsub.f32 v8, v3  }
0x4e: {  	[tilespmem:s10+$0x4F30] =	vst v4;
	v2 =	vsub.f32 v6, v2  }
0x4f: {  	[tilespmem:s10+$0x4F40] =	vst v3;
	v1 =	vsub.f32 v7, v1  }
0x50: {  	s11 =	sadd.s32 s3, s8;
	[tilespmem:s10+$0x4F50] =	vst v2;
	v0 =	vsub.f32 v10, v0  }
0x51: {  	s11 =	sshll.u32 s11, $0x4;
	[tilespmem:s10+$0x4F60] =	vst v1  }
0x52: {  	s16 =	sadd.s32 s6, s11;
	[tilespmem:s10+$0x4F70] =	vst v0;
	s10 =	simm.s32 @!p0 $0xD  }
0x53: {  	[hbm4b:s16+s2] =	stream.linear.scatter [tilespmem:s13], [sflag:$0xB], $0x2800, $0x38;
	[tilespmem:$0x1DF00] =	vst v63  }
0x54: {  	_ =	swait.ge @!p0 [sflag:s10], $0x2800  }
0x55: {  	[sflag:s10] =	ssyncset.done @!p0 $0x0  }
0x56: {  	[sflag:s10] =	ssyncadd.s32 @!p0 $0xFFFFD800;
	s10 =	sadd.s32 $0xA0, s8  }
0x57: {  	[tilespmem:s19], [sflag:$0x3] =	stream.indirect.gather [hbm4b:s4+s12], $0x80, s10, s12, $0xb8;
	[tilespmem:$0x1DF00] =	vst v63  }
0x58: {  	s20 =	sadd.s32 $0x2820, s8;
	s16 =	simm.s32 $0x16700  }
0x59: {  	[tilespmem:s16], [sflag:$0x8] =	stream.indirect.gather [hbm4b:s5+s12], $0x80, s20, s12, $0xb8;
	[tilespmem:$0x1DF00] =	vst v63  }
0x5a: {  	_ =	swait.ge [sflag:s21], $0x2800  }
0x5b: {  	[sflag:s21] =	ssyncset.done $0x0  }
0x5c: {  	[sflag:s21] =	ssyncadd.s32 $0xFFFFD800  }
0x5d: {  	_ =	swait.ge [sflag:s22], $0x2800  }
0x5e: {  	[sflag:s22] =	ssyncset.done $0x0  }
0x5f: {  	s11 =	simm.s32 $0x0;
	[sflag:s22] =	ssyncadd.s32 $0xFFFFD800  }
0x60: {  	v7 =	vld [tilespmem:s11+$0x13F00]  }
0x61: {  	v11 =	vld [tilespmem:s11+$0x13F10]  }
0x62: {  	v5 =	vld [tilespmem:s11+$0x13F20]  }
0x63: {  	v4 =	vld [tilespmem:s11+$0x13F30]  }
0x64: {  	v3 =	vld [tilespmem:s11+$0x13F40]  }
0x65: {  	v2 =	vld [tilespmem:s11+$0x13F50]  }
0x66: {  	v1 =	vld [tilespmem:s11+$0x13F60]  }
0x67: {  	v0 =	vld [tilespmem:s11+$0x13F70]  }
0x68: {  	v12 =	vld [tilespmem:s11+$0x7700]  }
0x69: {  	v13 =	vld [tilespmem:s11+$0x7710]  }
0x6a: {  	v10 =	vld [tilespmem:s11+$0x7720]  }
0x6b: {  	v9 =	vld [tilespmem:s11+$0x7730]  }
0x6c: {  	v8 =	vld [tilespmem:s11+$0x7740]  }
0x6d: {  	v6 =	vld [tilespmem:s11+$0x7750];
	v12 =	vsub.f32 v12, v7  }
0x6e: {  	s16 =	simm.s32 $0x200;
	v11 =	vsub.f32 v13, v11;
	v7 =	vld [tilespmem:s11+$0x7760]  }
.LBB2_5:
0x6f: {  	s20 =	sshra.s32 s16, $0x2;
	p1 =	sne.s32 s16, $0x9E00;
	[tilespmem:s11+$0x7700] =	vst v12;
	v5 =	vsub.f32 v10, v5;
	v10 =	vld [tilespmem:s11+$0x7770]  }
0x70: {  	v12 =	vld [tilespmem:s20+$0x13F00];
	[tilespmem:s11+$0x7710] =	vst v11;
	v4 =	vsub.f32 v9, v4  }
0x71: {  	v11 =	vld [tilespmem:s20+$0x13F10];
	[tilespmem:s11+$0x7720] =	vst v5;
	v3 =	vsub.f32 v8, v3  }
0x72: {  	v5 =	vld [tilespmem:s20+$0x13F20];
	[tilespmem:s11+$0x7730] =	vst v4;
	v2 =	vsub.f32 v6, v2  }
0x73: {  	v4 =	vld [tilespmem:s20+$0x13F30];
	[tilespmem:s11+$0x7740] =	vst v3;
	v1 =	vsub.f32 v7, v1  }
0x74: {  	v3 =	vld [tilespmem:s20+$0x13F40];
	[tilespmem:s11+$0x7750] =	vst v2;
	v0 =	vsub.f32 v10, v0  }
0x75: {  	v2 =	vld [tilespmem:s20+$0x13F50];
	[tilespmem:s11+$0x7760] =	vst v1  }
0x76: {  	v1 =	vld [tilespmem:s20+$0x13F60];
	[tilespmem:s11+$0x7770] =	vst v0;
	s11 =	smov.u32 s20  }
0x77: {  	v0 =	vld [tilespmem:s11+$0x13F70]  }
0x78: {  	v6 =	vld [tilespmem:s11+$0x7700]  }
0x79: {  	v7 =	vld [tilespmem:s11+$0x7710]  }
.Ltmp1:
0x7a: {  	v10 =	vld [tilespmem:s11+$0x7720];
	(pc) =	sbr.rel @p1 .LBB2_5-.Ltmp1, $4  }
0x7b: {  	v9 =	vld [tilespmem:s11+$0x7730]  }
0x7c: {  	v8 =	vld [tilespmem:s11+$0x7740]  }
0x7d: {  	v12 =	vsub.f32 v6, v12;
	v6 =	vld [tilespmem:s11+$0x7750]  }
0x7e: {  	s16 =	sadd.s32 $0x200, s16;
	v11 =	vsub.f32 v7, v11;
	v7 =	vld [tilespmem:s11+$0x7760]  }
0x7f: {  	[tilespmem:s11+$0x7700] =	vst v12;
	v5 =	vsub.f32 v10, v5;
	v10 =	vld [tilespmem:s11+$0x7770]  }
0x80: {  	[tilespmem:s11+$0x7710] =	vst v11;
	v4 =	vsub.f32 v9, v4  }
0x81: {  	[tilespmem:s11+$0x7720] =	vst v5;
	v3 =	vsub.f32 v8, v3  }
0x82: {  	[tilespmem:s11+$0x7730] =	vst v4;
	v2 =	vsub.f32 v6, v2  }
0x83: {  	[tilespmem:s11+$0x7740] =	vst v3;
	v1 =	vsub.f32 v7, v1  }
0x84: {  	s9 =	sadd.s32 s3, s9;
	[tilespmem:s11+$0x7750] =	vst v2;
	v0 =	vsub.f32 v10, v0  }
0x85: {  	s9 =	sshll.u32 s9, $0x4;
	[tilespmem:s11+$0x7760] =	vst v1  }
0x86: {  	s9 =	sadd.s32 s6, s9;
	[tilespmem:s11+$0x7770] =	vst v0  }
0x87: {  	[hbm4b:s9+s2] =	stream.linear.scatter [tilespmem:s15], [sflag:$0xC], $0x2800, $0x38;
	[tilespmem:$0x1DF00] =	vst v63  }
0x88: {  	s9 =	simm.s32 @!p0 $0xE  }
0x89: {  	_ =	swait.ge @!p0 [sflag:s9], $0x2800  }
0x8a: {  	[sflag:s9] =	ssyncset.done @!p0 $0x0  }
0x8b: {  	s11 =	sadd.s32 $0xF0, s8;
	[sflag:s9] =	ssyncadd.s32 @!p0 $0xFFFFD800  }
0x8c: {  	[tilespmem:s23], [sflag:$0x4] =	stream.indirect.gather [hbm4b:s4+s12], $0x80, s11, s12, $0xb8;
	[tilespmem:$0x1DF00] =	vst v63  }
0x8d: {  	s20 =	sadd.s32 $0x2870, s8  }
0x8e: {  	[tilespmem:s24], [sflag:$0x9] =	stream.indirect.gather [hbm4b:s5+s12], $0x80, s20, s12, $0xb8;
	[tilespmem:$0x1DF00] =	vst v63  }
0x8f: {  	_ =	swait.ge [sflag:s25], $0x2800  }
0x90: {  	[sflag:s25] =	ssyncset.done $0x0  }
0x91: {  	[sflag:s25] =	ssyncadd.s32 $0xFFFFD800  }
0x92: {  	_ =	swait.ge [sflag:s26], $0x2800  }
0x93: {  	[sflag:s26] =	ssyncset.done $0x0  }
0x94: {  	s9 =	simm.s32 $0x0;
	[sflag:s26] =	ssyncadd.s32 $0xFFFFD800  }
0x95: {  	v7 =	vld [tilespmem:s9+$0x16700]  }
0x96: {  	v11 =	vld [tilespmem:s9+$0x16710]  }
0x97: {  	v5 =	vld [tilespmem:s9+$0x16720]  }
0x98: {  	v4 =	vld [tilespmem:s9+$0x16730]  }
0x99: {  	v3 =	vld [tilespmem:s9+$0x16740]  }
0x9a: {  	v2 =	vld [tilespmem:s9+$0x16750]  }
0x9b: {  	v1 =	vld [tilespmem:s9+$0x16760]  }
0x9c: {  	v0 =	vld [tilespmem:s9+$0x16770]  }
0x9d: {  	v12 =	vld [tilespmem:s9+$0x9F00]  }
0x9e: {  	v13 =	vld [tilespmem:s9+$0x9F10]  }
0x9f: {  	v10 =	vld [tilespmem:s9+$0x9F20]  }
0xa0: {  	v9 =	vld [tilespmem:s9+$0x9F30]  }
0xa1: {  	v8 =	vld [tilespmem:s9+$0x9F40]  }
0xa2: {  	v6 =	vld [tilespmem:s9+$0x9F50];
	v12 =	vsub.f32 v12, v7  }
0xa3: {  	s16 =	simm.s32 $0x200;
	v11 =	vsub.f32 v13, v11;
	v7 =	vld [tilespmem:s9+$0x9F60]  }
.LBB2_7:
0xa4: {  	s20 =	sshra.s32 s16, $0x2;
	p1 =	sne.s32 s16, $0x9E00;
	[tilespmem:s9+$0x9F00] =	vst v12;
	v5 =	vsub.f32 v10, v5;
	v10 =	vld [tilespmem:s9+$0x9F70]  }
0xa5: {  	v12 =	vld [tilespmem:s20+$0x16700];
	[tilespmem:s9+$0x9F10] =	vst v11;
	v4 =	vsub.f32 v9, v4  }
0xa6: {  	v11 =	vld [tilespmem:s20+$0x16710];
	[tilespmem:s9+$0x9F20] =	vst v5;
	v3 =	vsub.f32 v8, v3  }
0xa7: {  	v5 =	vld [tilespmem:s20+$0x16720];
	[tilespmem:s9+$0x9F30] =	vst v4;
	v2 =	vsub.f32 v6, v2  }
0xa8: {  	v4 =	vld [tilespmem:s20+$0x16730];
	[tilespmem:s9+$0x9F40] =	vst v3;
	v1 =	vsub.f32 v7, v1  }
0xa9: {  	v3 =	vld [tilespmem:s20+$0x16740];
	[tilespmem:s9+$0x9F50] =	vst v2;
	v0 =	vsub.f32 v10, v0  }
0xaa: {  	v2 =	vld [tilespmem:s20+$0x16750];
	[tilespmem:s9+$0x9F60] =	vst v1  }
0xab: {  	v1 =	vld [tilespmem:s20+$0x16760];
	[tilespmem:s9+$0x9F70] =	vst v0;
	s9 =	smov.u32 s20  }
0xac: {  	v0 =	vld [tilespmem:s9+$0x16770]  }
0xad: {  	v6 =	vld [tilespmem:s9+$0x9F00]  }
0xae: {  	v7 =	vld [tilespmem:s9+$0x9F10]  }
.Ltmp2:
0xaf: {  	v10 =	vld [tilespmem:s9+$0x9F20];
	(pc) =	sbr.rel @p1 .LBB2_7-.Ltmp2, $4  }
0xb0: {  	v9 =	vld [tilespmem:s9+$0x9F30]  }
0xb1: {  	v8 =	vld [tilespmem:s9+$0x9F40]  }
0xb2: {  	v12 =	vsub.f32 v6, v12;
	v6 =	vld [tilespmem:s9+$0x9F50]  }
0xb3: {  	s16 =	sadd.s32 $0x200, s16;
	v11 =	vsub.f32 v7, v11;
	v7 =	vld [tilespmem:s9+$0x9F60]  }
0xb4: {  	[tilespmem:s9+$0x9F00] =	vst v12;
	v5 =	vsub.f32 v10, v5;
	v10 =	vld [tilespmem:s9+$0x9F70]  }
0xb5: {  	[tilespmem:s9+$0x9F10] =	vst v11;
	v4 =	vsub.f32 v9, v4  }
0xb6: {  	[tilespmem:s9+$0x9F20] =	vst v5;
	v3 =	vsub.f32 v8, v3  }
0xb7: {  	[tilespmem:s9+$0x9F30] =	vst v4;
	v2 =	vsub.f32 v6, v2  }
0xb8: {  	[tilespmem:s9+$0x9F40] =	vst v3;
	v1 =	vsub.f32 v7, v1  }
0xb9: {  	s10 =	sadd.s32 s3, s10;
	[tilespmem:s9+$0x9F50] =	vst v2;
	v0 =	vsub.f32 v10, v0  }
0xba: {  	s10 =	sshll.u32 s10, $0x4;
	[tilespmem:s9+$0x9F60] =	vst v1  }
0xbb: {  	s16 =	sadd.s32 s6, s10;
	[tilespmem:s9+$0x9F70] =	vst v0;
	s9 =	simm.s32 @!p0 $0xF  }
0xbc: {  	[hbm4b:s16+s2] =	stream.linear.scatter [tilespmem:s19], [sflag:$0xD], $0x2800, $0x38;
	[tilespmem:$0x1DF00] =	vst v63  }
0xbd: {  	_ =	swait.ge @!p0 [sflag:s9], $0x2800  }
0xbe: {  	[sflag:s9] =	ssyncset.done @!p0 $0x0  }
0xbf: {  	[sflag:s9] =	ssyncadd.s32 @!p0 $0xFFFFD800;
	s9 =	sadd.s32 $0x140, s8  }
0xc0: {  	[tilespmem:s28], [sflag:$0x5] =	stream.indirect.gather [hbm4b:s4+s12], $0x80, s9, s12, $0xb8;
	[tilespmem:$0x1DF00] =	vst v63  }
0xc1: {  	s20 =	sadd.s32 $0x28C0, s8  }
0xc2: {  	[tilespmem:s29], [sflag:$0xA] =	stream.indirect.gather [hbm4b:s5+s12], $0x80, s20, s12, $0xb8;
	[tilespmem:$0x1DF00] =	vst v63  }
0xc3: {  	_ =	swait.ge [sflag:s30], $0x2800  }
0xc4: {  	[sflag:s30] =	ssyncset.done $0x0  }
0xc5: {  	[sflag:s30] =	ssyncadd.s32 $0xFFFFD800  }
0xc6: {  	_ =	swait.ge [sflag:s31], $0x2800  }
0xc7: {  	[sflag:s31] =	ssyncset.done $0x0  }
0xc8: {  	s10 =	simm.s32 $0x0;
	[sflag:s31] =	ssyncadd.s32 $0xFFFFD800  }
0xc9: {  	v7 =	vld [tilespmem:s10+$0x18F00]  }
0xca: {  	v11 =	vld [tilespmem:s10+$0x18F10]  }
0xcb: {  	v5 =	vld [tilespmem:s10+$0x18F20]  }
0xcc: {  	v4 =	vld [tilespmem:s10+$0x18F30]  }
0xcd: {  	v3 =	vld [tilespmem:s10+$0x18F40]  }
0xce: {  	v2 =	vld [tilespmem:s10+$0x18F50]  }
0xcf: {  	v1 =	vld [tilespmem:s10+$0x18F60]  }
0xd0: {  	v0 =	vld [tilespmem:s10+$0x18F70]  }
0xd1: {  	v12 =	vld [tilespmem:s10+$0xC700]  }
0xd2: {  	v13 =	vld [tilespmem:s10+$0xC710]  }
0xd3: {  	v10 =	vld [tilespmem:s10+$0xC720]  }
0xd4: {  	v9 =	vld [tilespmem:s10+$0xC730]  }
0xd5: {  	v8 =	vld [tilespmem:s10+$0xC740]  }
0xd6: {  	v6 =	vld [tilespmem:s10+$0xC750];
	v12 =	vsub.f32 v12, v7  }
0xd7: {  	s16 =	simm.s32 $0x200;
	v11 =	vsub.f32 v13, v11;
	v7 =	vld [tilespmem:s10+$0xC760]  }
.LBB2_9:
0xd8: {  	s20 =	sshra.s32 s16, $0x2;
	p0 =	sne.s32 s16, $0x9E00;
	[tilespmem:s10+$0xC700] =	vst v12;
	v5 =	vsub.f32 v10, v5;
	v10 =	vld [tilespmem:s10+$0xC770]  }
0xd9: {  	v12 =	vld [tilespmem:s20+$0x18F00];
	[tilespmem:s10+$0xC710] =	vst v11;
	v4 =	vsub.f32 v9, v4  }
0xda: {  	v11 =	vld [tilespmem:s20+$0x18F10];
	[tilespmem:s10+$0xC720] =	vst v5;
	v3 =	vsub.f32 v8, v3  }
0xdb: {  	v5 =	vld [tilespmem:s20+$0x18F20];
	[tilespmem:s10+$0xC730] =	vst v4;
	v2 =	vsub.f32 v6, v2  }
0xdc: {  	v4 =	vld [tilespmem:s20+$0x18F30];
	[tilespmem:s10+$0xC740] =	vst v3;
	v1 =	vsub.f32 v7, v1  }
0xdd: {  	v3 =	vld [tilespmem:s20+$0x18F40];
	[tilespmem:s10+$0xC750] =	vst v2;
	v0 =	vsub.f32 v10, v0  }
0xde: {  	v2 =	vld [tilespmem:s20+$0x18F50];
	[tilespmem:s10+$0xC760] =	vst v1  }
0xdf: {  	v1 =	vld [tilespmem:s20+$0x18F60];
	[tilespmem:s10+$0xC770] =	vst v0;
	s10 =	smov.u32 s20  }
0xe0: {  	v0 =	vld [tilespmem:s10+$0x18F70]  }
0xe1: {  	v6 =	vld [tilespmem:s10+$0xC700]  }
0xe2: {  	v7 =	vld [tilespmem:s10+$0xC710]  }
.Ltmp3:
0xe3: {  	v10 =	vld [tilespmem:s10+$0xC720];
	(pc) =	sbr.rel @p0 .LBB2_9-.Ltmp3, $4  }
0xe4: {  	v9 =	vld [tilespmem:s10+$0xC730]  }
0xe5: {  	v8 =	vld [tilespmem:s10+$0xC740]  }
0xe6: {  	v12 =	vsub.f32 v6, v12;
	v6 =	vld [tilespmem:s10+$0xC750]  }
0xe7: {  	s16 =	sadd.s32 $0x200, s16;
	v11 =	vsub.f32 v7, v11;
	v7 =	vld [tilespmem:s10+$0xC760]  }
0xe8: {  	[tilespmem:s10+$0xC700] =	vst v12;
	v5 =	vsub.f32 v10, v5;
	v10 =	vld [tilespmem:s10+$0xC770]  }
0xe9: {  	[tilespmem:s10+$0xC710] =	vst v11;
	v4 =	vsub.f32 v9, v4  }
0xea: {  	[tilespmem:s10+$0xC720] =	vst v5;
	v3 =	vsub.f32 v8, v3  }
0xeb: {  	[tilespmem:s10+$0xC730] =	vst v4;
	v2 =	vsub.f32 v6, v2  }
0xec: {  	[tilespmem:s10+$0xC740] =	vst v3;
	v1 =	vsub.f32 v7, v1  }
0xed: {  	s11 =	sadd.s32 s3, s11;
	[tilespmem:s10+$0xC750] =	vst v2;
	v0 =	vsub.f32 v10, v0  }
0xee: {  	s11 =	sshll.u32 s11, $0x4;
	[tilespmem:s10+$0xC760] =	vst v1  }
0xef: {  	s20 =	sadd.s32 s6, s11;
	[tilespmem:s10+$0xC770] =	vst v0  }
0xf0: {  	[hbm4b:s20+s2] =	stream.linear.scatter [tilespmem:s23], [sflag:$0xE], $0x2800, $0x38;
	[tilespmem:$0x1DF00] =	vst v63  }
0xf1: {  	p0 =	seq.s32 s7, $0x18;
	_ =	swait.ge [sflag:s1], $0x2800  }
0xf2: {  	s16 =	simm.s32 @!p0 $0x4F00;
	[sflag:s1] =	ssyncset.done $0x0  }
0xf3: {  	s11 =	simm.s32 @!p0 $0x50;
	s10 =	sadd.s32 @!p0 $0x190, s8;
	[sflag:s1] =	ssyncadd.s32 $0xFFFFD800  }
0xf4: {  	[tilespmem:s16], [sflag:$0x1] =	stream.indirect.gather @!p0 [hbm4b:s4+s11], $0x80, s10, s11, $0xb8;
	[tilespmem:$0x1DF00] =	vst v63  }
0xf5: {  	s8 =	sadd.s32 @!p0 $0x2910, s8;
	s10 =	simm.s32 @!p0 $0x11700  }
0xf6: {  	[tilespmem:s10], [sflag:$0x6] =	stream.indirect.gather @!p0 [hbm4b:s5+s11], $0x80, s8, s11, $0xb8;
	[tilespmem:$0x1DF00] =	vst v63  }
0xf7: {  	_ =	swait.ge [sflag:s0], $0x2800  }
0xf8: {  	[sflag:s0] =	ssyncset.done $0x0  }
0xf9: {  	[sflag:s0] =	ssyncadd.s32 $0xFFFFD800  }
0xfa: {  	_ =	swait.ge [sflag:s14], $0x2800  }
0xfb: {  	[sflag:s14] =	ssyncset.done $0x0  }
0xfc: {  	s8 =	simm.s32 $0x0;
	[sflag:s14] =	ssyncadd.s32 $0xFFFFD800  }
0xfd: {  	v7 =	vld [tilespmem:s8+$0x1B700]  }
0xfe: {  	v11 =	vld [tilespmem:s8+$0x1B710]  }
0xff: {  	v5 =	vld [tilespmem:s8+$0x1B720]  }
0x100: {  	v4 =	vld [tilespmem:s8+$0x1B730]  }
0x101: {  	v3 =	vld [tilespmem:s8+$0x1B740]  }
0x102: {  	v2 =	vld [tilespmem:s8+$0x1B750]  }
0x103: {  	v1 =	vld [tilespmem:s8+$0x1B760]  }
0x104: {  	v0 =	vld [tilespmem:s8+$0x1B770]  }
0x105: {  	v12 =	vld [tilespmem:s8+$0xEF00]  }
0x106: {  	v13 =	vld [tilespmem:s8+$0xEF10]  }
0x107: {  	v10 =	vld [tilespmem:s8+$0xEF20]  }
0x108: {  	v9 =	vld [tilespmem:s8+$0xEF30]  }
0x109: {  	v8 =	vld [tilespmem:s8+$0xEF40]  }
0x10a: {  	v6 =	vld [tilespmem:s8+$0xEF50];
	v12 =	vsub.f32 v12, v7  }
0x10b: {  	s10 =	simm.s32 $0x200;
	v11 =	vsub.f32 v13, v11;
	v7 =	vld [tilespmem:s8+$0xEF60]  }
.LBB2_11:
0x10c: {  	s11 =	sshra.s32 s10, $0x2;
	p0 =	sne.s32 s10, $0x9E00;
	[tilespmem:s8+$0xEF00] =	vst v12;
	v5 =	vsub.f32 v10, v5;
	v10 =	vld [tilespmem:s8+$0xEF70]  }
0x10d: {  	v12 =	vld [tilespmem:s11+$0x1B700];
	[tilespmem:s8+$0xEF10] =	vst v11;
	v4 =	vsub.f32 v9, v4  }
0x10e: {  	v11 =	vld [tilespmem:s11+$0x1B710];
	[tilespmem:s8+$0xEF20] =	vst v5;
	v3 =	vsub.f32 v8, v3  }
0x10f: {  	v5 =	vld [tilespmem:s11+$0x1B720];
	[tilespmem:s8+$0xEF30] =	vst v4;
	v2 =	vsub.f32 v6, v2  }
0x110: {  	v4 =	vld [tilespmem:s11+$0x1B730];
	[tilespmem:s8+$0xEF40] =	vst v3;
	v1 =	vsub.f32 v7, v1  }
0x111: {  	v3 =	vld [tilespmem:s11+$0x1B740];
	[tilespmem:s8+$0xEF50] =	vst v2;
	v0 =	vsub.f32 v10, v0  }
0x112: {  	v2 =	vld [tilespmem:s11+$0x1B750];
	[tilespmem:s8+$0xEF60] =	vst v1  }
0x113: {  	v1 =	vld [tilespmem:s11+$0x1B760];
	[tilespmem:s8+$0xEF70] =	vst v0;
	s8 =	smov.u32 s11  }
0x114: {  	v0 =	vld [tilespmem:s8+$0x1B770]  }
0x115: {  	v6 =	vld [tilespmem:s8+$0xEF00]  }
0x116: {  	v7 =	vld [tilespmem:s8+$0xEF10]  }
.Ltmp4:
0x117: {  	v10 =	vld [tilespmem:s8+$0xEF20];
	(pc) =	sbr.rel @p0 .LBB2_11-.Ltmp4, $4  }
0x118: {  	v9 =	vld [tilespmem:s8+$0xEF30]  }
0x119: {  	v8 =	vld [tilespmem:s8+$0xEF40]  }
0x11a: {  	v12 =	vsub.f32 v6, v12;
	v6 =	vld [tilespmem:s8+$0xEF50]  }
0x11b: {  	s10 =	sadd.s32 $0x200, s10;
	v11 =	vsub.f32 v7, v11;
	v7 =	vld [tilespmem:s8+$0xEF60]  }
0x11c: {  	[tilespmem:s8+$0xEF00] =	vst v12;
	v5 =	vsub.f32 v10, v5;
	v63 =	vld [tilespmem:s8+$0xEF70]  }
0x11d: {  	[tilespmem:s8+$0xEF10] =	vst v11;
	v4 =	vsub.f32 v9, v4  }
0x11e: {  	s7 =	sadd.s32 $0x1, s7;
	[tilespmem:s8+$0xEF20] =	vst v5;
	v3 =	vsub.f32 v8, v3  }
0x11f: {  	p0 =	sne.s32 s7, $0x19;
	[tilespmem:s8+$0xEF30] =	vst v4;
	v2 =	vsub.f32 v6, v2  }
.Ltmp5:
0x120: {  	[tilespmem:s8+$0xEF40] =	vst v3;
	v1 =	vsub.f32 v7, v1;
	(pc) =	sbr.rel @p0 .LBB2_2-.Ltmp5, $4  }
0x121: {  	s9 =	sadd.s32 s3, s9;
	[tilespmem:s8+$0xEF50] =	vst v2;
	v0 =	vsub.f32 v63, v0  }
0x122: {  	s9 =	sshll.u32 s9, $0x4;
	[tilespmem:s8+$0xEF60] =	vst v1  }
0x123: {  	s20 =	sadd.s32 s6, s9;
	[tilespmem:s8+$0xEF70] =	vst v0  }
0x124: {  	[hbm4b:s20+s2] =	stream.linear.scatter [tilespmem:s28], [sflag:$0xF], $0x2800, $0x38;
	[tilespmem:$0x1DF00] =	vst v63  }
0x125: {  	s7 =	simm.s32 $0xC  }
0x126: {  	_ =	swait.ge [sflag:s7], $0x2800  }
0x127: {  	[sflag:s7] =	ssyncset.done $0x0  }
0x128: {  	s11 =	simm.s32 $0xD;
	[sflag:s7] =	ssyncadd.s32 $0xFFFFD800  }
0x129: {  	_ =	swait.ge [sflag:s11], $0x2800  }
0x12a: {  	[sflag:s11] =	ssyncset.done $0x0  }
0x12b: {  	s16 =	simm.s32 $0xE;
	[sflag:s11] =	ssyncadd.s32 $0xFFFFD800  }
0x12c: {  	_ =	swait.ge [sflag:s16], $0x2800  }
0x12d: {  	[sflag:s16] =	ssyncset.done $0x0  }
0x12e: {  	s8 =	simm.s32 $0xF;
	[sflag:s16] =	ssyncadd.s32 $0xFFFFD800  }
0x12f: {  	_ =	swait.ge [sflag:s8], $0x2800  }
0x130: {  	s9 =	rddreg [dreg:$0x6]  }
0x131: {  	s20 =	rddreg [dreg:$0x5];
	s9 =	sadd.s32 $0x1, s9  }
0x132: {  	p0 =	sne.s32 s9, s20  }
.Ltmp6:
0x133: {  	_ = 	snop;
	(pc) =	sbr.rel @p0 .LBB2_1-.Ltmp6, $3  }
0x134: {  	_ =	sdelay $0x1  }
0x135: {  	[sflag:s8] =	ssyncset.done $0x0  }
0x136: {  	[sflag:s8] =	ssyncadd.s32 $0xFFFFD800  }
0x137: {  	_ =	sfence.sel $0x180000  }
0x138: {  	[bflag:$0x0] =	sbarrier.arrive $0xFFFF  }
0x139: {  	_ =	strace $0x90000053  }
0x13a: {  	s0 =	stileid.u32;
	[bflag:$0x2] =	sbarrier.arrive $0xFFFF  }
0x13b: {  	p0 =	sne.s32 s0, $0x0;
	s0 =	rddreg [dreg:$0x2]  }
0x13c: {  	s0 =	sadd.s32 @!p0 $0x100000, s0  }
0x13d: {  	[sflag:s0] =	ssyncadd.tile.s32 @!p0 $0x1;
	_ =	shalt  }
.Lfunc_end2:
_tile_overlayer_lowered:
.L_overlay_start_2:
0x13e: {  	(tag) =	ssettag $0x2  }
0x13f: {  	s0 =	rddreg [dreg:$0x0];
	s2 =	stileid.u32  }
0x140: {  	s1 =	rddreg [dreg:$0x1];
	p0 =	sne.s32 s2, $0x0  }
0x141: {  	s3 =	rddreg [dreg:$0x2];
	[bflag:$0x3] =	sbarrier.arrive $0xFFFF;
	s2 =	simm.s32 @!p0 $0x1C10  }
0x142: {  	[timem:s3], [sflag:s2] =	dma.local @!p0 [hbm:s0], s1  }
0x143: {  	s0 =	simm.s32 @!p0 $0x10  }
0x144: {  	_ =	swait.ge @!p0 [sflag:s0], s1  }
0x145: {  	s1 =	ssub.s32 @!p0 $0x0, s1;
	[sflag:s0] =	ssyncset.done @!p0 $0x0  }
0x146: {  	[sflag:s0] =	ssyncadd.s32 @!p0 s1  }
0x147: {  	[bflag:$0x3] =	sbarrier.arrive $0xFFFF  }
0x148: {  	_ =	shalt  }

// kernel: kernel.29.cloned.1.call-start
scs
__scs_entry_jumppad:
0x0: {  	(pc) =	sbr.rel $0x88, $3  }
0x1: {  	(tag) =	ssettag $0x0;
	lr =	simm.s32 $0x1  }
0x2: {  	[smem:$0x3F97] =	sst lr;
	_ =	strace $0xD0000000  }
0x3: {  	_ = 	snop  }
0x4: {  	_ = 	snop  }
0x5: {  	_ = 	snop  }
0x6: {  	_ = 	snop  }
0x7: {  	_ = 	snop  }
__scs_overlays_trampoline_lowered:
0x8: {  	[smem:$0x3FA6] =	sst s0  }
0x9: {  	[smem:$0x3FA7] =	sst s1  }
0xa: {  	[smem:$0x3FA8] =	sst s2  }
0xb: {  	[smem:$0x3FA9] =	sst s3  }
0xc: {  	[smem:$0x3FAA] =	sst s4  }
0xd: {  	[smem:$0x3FAB] =	sst s5  }
0xe: {  	[smem:$0x3FAC] =	sst s6  }
0xf: {  	[smem:$0x3FAD] =	sst s7  }
0x10: {  	[smem:$0x3FAE] =	sst s8  }
0x11: {  	[smem:$0x3FAF] =	sst s9;
	s0 =	simm.s32 @!p0 $0x0  }
0x12: {  	s1 =	sld [smem:$0x3F95];
	s0 =	simm.s32 @p0 $0x1  }
0x13: {  	[smem:$0x3FB0] =	sst s0;
	s0 =	simm.s32 @!p1 $0x0  }
0x14: {  	s2 =	sld [smem:$0x3F94];
	s0 =	simm.s32 @p1 $0x1  }
0x15: {  	[smem:$0x3FB1] =	sst s0;
	s0 =	simm.s32 @!p2 $0x0  }
0x16: {  	s3 =	sld [smem:$0x3FDB];
	s0 =	simm.s32 @p2 $0x1  }
0x17: {  	s4 =	simm.s32 $0x1BF5;
	[smem:$0x3FB3] =	sst s0  }
0x18: {  	s0 =	sld [smem:$0x3F96];
	_ =	swait.ge [sflag:s4], $0x0  }
0x19: {  	s7 =	sld [smem:$0x3F97]  }
0x1a: {  	s8 =	sadd.s32 $0xFFFFE003, lr  }
0x1b: {  	s9 =	sadd.s32 $0xFFFFFEF7, lr;
	s5 =	simm.s32 $0xFFFFFFFF;
	p2 =	slt.u32 s8, $0xFFFFF086  }
0x1c: {  	p1 =	slt.u32 s9, $0xF7A;
	s5 =	simm.s32 @!p2 $0x0  }
0x1d: {  	s5 =	simm.s32 @p1 $0x1;
	p0 =	seq.s32 s7, s2  }
0x1e: {  	s7 =	smul.u32 @!p0 $0xF7A, s2;
	p2 =	seq.s32 @!p0 s5, $0x0  }
0x1f: {  	s9 =	smul.u32 $0xF7A, s1;
	s8 =	simm.s32 @!p0 $0x1BF5;
	p2 =	por !p2, p0  }
0x20: {  	[sflag:s8] =	ssyncset.s32 @!p0 $0xFFFFF086;
	s6 =	sadd.s32 @!p0 s3, s7;
	s7 =	simm.s32 @!p0 $0x108  }
0x21: {  	s3 =	sadd.s32 s3, s9;
	s6 =	sadd.s32 @!p0 $0x88, s6;
	s7 =	simm.s32 @p2 $0x1082  }
0x22: {  	[simem:s7], [sflag:s8] =	dma.local @!p0 [hbm:s6], $0xF7A  }
0x23: {  	s9 =	sor.u32 $0xD0000000, s2;
	s6 =	simm.s32 $0x108;
	_ =	swait.ge @!p0 [sflag:s8], $0x0  }
0x24: {  	s3 =	sadd.s32 $0x88, s3;
	s6 =	simm.s32 @!p1 $0x1082;
	[sflag:s4] =	ssyncset.s32 $0xFFFFF086  }
0x25: {  	[simem:s6], [sflag:s4] =	dma.local [hbm:s3], $0xF7A  }
0x26: {  	[smem:$0x3F97] =	sst s1;
	(tag) =	ssettag s2;
	_ =	strace s9  }
0x27: {  	s1 =	sld [smem:$0x3FA7]  }
0x28: {  	s2 =	sld [smem:$0x3FA8]  }
0x29: {  	s4 =	sld [smem:$0x3FAA]  }
0x2a: {  	p0 =	seq.s32 s5, $0x0;
	s5 =	sld [smem:$0x3FAB]  }
0x2b: {  	s6 =	sld [smem:$0x3FAC]  }
0x2c: {  	s7 =	sld [smem:$0x3FAD]  }
0x2d: {  	s3 =	simm.s32 $0x108;
	s8 =	sld [smem:$0x3FAE]  }
0x2e: {  	s3 =	simm.s32 @!p0 $0x1082;
	s9 =	sld [smem:$0x3FAF]  }
0x2f: {  	lr =	sadd.s32 s0, s3;
	s0 =	sld [smem:$0x3FA6]  }
0x30: {  	s3 =	sld [smem:$0x3FA9]  }
0x31: {  	[smem:$0x3FB2] =	sst s10  }
0x32: {  	s10 =	sld [smem:$0x3FB0];
	_ =	sdelay $0x3  }
0x33: {  	p0 =	seq.s32 s10, $0x1;
	s10 =	sld [smem:$0x3FB2];
	_ =	sdelay $0x3  }
0x34: {  	[smem:$0x3FB2] =	sst s10  }
0x35: {  	s10 =	sld [smem:$0x3FB1];
	_ =	sdelay $0x3  }
0x36: {  	p1 =	seq.s32 s10, $0x1;
	s10 =	sld [smem:$0x3FB2];
	_ =	sdelay $0x3  }
0x37: {  	[smem:$0x3FB2] =	sst s10  }
0x38: {  	s10 =	sld [smem:$0x3FB3]  }
0x39: {  	_ = 	snop;
	(pc) =	sbr.ind lr, $3  }
0x3a: {  	_ = 	snop  }
0x3b: {  	_ = 	snop  }
0x3c: {  	p2 =	seq.s32 s10, $0x1;
	s10 =	sld [smem:$0x3FB2]  }
0x3d: {  	_ =	shalt  }
0x3e: {  	_ =	shalt  }
0x3f: {  	_ =	shalt  }
0x40: {  	_ =	shalt  }
0x41: {  	_ =	shalt  }
0x42: {  	_ =	shalt  }
0x43: {  	_ =	shalt  }
0x44: {  	_ =	shalt  }
0x45: {  	_ =	shalt  }
0x46: {  	_ =	shalt  }
0x47: {  	_ =	shalt  }
0x48: {  	_ =	shalt  }
0x49: {  	_ =	shalt  }
0x4a: {  	_ =	shalt  }
0x4b: {  	_ =	shalt  }
0x4c: {  	_ =	shalt  }
0x4d: {  	_ =	shalt  }
0x4e: {  	_ =	shalt  }
0x4f: {  	_ =	shalt  }
0x50: {  	_ =	shalt  }
0x51: {  	_ =	shalt  }
0x52: {  	_ =	shalt  }
0x53: {  	_ =	shalt  }
0x54: {  	_ =	shalt  }
0x55: {  	_ =	shalt  }
0x56: {  	_ =	shalt  }
0x57: {  	_ =	shalt  }
0x58: {  	_ =	shalt  }
0x59: {  	_ =	shalt  }
0x5a: {  	_ =	shalt  }
0x5b: {  	_ =	shalt  }
0x5c: {  	_ =	shalt  }
0x5d: {  	_ =	shalt  }
0x5e: {  	_ =	shalt  }
0x5f: {  	_ =	shalt  }
0x60: {  	_ =	shalt  }
0x61: {  	_ =	shalt  }
0x62: {  	_ =	shalt  }
0x63: {  	_ =	shalt  }
0x64: {  	_ =	shalt  }
0x65: {  	_ =	shalt  }
0x66: {  	_ =	shalt  }
0x67: {  	_ =	shalt  }
0x68: {  	_ =	shalt  }
0x69: {  	_ =	shalt  }
0x6a: {  	_ =	shalt  }
0x6b: {  	_ =	shalt  }
0x6c: {  	_ =	shalt  }
0x6d: {  	_ =	shalt  }
0x6e: {  	_ =	shalt  }
0x6f: {  	_ =	shalt  }
0x70: {  	_ =	shalt  }
0x71: {  	_ =	shalt  }
0x72: {  	_ =	shalt  }
0x73: {  	_ =	shalt  }
0x74: {  	_ =	shalt  }
0x75: {  	_ =	shalt  }
0x76: {  	_ =	shalt  }
0x77: {  	_ =	shalt  }
0x78: {  	_ =	shalt  }
0x79: {  	_ =	shalt  }
0x7a: {  	_ =	shalt  }
0x7b: {  	_ =	shalt  }
0x7c: {  	_ =	shalt  }
0x7d: {  	_ =	shalt  }
0x7e: {  	_ =	shalt  }
0x7f: {  	_ =	shalt  }
0x80: {  	_ =	shalt  }
0x81: {  	_ =	shalt  }
0x82: {  	_ =	shalt  }
0x83: {  	_ =	shalt  }
0x84: {  	_ =	shalt  }
0x85: {  	_ =	shalt  }
0x86: {  	_ =	shalt  }
0x87: {  	_ =	shalt  }
.Lfunc_end0:
.L_simem_size_0:
called_computation.5_lowered:
.L_overlay_start_0:
0x88: {  	s2 =	sld [smem:$0x3FD9]  }
0x89: {  	s3 =	sld [smem:$0x3FFE];
	_ =	sdelay $0x1  }
0x8a: {  	s1 =	srdreg.scid  }
0x8b: {  	s0 =	sand.u32 $0x1, s1  }
0x8c: {  	s17 =	sshll.u32 s0, $0xA;
	s2 =	sadd.s32 s3, s2  }
0x8d: {  	s2 =	sadd.s32 s2, s17  }
0x8e: {  	[smem:$0x3FBE] =	sst s2  }
0x8f: {  	_ = 	snop  }
0x90: {  	s2 =	sld [smem:$0x3FD0];
	(tm) =	ssettm $0x1  }
0x91: {  	s18 =	sld [smem:$0x3FFB];
	_ =	sdelay $0x3  }
0x92: {  	_ =	strace s18  }
0x93: {  	s3 =	sld [smem:$0x3FFC];
	_ =	sdelay $0x3  }
0x94: {  	_ =	strace s3  }
0x95: {  	s3 =	sld [smem:$0x3FFD];
	_ =	sdelay $0x3  }
0x96: {  	_ =	strace s3  }
0x97: {  	_ =	strace $0x8FFFFFFF  }
0x98: {  	s19 =	sld [smem:$0x3FDB];
	_ =	sdelay $0x1  }
0x99: {  	s4 =	simm.s32 $_scs_section_size  }
0x9a: {  	s5 =	simm.s32 $_size__tile_overlayer_lowered;
	s6 =	simm.s32 $_tile_overlayer_lowered  }
0x9b: {  	s22 =	simm.s32 $0x1BFF;
	s21 =	sshll.u32 s6, $0x1;
	s3 =	sadd.s32 s4, s19  }
0x9c: {  	s7 =	simm.s32 $0x0;
	s20 =	sshll.u32 s5, $0x1;
	s5 =	sadd.s32 s21, s3  }
0x9d: {  	[timem:s7], [sflag:s22] =	dma.local [hbm:s5], s20  }
0x9e: {  	_ =	swait.ge [sflag:s22], s20  }
0x9f: {  	s4 =	ssub.s32 $0x0, s20;
	[sflag:s22] =	ssyncset.done $0x0  }
0xa0: {  	[sflag:s22] =	ssyncadd.s32 s4;
	_ =	sdelay $0x1  }
0xa1: {  	s23 =	simm.s32 $0x1B8B  }
0xa2: {  	_ =	swait.ge [sflag:s23], $0x1  }
0xa3: {  	[sflag:s23] =	ssyncset.done $0x0  }
0xa4: {  	s25 =	simm.s32 $0x1B8E;
	s24 =	sld [smem:$0x3FFE];
	[sflag:s23] =	ssyncadd.s32 $0xFFFFFFFF  }
0xa5: {  	s26 =	simm.s32 $execute0_lowered;
	[smem:$0x3FD2] =	sst s25  }
0xa6: {  	s5 =	sshll.u32 s26, $0x1;
	_ =	strace $0x80000055;
	[dreg:$0x1] =	wrdreg $0xFFFFFFFF  }
0xa7: {  	s28 =	simm.s32 $_size_execute0_lowered;
	s3 =	sadd.s32 s3, s5;
	[dreg:$0x0] =	wrdreg $0x0  }
0xa8: {  	s5 =	sshll.u32 s28, $0x1;
	[dreg:$0x2] =	wrdreg s3  }
0xa9: {  	[dreg:$0x3] =	wrdreg s5  }
0xaa: {  	[dreg:$0x4] =	wrdreg $0xC0  }
0xab: {  	_ =	task [dreg:s7], $0x5FFFF  }
0xac: {  	[dreg:$0x1] =	wrdreg $0xFFFFFFFF  }
0xad: {  	[dreg:$0x0] =	wrdreg $0x60  }
0xae: {  	[dreg:$0x2] =	wrdreg s24  }
0xaf: {  	[dreg:$0x3] =	wrdreg s2  }
0xb0: {  	[dreg:$0x4] =	wrdreg $0x78800  }
0xb1: {  	[dreg:$0x5] =	wrdreg $0x9  }
0xb2: {  	_ =	task.clear_ibuf [dreg:s7], $0x6FFFF;
	_ =	strace $0x90000055  }
0xb3: {  	s29 =	simm.s32 $0x9;
	_ =	strace $0x80000057  }
0xb4: {  	_ =	swait.ge [sflag:s29], $0x1  }
0xb5: {  	[sflag:s29] =	ssyncadd.s32 $0xFFFFFFFF  }
0xb6: {  	_ =	strace $0x90000057  }
0xb7: {  	_ =	sfence  }
0xb8: {  	s30 =	sld [smem:$0x0];
	_ =	sdelay $0x2  }
0xb9: {  	s31 =	sshll.u32 s1, $0xD;
	s1 =	sshrl.u32 s1, $0x2  }
0xba: {  	s3 =	sand.u32 $0x4000, s31;
	s1 =	sadd.s32 s1, s30  }
0xbb: {  	s0 =	sor.u32 s3, s0;
	s1 =	sshll.u32 s1, $0x11  }
0xbc: {  	s0 =	sor.u32 s1, s0  }
0xbd: {  	s0 =	sadd.s32 $0x8F2B, s0  }
0xbe: {  	[sflag:s0] =	ssyncadd.remote.s32 $0x1  }
0xbf: {  	_ =	sfence.sel $0xFFFF  }
0xc0: {  	[dreg:$0x0] =	wrdreg $0xFFFFFFFF;
	(pc) =	sbr.abs _section_cstart, $3  }
0xc1: {  	[dreg:$0x1] =	wrdreg $0xFFFFFFFF  }
0xc2: {  	_ =	task.clear_ibuf [dreg:s7], $0x2FFFF;
	_ =	strace $0x9FFFFFFF  }
0xc3: {  	(tm) =	ssettm $0x7FFFFFFF  }
tec
execute0_lowered:
.L_overlay_start_1:
0x0: {  	(tag) =	ssettag $0x1  }
0x1: {  	s4 =	rddreg [dreg:$0x0]  }
0x2: {  	s6 =	rddreg [dreg:$0x1]  }
0x3: {  	s2 =	rddreg [dreg:$0x2]  }
0x4: {  	s0 =	rddreg [dreg:$0x3]  }
0x5: {  	s1 =	stileid.u32;
	s5 =	srdreg.scid  }
0x6: {  	s3 =	simm.s32 $0x0;
	s16 =	simm.s32 $0x5080;
	s17 =	simm.s32 $0x1  }
0x7: {  	s18 =	simm.s32 $0x50;
	s19 =	simm.s32 $0x2780;
	s20 =	simm.s32 $0x3  }
0x8: {  	s21 =	simm.s32 $0x2;
	s7 =	smul.u32 $0x14000, s1;
	s8 =	sand.u32 $0x1, s5  }
0x9: {  	[smem:$0x7FF] =	sst s3;
	s10 =	sadd.s32 $0x516E00, s4;
	s23 =	smul.u32 $0x50000, s1  }
0xa: {  	s25 =	sshll.u32 s1, $0x1;
	s28 =	sshll.u32 s1, $0x6;
	s15 =	smul.u32 $0x4E200, s1  }
0xb: {  	s5 =	smul.u32 $0x140000, s8;
	_ =	strace $0x80000056;
	s24 =	ssub.s32 $0x2, s8  }
0xc: {  	s30 =	smul.u32 $0x27100, s8;
	s9 =	sshrl.u32 s7, $0x3;
	s12 =	sshrl.u32 s24, $0x1  }
0xd: {  	s31 =	sadd.s32 s15, s10;
	s15 =	simm.s32 $0x2880;
	s5 =	sadd.s32 s7, s5  }
0xe: {  	s22 =	sadd.s32 s9, s4;
	s9 =	sshrl.u32 s23, $0x2;
	s12 =	ssub.s32 s24, s12  }
0xf: {  	s23 =	simm.s32 $0x4;
	s24 =	simm.s32 $0x0;
	s5 =	sshrl.u32 s5, $0x3  }
0x10: {  	s13 =	sadd.s32 s9, s2;
	s11 =	sadd.s32 s5, s4;
	s5 =	sor.u32 s8, s25  }
0x11: {  	s9 =	smax.u32 s12, $0x1;
	s12 =	sadd.s32 s30, s31;
	s26 =	smul.u32 $0x2710, s5  }
0x12: {  	s4 =	sadd.s32 $0xCE00, s22;
	s13 =	sshrl.u32 s13, $0x3;
	s14 =	smul.u32 $0x27100, s5  }
0x13: {  	s22 =	simm.s32 $0x2800;
	s5 =	sor.u32 $0x1C05, s28;
	s8 =	sadd.s32 $0x34E00, s11  }
0x14: {  	s29 =	sshrl.u32 s26, $0x3;
	s7 =	sadd.s32 s10, s14;
	s14 =	simm.s32 $0x5  }
0x15: {  	s6 =	sadd.s32 s6, s29;
	s10 =	sadd.s32 $0x500, s7;
	s11 =	sadd.s32 $0xA00, s7  }
.LBB2_1:
0x16: {  	[spmem:s13], [sflag:s5] =	dma.local [hbm:s4], $0x2800  }
0x17: {  	_ =	swait.ge [sflag:s14], $0x2800  }
0x18: {  	[sflag:s14] =	ssyncset.done $0x0  }
0x19: {  	[sflag:s14] =	ssyncadd.s32 $0xFFFFD800  }
0x1a: {  	[tilespmem:s3], [sflag:$0x5] =	stream.linear.gather [hbm4b:s6+s3], $0x2710, $0x38;
	[tilespmem:$0x1B880] =	vst v63  }
0x1b: {  	_ =	swait.ge [sflag:s14], $0x2710  }
0x1c: {  	[sflag:s14] =	ssyncset.done $0x0  }
0x1d: {  	[sflag:s14] =	ssyncadd.s32 $0xFFFFD8F0  }
0x1e: {  	[bflag:$0x0] =	sbarrier.arrive $0xFFFF  }
0x1f: {  	[tilespmem:s15], [sflag:$0x1] =	stream.linear.gather [hbm4b:s7+s3], $0x2800, $0x38;
	[tilespmem:$0x1B880] =	vst v63  }
0x20: {  	v0 =	vld [tilespmem:$0x0]  }
0x21: {  	v1 =	vld [tilespmem:$0x10]  }
0x22: {  	v2 =	vld [tilespmem:$0x20]  }
0x23: {  	v3 =	vld [tilespmem:$0x30]  }
0x24: {  	v4 =	vld [tilespmem:$0x40]  }
0x25: {  	[tilespmem:$0x2780] =	vst v0  }
0x26: {  	[tilespmem:$0x2790] =	vst v1  }
0x27: {  	[tilespmem:$0x27A0] =	vst v2  }
0x28: {  	[tilespmem:$0x27B0] =	vst v3  }
0x29: {  	[tilespmem:$0x27C0] =	vst v4  }
0x2a: {  	[tilespmem:s16], [sflag:$0x2] =	stream.linear.gather [hbm4b:s10+s3], $0x2800, $0x38;
	[tilespmem:$0x1B880] =	vst v63  }
0x2b: {  	v52 =	vld [tilespmem:$0x50]  }
0x2c: {  	v53 =	vld [tilespmem:$0x60]  }
0x2d: {  	v54 =	vld [tilespmem:$0x70]  }
0x2e: {  	v55 =	vld [tilespmem:$0x80]  }
0x2f: {  	v56 =	vld [tilespmem:$0x90]  }
0x30: {  	[tilespmem:$0x2800] =	vst v52  }
0x31: {  	[tilespmem:$0x2810] =	vst v53  }
0x32: {  	[tilespmem:$0x2820] =	vst v54  }
0x33: {  	[tilespmem:$0x2830] =	vst v55  }
0x34: {  	[tilespmem:$0x2840] =	vst v56  }
0x35: {  	_ =	swait.ge [sflag:s17], $0x2800  }
0x36: {  	[sflag:s17] =	ssyncset.done $0x0  }
0x37: {  	[sflag:s17] =	ssyncadd.s32 $0xFFFFD800  }
0x38: {  	[spmem:s2] =	stream.indirect.scatter.add.f32 [tilespmem:s15], [sflag:$0x3], $0x80, s19, s18, $0xb8;
	[tilespmem:$0x1B880] =	vst v63  }
0x39: {  	_ =	swait.ge [sflag:s20], $0x2800  }
0x3a: {  	[sflag:s20] =	ssyncset.done $0x0  }
0x3b: {  	[sflag:s20] =	ssyncadd.s32 $0xFFFFD800  }
0x3c: {  	[tilespmem:s15], [sflag:$0x1] =	stream.linear.gather [hbm4b:s11+s3], $0x2800, $0x38;
	[tilespmem:$0x1B880] =	vst v63  }
0x3d: {  	v57 =	vld [tilespmem:$0xA0]  }
0x3e: {  	v58 =	vld [tilespmem:$0xB0]  }
0x3f: {  	v59 =	vld [tilespmem:$0xC0]  }
0x40: {  	v60 =	vld [tilespmem:$0xD0]  }
0x41: {  	v61 =	vld [tilespmem:$0xE0]  }
0x42: {  	[tilespmem:$0x2780] =	vst v57  }
0x43: {  	[tilespmem:$0x2790] =	vst v58  }
0x44: {  	[tilespmem:$0x27A0] =	vst v59  }
0x45: {  	[tilespmem:$0x27B0] =	vst v60  }
0x46: {  	[tilespmem:$0x27C0] =	vst v61  }
0x47: {  	_ =	swait.ge [sflag:s21], $0x2800  }
0x48: {  	[sflag:s21] =	ssyncset.done $0x0  }
0x49: {  	[sflag:s21] =	ssyncadd.s32 $0xFFFFD800  }
0x4a: {  	[spmem:s2] =	stream.indirect.scatter.add.f32 [tilespmem:s16], [sflag:$0x4], $0x80, s22, s18, $0xb8;
	[tilespmem:$0x1B880] =	vst v63  }
0x4b: {  	_ =	swait.ge [sflag:s23], $0x2800  }
0x4c: {  	s25 =	sadd.s32 $0xFFFD9E00, s12;
	[sflag:s23] =	ssyncset.done $0x0  }
0x4d: {  	s26 =	simm.s32 $0x180;
	s28 =	sadd.s32 $0x27100, s25;
	[sflag:s23] =	ssyncadd.s32 $0xFFFFD800  }
0x4e: {  	[tilespmem:s16], [sflag:$0x2] =	stream.linear.gather [hbm4b:s28+s3], $0x2800, $0x38;
	[tilespmem:$0x1B880] =	vst v63  }
0x4f: {  	v62 =	vld [tilespmem:s26+$0xFFFFFF70];
	_ =	sdelay $0x4  }
0x50: {  	[tilespmem:$0x2800] =	vst v62  }
0x51: {  	v0 =	vld [tilespmem:s26+$0xFFFFFF80];
	_ =	sdelay $0x4  }
0x52: {  	[tilespmem:$0x2810] =	vst v0  }
0x53: {  	v0 =	vld [tilespmem:s26+$0xFFFFFF90];
	_ =	sdelay $0x4  }
0x54: {  	[tilespmem:$0x2820] =	vst v0  }
0x55: {  	v0 =	vld [tilespmem:s26+$0xFFFFFFA0];
	_ =	sdelay $0x4  }
0x56: {  	[tilespmem:$0x2830] =	vst v0  }
0x57: {  	v0 =	vld [tilespmem:s26+$0xFFFFFFB0];
	_ =	sdelay $0x4  }
0x58: {  	[tilespmem:$0x2840] =	vst v0  }
0x59: {  	_ =	swait.ge [sflag:s17], $0x2800  }
0x5a: {  	[sflag:s17] =	ssyncset.done $0x0  }
0x5b: {  	[sflag:s17] =	ssyncadd.s32 $0xFFFFD800  }
0x5c: {  	[spmem:s2] =	stream.indirect.scatter.add.f32 [tilespmem:s15], [sflag:$0x3], $0x80, s19, s18, $0xb8;
	[tilespmem:$0x1B880] =	vst v63  }
0x5d: {  	_ =	swait.ge [sflag:s20], $0x2800  }
0x5e: {  	[sflag:s20] =	ssyncset.done $0x0  }
0x5f: {  	s25 =	sadd.s32 $0x27600, s25;
	[sflag:s20] =	ssyncadd.s32 $0xFFFFD800  }
0x60: {  	[tilespmem:s15], [sflag:$0x1] =	stream.linear.gather [hbm4b:s25+s3], $0x2800, $0x38;
	[tilespmem:$0x1B880] =	vst v63  }
0x61: {  	v63 =	vld [tilespmem:s26+$0xFFFFFFC0];
	_ =	sdelay $0x4  }
0x62: {  	[tilespmem:$0x2780] =	vst v63  }
0x63: {  	v0 =	vld [tilespmem:s26+$0xFFFFFFD0];
	_ =	sdelay $0x4  }
0x64: {  	[tilespmem:$0x2790] =	vst v0  }
0x65: {  	v0 =	vld [tilespmem:s26+$0xFFFFFFE0];
	_ =	sdelay $0x4  }
0x66: {  	[tilespmem:$0x27A0] =	vst v0  }
0x67: {  	v0 =	vld [tilespmem:s26+$0xFFFFFFF0];
	_ =	sdelay $0x4  }
0x68: {  	[tilespmem:$0x27B0] =	vst v0  }
0x69: {  	v0 =	vld [tilespmem:s26+$0x0];
	_ =	sdelay $0x4  }
0x6a: {  	[tilespmem:$0x27C0] =	vst v0  }
0x6b: {  	_ =	swait.ge [sflag:s21], $0x2800  }
0x6c: {  	[sflag:s21] =	ssyncset.done $0x0  }
0x6d: {  	s25 =	simm.s32 $0xFFFDA800;
	s26 =	simm.s32 $0x220;
	[sflag:s21] =	ssyncadd.s32 $0xFFFFD800  }
.LBB2_2:
0x6e: {  	[spmem:s2] =	stream.indirect.scatter.add.f32 [tilespmem:s16], [sflag:$0x4], $0x80, s22, s18, $0xb8;
	[tilespmem:$0x1B880] =	vst v63  }
0x6f: {  	s28 =	smov.u32 s25  }
0x70: {  	p0 =	sne.s32 s25, $0xFFFFF600;
	s25 =	sadd.s32 $0xA00, s25;
	_ =	swait.ge [sflag:s23], $0x2800  }
0x71: {  	s28 =	sadd.s32 s28, s12;
	[sflag:s23] =	ssyncset.done $0x0  }
0x72: {  	s29 =	sadd.s32 $0x27100, s28;
	[sflag:s23] =	ssyncadd.s32 $0xFFFFD800  }
0x73: {  	[tilespmem:s16], [sflag:$0x2] =	stream.linear.gather [hbm4b:s29+s3], $0x2800, $0x38;
	[tilespmem:$0x1B880] =	vst v63  }
0x74: {  	v0 =	vld [tilespmem:s26+$0xFFFFFF70];
	_ =	sdelay $0x4  }
0x75: {  	[tilespmem:$0x2800] =	vst v0  }
0x76: {  	v0 =	vld [tilespmem:s26+$0xFFFFFF80];
	_ =	sdelay $0x4  }
0x77: {  	[tilespmem:$0x2810] =	vst v0  }
0x78: {  	v0 =	vld [tilespmem:s26+$0xFFFFFF90];
	_ =	sdelay $0x4  }
0x79: {  	[tilespmem:$0x2820] =	vst v0  }
0x7a: {  	v0 =	vld [tilespmem:s26+$0xFFFFFFA0];
	_ =	sdelay $0x4  }
0x7b: {  	[tilespmem:$0x2830] =	vst v0  }
0x7c: {  	v0 =	vld [tilespmem:s26+$0xFFFFFFB0];
	_ =	sdelay $0x4  }
0x7d: {  	[tilespmem:$0x2840] =	vst v0  }
0x7e: {  	_ =	swait.ge [sflag:s17], $0x2800  }
0x7f: {  	[sflag:s17] =	ssyncset.done $0x0  }
0x80: {  	[sflag:s17] =	ssyncadd.s32 $0xFFFFD800  }
0x81: {  	[spmem:s2] =	stream.indirect.scatter.add.f32 [tilespmem:s15], [sflag:$0x3], $0x80, s19, s18, $0xb8;
	[tilespmem:$0x1B880] =	vst v63  }
0x82: {  	_ =	swait.ge [sflag:s20], $0x2800  }
0x83: {  	[sflag:s20] =	ssyncset.done $0x0  }
0x84: {  	s28 =	sadd.s32 $0x27600, s28;
	[sflag:s20] =	ssyncadd.s32 $0xFFFFD800  }
0x85: {  	[tilespmem:s15], [sflag:$0x1] =	stream.linear.gather [hbm4b:s28+s3], $0x2800, $0x38;
	[tilespmem:$0x1B880] =	vst v63  }
0x86: {  	v0 =	vld [tilespmem:s26+$0xFFFFFFC0];
	_ =	sdelay $0x4  }
0x87: {  	[tilespmem:$0x2780] =	vst v0  }
0x88: {  	v0 =	vld [tilespmem:s26+$0xFFFFFFD0];
	_ =	sdelay $0x4  }
0x89: {  	[tilespmem:$0x2790] =	vst v0  }
0x8a: {  	v0 =	vld [tilespmem:s26+$0xFFFFFFE0];
	_ =	sdelay $0x4  }
0x8b: {  	[tilespmem:$0x27A0] =	vst v0  }
0x8c: {  	v0 =	vld [tilespmem:s26+$0xFFFFFFF0];
	_ =	sdelay $0x4  }
0x8d: {  	[tilespmem:$0x27B0] =	vst v0  }
0x8e: {  	v0 =	vld [tilespmem:s26+$0x0];
	_ =	sdelay $0x3  }
.Ltmp0:
0x8f: {  	(pc) =	sbr.rel @p0 .LBB2_2-.Ltmp0, $4  }
0x90: {  	[tilespmem:$0x27C0] =	vst v0  }
0x91: {  	_ =	swait.ge [sflag:s21], $0x2800  }
0x92: {  	[sflag:s21] =	ssyncset.done $0x0  }
0x93: {  	s26 =	sadd.s32 $0xA0, s26;
	[sflag:s21] =	ssyncadd.s32 $0xFFFFD800  }
0x94: {  	[spmem:s2] =	stream.indirect.scatter.add.f32 [tilespmem:s16], [sflag:$0x4], $0x80, s22, s18, $0xb8;
	[tilespmem:$0x1B880] =	vst v63  }
0x95: {  	_ =	swait.ge [sflag:s17], $0x2800  }
0x96: {  	[sflag:s17] =	ssyncset.done $0x0  }
0x97: {  	[sflag:s17] =	ssyncadd.s32 $0xFFFFD800  }
0x98: {  	[spmem:s2] =	stream.indirect.scatter.add.f32 [tilespmem:s15], [sflag:$0x3], $0x80, s19, s18, $0xb8;
	[tilespmem:$0x1B880] =	vst v63  }
0x99: {  	_ =	swait.ge [sflag:s20], $0x2800  }
0x9a: {  	[sflag:s20] =	ssyncset.done $0x0  }
0x9b: {  	[sflag:s20] =	ssyncadd.s32 $0xFFFFD800  }
0x9c: {  	_ =	swait.ge [sflag:s23], $0x2800  }
0x9d: {  	s24 =	sadd.s32 $0x1, s24;
	[sflag:s23] =	ssyncset.done $0x0  }
0x9e: {  	p0 =	sne.s32 s24, s9;
	[sflag:s23] =	ssyncadd.s32 $0xFFFFD800  }
.Ltmp1:
0x9f: {  	[bflag:$0x0] =	sbarrier.arrive $0xFFFF;
	(pc) =	sbr.rel @p0 .LBB2_1-.Ltmp1, $4  }
0xa0: {  	[hbm:s8], [sflag:s5] =	dma.local [spmem:s13], $0x2800  }
0xa1: {  	_ =	swait.ge [sflag:s14], $0x2800  }
0xa2: {  	[sflag:s14] =	ssyncset.done $0x0  }
0xa3: {  	[sflag:s14] =	ssyncadd.s32 $0xFFFFD800  }
0xa4: {  	_ =	sfence.sel $0x180000  }
0xa5: {  	[bflag:$0x0] =	sbarrier.arrive $0xFFFF  }
0xa6: {  	p0 =	sne.s32 s1, $0x0;
	_ =	strace $0x90000056  }
0xa7: {  	s0 =	sadd.s32 @!p0 $0x100000, s0;
	[bflag:$0x2] =	sbarrier.arrive $0xFFFF  }
0xa8: {  	[sflag:s0] =	ssyncadd.tile.s32 @!p0 $0x1;
	_ =	shalt  }
.Lfunc_end2:
_tile_overlayer_lowered:
.L_overlay_start_2:
0xa9: {  	(tag) =	ssettag $0x2  }
0xaa: {  	s0 =	rddreg [dreg:$0x0];
	s2 =	stileid.u32  }
0xab: {  	s1 =	rddreg [dreg:$0x1];
	p0 =	sne.s32 s2, $0x0  }
0xac: {  	s3 =	rddreg [dreg:$0x2];
	[bflag:$0x3] =	sbarrier.arrive $0xFFFF;
	s2 =	simm.s32 @!p0 $0x1C05  }
0xad: {  	[timem:s3], [sflag:s2] =	dma.local @!p0 [hbm:s0], s1  }
0xae: {  	s0 =	simm.s32 @!p0 $0x5  }
0xaf: {  	_ =	swait.ge @!p0 [sflag:s0], s1  }
0xb0: {  	s1 =	ssub.s32 @!p0 $0x0, s1;
	[sflag:s0] =	ssyncset.done @!p0 $0x0  }
0xb1: {  	[sflag:s0] =	ssyncadd.s32 @!p0 s1  }
0xb2: {  	[bflag:$0x3] =	sbarrier.arrive $0xFFFF  }
0xb3: {  	_ =	shalt  }

</sc_bundles>
